<compile_context>
chip_gen: v7x
topology: tpu7x:2x2x1
jax: 0.10.2.dev20260603
libtpu: 0.0.44.dev20260713+nightly
codegen_flags: <defaults>
</compile_context>

<pallas_src>
import jax
import jax.numpy as jnp
import numpy as np
from jax import lax
from jax.experimental import pallas as pl
from jax.experimental.pallas import tpu as pltpu
from jax.experimental.pallas import tpu_sc as plsc

B = 64
S = 4096
KP = 1024
K = 32
NC, NS, L = 2, 16, 16
NW = NC * NS
BPW = B // NW
FINF = np.float32(3.0e38)
MAXBITS = np.int32(0x7F7FFFFF)



def _cutoff_body(px_ref, py_ref, db_ref, t_ref, c_ref):
    px = px_ref[...]
    py = py_ref[...]
    dist = jnp.sqrt(px * px + py * py)
    db = lax.bitcast_convert_type(dist, jnp.int32)
    db_ref[...] = db

    def vstep(_, st):
        lo, hi = st
        mid = lo + (hi - lo) // 2
        cnt = jnp.sum((db <= mid).astype(jnp.int32), axis=1, keepdims=True)
        ge = cnt >= KP
        return jnp.where(ge, lo, mid), jnp.where(ge, mid, hi)

    lo0 = jnp.full((B, 1), -1, jnp.int32)
    hi0 = jnp.full((B, 1), MAXBITS, jnp.int32)
    _, t = lax.fori_loop(0, 31, vstep, (lo0, hi0))

    iota = lax.broadcasted_iota(jnp.int32, (B, S), 1)
    lt_cnt = jnp.sum((db < t).astype(jnp.int32), axis=1, keepdims=True)
    eq = db == t

    def istep(_, st):
        lo, hi = st
        mid = lo + (hi - lo) // 2
        cnt = lt_cnt + jnp.sum((eq & (iota <= mid)).astype(jnp.int32), axis=1,
                               keepdims=True)
        ge = cnt >= KP
        return jnp.where(ge, lo, mid), jnp.where(ge, mid, hi)

    clo0 = jnp.full((B, 1), -1, jnp.int32)
    chi0 = jnp.full((B, 1), S - 1, jnp.int32)
    _, c = lax.fori_loop(0, 12, istep, (clo0, chi0))

    t_ref[...] = jnp.broadcast_to(t, (B, 128))
    c_ref[...] = jnp.broadcast_to(c, (B, 128))


_cutoff = pl.pallas_call(
    _cutoff_body,
    out_shape=[
        jax.ShapeDtypeStruct((B, S), jnp.int32),
        jax.ShapeDtypeStruct((B, 128), jnp.int32),
        jax.ShapeDtypeStruct((B, 128), jnp.int32),
    ],
)



def _fps_body(px, py, pz, dbm, taux, caux, x_hbm,
              idx_out, xsel_out,
              xs, ys, zs, dbv, cx, cy, cz, cdb, cgi,
              mind, gsel, trow, crow, sem):
    wid = lax.axis_index("s") * NC + lax.axis_index("c")
    lane = lax.broadcasted_iota(jnp.int32, (L,), 0)

    for bi in range(BPW):
        b = wid * BPW + bi
        pltpu.sync_copy(px.at[b], xs)
        pltpu.sync_copy(py.at[b], ys)
        pltpu.sync_copy(pz.at[b], zs)
        pltpu.sync_copy(dbm.at[b], dbv)
        pltpu.sync_copy(taux.at[b], trow)
        pltpu.sync_copy(caux.at[b], crow)
        tv = trow[pl.ds(0, L)]
        cv = crow[pl.ds(0, L)]

        def comp_step(s, off):
            d16 = dbv[pl.ds(s * L, L)]
            gi = lane + jnp.full((L,), s * L, jnp.int32)
            m = (d16 < tv) | ((d16 == tv) & (gi <= cv))
            mi = m.astype(jnp.int32)
            inc = plsc.cumsum(mi)
            idx = (inc - mi) + jnp.full((L,), off, jnp.int32)
            plsc.store_scatter(cx, [idx], xs[pl.ds(s * L, L)], mask=m)
            plsc.store_scatter(cy, [idx], ys[pl.ds(s * L, L)], mask=m)
            plsc.store_scatter(cz, [idx], zs[pl.ds(s * L, L)], mask=m)
            plsc.store_scatter(cdb, [idx], d16, mask=m)
            plsc.store_scatter(cgi, [idx], gi, mask=m)
            return off + inc[L - 1]

        lax.fori_loop(0, S // L, comp_step, np.int32(0), unroll=4)

        def amin_step(s, st):
            bmin, bidx = st
            d16 = cdb[pl.ds(s * L, L)]
            pos16 = lane + jnp.full((L,), s * L, jnp.int32)
            better = d16 < bmin
            return jnp.where(better, d16, bmin), jnp.where(better, pos16, bidx)

        bmin, bidx = lax.fori_loop(
            0, KP // L, amin_step,
            (jnp.full((L,), MAXBITS, jnp.int32), jnp.zeros((L,), jnp.int32)),
            unroll=4)
        kpv = jnp.full((L,), KP, jnp.int32)
        mnv = jnp.full((L,), jnp.min(bmin), jnp.int32)
        c0 = jnp.min(jnp.where(bmin == mnv, bidx, kpv))

        def minit_step(s, carry):
            mind[pl.ds(s * L, L)] = jnp.full((L,), FINF, jnp.float32)
            return carry

        lax.fori_loop(0, KP // L, minit_step, np.int32(0), unroll=4)
        g0 = jnp.full((L,), cgi[pl.ds(c0, L)][0], jnp.int32)
        lane0 = lane == jnp.zeros((L,), jnp.int32)
        plsc.store_scatter(gsel, [jnp.zeros((L,), jnp.int32)], g0, mask=lane0)

        def fps_step(k, sp):
            lx = jnp.full((L,), cx[pl.ds(sp, L)][0], jnp.float32)
            ly = jnp.full((L,), cy[pl.ds(sp, L)][0], jnp.float32)
            lz = jnp.full((L,), cz[pl.ds(sp, L)][0], jnp.float32)

            def scan_step(s, st):
                rmax, ridx = st
                dx = cx[pl.ds(s * L, L)] - lx
                dy = cy[pl.ds(s * L, L)] - ly
                dz = cz[pl.ds(s * L, L)] - lz
                dd = dx * dx + dy * dy + dz * dz
                nm = jnp.minimum(mind[pl.ds(s * L, L)], dd)
                mind[pl.ds(s * L, L)] = nm
                better = nm > rmax
                pos16 = lane + jnp.full((L,), s * L, jnp.int32)
                return (jnp.where(better, nm, rmax),
                        jnp.where(better, pos16, ridx))

            rmax, ridx = lax.fori_loop(
                0, KP // L, scan_step,
                (jnp.full((L,), -FINF, jnp.float32), jnp.zeros((L,), jnp.int32)),
                unroll=8)
            mxv = jnp.full((L,), jnp.max(rmax), jnp.float32)
            kpv2 = jnp.full((L,), KP, jnp.int32)
            nxt = jnp.min(jnp.where(rmax == mxv, ridx, kpv2))
            gval = jnp.full((L,), cgi[pl.ds(nxt, L)][0], jnp.int32)
            plsc.store_scatter(gsel, [jnp.full((L,), k, jnp.int32)], gval,
                               mask=lane0)
            return nxt

        lax.fori_loop(1, K, fps_step, c0)

        pltpu.sync_copy(gsel, idx_out.at[b])
        descs = []
        for k in range(K):
            r = gsel[pl.ds(k, L)][0] + b * S
            descs.append(
                pltpu.async_copy(x_hbm.at[r], xsel_out.at[b * K + k], sem))
        for d in descs:
            d.wait()


_fps = pl.kernel(
    _fps_body,
    out_type=[
        jax.ShapeDtypeStruct((B, 128), jnp.int32),
        jax.ShapeDtypeStruct((B * K, 32), jnp.float32),
    ],
    mesh=plsc.VectorSubcoreMesh(core_axis_name="c", subcore_axis_name="s",
                                num_cores=NC, num_subcores=NS),
    scratch_types=[
        pltpu.VMEM((S,), jnp.float32),
        pltpu.VMEM((S,), jnp.float32),
        pltpu.VMEM((S,), jnp.float32),
        pltpu.VMEM((S,), jnp.int32),
        pltpu.VMEM((KP + L,), jnp.float32),
        pltpu.VMEM((KP + L,), jnp.float32),
        pltpu.VMEM((KP + L,), jnp.float32),
        pltpu.VMEM((KP + L,), jnp.int32),
        pltpu.VMEM((KP + L,), jnp.int32),
        pltpu.VMEM((KP,), jnp.float32),
        pltpu.VMEM((128,), jnp.int32),
        pltpu.VMEM((128,), jnp.int32),
        pltpu.VMEM((128,), jnp.int32),
        pltpu.SemaphoreType.DMA,
    ],
    compiler_params=pltpu.CompilerParams(needs_layout_passes=False),
)



def _mlp_body(x_ref, w1_ref, b1_ref, w2_ref, b2_ref, w3_ref, b3_ref, out_ref):
    xv = x_ref[...]
    h = jnp.dot(xv, w1_ref[...], preferred_element_type=jnp.float32) + b1_ref[...]
    h = jnp.maximum(h, 0.0)
    h = jnp.dot(h, w2_ref[...], preferred_element_type=jnp.float32) + b2_ref[...]
    h = jnp.maximum(h, 0.0)
    s = jnp.dot(h, w3_ref[...], preferred_element_type=jnp.float32) + b3_ref[...]
    out_ref[...] = jnp.maximum(s, 0.0) + jnp.log1p(jnp.exp(-jnp.abs(s)))


_mlp = pl.pallas_call(
    _mlp_body,
    out_shape=jax.ShapeDtypeStruct((B * K, 1), jnp.float32),
)


def kernel(x, pos, batch, W1, b1, W2, b2, W3, b3):
    pos3 = pos.reshape(B, S, 3)
    px = pos3[:, :, 0]
    py = pos3[:, :, 1]
    pz = pos3[:, :, 2]
    dbits, taux, caux = _cutoff(px, py)
    idx_pad, xsel = _fps(px, py, pz, dbits, taux, caux, x)
    s = _mlp(xsel, W1, b1.reshape(1, 16),
             W2, b2.reshape(1, 8), W3, b3.reshape(1, 1))
    return s.reshape(B, K), idx_pad[:, :K]

# --- scband reference (transcript-rebuilt; emitter-appended) ---
"""Pipeline reference for scband-detector-5274219839804 (READ-ONLY COPY).

The authoritative reference and input builder live on the scoring server;
editing this copy changes nothing except your own understanding.
"""

import jax, jax.numpy as jnp
import numpy as np

BATCH_SIZE = 64
SIZE_SUBMAP = 4096
K_POS = 1024  # SIZE_SUBMAP * ratio(0.25)
K = 32


def setup_inputs(seed: int = 0) -> dict:
    key = jax.random.key(seed)
    ks = jax.random.split(key, 8)
    N = BATCH_SIZE * SIZE_SUBMAP
    x = jax.random.normal(ks[0], (N, 32), dtype=jnp.float32)
    pos = jax.random.normal(ks[1], (N, 3), dtype=jnp.float32)
    batch = jnp.repeat(jnp.arange(BATCH_SIZE, dtype=jnp.int64), SIZE_SUBMAP)
    # MLP([32,16,8]) -> Linear(8,1) -> Softplus parameters
    W1 = jax.random.normal(ks[2], (32, 16), dtype=jnp.float32) * (1.0 / np.sqrt(32))
    b1 = jnp.zeros((16,), dtype=jnp.float32)
    W2 = jax.random.normal(ks[3], (16, 8), dtype=jnp.float32) * (1.0 / np.sqrt(16))
    b2 = jnp.zeros((8,), dtype=jnp.float32)
    W3 = jax.random.normal(ks[4], (8, 1), dtype=jnp.float32) * (1.0 / np.sqrt(8))
    b3 = jnp.zeros((1,), dtype=jnp.float32)
    return {"x": x, "pos": pos, "batch": batch, "W1": W1, "b1": b1, "W2": W2, "b2": b2, "W3": W3, "b3": b3}


def _fps_single(pts):
    # farthest point sampling on [P,3] selecting K points, deterministic start at 0
    P = pts.shape[0]

    def body(i, state):
        sel, mind = state
        last = pts[sel[i - 1]]
        d = jnp.sum((pts - last) ** 2, axis=-1)
        mind = jnp.minimum(mind, d)
        nxt = jnp.argmax(mind).astype(jnp.int32)
        sel = sel.at[i].set(nxt)
        return (sel, mind)

    sel0 = jnp.zeros((K,), dtype=jnp.int32)
    mind0 = jnp.full((P,), jnp.inf, dtype=jnp.float32)
    sel, _ = jax.lax.fori_loop(1, K, body, (sel0, mind0))
    return sel


def reference(x, pos, batch, W1, b1, W2, b2, W3, b3):
    batch_size = batch.shape[0] // SIZE_SUBMAP
    # mlp: MLP([32,16,8]) -> Linear(8,1) -> Softplus
    h = jax.nn.relu(x @ W1 + b1)
    h = jax.nn.relu(h @ W2 + b2)
    s = jax.nn.softplus(h @ W3 + b3)  # [N,1]
    x_batch = s.reshape(batch_size, -1)  # [B, SIZE_SUBMAP]
    pos_batch = pos.reshape(batch_size, -1, 3)
    pos_xy = pos_batch[:, :, :-1]
    pos_dist_center = jnp.linalg.norm(pos_xy, axis=-1)  # [B, SIZE_SUBMAP]
    _, indices1 = jax.lax.top_k(-pos_dist_center, K_POS)  # [B, K_POS] closest to center
    pos_batch_selected = jnp.take_along_axis(pos_batch, indices1[..., None], axis=1)  # [B, K_POS, 3]
    key_idx_batch = jax.vmap(_fps_single)(pos_batch_selected)  # [B, K] per-batch local indices
    original_indices = jnp.take_along_axis(indices1, key_idx_batch.astype(indices1.dtype), axis=1)  # [B, K]
    weights = jnp.take_along_axis(x_batch, original_indices, axis=1)  # [B, K]
    return (weights, original_indices)

if __name__ == "__main__":
    import jax
    _d = setup_inputs()
    print(jax.jit(kernel)(*tuple(_d.values())))

</pallas_src>

<mosaic_0001>
#map = affine_map<(d0, d1) -> (0, 0)>
module attributes {stable_mosaic.version = 14 : i64} {
  func.func @_fps_body(%arg0: i32, %arg1: i32, %arg2: memref<64x4096xf32, #tpu.memory_space<hbm>>, %arg3: memref<64x4096xf32, #tpu.memory_space<hbm>>, %arg4: memref<64x4096xf32, #tpu.memory_space<hbm>>, %arg5: memref<64x4096xi32, #tpu.memory_space<hbm>>, %arg6: memref<64x128xi32, #tpu.memory_space<hbm>>, %arg7: memref<64x128xi32, #tpu.memory_space<hbm>>, %arg8: memref<262144x32xf32, #tpu.memory_space<hbm>>, %arg9: memref<64x128xi32, #tpu.memory_space<hbm>>, %arg10: memref<2048x32xf32, #tpu.memory_space<hbm>>, %arg11: memref<4096xf32, #tpu.memory_space<vmem>>, %arg12: memref<4096xf32, #tpu.memory_space<vmem>>, %arg13: memref<4096xf32, #tpu.memory_space<vmem>>, %arg14: memref<4096xi32, #tpu.memory_space<vmem>>, %arg15: memref<1040xf32, #tpu.memory_space<vmem>>, %arg16: memref<1040xf32, #tpu.memory_space<vmem>>, %arg17: memref<1040xf32, #tpu.memory_space<vmem>>, %arg18: memref<1040xi32, #tpu.memory_space<vmem>>, %arg19: memref<1040xi32, #tpu.memory_space<vmem>>, %arg20: memref<1024xf32, #tpu.memory_space<vmem>>, %arg21: memref<128xi32, #tpu.memory_space<vmem>>, %arg22: memref<128xi32, #tpu.memory_space<vmem>>, %arg23: memref<128xi32, #tpu.memory_space<vmem>>, %arg24: memref<!tpu.dma_semaphore, #tpu.memory_space<semaphore_mem>>) attributes {dimension_semantics = [#tpu.dimension_semantics<core_parallel>, #tpu.dimension_semantics<subcore_parallel>], iteration_bounds = array<i64: 2, 16>, scalar_prefetch = 0 : i64, scratch_operands = 14 : i64, tpu.core_type = #tpu.core_type<sc_vector_subcore>, window_params = [{transform_indices = #map}, {transform_indices = #map}, {transform_indices = #map}, {transform_indices = #map}, {transform_indices = #map}, {transform_indices = #map}, {transform_indices = #map}, {transform_indices = #map}, {transform_indices = #map}]} {
    %mul3A = arith.constant 2 : i32
    %mul3A_0 = arith.muli %arg1, %mul3A : i32
    %add3A = arith.addi %mul3A_0, %arg0 : i32
    %iota3A = tpu.iota {dimensions = array<i32: 0>} : vector<16xi32>
    %mul3A_1 = arith.constant 2 : i32
    %mul3A_2 = arith.muli %add3A, %mul3A_1 : i32
    %add3A_3 = arith.constant 0 : i32
    %add3A_4 = arith.addi %mul3A_2, %add3A_3 : i32
    "tpu.region"() ({
      %run_scoped3A = tpu.sem_alloc : memref<!tpu.dma_semaphore, #tpu.memory_space<semaphore_mem>>
      %dma_start3A_1599 = arith.constant 0 : i32
      %dma_start3A_1600 = tpu.memref_slice %arg2[%add3A_4, %dma_start3A_1599] : memref<64x4096xf32, #tpu.memory_space<hbm>> -> memref<1x4096xf32, #tpu.memory_space<hbm>>
      %dma_start3A_1601 = tpu.memref_squeeze %dma_start3A_1600 : memref<1x4096xf32, #tpu.memory_space<hbm>> -> memref<4096xf32, #tpu.memory_space<hbm>>
      %dma_start3A_1602 = arith.constant 0 : i32
      %dma_start3A_1603 = tpu.memref_slice %arg2[%add3A_4, %dma_start3A_1602] : memref<64x4096xf32, #tpu.memory_space<hbm>> -> memref<1x4096xf32, #tpu.memory_space<hbm>>
      %dma_start3A_1604 = tpu.memref_squeeze %dma_start3A_1603 : memref<1x4096xf32, #tpu.memory_space<hbm>> -> memref<4096xf32, #tpu.memory_space<hbm>>
      tpu.enqueue_dma source(%dma_start3A_1604 : memref<4096xf32, #tpu.memory_space<hbm>>) target(%arg11 : memref<4096xf32, #tpu.memory_space<vmem>>) target_semaphore(%run_scoped3A : memref<!tpu.dma_semaphore, #tpu.memory_space<semaphore_mem>>)
      %dma_wait3A_1605 = arith.constant 0 : i32
      %dma_wait3A_1606 = tpu.memref_slice %arg2[%add3A_4, %dma_wait3A_1605] : memref<64x4096xf32, #tpu.memory_space<hbm>> -> memref<1x4096xf32, #tpu.memory_space<hbm>>
      %dma_wait3A_1607 = tpu.memref_squeeze %dma_wait3A_1606 : memref<1x4096xf32, #tpu.memory_space<hbm>> -> memref<4096xf32, #tpu.memory_space<hbm>>
      %dma_wait3A_1608 = arith.constant 0 : i32
      %dma_wait3A_1609 = tpu.memref_slice %arg2[%add3A_4, %dma_wait3A_1608] : memref<64x4096xf32, #tpu.memory_space<hbm>> -> memref<1x4096xf32, #tpu.memory_space<hbm>>
      %dma_wait3A_1610 = tpu.memref_squeeze %dma_wait3A_1609 : memref<1x4096xf32, #tpu.memory_space<hbm>> -> memref<4096xf32, #tpu.memory_space<hbm>>
      tpu.wait_dma2 semaphore(%run_scoped3A : memref<!tpu.dma_semaphore, #tpu.memory_space<semaphore_mem>>) src(%dma_wait3A_1610 : memref<4096xf32, #tpu.memory_space<hbm>>) dst(%arg11 : memref<4096xf32, #tpu.memory_space<vmem>>)
      tpu.yield
    }) : () -> ()
    "tpu.region"() ({
      %run_scoped3A = tpu.sem_alloc : memref<!tpu.dma_semaphore, #tpu.memory_space<semaphore_mem>>
      %dma_start3A_1599 = arith.constant 0 : i32
      %dma_start3A_1600 = tpu.memref_slice %arg3[%add3A_4, %dma_start3A_1599] : memref<64x4096xf32, #tpu.memory_space<hbm>> -> memref<1x4096xf32, #tpu.memory_space<hbm>>
      %dma_start3A_1601 = tpu.memref_squeeze %dma_start3A_1600 : memref<1x4096xf32, #tpu.memory_space<hbm>> -> memref<4096xf32, #tpu.memory_space<hbm>>
      %dma_start3A_1602 = arith.constant 0 : i32
      %dma_start3A_1603 = tpu.memref_slice %arg3[%add3A_4, %dma_start3A_1602] : memref<64x4096xf32, #tpu.memory_space<hbm>> -> memref<1x4096xf32, #tpu.memory_space<hbm>>
      %dma_start3A_1604 = tpu.memref_squeeze %dma_start3A_1603 : memref<1x4096xf32, #tpu.memory_space<hbm>> -> memref<4096xf32, #tpu.memory_space<hbm>>
      tpu.enqueue_dma source(%dma_start3A_1604 : memref<4096xf32, #tpu.memory_space<hbm>>) target(%arg12 : memref<4096xf32, #tpu.memory_space<vmem>>) target_semaphore(%run_scoped3A : memref<!tpu.dma_semaphore, #tpu.memory_space<semaphore_mem>>)
      %dma_wait3A_1605 = arith.constant 0 : i32
      %dma_wait3A_1606 = tpu.memref_slice %arg3[%add3A_4, %dma_wait3A_1605] : memref<64x4096xf32, #tpu.memory_space<hbm>> -> memref<1x4096xf32, #tpu.memory_space<hbm>>
      %dma_wait3A_1607 = tpu.memref_squeeze %dma_wait3A_1606 : memref<1x4096xf32, #tpu.memory_space<hbm>> -> memref<4096xf32, #tpu.memory_space<hbm>>
      %dma_wait3A_1608 = arith.constant 0 : i32
      %dma_wait3A_1609 = tpu.memref_slice %arg3[%add3A_4, %dma_wait3A_1608] : memref<64x4096xf32, #tpu.memory_space<hbm>> -> memref<1x4096xf32, #tpu.memory_space<hbm>>
      %dma_wait3A_1610 = tpu.memref_squeeze %dma_wait3A_1609 : memref<1x4096xf32, #tpu.memory_space<hbm>> -> memref<4096xf32, #tpu.memory_space<hbm>>
      tpu.wait_dma2 semaphore(%run_scoped3A : memref<!tpu.dma_semaphore, #tpu.memory_space<semaphore_mem>>) src(%dma_wait3A_1610 : memref<4096xf32, #tpu.memory_space<hbm>>) dst(%arg12 : memref<4096xf32, #tpu.memory_space<vmem>>)
      tpu.yield
    }) : () -> ()
    "tpu.region"() ({
      %run_scoped3A = tpu.sem_alloc : memref<!tpu.dma_semaphore, #tpu.memory_space<semaphore_mem>>
      %dma_start3A_1599 = arith.constant 0 : i32
      %dma_start3A_1600 = tpu.memref_slice %arg4[%add3A_4, %dma_start3A_1599] : memref<64x4096xf32, #tpu.memory_space<hbm>> -> memref<1x4096xf32, #tpu.memory_space<hbm>>
      %dma_start3A_1601 = tpu.memref_squeeze %dma_start3A_1600 : memref<1x4096xf32, #tpu.memory_space<hbm>> -> memref<4096xf32, #tpu.memory_space<hbm>>
      %dma_start3A_1602 = arith.constant 0 : i32
      %dma_start3A_1603 = tpu.memref_slice %arg4[%add3A_4, %dma_start3A_1602] : memref<64x4096xf32, #tpu.memory_space<hbm>> -> memref<1x4096xf32, #tpu.memory_space<hbm>>
      %dma_start3A_1604 = tpu.memref_squeeze %dma_start3A_1603 : memref<1x4096xf32, #tpu.memory_space<hbm>> -> memref<4096xf32, #tpu.memory_space<hbm>>
      tpu.enqueue_dma source(%dma_start3A_1604 : memref<4096xf32, #tpu.memory_space<hbm>>) target(%arg13 : memref<4096xf32, #tpu.memory_space<vmem>>) target_semaphore(%run_scoped3A : memref<!tpu.dma_semaphore, #tpu.memory_space<semaphore_mem>>)
      %dma_wait3A_1605 = arith.constant 0 : i32
      %dma_wait3A_1606 = tpu.memref_slice %arg4[%add3A_4, %dma_wait3A_1605] : memref<64x4096xf32, #tpu.memory_space<hbm>> -> memref<1x4096xf32, #tpu.memory_space<hbm>>
      %dma_wait3A_1607 = tpu.memref_squeeze %dma_wait3A_1606 : memref<1x4096xf32, #tpu.memory_space<hbm>> -> memref<4096xf32, #tpu.memory_space<hbm>>
      %dma_wait3A_1608 = arith.constant 0 : i32
      %dma_wait3A_1609 = tpu.memref_slice %arg4[%add3A_4, %dma_wait3A_1608] : memref<64x4096xf32, #tpu.memory_space<hbm>> -> memref<1x4096xf32, #tpu.memory_space<hbm>>
      %dma_wait3A_1610 = tpu.memref_squeeze %dma_wait3A_1609 : memref<1x4096xf32, #tpu.memory_space<hbm>> -> memref<4096xf32, #tpu.memory_space<hbm>>
      tpu.wait_dma2 semaphore(%run_scoped3A : memref<!tpu.dma_semaphore, #tpu.memory_space<semaphore_mem>>) src(%dma_wait3A_1610 : memref<4096xf32, #tpu.memory_space<hbm>>) dst(%arg13 : memref<4096xf32, #tpu.memory_space<vmem>>)
      tpu.yield
    }) : () -> ()
    "tpu.region"() ({
      %run_scoped3A = tpu.sem_alloc : memref<!tpu.dma_semaphore, #tpu.memory_space<semaphore_mem>>
      %dma_start3A_1599 = arith.constant 0 : i32
      %dma_start3A_1600 = tpu.memref_slice %arg5[%add3A_4, %dma_start3A_1599] : memref<64x4096xi32, #tpu.memory_space<hbm>> -> memref<1x4096xi32, #tpu.memory_space<hbm>>
      %dma_start3A_1601 = tpu.memref_squeeze %dma_start3A_1600 : memref<1x4096xi32, #tpu.memory_space<hbm>> -> memref<4096xi32, #tpu.memory_space<hbm>>
      %dma_start3A_1602 = arith.constant 0 : i32
      %dma_start3A_1603 = tpu.memref_slice %arg5[%add3A_4, %dma_start3A_1602] : memref<64x4096xi32, #tpu.memory_space<hbm>> -> memref<1x4096xi32, #tpu.memory_space<hbm>>
      %dma_start3A_1604 = tpu.memref_squeeze %dma_start3A_1603 : memref<1x4096xi32, #tpu.memory_space<hbm>> -> memref<4096xi32, #tpu.memory_space<hbm>>
      tpu.enqueue_dma source(%dma_start3A_1604 : memref<4096xi32, #tpu.memory_space<hbm>>) target(%arg14 : memref<4096xi32, #tpu.memory_space<vmem>>) target_semaphore(%run_scoped3A : memref<!tpu.dma_semaphore, #tpu.memory_space<semaphore_mem>>)
      %dma_wait3A_1605 = arith.constant 0 : i32
      %dma_wait3A_1606 = tpu.memref_slice %arg5[%add3A_4, %dma_wait3A_1605] : memref<64x4096xi32, #tpu.memory_space<hbm>> -> memref<1x4096xi32, #tpu.memory_space<hbm>>
      %dma_wait3A_1607 = tpu.memref_squeeze %dma_wait3A_1606 : memref<1x4096xi32, #tpu.memory_space<hbm>> -> memref<4096xi32, #tpu.memory_space<hbm>>
      %dma_wait3A_1608 = arith.constant 0 : i32
      %dma_wait3A_1609 = tpu.memref_slice %arg5[%add3A_4, %dma_wait3A_1608] : memref<64x4096xi32, #tpu.memory_space<hbm>> -> memref<1x4096xi32, #tpu.memory_space<hbm>>
      %dma_wait3A_1610 = tpu.memref_squeeze %dma_wait3A_1609 : memref<1x4096xi32, #tpu.memory_space<hbm>> -> memref<4096xi32, #tpu.memory_space<hbm>>
      tpu.wait_dma2 semaphore(%run_scoped3A : memref<!tpu.dma_semaphore, #tpu.memory_space<semaphore_mem>>) src(%dma_wait3A_1610 : memref<4096xi32, #tpu.memory_space<hbm>>) dst(%arg14 : memref<4096xi32, #tpu.memory_space<vmem>>)
      tpu.yield
    }) : () -> ()
    "tpu.region"() ({
      %run_scoped3A = tpu.sem_alloc : memref<!tpu.dma_semaphore, #tpu.memory_space<semaphore_mem>>
      %dma_start3A_1599 = arith.constant 0 : i32
      %dma_start3A_1600 = tpu.memref_slice %arg6[%add3A_4, %dma_start3A_1599] : memref<64x128xi32, #tpu.memory_space<hbm>> -> memref<1x128xi32, #tpu.memory_space<hbm>>
      %dma_start3A_1601 = tpu.memref_squeeze %dma_start3A_1600 : memref<1x128xi32, #tpu.memory_space<hbm>> -> memref<128xi32, #tpu.memory_space<hbm>>
      %dma_start3A_1602 = arith.constant 0 : i32
      %dma_start3A_1603 = tpu.memref_slice %arg6[%add3A_4, %dma_start3A_1602] : memref<64x128xi32, #tpu.memory_space<hbm>> -> memref<1x128xi32, #tpu.memory_space<hbm>>
      %dma_start3A_1604 = tpu.memref_squeeze %dma_start3A_1603 : memref<1x128xi32, #tpu.memory_space<hbm>> -> memref<128xi32, #tpu.memory_space<hbm>>
      tpu.enqueue_dma source(%dma_start3A_1604 : memref<128xi32, #tpu.memory_space<hbm>>) target(%arg22 : memref<128xi32, #tpu.memory_space<vmem>>) target_semaphore(%run_scoped3A : memref<!tpu.dma_semaphore, #tpu.memory_space<semaphore_mem>>)
      %dma_wait3A_1605 = arith.constant 0 : i32
      %dma_wait3A_1606 = tpu.memref_slice %arg6[%add3A_4, %dma_wait3A_1605] : memref<64x128xi32, #tpu.memory_space<hbm>> -> memref<1x128xi32, #tpu.memory_space<hbm>>
      %dma_wait3A_1607 = tpu.memref_squeeze %dma_wait3A_1606 : memref<1x128xi32, #tpu.memory_space<hbm>> -> memref<128xi32, #tpu.memory_space<hbm>>
      %dma_wait3A_1608 = arith.constant 0 : i32
      %dma_wait3A_1609 = tpu.memref_slice %arg6[%add3A_4, %dma_wait3A_1608] : memref<64x128xi32, #tpu.memory_space<hbm>> -> memref<1x128xi32, #tpu.memory_space<hbm>>
      %dma_wait3A_1610 = tpu.memref_squeeze %dma_wait3A_1609 : memref<1x128xi32, #tpu.memory_space<hbm>> -> memref<128xi32, #tpu.memory_space<hbm>>
      tpu.wait_dma2 semaphore(%run_scoped3A : memref<!tpu.dma_semaphore, #tpu.memory_space<semaphore_mem>>) src(%dma_wait3A_1610 : memref<128xi32, #tpu.memory_space<hbm>>) dst(%arg22 : memref<128xi32, #tpu.memory_space<vmem>>)
      tpu.yield
    }) : () -> ()
    "tpu.region"() ({
      %run_scoped3A = tpu.sem_alloc : memref<!tpu.dma_semaphore, #tpu.memory_space<semaphore_mem>>
      %dma_start3A_1599 = arith.constant 0 : i32
      %dma_start3A_1600 = tpu.memref_slice %arg7[%add3A_4, %dma_start3A_1599] : memref<64x128xi32, #tpu.memory_space<hbm>> -> memref<1x128xi32, #tpu.memory_space<hbm>>
      %dma_start3A_1601 = tpu.memref_squeeze %dma_start3A_1600 : memref<1x128xi32, #tpu.memory_space<hbm>> -> memref<128xi32, #tpu.memory_space<hbm>>
      %dma_start3A_1602 = arith.constant 0 : i32
      %dma_start3A_1603 = tpu.memref_slice %arg7[%add3A_4, %dma_start3A_1602] : memref<64x128xi32, #tpu.memory_space<hbm>> -> memref<1x128xi32, #tpu.memory_space<hbm>>
      %dma_start3A_1604 = tpu.memref_squeeze %dma_start3A_1603 : memref<1x128xi32, #tpu.memory_space<hbm>> -> memref<128xi32, #tpu.memory_space<hbm>>
      tpu.enqueue_dma source(%dma_start3A_1604 : memref<128xi32, #tpu.memory_space<hbm>>) target(%arg23 : memref<128xi32, #tpu.memory_space<vmem>>) target_semaphore(%run_scoped3A : memref<!tpu.dma_semaphore, #tpu.memory_space<semaphore_mem>>)
      %dma_wait3A_1605 = arith.constant 0 : i32
      %dma_wait3A_1606 = tpu.memref_slice %arg7[%add3A_4, %dma_wait3A_1605] : memref<64x128xi32, #tpu.memory_space<hbm>> -> memref<1x128xi32, #tpu.memory_space<hbm>>
      %dma_wait3A_1607 = tpu.memref_squeeze %dma_wait3A_1606 : memref<1x128xi32, #tpu.memory_space<hbm>> -> memref<128xi32, #tpu.memory_space<hbm>>
      %dma_wait3A_1608 = arith.constant 0 : i32
      %dma_wait3A_1609 = tpu.memref_slice %arg7[%add3A_4, %dma_wait3A_1608] : memref<64x128xi32, #tpu.memory_space<hbm>> -> memref<1x128xi32, #tpu.memory_space<hbm>>
      %dma_wait3A_1610 = tpu.memref_squeeze %dma_wait3A_1609 : memref<1x128xi32, #tpu.memory_space<hbm>> -> memref<128xi32, #tpu.memory_space<hbm>>
      tpu.wait_dma2 semaphore(%run_scoped3A : memref<!tpu.dma_semaphore, #tpu.memory_space<semaphore_mem>>) src(%dma_wait3A_1610 : memref<128xi32, #tpu.memory_space<hbm>>) dst(%arg23 : memref<128xi32, #tpu.memory_space<vmem>>)
      tpu.yield
    }) : () -> ()
    %get3A = arith.constant 0 : index
    %get3A_5 = tpu.vector_load %arg22[%get3A] {strides = array<i32>} : memref<128xi32, #tpu.memory_space<vmem>>, vector<16xi32>,
    %get3A_6 = arith.constant 0 : index
    %get3A_7 = tpu.vector_load %arg23[%get3A_6] {strides = array<i32>} : memref<128xi32, #tpu.memory_space<vmem>>, vector<16xi32>,
    %scan3A = arith.constant 0 : i32
    %scan3A_8 = arith.constant 0 : i32
    %scan3A_9 = arith.constant 256 : i32
    %scan3A_10 = arith.addi %scan3A_8, %scan3A_9 : i32
    %scan3A_11 = arith.constant 4 : i32
    %scan3A_12 = scf.for %scan3A_1599 = %scan3A_8 to %scan3A_10 step %scan3A_11 iter_args(%scan3A_1600 = %scan3A) -> (i32)  : i32 {
      %mul3A_1601 = arith.constant 16 : i32
      %mul3A_1602 = arith.muli %scan3A_1599, %mul3A_1601 : i32
      %get3A_1603 = arith.index_cast %mul3A_1602 : i32 to index
      %get3A_1604 = tpu.vector_load %arg14[%get3A_1603] {strides = array<i32>} : memref<4096xi32, #tpu.memory_space<vmem>>, vector<16xi32>,
      %mul3A_1605 = arith.constant 16 : i32
      %mul3A_1606 = arith.muli %scan3A_1599, %mul3A_1605 : i32
      %broadcast_in_dim3A_1607 = vector.broadcast %mul3A_1606 : i32 to vector<16xi32>
      %add3A_1608 = arith.addi %iota3A, %broadcast_in_dim3A_1607 : vector<16xi32>
      %lt3A = arith.cmpi slt, %get3A_1604, %get3A_5 : vector<16xi32>
      %eq3A_1609 = arith.cmpi eq, %get3A_1604, %get3A_5 : vector<16xi32>
      %le3A = arith.cmpi sle, %add3A_1608, %get3A_7 : vector<16xi32>
      %and3A = arith.andi %eq3A_1609, %le3A : vector<16xi1>
      %or3A = arith.ori %lt3A, %and3A : vector<16xi1>
      %convert_element_type3A = arith.extui %or3A : vector<16xi1> to vector<16xi32>
      %broadcast_in_dim3A_1610 = arith.constant true
      %broadcast_in_dim3A_1611 = vector.broadcast %broadcast_in_dim3A_1610 : i1 to vector<16xi1>
      %masked_cumsum3A = tpu.scan <sum>, %convert_element_type3A masked %broadcast_in_dim3A_1611 : vector<16xi32>, vector<16xi1> -> vector<16xi32>
      %sub3A = arith.subi %masked_cumsum3A, %convert_element_type3A : vector<16xi32>
      %broadcast_in_dim3A_1612 = vector.broadcast %scan3A_1600 : i32 to vector<16xi32>
      %add3A_1613 = arith.addi %sub3A, %broadcast_in_dim3A_1612 : vector<16xi32>
      %mul3A_1614 = arith.constant 16 : i32
      %mul3A_1615 = arith.muli %scan3A_1599, %mul3A_1614 : i32
      %get3A_1616 = arith.index_cast %mul3A_1615 : i32 to index
      %get3A_1617 = tpu.vector_load %arg11[%get3A_1616] {strides = array<i32>} : memref<4096xf32, #tpu.memory_space<vmem>>, vector<16xf32>,
      tpu.vector_store_idx %arg15[%add3A_1613], %get3A_1617 masked %or3A : memref<1040xf32, #tpu.memory_space<vmem>>[vector<16xi32>], vector<16xf32>, vector<16xi1>
      %mul3A_1618 = arith.constant 16 : i32
      %mul3A_1619 = arith.muli %scan3A_1599, %mul3A_1618 : i32
      %get3A_1620 = arith.index_cast %mul3A_1619 : i32 to index
      %get3A_1621 = tpu.vector_load %arg12[%get3A_1620] {strides = array<i32>} : memref<4096xf32, #tpu.memory_space<vmem>>, vector<16xf32>,
      tpu.vector_store_idx %arg16[%add3A_1613], %get3A_1621 masked %or3A : memref<1040xf32, #tpu.memory_space<vmem>>[vector<16xi32>], vector<16xf32>, vector<16xi1>
      %mul3A_1622 = arith.constant 16 : i32
      %mul3A_1623 = arith.muli %scan3A_1599, %mul3A_1622 : i32
      %get3A_1624 = arith.index_cast %mul3A_1623 : i32 to index
      %get3A_1625 = tpu.vector_load %arg13[%get3A_1624] {strides = array<i32>} : memref<4096xf32, #tpu.memory_space<vmem>>, vector<16xf32>,
      tpu.vector_store_idx %arg17[%add3A_1613], %get3A_1625 masked %or3A : memref<1040xf32, #tpu.memory_space<vmem>>[vector<16xi32>], vector<16xf32>, vector<16xi1>
      tpu.vector_store_idx %arg18[%add3A_1613], %get3A_1604 masked %or3A : memref<1040xi32, #tpu.memory_space<vmem>>[vector<16xi32>], vector<16xi32>, vector<16xi1>
      tpu.vector_store_idx %arg19[%add3A_1613], %add3A_1608 masked %or3A : memref<1040xi32, #tpu.memory_space<vmem>>[vector<16xi32>], vector<16xi32>, vector<16xi1>
      %slice3A_1626 = vector.extract_strided_slice %masked_cumsum3A {offsets = [15], sizes = [1], strides = [1]} : vector<16xi32> to vector<1xi32>
      %squeeze3A_1627 = vector.extract %slice3A_1626[0] : i32 from vector<1xi32>
      %add3A_1628 = arith.addi %scan3A_1600, %squeeze3A_1627 : i32
      %scan3A_1629 = arith.constant 1 : i32
      %scan3A_1630 = arith.addi %scan3A_1599, %scan3A_1629 : i32
      %mul3A_1631 = arith.constant 16 : i32
      %mul3A_1632 = arith.muli %scan3A_1630, %mul3A_1631 : i32
      %get3A_1633 = arith.index_cast %mul3A_1632 : i32 to index
      %get3A_1634 = tpu.vector_load %arg14[%get3A_1633] {strides = array<i32>} : memref<4096xi32, #tpu.memory_space<vmem>>, vector<16xi32>,
      %mul3A_1635 = arith.constant 16 : i32
      %mul3A_1636 = arith.muli %scan3A_1630, %mul3A_1635 : i32
      %broadcast_in_dim3A_1637 = vector.broadcast %mul3A_1636 : i32 to vector<16xi32>
      %add3A_1638 = arith.addi %iota3A, %broadcast_in_dim3A_1637 : vector<16xi32>
      %lt3A_1639 = arith.cmpi slt, %get3A_1634, %get3A_5 : vector<16xi32>
      %eq3A_1640 = arith.cmpi eq, %get3A_1634, %get3A_5 : vector<16xi32>
      %le3A_1641 = arith.cmpi sle, %add3A_1638, %get3A_7 : vector<16xi32>
      %and3A_1642 = arith.andi %eq3A_1640, %le3A_1641 : vector<16xi1>
      %or3A_1643 = arith.ori %lt3A_1639, %and3A_1642 : vector<16xi1>
      %convert_element_type3A_1644 = arith.extui %or3A_1643 : vector<16xi1> to vector<16xi32>
      %broadcast_in_dim3A_1645 = arith.constant true
      %broadcast_in_dim3A_1646 = vector.broadcast %broadcast_in_dim3A_1645 : i1 to vector<16xi1>
      %masked_cumsum3A_1647 = tpu.scan <sum>, %convert_element_type3A_1644 masked %broadcast_in_dim3A_1646 : vector<16xi32>, vector<16xi1> -> vector<16xi32>
      %sub3A_1648 = arith.subi %masked_cumsum3A_1647, %convert_element_type3A_1644 : vector<16xi32>
      %broadcast_in_dim3A_1649 = vector.broadcast %add3A_1628 : i32 to vector<16xi32>
      %add3A_1650 = arith.addi %sub3A_1648, %broadcast_in_dim3A_1649 : vector<16xi32>
      %mul3A_1651 = arith.constant 16 : i32
      %mul3A_1652 = arith.muli %scan3A_1630, %mul3A_1651 : i32
      %get3A_1653 = arith.index_cast %mul3A_1652 : i32 to index
      %get3A_1654 = tpu.vector_load %arg11[%get3A_1653] {strides = array<i32>} : memref<4096xf32, #tpu.memory_space<vmem>>, vector<16xf32>,
      tpu.vector_store_idx %arg15[%add3A_1650], %get3A_1654 masked %or3A_1643 : memref<1040xf32, #tpu.memory_space<vmem>>[vector<16xi32>], vector<16xf32>, vector<16xi1>
      %mul3A_1655 = arith.constant 16 : i32
      %mul3A_1656 = arith.muli %scan3A_1630, %mul3A_1655 : i32
      %get3A_1657 = arith.index_cast %mul3A_1656 : i32 to index
      %get3A_1658 = tpu.vector_load %arg12[%get3A_1657] {strides = array<i32>} : memref<4096xf32, #tpu.memory_space<vmem>>, vector<16xf32>,
      tpu.vector_store_idx %arg16[%add3A_1650], %get3A_1658 masked %or3A_1643 : memref<1040xf32, #tpu.memory_space<vmem>>[vector<16xi32>], vector<16xf32>, vector<16xi1>
      %mul3A_1659 = arith.constant 16 : i32
      %mul3A_1660 = arith.muli %scan3A_1630, %mul3A_1659 : i32
      %get3A_1661 = arith.index_cast %mul3A_1660 : i32 to index
      %get3A_1662 = tpu.vector_load %arg13[%get3A_1661] {strides = array<i32>} : memref<4096xf32, #tpu.memory_space<vmem>>, vector<16xf32>,
      tpu.vector_store_idx %arg17[%add3A_1650], %get3A_1662 masked %or3A_1643 : memref<1040xf32, #tpu.memory_space<vmem>>[vector<16xi32>], vector<16xf32>, vector<16xi1>
      tpu.vector_store_idx %arg18[%add3A_1650], %get3A_1634 masked %or3A_1643 : memref<1040xi32, #tpu.memory_space<vmem>>[vector<16xi32>], vector<16xi32>, vector<16xi1>
      tpu.vector_store_idx %arg19[%add3A_1650], %add3A_1638 masked %or3A_1643 : memref<1040xi32, #tpu.memory_space<vmem>>[vector<16xi32>], vector<16xi32>, vector<16xi1>
      %slice3A_1663 = vector.extract_strided_slice %masked_cumsum3A_1647 {offsets = [15], sizes = [1], strides = [1]} : vector<16xi32> to vector<1xi32>
      %squeeze3A_1664 = vector.extract %slice3A_1663[0] : i32 from vector<1xi32>
      %add3A_1665 = arith.addi %add3A_1628, %squeeze3A_1664 : i32
      %scan3A_1666 = arith.constant 2 : i32
      %scan3A_1667 = arith.addi %scan3A_1599, %scan3A_1666 : i32
      %mul3A_1668 = arith.constant 16 : i32
      %mul3A_1669 = arith.muli %scan3A_1667, %mul3A_1668 : i32
      %get3A_1670 = arith.index_cast %mul3A_1669 : i32 to index
      %get3A_1671 = tpu.vector_load %arg14[%get3A_1670] {strides = array<i32>} : memref<4096xi32, #tpu.memory_space<vmem>>, vector<16xi32>,
      %mul3A_1672 = arith.constant 16 : i32
      %mul3A_1673 = arith.muli %scan3A_1667, %mul3A_1672 : i32
      %broadcast_in_dim3A_1674 = vector.broadcast %mul3A_1673 : i32 to vector<16xi32>
      %add3A_1675 = arith.addi %iota3A, %broadcast_in_dim3A_1674 : vector<16xi32>
      %lt3A_1676 = arith.cmpi slt, %get3A_1671, %get3A_5 : vector<16xi32>
      %eq3A_1677 = arith.cmpi eq, %get3A_1671, %get3A_5 : vector<16xi32>
      %le3A_1678 = arith.cmpi sle, %add3A_1675, %get3A_7 : vector<16xi32>
      %and3A_1679 = arith.andi %eq3A_1677, %le3A_1678 : vector<16xi1>
      %or3A_1680 = arith.ori %lt3A_1676, %and3A_1679 : vector<16xi1>
      %convert_element_type3A_1681 = arith.extui %or3A_1680 : vector<16xi1> to vector<16xi32>
      %broadcast_in_dim3A_1682 = arith.constant true
      %broadcast_in_dim3A_1683 = vector.broadcast %broadcast_in_dim3A_1682 : i1 to vector<16xi1>
      %masked_cumsum3A_1684 = tpu.scan <sum>, %convert_element_type3A_1681 masked %broadcast_in_dim3A_1683 : vector<16xi32>, vector<16xi1> -> vector<16xi32>
      %sub3A_1685 = arith.subi %masked_cumsum3A_1684, %convert_element_type3A_1681 : vector<16xi32>
      %broadcast_in_dim3A_1686 = vector.broadcast %add3A_1665 : i32 to vector<16xi32>
      %add3A_1687 = arith.addi %sub3A_1685, %broadcast_in_dim3A_1686 : vector<16xi32>
      %mul3A_1688 = arith.constant 16 : i32
      %mul3A_1689 = arith.muli %scan3A_1667, %mul3A_1688 : i32
      %get3A_1690 = arith.index_cast %mul3A_1689 : i32 to index
      %get3A_1691 = tpu.vector_load %arg11[%get3A_1690] {strides = array<i32>} : memref<4096xf32, #tpu.memory_space<vmem>>, vector<16xf32>,
      tpu.vector_store_idx %arg15[%add3A_1687], %get3A_1691 masked %or3A_1680 : memref<1040xf32, #tpu.memory_space<vmem>>[vector<16xi32>], vector<16xf32>, vector<16xi1>
      %mul3A_1692 = arith.constant 16 : i32
      %mul3A_1693 = arith.muli %scan3A_1667, %mul3A_1692 : i32
      %get3A_1694 = arith.index_cast %mul3A_1693 : i32 to index
      %get3A_1695 = tpu.vector_load %arg12[%get3A_1694] {strides = array<i32>} : memref<4096xf32, #tpu.memory_space<vmem>>, vector<16xf32>,
      tpu.vector_store_idx %arg16[%add3A_1687], %get3A_1695 masked %or3A_1680 : memref<1040xf32, #tpu.memory_space<vmem>>[vector<16xi32>], vector<16xf32>, vector<16xi1>
      %mul3A_1696 = arith.constant 16 : i32
      %mul3A_1697 = arith.muli %scan3A_1667, %mul3A_1696 : i32
      %get3A_1698 = arith.index_cast %mul3A_1697 : i32 to index
      %get3A_1699 = tpu.vector_load %arg13[%get3A_1698] {strides = array<i32>} : memref<4096xf32, #tpu.memory_space<vmem>>, vector<16xf32>,
      tpu.vector_store_idx %arg17[%add3A_1687], %get3A_1699 masked %or3A_1680 : memref<1040xf32, #tpu.memory_space<vmem>>[vector<16xi32>], vector<16xf32>, vector<16xi1>
      tpu.vector_store_idx %arg18[%add3A_1687], %get3A_1671 masked %or3A_1680 : memref<1040xi32, #tpu.memory_space<vmem>>[vector<16xi32>], vector<16xi32>, vector<16xi1>
      tpu.vector_store_idx %arg19[%add3A_1687], %add3A_1675 masked %or3A_1680 : memref<1040xi32, #tpu.memory_space<vmem>>[vector<16xi32>], vector<16xi32>, vector<16xi1>
      %slice3A_1700 = vector.extract_strided_slice %masked_cumsum3A_1684 {offsets = [15], sizes = [1], strides = [1]} : vector<16xi32> to vector<1xi32>
      %squeeze3A_1701 = vector.extract %slice3A_1700[0] : i32 from vector<1xi32>
      %add3A_1702 = arith.addi %add3A_1665, %squeeze3A_1701 : i32
      %scan3A_1703 = arith.constant 3 : i32
      %scan3A_1704 = arith.addi %scan3A_1599, %scan3A_1703 : i32
      %mul3A_1705 = arith.constant 16 : i32
      %mul3A_1706 = arith.muli %scan3A_1704, %mul3A_1705 : i32
      %get3A_1707 = arith.index_cast %mul3A_1706 : i32 to index
      %get3A_1708 = tpu.vector_load %arg14[%get3A_1707] {strides = array<i32>} : memref<4096xi32, #tpu.memory_space<vmem>>, vector<16xi32>,
      %mul3A_1709 = arith.constant 16 : i32
      %mul3A_1710 = arith.muli %scan3A_1704, %mul3A_1709 : i32
      %broadcast_in_dim3A_1711 = vector.broadcast %mul3A_1710 : i32 to vector<16xi32>
      %add3A_1712 = arith.addi %iota3A, %broadcast_in_dim3A_1711 : vector<16xi32>
      %lt3A_1713 = arith.cmpi slt, %get3A_1708, %get3A_5 : vector<16xi32>
      %eq3A_1714 = arith.cmpi eq, %get3A_1708, %get3A_5 : vector<16xi32>
      %le3A_1715 = arith.cmpi sle, %add3A_1712, %get3A_7 : vector<16xi32>
      %and3A_1716 = arith.andi %eq3A_1714, %le3A_1715 : vector<16xi1>
      %or3A_1717 = arith.ori %lt3A_1713, %and3A_1716 : vector<16xi1>
      %convert_element_type3A_1718 = arith.extui %or3A_1717 : vector<16xi1> to vector<16xi32>
      %broadcast_in_dim3A_1719 = arith.constant true
      %broadcast_in_dim3A_1720 = vector.broadcast %broadcast_in_dim3A_1719 : i1 to vector<16xi1>
      %masked_cumsum3A_1721 = tpu.scan <sum>, %convert_element_type3A_1718 masked %broadcast_in_dim3A_1720 : vector<16xi32>, vector<16xi1> -> vector<16xi32>
      %sub3A_1722 = arith.subi %masked_cumsum3A_1721, %convert_element_type3A_1718 : vector<16xi32>
      %broadcast_in_dim3A_1723 = vector.broadcast %add3A_1702 : i32 to vector<16xi32>
      %add3A_1724 = arith.addi %sub3A_1722, %broadcast_in_dim3A_1723 : vector<16xi32>
      %mul3A_1725 = arith.constant 16 : i32
      %mul3A_1726 = arith.muli %scan3A_1704, %mul3A_1725 : i32
      %get3A_1727 = arith.index_cast %mul3A_1726 : i32 to index
      %get3A_1728 = tpu.vector_load %arg11[%get3A_1727] {strides = array<i32>} : memref<4096xf32, #tpu.memory_space<vmem>>, vector<16xf32>,
      tpu.vector_store_idx %arg15[%add3A_1724], %get3A_1728 masked %or3A_1717 : memref<1040xf32, #tpu.memory_space<vmem>>[vector<16xi32>], vector<16xf32>, vector<16xi1>
      %mul3A_1729 = arith.constant 16 : i32
      %mul3A_1730 = arith.muli %scan3A_1704, %mul3A_1729 : i32
      %get3A_1731 = arith.index_cast %mul3A_1730 : i32 to index
      %get3A_1732 = tpu.vector_load %arg12[%get3A_1731] {strides = array<i32>} : memref<4096xf32, #tpu.memory_space<vmem>>, vector<16xf32>,
      tpu.vector_store_idx %arg16[%add3A_1724], %get3A_1732 masked %or3A_1717 : memref<1040xf32, #tpu.memory_space<vmem>>[vector<16xi32>], vector<16xf32>, vector<16xi1>
      %mul3A_1733 = arith.constant 16 : i32
      %mul3A_1734 = arith.muli %scan3A_1704, %mul3A_1733 : i32
      %get3A_1735 = arith.index_cast %mul3A_1734 : i32 to index
      %get3A_1736 = tpu.vector_load %arg13[%get3A_1735] {strides = array<i32>} : memref<4096xf32, #tpu.memory_space<vmem>>, vector<16xf32>,
      tpu.vector_store_idx %arg17[%add3A_1724], %get3A_1736 masked %or3A_1717 : memref<1040xf32, #tpu.memory_space<vmem>>[vector<16xi32>], vector<16xf32>, vector<16xi1>
      tpu.vector_store_idx %arg18[%add3A_1724], %get3A_1708 masked %or3A_1717 : memref<1040xi32, #tpu.memory_space<vmem>>[vector<16xi32>], vector<16xi32>, vector<16xi1>
      tpu.vector_store_idx %arg19[%add3A_1724], %add3A_1712 masked %or3A_1717 : memref<1040xi32, #tpu.memory_space<vmem>>[vector<16xi32>], vector<16xi32>, vector<16xi1>
      %slice3A_1737 = vector.extract_strided_slice %masked_cumsum3A_1721 {offsets = [15], sizes = [1], strides = [1]} : vector<16xi32> to vector<1xi32>
      %squeeze3A_1738 = vector.extract %slice3A_1737[0] : i32 from vector<1xi32>
      %add3A_1739 = arith.addi %add3A_1702, %squeeze3A_1738 : i32
      scf.yield %add3A_1739 : i32
    }
    %scan3A_13 = arith.constant 256 : i32
    %broadcast_in_dim3A = arith.constant 2139095039 : i32
    %broadcast_in_dim3A_14 = vector.broadcast %broadcast_in_dim3A : i32 to vector<16xi32>
    %broadcast_in_dim3A_15 = arith.constant 0 : i32
    %broadcast_in_dim3A_16 = vector.broadcast %broadcast_in_dim3A_15 : i32 to vector<16xi32>
    %scan3A_17 = arith.constant 0 : i32
    %scan3A_18 = arith.constant 64 : i32
    %scan3A_19 = arith.addi %scan3A_17, %scan3A_18 : i32
    %scan3A_20 = arith.constant 4 : i32
    %scan3A_21:2 = scf.for %scan3A_1599 = %scan3A_17 to %scan3A_19 step %scan3A_20 iter_args(%scan3A_1600 = %broadcast_in_dim3A_14, %scan3A_1601 = %broadcast_in_dim3A_16) -> (vector<16xi32>, vector<16xi32>)  : i32 {
      %mul3A_1602 = arith.constant 16 : i32
      %mul3A_1603 = arith.muli %scan3A_1599, %mul3A_1602 : i32
      %get3A_1604 = arith.index_cast %mul3A_1603 : i32 to index
      %get3A_1605 = tpu.vector_load %arg18[%get3A_1604] {strides = array<i32>} : memref<1040xi32, #tpu.memory_space<vmem>>, vector<16xi32>,
      %mul3A_1606 = arith.constant 16 : i32
      %mul3A_1607 = arith.muli %scan3A_1599, %mul3A_1606 : i32
      %broadcast_in_dim3A_1608 = vector.broadcast %mul3A_1607 : i32 to vector<16xi32>
      %add3A_1609 = arith.addi %iota3A, %broadcast_in_dim3A_1608 : vector<16xi32>
      %lt3A = arith.cmpi slt, %get3A_1605, %scan3A_1600 : vector<16xi32>
      %select_n3A_1610 = arith.select %lt3A, %get3A_1605, %scan3A_1600 : vector<16xi1>, vector<16xi32>
      %select_n3A_1611 = arith.select %lt3A, %add3A_1609, %scan3A_1601 : vector<16xi1>, vector<16xi32>
      %scan3A_1612 = arith.constant 1 : i32
      %scan3A_1613 = arith.addi %scan3A_1599, %scan3A_1612 : i32
      %mul3A_1614 = arith.constant 16 : i32
      %mul3A_1615 = arith.muli %scan3A_1613, %mul3A_1614 : i32
      %get3A_1616 = arith.index_cast %mul3A_1615 : i32 to index
      %get3A_1617 = tpu.vector_load %arg18[%get3A_1616] {strides = array<i32>} : memref<1040xi32, #tpu.memory_space<vmem>>, vector<16xi32>,
      %mul3A_1618 = arith.constant 16 : i32
      %mul3A_1619 = arith.muli %scan3A_1613, %mul3A_1618 : i32
      %broadcast_in_dim3A_1620 = vector.broadcast %mul3A_1619 : i32 to vector<16xi32>
      %add3A_1621 = arith.addi %iota3A, %broadcast_in_dim3A_1620 : vector<16xi32>
      %lt3A_1622 = arith.cmpi slt, %get3A_1617, %select_n3A_1610 : vector<16xi32>
      %select_n3A_1623 = arith.select %lt3A_1622, %get3A_1617, %select_n3A_1610 : vector<16xi1>, vector<16xi32>
      %select_n3A_1624 = arith.select %lt3A_1622, %add3A_1621, %select_n3A_1611 : vector<16xi1>, vector<16xi32>
      %scan3A_1625 = arith.constant 2 : i32
      %scan3A_1626 = arith.addi %scan3A_1599, %scan3A_1625 : i32
      %mul3A_1627 = arith.constant 16 : i32
      %mul3A_1628 = arith.muli %scan3A_1626, %mul3A_1627 : i32
      %get3A_1629 = arith.index_cast %mul3A_1628 : i32 to index
      %get3A_1630 = tpu.vector_load %arg18[%get3A_1629] {strides = array<i32>} : memref<1040xi32, #tpu.memory_space<vmem>>, vector<16xi32>,
      %mul3A_1631 = arith.constant 16 : i32
      %mul3A_1632 = arith.muli %scan3A_1626, %mul3A_1631 : i32
      %broadcast_in_dim3A_1633 = vector.broadcast %mul3A_1632 : i32 to vector<16xi32>
      %add3A_1634 = arith.addi %iota3A, %broadcast_in_dim3A_1633 : vector<16xi32>
      %lt3A_1635 = arith.cmpi slt, %get3A_1630, %select_n3A_1623 : vector<16xi32>
      %select_n3A_1636 = arith.select %lt3A_1635, %get3A_1630, %select_n3A_1623 : vector<16xi1>, vector<16xi32>
      %select_n3A_1637 = arith.select %lt3A_1635, %add3A_1634, %select_n3A_1624 : vector<16xi1>, vector<16xi32>
      %scan3A_1638 = arith.constant 3 : i32
      %scan3A_1639 = arith.addi %scan3A_1599, %scan3A_1638 : i32
      %mul3A_1640 = arith.constant 16 : i32
      %mul3A_1641 = arith.muli %scan3A_1639, %mul3A_1640 : i32
      %get3A_1642 = arith.index_cast %mul3A_1641 : i32 to index
      %get3A_1643 = tpu.vector_load %arg18[%get3A_1642] {strides = array<i32>} : memref<1040xi32, #tpu.memory_space<vmem>>, vector<16xi32>,
      %mul3A_1644 = arith.constant 16 : i32
      %mul3A_1645 = arith.muli %scan3A_1639, %mul3A_1644 : i32
      %broadcast_in_dim3A_1646 = vector.broadcast %mul3A_1645 : i32 to vector<16xi32>
      %add3A_1647 = arith.addi %iota3A, %broadcast_in_dim3A_1646 : vector<16xi32>
      %lt3A_1648 = arith.cmpi slt, %get3A_1643, %select_n3A_1636 : vector<16xi32>
      %select_n3A_1649 = arith.select %lt3A_1648, %get3A_1643, %select_n3A_1636 : vector<16xi1>, vector<16xi32>
      %select_n3A_1650 = arith.select %lt3A_1648, %add3A_1647, %select_n3A_1637 : vector<16xi1>, vector<16xi32>
      scf.yield %select_n3A_1649, %select_n3A_1650 : vector<16xi32>, vector<16xi32>
    }
    %scan3A_22 = arith.constant 64 : i32
    %broadcast_in_dim3A_23 = arith.constant 1024 : i32
    %broadcast_in_dim3A_24 = vector.broadcast %broadcast_in_dim3A_23 : i32 to vector<16xi32>
    %reduce_min3A = arith.constant true
    %reduce_min3A_25 = vector.broadcast %reduce_min3A : i1 to vector<16xi1>
    %reduce_min3A_26 = arith.constant -2147483648 : i32
    %reduce_min3A_27 = vector.broadcast %reduce_min3A_26 : i32 to vector<16xi32>
    %reduce_min3A_28 = arith.xori %scan3A_21#0, %reduce_min3A_27 : vector<16xi32>
    %reduce_min3A_29 = tpu.scan <min>, %reduce_min3A_28 masked %reduce_min3A_25 : vector<16xi32>, vector<16xi1> -> vector<16xi32>
    %reduce_min3A_30 = arith.xori %reduce_min3A_29, %reduce_min3A_27 : vector<16xi32>
    %reduce_min3A_31 = vector.extract %reduce_min3A_30[15] : i32 from vector<16xi32>
    %broadcast_in_dim3A_32 = vector.broadcast %reduce_min3A_31 : i32 to vector<16xi32>
    %eq3A = arith.cmpi eq, %scan3A_21#0, %broadcast_in_dim3A_32 : vector<16xi32>
    %select_n3A = arith.select %eq3A, %scan3A_21#1, %broadcast_in_dim3A_24 : vector<16xi1>, vector<16xi32>
    %reduce_min3A_33 = arith.constant true
    %reduce_min3A_34 = vector.broadcast %reduce_min3A_33 : i1 to vector<16xi1>
    %reduce_min3A_35 = arith.constant -2147483648 : i32
    %reduce_min3A_36 = vector.broadcast %reduce_min3A_35 : i32 to vector<16xi32>
    %reduce_min3A_37 = arith.xori %select_n3A, %reduce_min3A_36 : vector<16xi32>
    %reduce_min3A_38 = tpu.scan <min>, %reduce_min3A_37 masked %reduce_min3A_34 : vector<16xi32>, vector<16xi1> -> vector<16xi32>
    %reduce_min3A_39 = arith.xori %reduce_min3A_38, %reduce_min3A_36 : vector<16xi32>
    %reduce_min3A_40 = vector.extract %reduce_min3A_39[15] : i32 from vector<16xi32>
    %scan3A_41 = arith.constant 0 : i32
    %scan3A_42 = arith.constant 0 : i32
    %scan3A_43 = arith.constant 64 : i32
    %scan3A_44 = arith.addi %scan3A_42, %scan3A_43 : i32
    %scan3A_45 = arith.constant 4 : i32
    scf.for %scan3A_1599 = %scan3A_42 to %scan3A_44 step %scan3A_45  : i32 {
      %broadcast_in_dim3A_1600 = arith.constant 3.000000e+38 : f32
      %broadcast_in_dim3A_1601 = vector.broadcast %broadcast_in_dim3A_1600 : f32 to vector<16xf32>
      %mul3A_1602 = arith.constant 16 : i32
      %mul3A_1603 = arith.muli %scan3A_1599, %mul3A_1602 : i32
      %swap3A = arith.index_cast %mul3A_1603 : i32 to index
      %swap3A_1604 = tpu.vector_load %arg20[%swap3A] {strides = array<i32>} : memref<1024xf32, #tpu.memory_space<vmem>>, vector<16xf32>,
      tpu.vector_store %arg20[%swap3A], %broadcast_in_dim3A_1601 {strides = array<i32>} : memref<1024xf32, #tpu.memory_space<vmem>>, vector<16xf32>,
      %scan3A_1605 = arith.constant 1 : i32
      %scan3A_1606 = arith.addi %scan3A_1599, %scan3A_1605 : i32
      %broadcast_in_dim3A_1607 = arith.constant 3.000000e+38 : f32
      %broadcast_in_dim3A_1608 = vector.broadcast %broadcast_in_dim3A_1607 : f32 to vector<16xf32>
      %mul3A_1609 = arith.constant 16 : i32
      %mul3A_1610 = arith.muli %scan3A_1606, %mul3A_1609 : i32
      %swap3A_1611 = arith.index_cast %mul3A_1610 : i32 to index
      %swap3A_1612 = tpu.vector_load %arg20[%swap3A_1611] {strides = array<i32>} : memref<1024xf32, #tpu.memory_space<vmem>>, vector<16xf32>,
      tpu.vector_store %arg20[%swap3A_1611], %broadcast_in_dim3A_1608 {strides = array<i32>} : memref<1024xf32, #tpu.memory_space<vmem>>, vector<16xf32>,
      %scan3A_1613 = arith.constant 2 : i32
      %scan3A_1614 = arith.addi %scan3A_1599, %scan3A_1613 : i32
      %broadcast_in_dim3A_1615 = arith.constant 3.000000e+38 : f32
      %broadcast_in_dim3A_1616 = vector.broadcast %broadcast_in_dim3A_1615 : f32 to vector<16xf32>
      %mul3A_1617 = arith.constant 16 : i32
      %mul3A_1618 = arith.muli %scan3A_1614, %mul3A_1617 : i32
      %swap3A_1619 = arith.index_cast %mul3A_1618 : i32 to index
      %swap3A_1620 = tpu.vector_load %arg20[%swap3A_1619] {strides = array<i32>} : memref<1024xf32, #tpu.memory_space<vmem>>, vector<16xf32>,
      tpu.vector_store %arg20[%swap3A_1619], %broadcast_in_dim3A_1616 {strides = array<i32>} : memref<1024xf32, #tpu.memory_space<vmem>>, vector<16xf32>,
      %scan3A_1621 = arith.constant 3 : i32
      %scan3A_1622 = arith.addi %scan3A_1599, %scan3A_1621 : i32
      %broadcast_in_dim3A_1623 = arith.constant 3.000000e+38 : f32
      %broadcast_in_dim3A_1624 = vector.broadcast %broadcast_in_dim3A_1623 : f32 to vector<16xf32>
      %mul3A_1625 = arith.constant 16 : i32
      %mul3A_1626 = arith.muli %scan3A_1622, %mul3A_1625 : i32
      %swap3A_1627 = arith.index_cast %mul3A_1626 : i32 to index
      %swap3A_1628 = tpu.vector_load %arg20[%swap3A_1627] {strides = array<i32>} : memref<1024xf32, #tpu.memory_space<vmem>>, vector<16xf32>,
      tpu.vector_store %arg20[%swap3A_1627], %broadcast_in_dim3A_1624 {strides = array<i32>} : memref<1024xf32, #tpu.memory_space<vmem>>, vector<16xf32>,
    }
    %scan3A_46 = arith.constant 64 : i32
    %get3A_47 = arith.index_cast %reduce_min3A_40 : i32 to index
    %get3A_48 = tpu.vector_load %arg19[%get3A_47] {strides = array<i32>} : memref<1040xi32, #tpu.memory_space<vmem>>, vector<16xi32>,
    %slice3A = vector.extract_strided_slice %get3A_48 {offsets = [0], sizes = [1], strides = [1]} : vector<16xi32> to vector<1xi32>
    %squeeze3A = vector.extract %slice3A[0] : i32 from vector<1xi32>
    %broadcast_in_dim3A_49 = vector.broadcast %squeeze3A : i32 to vector<16xi32>
    %broadcast_in_dim3A_50 = arith.constant 0 : i32
    %broadcast_in_dim3A_51 = vector.broadcast %broadcast_in_dim3A_50 : i32 to vector<16xi32>
    %eq3A_52 = arith.cmpi eq, %iota3A, %broadcast_in_dim3A_51 : vector<16xi32>
    %broadcast_in_dim3A_53 = arith.constant 0 : i32
    %broadcast_in_dim3A_54 = vector.broadcast %broadcast_in_dim3A_53 : i32 to vector<16xi32>
    tpu.vector_store_idx %arg21[%broadcast_in_dim3A_54], %broadcast_in_dim3A_49 masked %eq3A_52 : memref<128xi32, #tpu.memory_space<vmem>>[vector<16xi32>], vector<16xi32>, vector<16xi1>
    %scan3A_55 = arith.constant 1 : i32
    %scan3A_56 = arith.constant 31 : i32
    %scan3A_57 = arith.addi %scan3A_55, %scan3A_56 : i32
    %scan3A_58 = arith.constant 1 : i32
    %scan3A_59 = scf.for %scan3A_1599 = %scan3A_55 to %scan3A_57 step %scan3A_58 iter_args(%scan3A_1600 = %reduce_min3A_40) -> (i32)  : i32 {
      %get3A_1601 = arith.index_cast %scan3A_1600 : i32 to index
      %get3A_1602 = tpu.vector_load %arg15[%get3A_1601] {strides = array<i32>} : memref<1040xf32, #tpu.memory_space<vmem>>, vector<16xf32>,
      %slice3A_1603 = vector.extract_strided_slice %get3A_1602 {offsets = [0], sizes = [1], strides = [1]} : vector<16xf32> to vector<1xf32>
      %squeeze3A_1604 = vector.extract %slice3A_1603[0] : f32 from vector<1xf32>
      %broadcast_in_dim3A_1605 = vector.broadcast %squeeze3A_1604 : f32 to vector<16xf32>
      %get3A_1606 = arith.index_cast %scan3A_1600 : i32 to index
      %get3A_1607 = tpu.vector_load %arg16[%get3A_1606] {strides = array<i32>} : memref<1040xf32, #tpu.memory_space<vmem>>, vector<16xf32>,
      %slice3A_1608 = vector.extract_strided_slice %get3A_1607 {offsets = [0], sizes = [1], strides = [1]} : vector<16xf32> to vector<1xf32>
      %squeeze3A_1609 = vector.extract %slice3A_1608[0] : f32 from vector<1xf32>
      %broadcast_in_dim3A_1610 = vector.broadcast %squeeze3A_1609 : f32 to vector<16xf32>
      %get3A_1611 = arith.index_cast %scan3A_1600 : i32 to index
      %get3A_1612 = tpu.vector_load %arg17[%get3A_1611] {strides = array<i32>} : memref<1040xf32, #tpu.memory_space<vmem>>, vector<16xf32>,
      %slice3A_1613 = vector.extract_strided_slice %get3A_1612 {offsets = [0], sizes = [1], strides = [1]} : vector<16xf32> to vector<1xf32>
      %squeeze3A_1614 = vector.extract %slice3A_1613[0] : f32 from vector<1xf32>
      %broadcast_in_dim3A_1615 = vector.broadcast %squeeze3A_1614 : f32 to vector<16xf32>
      %broadcast_in_dim3A_1616 = arith.constant -3.000000e+38 : f32
      %broadcast_in_dim3A_1617 = vector.broadcast %broadcast_in_dim3A_1616 : f32 to vector<16xf32>
      %broadcast_in_dim3A_1618 = arith.constant 0 : i32
      %broadcast_in_dim3A_1619 = vector.broadcast %broadcast_in_dim3A_1618 : i32 to vector<16xi32>
      %scan3A_1620 = arith.constant 0 : i32
      %scan3A_1621 = arith.constant 64 : i32
      %scan3A_1622 = arith.addi %scan3A_1620, %scan3A_1621 : i32
      %scan3A_1623 = arith.constant 8 : i32
      %scan3A_1624:2 = scf.for %scan3A_1648 = %scan3A_1620 to %scan3A_1622 step %scan3A_1623 iter_args(%scan3A_1649 = %broadcast_in_dim3A_1617, %scan3A_1650 = %broadcast_in_dim3A_1619) -> (vector<16xf32>, vector<16xi32>)  : i32 {
        %mul3A_1651 = arith.constant 16 : i32
        %mul3A_1652 = arith.muli %scan3A_1648, %mul3A_1651 : i32
        %get3A_1653 = arith.index_cast %mul3A_1652 : i32 to index
        %get3A_1654 = tpu.vector_load %arg15[%get3A_1653] {strides = array<i32>} : memref<1040xf32, #tpu.memory_space<vmem>>, vector<16xf32>,
        %sub3A = arith.subf %get3A_1654, %broadcast_in_dim3A_1605 : vector<16xf32>
        %mul3A_1655 = arith.constant 16 : i32
        %mul3A_1656 = arith.muli %scan3A_1648, %mul3A_1655 : i32
        %get3A_1657 = arith.index_cast %mul3A_1656 : i32 to index
        %get3A_1658 = tpu.vector_load %arg16[%get3A_1657] {strides = array<i32>} : memref<1040xf32, #tpu.memory_space<vmem>>, vector<16xf32>,
        %sub3A_1659 = arith.subf %get3A_1658, %broadcast_in_dim3A_1610 : vector<16xf32>
        %mul3A_1660 = arith.constant 16 : i32
        %mul3A_1661 = arith.muli %scan3A_1648, %mul3A_1660 : i32
        %get3A_1662 = arith.index_cast %mul3A_1661 : i32 to index
        %get3A_1663 = tpu.vector_load %arg17[%get3A_1662] {strides = array<i32>} : memref<1040xf32, #tpu.memory_space<vmem>>, vector<16xf32>,
        %sub3A_1664 = arith.subf %get3A_1663, %broadcast_in_dim3A_1615 : vector<16xf32>
        %mul3A_1665 = arith.mulf %sub3A, %sub3A : vector<16xf32>
        %mul3A_1666 = arith.mulf %sub3A_1659, %sub3A_1659 : vector<16xf32>
        %add3A_1667 = arith.addf %mul3A_1665, %mul3A_1666 : vector<16xf32>
        %mul3A_1668 = arith.mulf %sub3A_1664, %sub3A_1664 : vector<16xf32>
        %add3A_1669 = arith.addf %add3A_1667, %mul3A_1668 : vector<16xf32>
        %mul3A_1670 = arith.constant 16 : i32
        %mul3A_1671 = arith.muli %scan3A_1648, %mul3A_1670 : i32
        %get3A_1672 = arith.index_cast %mul3A_1671 : i32 to index
        %get3A_1673 = tpu.vector_load %arg20[%get3A_1672] {strides = array<i32>} : memref<1024xf32, #tpu.memory_space<vmem>>, vector<16xf32>,
        %min3A = arith.minimumf %get3A_1673, %add3A_1669 : vector<16xf32>
        %mul3A_1674 = arith.constant 16 : i32
        %mul3A_1675 = arith.muli %scan3A_1648, %mul3A_1674 : i32
        %swap3A = arith.index_cast %mul3A_1675 : i32 to index
        %swap3A_1676 = tpu.vector_load %arg20[%swap3A] {strides = array<i32>} : memref<1024xf32, #tpu.memory_space<vmem>>, vector<16xf32>,
        tpu.vector_store %arg20[%swap3A], %min3A {strides = array<i32>} : memref<1024xf32, #tpu.memory_space<vmem>>, vector<16xf32>,
        %gt3A = arith.cmpf ogt, %min3A, %scan3A_1649 : vector<16xf32>
        %mul3A_1677 = arith.constant 16 : i32
        %mul3A_1678 = arith.muli %scan3A_1648, %mul3A_1677 : i32
        %broadcast_in_dim3A_1679 = vector.broadcast %mul3A_1678 : i32 to vector<16xi32>
        %add3A_1680 = arith.addi %iota3A, %broadcast_in_dim3A_1679 : vector<16xi32>
        %select_n3A_1681 = arith.select %gt3A, %min3A, %scan3A_1649 : vector<16xi1>, vector<16xf32>
        %select_n3A_1682 = arith.select %gt3A, %add3A_1680, %scan3A_1650 : vector<16xi1>, vector<16xi32>
        %scan3A_1683 = arith.constant 1 : i32
        %scan3A_1684 = arith.addi %scan3A_1648, %scan3A_1683 : i32
        %mul3A_1685 = arith.constant 16 : i32
        %mul3A_1686 = arith.muli %scan3A_1684, %mul3A_1685 : i32
        %get3A_1687 = arith.index_cast %mul3A_1686 : i32 to index
        %get3A_1688 = tpu.vector_load %arg15[%get3A_1687] {strides = array<i32>} : memref<1040xf32, #tpu.memory_space<vmem>>, vector<16xf32>,
        %sub3A_1689 = arith.subf %get3A_1688, %broadcast_in_dim3A_1605 : vector<16xf32>
        %mul3A_1690 = arith.constant 16 : i32
        %mul3A_1691 = arith.muli %scan3A_1684, %mul3A_1690 : i32
        %get3A_1692 = arith.index_cast %mul3A_1691 : i32 to index
        %get3A_1693 = tpu.vector_load %arg16[%get3A_1692] {strides = array<i32>} : memref<1040xf32, #tpu.memory_space<vmem>>, vector<16xf32>,
        %sub3A_1694 = arith.subf %get3A_1693, %broadcast_in_dim3A_1610 : vector<16xf32>
        %mul3A_1695 = arith.constant 16 : i32
        %mul3A_1696 = arith.muli %scan3A_1684, %mul3A_1695 : i32
        %get3A_1697 = arith.index_cast %mul3A_1696 : i32 to index
        %get3A_1698 = tpu.vector_load %arg17[%get3A_1697] {strides = array<i32>} : memref<1040xf32, #tpu.memory_space<vmem>>, vector<16xf32>,
        %sub3A_1699 = arith.subf %get3A_1698, %broadcast_in_dim3A_1615 : vector<16xf32>
        %mul3A_1700 = arith.mulf %sub3A_1689, %sub3A_1689 : vector<16xf32>
        %mul3A_1701 = arith.mulf %sub3A_1694, %sub3A_1694 : vector<16xf32>
        %add3A_1702 = arith.addf %mul3A_1700, %mul3A_1701 : vector<16xf32>
        %mul3A_1703 = arith.mulf %sub3A_1699, %sub3A_1699 : vector<16xf32>
        %add3A_1704 = arith.addf %add3A_1702, %mul3A_1703 : vector<16xf32>
        %mul3A_1705 = arith.constant 16 : i32
        %mul3A_1706 = arith.muli %scan3A_1684, %mul3A_1705 : i32
        %get3A_1707 = arith.index_cast %mul3A_1706 : i32 to index
        %get3A_1708 = tpu.vector_load %arg20[%get3A_1707] {strides = array<i32>} : memref<1024xf32, #tpu.memory_space<vmem>>, vector<16xf32>,
        %min3A_1709 = arith.minimumf %get3A_1708, %add3A_1704 : vector<16xf32>
        %mul3A_1710 = arith.constant 16 : i32
        %mul3A_1711 = arith.muli %scan3A_1684, %mul3A_1710 : i32
        %swap3A_1712 = arith.index_cast %mul3A_1711 : i32 to index
        %swap3A_1713 = tpu.vector_load %arg20[%swap3A_1712] {strides = array<i32>} : memref<1024xf32, #tpu.memory_space<vmem>>, vector<16xf32>,
        tpu.vector_store %arg20[%swap3A_1712], %min3A_1709 {strides = array<i32>} : memref<1024xf32, #tpu.memory_space<vmem>>, vector<16xf32>,
        %gt3A_1714 = arith.cmpf ogt, %min3A_1709, %select_n3A_1681 : vector<16xf32>
        %mul3A_1715 = arith.constant 16 : i32
        %mul3A_1716 = arith.muli %scan3A_1684, %mul3A_1715 : i32
        %broadcast_in_dim3A_1717 = vector.broadcast %mul3A_1716 : i32 to vector<16xi32>
        %add3A_1718 = arith.addi %iota3A, %broadcast_in_dim3A_1717 : vector<16xi32>
        %select_n3A_1719 = arith.select %gt3A_1714, %min3A_1709, %select_n3A_1681 : vector<16xi1>, vector<16xf32>
        %select_n3A_1720 = arith.select %gt3A_1714, %add3A_1718, %select_n3A_1682 : vector<16xi1>, vector<16xi32>
        %scan3A_1721 = arith.constant 2 : i32
        %scan3A_1722 = arith.addi %scan3A_1648, %scan3A_1721 : i32
        %mul3A_1723 = arith.constant 16 : i32
        %mul3A_1724 = arith.muli %scan3A_1722, %mul3A_1723 : i32
        %get3A_1725 = arith.index_cast %mul3A_1724 : i32 to index
        %get3A_1726 = tpu.vector_load %arg15[%get3A_1725] {strides = array<i32>} : memref<1040xf32, #tpu.memory_space<vmem>>, vector<16xf32>,
        %sub3A_1727 = arith.subf %get3A_1726, %broadcast_in_dim3A_1605 : vector<16xf32>
        %mul3A_1728 = arith.constant 16 : i32
        %mul3A_1729 = arith.muli %scan3A_1722, %mul3A_1728 : i32
        %get3A_1730 = arith.index_cast %mul3A_1729 : i32 to index
        %get3A_1731 = tpu.vector_load %arg16[%get3A_1730] {strides = array<i32>} : memref<1040xf32, #tpu.memory_space<vmem>>, vector<16xf32>,
        %sub3A_1732 = arith.subf %get3A_1731, %broadcast_in_dim3A_1610 : vector<16xf32>
        %mul3A_1733 = arith.constant 16 : i32
        %mul3A_1734 = arith.muli %scan3A_1722, %mul3A_1733 : i32
        %get3A_1735 = arith.index_cast %mul3A_1734 : i32 to index
        %get3A_1736 = tpu.vector_load %arg17[%get3A_1735] {strides = array<i32>} : memref<1040xf32, #tpu.memory_space<vmem>>, vector<16xf32>,
        %sub3A_1737 = arith.subf %get3A_1736, %broadcast_in_dim3A_1615 : vector<16xf32>
        %mul3A_1738 = arith.mulf %sub3A_1727, %sub3A_1727 : vector<16xf32>
        %mul3A_1739 = arith.mulf %sub3A_1732, %sub3A_1732 : vector<16xf32>
        %add3A_1740 = arith.addf %mul3A_1738, %mul3A_1739 : vector<16xf32>
        %mul3A_1741 = arith.mulf %sub3A_1737, %sub3A_1737 : vector<16xf32>
        %add3A_1742 = arith.addf %add3A_1740, %mul3A_1741 : vector<16xf32>
        %mul3A_1743 = arith.constant 16 : i32
        %mul3A_1744 = arith.muli %scan3A_1722, %mul3A_1743 : i32
        %get3A_1745 = arith.index_cast %mul3A_1744 : i32 to index
        %get3A_1746 = tpu.vector_load %arg20[%get3A_1745] {strides = array<i32>} : memref<1024xf32, #tpu.memory_space<vmem>>, vector<16xf32>,
        %min3A_1747 = arith.minimumf %get3A_1746, %add3A_1742 : vector<16xf32>
        %mul3A_1748 = arith.constant 16 : i32
        %mul3A_1749 = arith.muli %scan3A_1722, %mul3A_1748 : i32
        %swap3A_1750 = arith.index_cast %mul3A_1749 : i32 to index
        %swap3A_1751 = tpu.vector_load %arg20[%swap3A_1750] {strides = array<i32>} : memref<1024xf32, #tpu.memory_space<vmem>>, vector<16xf32>,
        tpu.vector_store %arg20[%swap3A_1750], %min3A_1747 {strides = array<i32>} : memref<1024xf32, #tpu.memory_space<vmem>>, vector<16xf32>,
        %gt3A_1752 = arith.cmpf ogt, %min3A_1747, %select_n3A_1719 : vector<16xf32>
        %mul3A_1753 = arith.constant 16 : i32
        %mul3A_1754 = arith.muli %scan3A_1722, %mul3A_1753 : i32
        %broadcast_in_dim3A_1755 = vector.broadcast %mul3A_1754 : i32 to vector<16xi32>
        %add3A_1756 = arith.addi %iota3A, %broadcast_in_dim3A_1755 : vector<16xi32>
        %select_n3A_1757 = arith.select %gt3A_1752, %min3A_1747, %select_n3A_1719 : vector<16xi1>, vector<16xf32>
        %select_n3A_1758 = arith.select %gt3A_1752, %add3A_1756, %select_n3A_1720 : vector<16xi1>, vector<16xi32>
        %scan3A_1759 = arith.constant 3 : i32
        %scan3A_1760 = arith.addi %scan3A_1648, %scan3A_1759 : i32
        %mul3A_1761 = arith.constant 16 : i32
        %mul3A_1762 = arith.muli %scan3A_1760, %mul3A_1761 : i32
        %get3A_1763 = arith.index_cast %mul3A_1762 : i32 to index
        %get3A_1764 = tpu.vector_load %arg15[%get3A_1763] {strides = array<i32>} : memref<1040xf32, #tpu.memory_space<vmem>>, vector<16xf32>,
        %sub3A_1765 = arith.subf %get3A_1764, %broadcast_in_dim3A_1605 : vector<16xf32>
        %mul3A_1766 = arith.constant 16 : i32
        %mul3A_1767 = arith.muli %scan3A_1760, %mul3A_1766 : i32
        %get3A_1768 = arith.index_cast %mul3A_1767 : i32 to index
        %get3A_1769 = tpu.vector_load %arg16[%get3A_1768] {strides = array<i32>} : memref<1040xf32, #tpu.memory_space<vmem>>, vector<16xf32>,
        %sub3A_1770 = arith.subf %get3A_1769, %broadcast_in_dim3A_1610 : vector<16xf32>
        %mul3A_1771 = arith.constant 16 : i32
        %mul3A_1772 = arith.muli %scan3A_1760, %mul3A_1771 : i32
        %get3A_1773 = arith.index_cast %mul3A_1772 : i32 to index
        %get3A_1774 = tpu.vector_load %arg17[%get3A_1773] {strides = array<i32>} : memref<1040xf32, #tpu.memory_space<vmem>>, vector<16xf32>,
        %sub3A_1775 = arith.subf %get3A_1774, %broadcast_in_dim3A_1615 : vector<16xf32>
        %mul3A_1776 = arith.mulf %sub3A_1765, %sub3A_1765 : vector<16xf32>
        %mul3A_1777 = arith.mulf %sub3A_1770, %sub3A_1770 : vector<16xf32>
        %add3A_1778 = arith.addf %mul3A_1776, %mul3A_1777 : vector<16xf32>
        %mul3A_1779 = arith.mulf %sub3A_1775, %sub3A_1775 : vector<16xf32>
        %add3A_1780 = arith.addf %add3A_1778, %mul3A_1779 : vector<16xf32>
        %mul3A_1781 = arith.constant 16 : i32
        %mul3A_1782 = arith.muli %scan3A_1760, %mul3A_1781 : i32
        %get3A_1783 = arith.index_cast %mul3A_1782 : i32 to index
        %get3A_1784 = tpu.vector_load %arg20[%get3A_1783] {strides = array<i32>} : memref<1024xf32, #tpu.memory_space<vmem>>, vector<16xf32>,
        %min3A_1785 = arith.minimumf %get3A_1784, %add3A_1780 : vector<16xf32>
        %mul3A_1786 = arith.constant 16 : i32
        %mul3A_1787 = arith.muli %scan3A_1760, %mul3A_1786 : i32
        %swap3A_1788 = arith.index_cast %mul3A_1787 : i32 to index
        %swap3A_1789 = tpu.vector_load %arg20[%swap3A_1788] {strides = array<i32>} : memref<1024xf32, #tpu.memory_space<vmem>>, vector<16xf32>,
        tpu.vector_store %arg20[%swap3A_1788], %min3A_1785 {strides = array<i32>} : memref<1024xf32, #tpu.memory_space<vmem>>, vector<16xf32>,
        %gt3A_1790 = arith.cmpf ogt, %min3A_1785, %select_n3A_1757 : vector<16xf32>
        %mul3A_1791 = arith.constant 16 : i32
        %mul3A_1792 = arith.muli %scan3A_1760, %mul3A_1791 : i32
        %broadcast_in_dim3A_1793 = vector.broadcast %mul3A_1792 : i32 to vector<16xi32>
        %add3A_1794 = arith.addi %iota3A, %broadcast_in_dim3A_1793 : vector<16xi32>
        %select_n3A_1795 = arith.select %gt3A_1790, %min3A_1785, %select_n3A_1757 : vector<16xi1>, vector<16xf32>
        %select_n3A_1796 = arith.select %gt3A_1790, %add3A_1794, %select_n3A_1758 : vector<16xi1>, vector<16xi32>
        %scan3A_1797 = arith.constant 4 : i32
        %scan3A_1798 = arith.addi %scan3A_1648, %scan3A_1797 : i32
        %mul3A_1799 = arith.constant 16 : i32
        %mul3A_1800 = arith.muli %scan3A_1798, %mul3A_1799 : i32
        %get3A_1801 = arith.index_cast %mul3A_1800 : i32 to index
        %get3A_1802 = tpu.vector_load %arg15[%get3A_1801] {strides = array<i32>} : memref<1040xf32, #tpu.memory_space<vmem>>, vector<16xf32>,
        %sub3A_1803 = arith.subf %get3A_1802, %broadcast_in_dim3A_1605 : vector<16xf32>
        %mul3A_1804 = arith.constant 16 : i32
        %mul3A_1805 = arith.muli %scan3A_1798, %mul3A_1804 : i32
        %get3A_1806 = arith.index_cast %mul3A_1805 : i32 to index
        %get3A_1807 = tpu.vector_load %arg16[%get3A_1806] {strides = array<i32>} : memref<1040xf32, #tpu.memory_space<vmem>>, vector<16xf32>,
        %sub3A_1808 = arith.subf %get3A_1807, %broadcast_in_dim3A_1610 : vector<16xf32>
        %mul3A_1809 = arith.constant 16 : i32
        %mul3A_1810 = arith.muli %scan3A_1798, %mul3A_1809 : i32
        %get3A_1811 = arith.index_cast %mul3A_1810 : i32 to index
        %get3A_1812 = tpu.vector_load %arg17[%get3A_1811] {strides = array<i32>} : memref<1040xf32, #tpu.memory_space<vmem>>, vector<16xf32>,
        %sub3A_1813 = arith.subf %get3A_1812, %broadcast_in_dim3A_1615 : vector<16xf32>
        %mul3A_1814 = arith.mulf %sub3A_1803, %sub3A_1803 : vector<16xf32>
        %mul3A_1815 = arith.mulf %sub3A_1808, %sub3A_1808 : vector<16xf32>
        %add3A_1816 = arith.addf %mul3A_1814, %mul3A_1815 : vector<16xf32>
        %mul3A_1817 = arith.mulf %sub3A_1813, %sub3A_1813 : vector<16xf32>
        %add3A_1818 = arith.addf %add3A_1816, %mul3A_1817 : vector<16xf32>
        %mul3A_1819 = arith.constant 16 : i32
        %mul3A_1820 = arith.muli %scan3A_1798, %mul3A_1819 : i32
        %get3A_1821 = arith.index_cast %mul3A_1820 : i32 to index
        %get3A_1822 = tpu.vector_load %arg20[%get3A_1821] {strides = array<i32>} : memref<1024xf32, #tpu.memory_space<vmem>>, vector<16xf32>,
        %min3A_1823 = arith.minimumf %get3A_1822, %add3A_1818 : vector<16xf32>
        %mul3A_1824 = arith.constant 16 : i32
        %mul3A_1825 = arith.muli %scan3A_1798, %mul3A_1824 : i32
        %swap3A_1826 = arith.index_cast %mul3A_1825 : i32 to index
        %swap3A_1827 = tpu.vector_load %arg20[%swap3A_1826] {strides = array<i32>} : memref<1024xf32, #tpu.memory_space<vmem>>, vector<16xf32>,
        tpu.vector_store %arg20[%swap3A_1826], %min3A_1823 {strides = array<i32>} : memref<1024xf32, #tpu.memory_space<vmem>>, vector<16xf32>,
        %gt3A_1828 = arith.cmpf ogt, %min3A_1823, %select_n3A_1795 : vector<16xf32>
        %mul3A_1829 = arith.constant 16 : i32
        %mul3A_1830 = arith.muli %scan3A_1798, %mul3A_1829 : i32
        %broadcast_in_dim3A_1831 = vector.broadcast %mul3A_1830 : i32 to vector<16xi32>
        %add3A_1832 = arith.addi %iota3A, %broadcast_in_dim3A_1831 : vector<16xi32>
        %select_n3A_1833 = arith.select %gt3A_1828, %min3A_1823, %select_n3A_1795 : vector<16xi1>, vector<16xf32>
        %select_n3A_1834 = arith.select %gt3A_1828, %add3A_1832, %select_n3A_1796 : vector<16xi1>, vector<16xi32>
        %scan3A_1835 = arith.constant 5 : i32
        %scan3A_1836 = arith.addi %scan3A_1648, %scan3A_1835 : i32
        %mul3A_1837 = arith.constant 16 : i32
        %mul3A_1838 = arith.muli %scan3A_1836, %mul3A_1837 : i32
        %get3A_1839 = arith.index_cast %mul3A_1838 : i32 to index
        %get3A_1840 = tpu.vector_load %arg15[%get3A_1839] {strides = array<i32>} : memref<1040xf32, #tpu.memory_space<vmem>>, vector<16xf32>,
        %sub3A_1841 = arith.subf %get3A_1840, %broadcast_in_dim3A_1605 : vector<16xf32>
        %mul3A_1842 = arith.constant 16 : i32
        %mul3A_1843 = arith.muli %scan3A_1836, %mul3A_1842 : i32
        %get3A_1844 = arith.index_cast %mul3A_1843 : i32 to index
        %get3A_1845 = tpu.vector_load %arg16[%get3A_1844] {strides = array<i32>} : memref<1040xf32, #tpu.memory_space<vmem>>, vector<16xf32>,
        %sub3A_1846 = arith.subf %get3A_1845, %broadcast_in_dim3A_1610 : vector<16xf32>
        %mul3A_1847 = arith.constant 16 : i32
        %mul3A_1848 = arith.muli %scan3A_1836, %mul3A_1847 : i32
        %get3A_1849 = arith.index_cast %mul3A_1848 : i32 to index
        %get3A_1850 = tpu.vector_load %arg17[%get3A_1849] {strides = array<i32>} : memref<1040xf32, #tpu.memory_space<vmem>>, vector<16xf32>,
        %sub3A_1851 = arith.subf %get3A_1850, %broadcast_in_dim3A_1615 : vector<16xf32>
        %mul3A_1852 = arith.mulf %sub3A_1841, %sub3A_1841 : vector<16xf32>
        %mul3A_1853 = arith.mulf %sub3A_1846, %sub3A_1846 : vector<16xf32>
        %add3A_1854 = arith.addf %mul3A_1852, %mul3A_1853 : vector<16xf32>
        %mul3A_1855 = arith.mulf %sub3A_1851, %sub3A_1851 : vector<16xf32>
        %add3A_1856 = arith.addf %add3A_1854, %mul3A_1855 : vector<16xf32>
        %mul3A_1857 = arith.constant 16 : i32
        %mul3A_1858 = arith.muli %scan3A_1836, %mul3A_1857 : i32
        %get3A_1859 = arith.index_cast %mul3A_1858 : i32 to index
        %get3A_1860 = tpu.vector_load %arg20[%get3A_1859] {strides = array<i32>} : memref<1024xf32, #tpu.memory_space<vmem>>, vector<16xf32>,
        %min3A_1861 = arith.minimumf %get3A_1860, %add3A_1856 : vector<16xf32>
        %mul3A_1862 = arith.constant 16 : i32
        %mul3A_1863 = arith.muli %scan3A_1836, %mul3A_1862 : i32
        %swap3A_1864 = arith.index_cast %mul3A_1863 : i32 to index
        %swap3A_1865 = tpu.vector_load %arg20[%swap3A_1864] {strides = array<i32>} : memref<1024xf32, #tpu.memory_space<vmem>>, vector<16xf32>,
        tpu.vector_store %arg20[%swap3A_1864], %min3A_1861 {strides = array<i32>} : memref<1024xf32, #tpu.memory_space<vmem>>, vector<16xf32>,
        %gt3A_1866 = arith.cmpf ogt, %min3A_1861, %select_n3A_1833 : vector<16xf32>
        %mul3A_1867 = arith.constant 16 : i32
        %mul3A_1868 = arith.muli %scan3A_1836, %mul3A_1867 : i32
        %broadcast_in_dim3A_1869 = vector.broadcast %mul3A_1868 : i32 to vector<16xi32>
        %add3A_1870 = arith.addi %iota3A, %broadcast_in_dim3A_1869 : vector<16xi32>
        %select_n3A_1871 = arith.select %gt3A_1866, %min3A_1861, %select_n3A_1833 : vector<16xi1>, vector<16xf32>
        %select_n3A_1872 = arith.select %gt3A_1866, %add3A_1870, %select_n3A_1834 : vector<16xi1>, vector<16xi32>
        %scan3A_1873 = arith.constant 6 : i32
        %scan3A_1874 = arith.addi %scan3A_1648, %scan3A_1873 : i32
        %mul3A_1875 = arith.constant 16 : i32
        %mul3A_1876 = arith.muli %scan3A_1874, %mul3A_1875 : i32
        %get3A_1877 = arith.index_cast %mul3A_1876 : i32 to index
        %get3A_1878 = tpu.vector_load %arg15[%get3A_1877] {strides = array<i32>} : memref<1040xf32, #tpu.memory_space<vmem>>, vector<16xf32>,
        %sub3A_1879 = arith.subf %get3A_1878, %broadcast_in_dim3A_1605 : vector<16xf32>
        %mul3A_1880 = arith.constant 16 : i32
        %mul3A_1881 = arith.muli %scan3A_1874, %mul3A_1880 : i32
        %get3A_1882 = arith.index_cast %mul3A_1881 : i32 to index
        %get3A_1883 = tpu.vector_load %arg16[%get3A_1882] {strides = array<i32>} : memref<1040xf32, #tpu.memory_space<vmem>>, vector<16xf32>,
        %sub3A_1884 = arith.subf %get3A_1883, %broadcast_in_dim3A_1610 : vector<16xf32>
        %mul3A_1885 = arith.constant 16 : i32
        %mul3A_1886 = arith.muli %scan3A_1874, %mul3A_1885 : i32
        %get3A_1887 = arith.index_cast %mul3A_1886 : i32 to index
        %get3A_1888 = tpu.vector_load %arg17[%get3A_1887] {strides = array<i32>} : memref<1040xf32, #tpu.memory_space<vmem>>, vector<16xf32>,
        %sub3A_1889 = arith.subf %get3A_1888, %broadcast_in_dim3A_1615 : vector<16xf32>
        %mul3A_1890 = arith.mulf %sub3A_1879, %sub3A_1879 : vector<16xf32>
        %mul3A_1891 = arith.mulf %sub3A_1884, %sub3A_1884 : vector<16xf32>
        %add3A_1892 = arith.addf %mul3A_1890, %mul3A_1891 : vector<16xf32>
        %mul3A_1893 = arith.mulf %sub3A_1889, %sub3A_1889 : vector<16xf32>
        %add3A_1894 = arith.addf %add3A_1892, %mul3A_1893 : vector<16xf32>
        %mul3A_1895 = arith.constant 16 : i32
        %mul3A_1896 = arith.muli %scan3A_1874, %mul3A_1895 : i32
        %get3A_1897 = arith.index_cast %mul3A_1896 : i32 to index
        %get3A_1898 = tpu.vector_load %arg20[%get3A_1897] {strides = array<i32>} : memref<1024xf32, #tpu.memory_space<vmem>>, vector<16xf32>,
        %min3A_1899 = arith.minimumf %get3A_1898, %add3A_1894 : vector<16xf32>
        %mul3A_1900 = arith.constant 16 : i32
        %mul3A_1901 = arith.muli %scan3A_1874, %mul3A_1900 : i32
        %swap3A_1902 = arith.index_cast %mul3A_1901 : i32 to index
        %swap3A_1903 = tpu.vector_load %arg20[%swap3A_1902] {strides = array<i32>} : memref<1024xf32, #tpu.memory_space<vmem>>, vector<16xf32>,
        tpu.vector_store %arg20[%swap3A_1902], %min3A_1899 {strides = array<i32>} : memref<1024xf32, #tpu.memory_space<vmem>>, vector<16xf32>,
        %gt3A_1904 = arith.cmpf ogt, %min3A_1899, %select_n3A_1871 : vector<16xf32>
        %mul3A_1905 = arith.constant 16 : i32
        %mul3A_1906 = arith.muli %scan3A_1874, %mul3A_1905 : i32
        %broadcast_in_dim3A_1907 = vector.broadcast %mul3A_1906 : i32 to vector<16xi32>
        %add3A_1908 = arith.addi %iota3A, %broadcast_in_dim3A_1907 : vector<16xi32>
        %select_n3A_1909 = arith.select %gt3A_1904, %min3A_1899, %select_n3A_1871 : vector<16xi1>, vector<16xf32>
        %select_n3A_1910 = arith.select %gt3A_1904, %add3A_1908, %select_n3A_1872 : vector<16xi1>, vector<16xi32>
        %scan3A_1911 = arith.constant 7 : i32
        %scan3A_1912 = arith.addi %scan3A_1648, %scan3A_1911 : i32
        %mul3A_1913 = arith.constant 16 : i32
        %mul3A_1914 = arith.muli %scan3A_1912, %mul3A_1913 : i32
        %get3A_1915 = arith.index_cast %mul3A_1914 : i32 to index
        %get3A_1916 = tpu.vector_load %arg15[%get3A_1915] {strides = array<i32>} : memref<1040xf32, #tpu.memory_space<vmem>>, vector<16xf32>,
        %sub3A_1917 = arith.subf %get3A_1916, %broadcast_in_dim3A_1605 : vector<16xf32>
        %mul3A_1918 = arith.constant 16 : i32
        %mul3A_1919 = arith.muli %scan3A_1912, %mul3A_1918 : i32
        %get3A_1920 = arith.index_cast %mul3A_1919 : i32 to index
        %get3A_1921 = tpu.vector_load %arg16[%get3A_1920] {strides = array<i32>} : memref<1040xf32, #tpu.memory_space<vmem>>, vector<16xf32>,
        %sub3A_1922 = arith.subf %get3A_1921, %broadcast_in_dim3A_1610 : vector<16xf32>
        %mul3A_1923 = arith.constant 16 : i32
        %mul3A_1924 = arith.muli %scan3A_1912, %mul3A_1923 : i32
        %get3A_1925 = arith.index_cast %mul3A_1924 : i32 to index
        %get3A_1926 = tpu.vector_load %arg17[%get3A_1925] {strides = array<i32>} : memref<1040xf32, #tpu.memory_space<vmem>>, vector<16xf32>,
        %sub3A_1927 = arith.subf %get3A_1926, %broadcast_in_dim3A_1615 : vector<16xf32>
        %mul3A_1928 = arith.mulf %sub3A_1917, %sub3A_1917 : vector<16xf32>
        %mul3A_1929 = arith.mulf %sub3A_1922, %sub3A_1922 : vector<16xf32>
        %add3A_1930 = arith.addf %mul3A_1928, %mul3A_1929 : vector<16xf32>
        %mul3A_1931 = arith.mulf %sub3A_1927, %sub3A_1927 : vector<16xf32>
        %add3A_1932 = arith.addf %add3A_1930, %mul3A_1931 : vector<16xf32>
        %mul3A_1933 = arith.constant 16 : i32
        %mul3A_1934 = arith.muli %scan3A_1912, %mul3A_1933 : i32
        %get3A_1935 = arith.index_cast %mul3A_1934 : i32 to index
        %get3A_1936 = tpu.vector_load %arg20[%get3A_1935] {strides = array<i32>} : memref<1024xf32, #tpu.memory_space<vmem>>, vector<16xf32>,
        %min3A_1937 = arith.minimumf %get3A_1936, %add3A_1932 : vector<16xf32>
        %mul3A_1938 = arith.constant 16 : i32
        %mul3A_1939 = arith.muli %scan3A_1912, %mul3A_1938 : i32
        %swap3A_1940 = arith.index_cast %mul3A_1939 : i32 to index
        %swap3A_1941 = tpu.vector_load %arg20[%swap3A_1940] {strides = array<i32>} : memref<1024xf32, #tpu.memory_space<vmem>>, vector<16xf32>,
        tpu.vector_store %arg20[%swap3A_1940], %min3A_1937 {strides = array<i32>} : memref<1024xf32, #tpu.memory_space<vmem>>, vector<16xf32>,
        %gt3A_1942 = arith.cmpf ogt, %min3A_1937, %select_n3A_1909 : vector<16xf32>
        %mul3A_1943 = arith.constant 16 : i32
        %mul3A_1944 = arith.muli %scan3A_1912, %mul3A_1943 : i32
        %broadcast_in_dim3A_1945 = vector.broadcast %mul3A_1944 : i32 to vector<16xi32>
        %add3A_1946 = arith.addi %iota3A, %broadcast_in_dim3A_1945 : vector<16xi32>
        %select_n3A_1947 = arith.select %gt3A_1942, %min3A_1937, %select_n3A_1909 : vector<16xi1>, vector<16xf32>
        %select_n3A_1948 = arith.select %gt3A_1942, %add3A_1946, %select_n3A_1910 : vector<16xi1>, vector<16xi32>
        scf.yield %select_n3A_1947, %select_n3A_1948 : vector<16xf32>, vector<16xi32>
      }
      %scan3A_1625 = arith.constant 64 : i32
      %reduce_max3A = arith.constant true
      %reduce_max3A_1626 = vector.broadcast %reduce_max3A : i1 to vector<16xi1>
      %reduce_max3A_1627 = tpu.scan <max>, %scan3A_1624#0 masked %reduce_max3A_1626 : vector<16xf32>, vector<16xi1> -> vector<16xf32>
      %reduce_max3A_1628 = vector.extract %reduce_max3A_1627[15] : f32 from vector<16xf32>
      %broadcast_in_dim3A_1629 = vector.broadcast %reduce_max3A_1628 : f32 to vector<16xf32>
      %broadcast_in_dim3A_1630 = arith.constant 1024 : i32
      %broadcast_in_dim3A_1631 = vector.broadcast %broadcast_in_dim3A_1630 : i32 to vector<16xi32>
      %eq3A_1632 = arith.cmpf oeq, %scan3A_1624#0, %broadcast_in_dim3A_1629 : vector<16xf32>
      %select_n3A_1633 = arith.select %eq3A_1632, %scan3A_1624#1, %broadcast_in_dim3A_1631 : vector<16xi1>, vector<16xi32>
      %reduce_min3A_1634 = arith.constant true
      %reduce_min3A_1635 = vector.broadcast %reduce_min3A_1634 : i1 to vector<16xi1>
      %reduce_min3A_1636 = arith.constant -2147483648 : i32
      %reduce_min3A_1637 = vector.broadcast %reduce_min3A_1636 : i32 to vector<16xi32>
      %reduce_min3A_1638 = arith.xori %select_n3A_1633, %reduce_min3A_1637 : vector<16xi32>
      %reduce_min3A_1639 = tpu.scan <min>, %reduce_min3A_1638 masked %reduce_min3A_1635 : vector<16xi32>, vector<16xi1> -> vector<16xi32>
      %reduce_min3A_1640 = arith.xori %reduce_min3A_1639, %reduce_min3A_1637 : vector<16xi32>
      %reduce_min3A_1641 = vector.extract %reduce_min3A_1640[15] : i32 from vector<16xi32>
      %get3A_1642 = arith.index_cast %reduce_min3A_1641 : i32 to index
      %get3A_1643 = tpu.vector_load %arg19[%get3A_1642] {strides = array<i32>} : memref<1040xi32, #tpu.memory_space<vmem>>, vector<16xi32>,
      %slice3A_1644 = vector.extract_strided_slice %get3A_1643 {offsets = [0], sizes = [1], strides = [1]} : vector<16xi32> to vector<1xi32>
      %squeeze3A_1645 = vector.extract %slice3A_1644[0] : i32 from vector<1xi32>
      %broadcast_in_dim3A_1646 = vector.broadcast %squeeze3A_1645 : i32 to vector<16xi32>
      %broadcast_in_dim3A_1647 = vector.broadcast %scan3A_1599 : i32 to vector<16xi32>
      tpu.vector_store_idx %arg21[%broadcast_in_dim3A_1647], %broadcast_in_dim3A_1646 masked %eq3A_52 : memref<128xi32, #tpu.memory_space<vmem>>[vector<16xi32>], vector<16xi32>, vector<16xi1>
      scf.yield %reduce_min3A_1641 : i32
    }
    %scan3A_60 = arith.constant 31 : i32
    "tpu.region"() ({
      %run_scoped3A = tpu.sem_alloc : memref<!tpu.dma_semaphore, #tpu.memory_space<semaphore_mem>>
      %dma_start3A_1599 = arith.constant 0 : i32
      %dma_start3A_1600 = tpu.memref_slice %arg9[%add3A_4, %dma_start3A_1599] : memref<64x128xi32, #tpu.memory_space<hbm>> -> memref<1x128xi32, #tpu.memory_space<hbm>>
      %dma_start3A_1601 = tpu.memref_squeeze %dma_start3A_1600 : memref<1x128xi32, #tpu.memory_space<hbm>> -> memref<128xi32, #tpu.memory_space<hbm>>
      %dma_start3A_1602 = arith.constant 0 : i32
      %dma_start3A_1603 = tpu.memref_slice %arg9[%add3A_4, %dma_start3A_1602] : memref<64x128xi32, #tpu.memory_space<hbm>> -> memref<1x128xi32, #tpu.memory_space<hbm>>
      %dma_start3A_1604 = tpu.memref_squeeze %dma_start3A_1603 : memref<1x128xi32, #tpu.memory_space<hbm>> -> memref<128xi32, #tpu.memory_space<hbm>>
      tpu.enqueue_dma source(%arg21 : memref<128xi32, #tpu.memory_space<vmem>>) target(%dma_start3A_1604 : memref<128xi32, #tpu.memory_space<hbm>>) target_semaphore(%run_scoped3A : memref<!tpu.dma_semaphore, #tpu.memory_space<semaphore_mem>>)
      %dma_wait3A_1605 = arith.constant 0 : i32
      %dma_wait3A_1606 = tpu.memref_slice %arg9[%add3A_4, %dma_wait3A_1605] : memref<64x128xi32, #tpu.memory_space<hbm>> -> memref<1x128xi32, #tpu.memory_space<hbm>>
      %dma_wait3A_1607 = tpu.memref_squeeze %dma_wait3A_1606 : memref<1x128xi32, #tpu.memory_space<hbm>> -> memref<128xi32, #tpu.memory_space<hbm>>
      %dma_wait3A_1608 = arith.constant 0 : i32
      %dma_wait3A_1609 = tpu.memref_slice %arg9[%add3A_4, %dma_wait3A_1608] : memref<64x128xi32, #tpu.memory_space<hbm>> -> memref<1x128xi32, #tpu.memory_space<hbm>>
      %dma_wait3A_1610 = tpu.memref_squeeze %dma_wait3A_1609 : memref<1x128xi32, #tpu.memory_space<hbm>> -> memref<128xi32, #tpu.memory_space<hbm>>
      tpu.wait_dma2 semaphore(%run_scoped3A : memref<!tpu.dma_semaphore, #tpu.memory_space<semaphore_mem>>) src(%arg21 : memref<128xi32, #tpu.memory_space<vmem>>) dst(%dma_wait3A_1610 : memref<128xi32, #tpu.memory_space<hbm>>)
      tpu.yield
    }) : () -> ()
    %get3A_61 = arith.constant 0 : index
    %get3A_62 = tpu.vector_load %arg21[%get3A_61] {strides = array<i32>} : memref<128xi32, #tpu.memory_space<vmem>>, vector<16xi32>,
    %slice3A_63 = vector.extract_strided_slice %get3A_62 {offsets = [0], sizes = [1], strides = [1]} : vector<16xi32> to vector<1xi32>
    %squeeze3A_64 = vector.extract %slice3A_63[0] : i32 from vector<1xi32>
    %mul3A_65 = arith.constant 4096 : i32
    %mul3A_66 = arith.muli %add3A_4, %mul3A_65 : i32
    %add3A_67 = arith.addi %squeeze3A_64, %mul3A_66 : i32
    %mul3A_68 = arith.constant 32 : i32
    %mul3A_69 = arith.muli %add3A_4, %mul3A_68 : i32
    %add3A_70 = arith.constant 0 : i32
    %add3A_71 = arith.addi %mul3A_69, %add3A_70 : i32
    %dma_start3A = arith.constant 0 : i32
    %dma_start3A_72 = tpu.memref_slice %arg10[%add3A_71, %dma_start3A] : memref<2048x32xf32, #tpu.memory_space<hbm>> -> memref<1x32xf32, #tpu.memory_space<hbm>>
    %dma_start3A_73 = tpu.memref_squeeze %dma_start3A_72 : memref<1x32xf32, #tpu.memory_space<hbm>> -> memref<32xf32, #tpu.memory_space<hbm>>
    %dma_start3A_74 = arith.constant 0 : i32
    %dma_start3A_75 = tpu.memref_slice %arg8[%add3A_67, %dma_start3A_74] : memref<262144x32xf32, #tpu.memory_space<hbm>> -> memref<1x32xf32, #tpu.memory_space<hbm>>
    %dma_start3A_76 = tpu.memref_squeeze %dma_start3A_75 : memref<1x32xf32, #tpu.memory_space<hbm>> -> memref<32xf32, #tpu.memory_space<hbm>>
    tpu.enqueue_dma source(%dma_start3A_76 : memref<32xf32, #tpu.memory_space<hbm>>) target(%dma_start3A_73 : memref<32xf32, #tpu.memory_space<hbm>>) target_semaphore(%arg24 : memref<!tpu.dma_semaphore, #tpu.memory_space<semaphore_mem>>)
    %get3A_77 = arith.constant 1 : index
    %get3A_78 = tpu.vector_load %arg21[%get3A_77] {strides = array<i32>} : memref<128xi32, #tpu.memory_space<vmem>>, vector<16xi32>,
    %slice3A_79 = vector.extract_strided_slice %get3A_78 {offsets = [0], sizes = [1], strides = [1]} : vector<16xi32> to vector<1xi32>
    %squeeze3A_80 = vector.extract %slice3A_79[0] : i32 from vector<1xi32>
    %mul3A_81 = arith.constant 4096 : i32
    %mul3A_82 = arith.muli %add3A_4, %mul3A_81 : i32
    %add3A_83 = arith.addi %squeeze3A_80, %mul3A_82 : i32
    %mul3A_84 = arith.constant 32 : i32
    %mul3A_85 = arith.muli %add3A_4, %mul3A_84 : i32
    %add3A_86 = arith.constant 1 : i32
    %add3A_87 = arith.addi %mul3A_85, %add3A_86 : i32
    %dma_start3A_88 = arith.constant 0 : i32
    %dma_start3A_89 = tpu.memref_slice %arg10[%add3A_87, %dma_start3A_88] : memref<2048x32xf32, #tpu.memory_space<hbm>> -> memref<1x32xf32, #tpu.memory_space<hbm>>
    %dma_start3A_90 = tpu.memref_squeeze %dma_start3A_89 : memref<1x32xf32, #tpu.memory_space<hbm>> -> memref<32xf32, #tpu.memory_space<hbm>>
    %dma_start3A_91 = arith.constant 0 : i32
    %dma_start3A_92 = tpu.memref_slice %arg8[%add3A_83, %dma_start3A_91] : memref<262144x32xf32, #tpu.memory_space<hbm>> -> memref<1x32xf32, #tpu.memory_space<hbm>>
    %dma_start3A_93 = tpu.memref_squeeze %dma_start3A_92 : memref<1x32xf32, #tpu.memory_space<hbm>> -> memref<32xf32, #tpu.memory_space<hbm>>
    tpu.enqueue_dma source(%dma_start3A_93 : memref<32xf32, #tpu.memory_space<hbm>>) target(%dma_start3A_90 : memref<32xf32, #tpu.memory_space<hbm>>) target_semaphore(%arg24 : memref<!tpu.dma_semaphore, #tpu.memory_space<semaphore_mem>>)
    %get3A_94 = arith.constant 2 : index
    %get3A_95 = tpu.vector_load %arg21[%get3A_94] {strides = array<i32>} : memref<128xi32, #tpu.memory_space<vmem>>, vector<16xi32>,
    %slice3A_96 = vector.extract_strided_slice %get3A_95 {offsets = [0], sizes = [1], strides = [1]} : vector<16xi32> to vector<1xi32>
    %squeeze3A_97 = vector.extract %slice3A_96[0] : i32 from vector<1xi32>
    %mul3A_98 = arith.constant 4096 : i32
    %mul3A_99 = arith.muli %add3A_4, %mul3A_98 : i32
    %add3A_100 = arith.addi %squeeze3A_97, %mul3A_99 : i32
    %mul3A_101 = arith.constant 32 : i32
    %mul3A_102 = arith.muli %add3A_4, %mul3A_101 : i32
    %add3A_103 = arith.constant 2 : i32
    %add3A_104 = arith.addi %mul3A_102, %add3A_103 : i32
    %dma_start3A_105 = arith.constant 0 : i32
    %dma_start3A_106 = tpu.memref_slice %arg10[%add3A_104, %dma_start3A_105] : memref<2048x32xf32, #tpu.memory_space<hbm>> -> memref<1x32xf32, #tpu.memory_space<hbm>>
    %dma_start3A_107 = tpu.memref_squeeze %dma_start3A_106 : memref<1x32xf32, #tpu.memory_space<hbm>> -> memref<32xf32, #tpu.memory_space<hbm>>
    %dma_start3A_108 = arith.constant 0 : i32
    %dma_start3A_109 = tpu.memref_slice %arg8[%add3A_100, %dma_start3A_108] : memref<262144x32xf32, #tpu.memory_space<hbm>> -> memref<1x32xf32, #tpu.memory_space<hbm>>
    %dma_start3A_110 = tpu.memref_squeeze %dma_start3A_109 : memref<1x32xf32, #tpu.memory_space<hbm>> -> memref<32xf32, #tpu.memory_space<hbm>>
    tpu.enqueue_dma source(%dma_start3A_110 : memref<32xf32, #tpu.memory_space<hbm>>) target(%dma_start3A_107 : memref<32xf32, #tpu.memory_space<hbm>>) target_semaphore(%arg24 : memref<!tpu.dma_semaphore, #tpu.memory_space<semaphore_mem>>)
    %get3A_111 = arith.constant 3 : index
    %get3A_112 = tpu.vector_load %arg21[%get3A_111] {strides = array<i32>} : memref<128xi32, #tpu.memory_space<vmem>>, vector<16xi32>,
    %slice3A_113 = vector.extract_strided_slice %get3A_112 {offsets = [0], sizes = [1], strides = [1]} : vector<16xi32> to vector<1xi32>
    %squeeze3A_114 = vector.extract %slice3A_113[0] : i32 from vector<1xi32>
    %mul3A_115 = arith.constant 4096 : i32
    %mul3A_116 = arith.muli %add3A_4, %mul3A_115 : i32
    %add3A_117 = arith.addi %squeeze3A_114, %mul3A_116 : i32
    %mul3A_118 = arith.constant 32 : i32
    %mul3A_119 = arith.muli %add3A_4, %mul3A_118 : i32
    %add3A_120 = arith.constant 3 : i32
    %add3A_121 = arith.addi %mul3A_119, %add3A_120 : i32
    %dma_start3A_122 = arith.constant 0 : i32
    %dma_start3A_123 = tpu.memref_slice %arg10[%add3A_121, %dma_start3A_122] : memref<2048x32xf32, #tpu.memory_space<hbm>> -> memref<1x32xf32, #tpu.memory_space<hbm>>
    %dma_start3A_124 = tpu.memref_squeeze %dma_start3A_123 : memref<1x32xf32, #tpu.memory_space<hbm>> -> memref<32xf32, #tpu.memory_space<hbm>>
    %dma_start3A_125 = arith.constant 0 : i32
    %dma_start3A_126 = tpu.memref_slice %arg8[%add3A_117, %dma_start3A_125] : memref<262144x32xf32, #tpu.memory_space<hbm>> -> memref<1x32xf32, #tpu.memory_space<hbm>>
    %dma_start3A_127 = tpu.memref_squeeze %dma_start3A_126 : memref<1x32xf32, #tpu.memory_space<hbm>> -> memref<32xf32, #tpu.memory_space<hbm>>
    tpu.enqueue_dma source(%dma_start3A_127 : memref<32xf32, #tpu.memory_space<hbm>>) target(%dma_start3A_124 : memref<32xf32, #tpu.memory_space<hbm>>) target_semaphore(%arg24 : memref<!tpu.dma_semaphore, #tpu.memory_space<semaphore_mem>>)
    %get3A_128 = arith.constant 4 : index
    %get3A_129 = tpu.vector_load %arg21[%get3A_128] {strides = array<i32>} : memref<128xi32, #tpu.memory_space<vmem>>, vector<16xi32>,
    %slice3A_130 = vector.extract_strided_slice %get3A_129 {offsets = [0], sizes = [1], strides = [1]} : vector<16xi32> to vector<1xi32>
    %squeeze3A_131 = vector.extract %slice3A_130[0] : i32 from vector<1xi32>
    %mul3A_132 = arith.constant 4096 : i32
    %mul3A_133 = arith.muli %add3A_4, %mul3A_132 : i32
    %add3A_134 = arith.addi %squeeze3A_131, %mul3A_133 : i32
    %mul3A_135 = arith.constant 32 : i32
    %mul3A_136 = arith.muli %add3A_4, %mul3A_135 : i32
    %add3A_137 = arith.constant 4 : i32
    %add3A_138 = arith.addi %mul3A_136, %add3A_137 : i32
    %dma_start3A_139 = arith.constant 0 : i32
    %dma_start3A_140 = tpu.memref_slice %arg10[%add3A_138, %dma_start3A_139] : memref<2048x32xf32, #tpu.memory_space<hbm>> -> memref<1x32xf32, #tpu.memory_space<hbm>>
    %dma_start3A_141 = tpu.memref_squeeze %dma_start3A_140 : memref<1x32xf32, #tpu.memory_space<hbm>> -> memref<32xf32, #tpu.memory_space<hbm>>
    %dma_start3A_142 = arith.constant 0 : i32
    %dma_start3A_143 = tpu.memref_slice %arg8[%add3A_134, %dma_start3A_142] : memref<262144x32xf32, #tpu.memory_space<hbm>> -> memref<1x32xf32, #tpu.memory_space<hbm>>
    %dma_start3A_144 = tpu.memref_squeeze %dma_start3A_143 : memref<1x32xf32, #tpu.memory_space<hbm>> -> memref<32xf32, #tpu.memory_space<hbm>>
    tpu.enqueue_dma source(%dma_start3A_144 : memref<32xf32, #tpu.memory_space<hbm>>) target(%dma_start3A_141 : memref<32xf32, #tpu.memory_space<hbm>>) target_semaphore(%arg24 : memref<!tpu.dma_semaphore, #tpu.memory_space<semaphore_mem>>)
    %get3A_145 = arith.constant 5 : index
    %get3A_146 = tpu.vector_load %arg21[%get3A_145] {strides = array<i32>} : memref<128xi32, #tpu.memory_space<vmem>>, vector<16xi32>,
    %slice3A_147 = vector.extract_strided_slice %get3A_146 {offsets = [0], sizes = [1], strides = [1]} : vector<16xi32> to vector<1xi32>
    %squeeze3A_148 = vector.extract %slice3A_147[0] : i32 from vector<1xi32>
    %mul3A_149 = arith.constant 4096 : i32
    %mul3A_150 = arith.muli %add3A_4, %mul3A_149 : i32
    %add3A_151 = arith.addi %squeeze3A_148, %mul3A_150 : i32
    %mul3A_152 = arith.constant 32 : i32
    %mul3A_153 = arith.muli %add3A_4, %mul3A_152 : i32
    %add3A_154 = arith.constant 5 : i32
    %add3A_155 = arith.addi %mul3A_153, %add3A_154 : i32
    %dma_start3A_156 = arith.constant 0 : i32
    %dma_start3A_157 = tpu.memref_slice %arg10[%add3A_155, %dma_start3A_156] : memref<2048x32xf32, #tpu.memory_space<hbm>> -> memref<1x32xf32, #tpu.memory_space<hbm>>
    %dma_start3A_158 = tpu.memref_squeeze %dma_start3A_157 : memref<1x32xf32, #tpu.memory_space<hbm>> -> memref<32xf32, #tpu.memory_space<hbm>>
    %dma_start3A_159 = arith.constant 0 : i32
    %dma_start3A_160 = tpu.memref_slice %arg8[%add3A_151, %dma_start3A_159] : memref<262144x32xf32, #tpu.memory_space<hbm>> -> memref<1x32xf32, #tpu.memory_space<hbm>>
    %dma_start3A_161 = tpu.memref_squeeze %dma_start3A_160 : memref<1x32xf32, #tpu.memory_space<hbm>> -> memref<32xf32, #tpu.memory_space<hbm>>
    tpu.enqueue_dma source(%dma_start3A_161 : memref<32xf32, #tpu.memory_space<hbm>>) target(%dma_start3A_158 : memref<32xf32, #tpu.memory_space<hbm>>) target_semaphore(%arg24 : memref<!tpu.dma_semaphore, #tpu.memory_space<semaphore_mem>>)
    %get3A_162 = arith.constant 6 : index
    %get3A_163 = tpu.vector_load %arg21[%get3A_162] {strides = array<i32>} : memref<128xi32, #tpu.memory_space<vmem>>, vector<16xi32>,
    %slice3A_164 = vector.extract_strided_slice %get3A_163 {offsets = [0], sizes = [1], strides = [1]} : vector<16xi32> to vector<1xi32>
    %squeeze3A_165 = vector.extract %slice3A_164[0] : i32 from vector<1xi32>
    %mul3A_166 = arith.constant 4096 : i32
    %mul3A_167 = arith.muli %add3A_4, %mul3A_166 : i32
    %add3A_168 = arith.addi %squeeze3A_165, %mul3A_167 : i32
    %mul3A_169 = arith.constant 32 : i32
    %mul3A_170 = arith.muli %add3A_4, %mul3A_169 : i32
    %add3A_171 = arith.constant 6 : i32
    %add3A_172 = arith.addi %mul3A_170, %add3A_171 : i32
    %dma_start3A_173 = arith.constant 0 : i32
    %dma_start3A_174 = tpu.memref_slice %arg10[%add3A_172, %dma_start3A_173] : memref<2048x32xf32, #tpu.memory_space<hbm>> -> memref<1x32xf32, #tpu.memory_space<hbm>>
    %dma_start3A_175 = tpu.memref_squeeze %dma_start3A_174 : memref<1x32xf32, #tpu.memory_space<hbm>> -> memref<32xf32, #tpu.memory_space<hbm>>
    %dma_start3A_176 = arith.constant 0 : i32
    %dma_start3A_177 = tpu.memref_slice %arg8[%add3A_168, %dma_start3A_176] : memref<262144x32xf32, #tpu.memory_space<hbm>> -> memref<1x32xf32, #tpu.memory_space<hbm>>
    %dma_start3A_178 = tpu.memref_squeeze %dma_start3A_177 : memref<1x32xf32, #tpu.memory_space<hbm>> -> memref<32xf32, #tpu.memory_space<hbm>>
    tpu.enqueue_dma source(%dma_start3A_178 : memref<32xf32, #tpu.memory_space<hbm>>) target(%dma_start3A_175 : memref<32xf32, #tpu.memory_space<hbm>>) target_semaphore(%arg24 : memref<!tpu.dma_semaphore, #tpu.memory_space<semaphore_mem>>)
    %get3A_179 = arith.constant 7 : index
    %get3A_180 = tpu.vector_load %arg21[%get3A_179] {strides = array<i32>} : memref<128xi32, #tpu.memory_space<vmem>>, vector<16xi32>,
    %slice3A_181 = vector.extract_strided_slice %get3A_180 {offsets = [0], sizes = [1], strides = [1]} : vector<16xi32> to vector<1xi32>
    %squeeze3A_182 = vector.extract %slice3A_181[0] : i32 from vector<1xi32>
    %mul3A_183 = arith.constant 4096 : i32
    %mul3A_184 = arith.muli %add3A_4, %mul3A_183 : i32
    %add3A_185 = arith.addi %squeeze3A_182, %mul3A_184 : i32
    %mul3A_186 = arith.constant 32 : i32
    %mul3A_187 = arith.muli %add3A_4, %mul3A_186 : i32
    %add3A_188 = arith.constant 7 : i32
    %add3A_189 = arith.addi %mul3A_187, %add3A_188 : i32
    %dma_start3A_190 = arith.constant 0 : i32
    %dma_start3A_191 = tpu.memref_slice %arg10[%add3A_189, %dma_start3A_190] : memref<2048x32xf32, #tpu.memory_space<hbm>> -> memref<1x32xf32, #tpu.memory_space<hbm>>
    %dma_start3A_192 = tpu.memref_squeeze %dma_start3A_191 : memref<1x32xf32, #tpu.memory_space<hbm>> -> memref<32xf32, #tpu.memory_space<hbm>>
    %dma_start3A_193 = arith.constant 0 : i32
    %dma_start3A_194 = tpu.memref_slice %arg8[%add3A_185, %dma_start3A_193] : memref<262144x32xf32, #tpu.memory_space<hbm>> -> memref<1x32xf32, #tpu.memory_space<hbm>>
    %dma_start3A_195 = tpu.memref_squeeze %dma_start3A_194 : memref<1x32xf32, #tpu.memory_space<hbm>> -> memref<32xf32, #tpu.memory_space<hbm>>
    tpu.enqueue_dma source(%dma_start3A_195 : memref<32xf32, #tpu.memory_space<hbm>>) target(%dma_start3A_192 : memref<32xf32, #tpu.memory_space<hbm>>) target_semaphore(%arg24 : memref<!tpu.dma_semaphore, #tpu.memory_space<semaphore_mem>>)
    %get3A_196 = arith.constant 8 : index
    %get3A_197 = tpu.vector_load %arg21[%get3A_196] {strides = array<i32>} : memref<128xi32, #tpu.memory_space<vmem>>, vector<16xi32>,
    %slice3A_198 = vector.extract_strided_slice %get3A_197 {offsets = [0], sizes = [1], strides = [1]} : vector<16xi32> to vector<1xi32>
    %squeeze3A_199 = vector.extract %slice3A_198[0] : i32 from vector<1xi32>
    %mul3A_200 = arith.constant 4096 : i32
    %mul3A_201 = arith.muli %add3A_4, %mul3A_200 : i32
    %add3A_202 = arith.addi %squeeze3A_199, %mul3A_201 : i32
    %mul3A_203 = arith.constant 32 : i32
    %mul3A_204 = arith.muli %add3A_4, %mul3A_203 : i32
    %add3A_205 = arith.constant 8 : i32
    %add3A_206 = arith.addi %mul3A_204, %add3A_205 : i32
    %dma_start3A_207 = arith.constant 0 : i32
    %dma_start3A_208 = tpu.memref_slice %arg10[%add3A_206, %dma_start3A_207] : memref<2048x32xf32, #tpu.memory_space<hbm>> -> memref<1x32xf32, #tpu.memory_space<hbm>>
    %dma_start3A_209 = tpu.memref_squeeze %dma_start3A_208 : memref<1x32xf32, #tpu.memory_space<hbm>> -> memref<32xf32, #tpu.memory_space<hbm>>
    %dma_start3A_210 = arith.constant 0 : i32
    %dma_start3A_211 = tpu.memref_slice %arg8[%add3A_202, %dma_start3A_210] : memref<262144x32xf32, #tpu.memory_space<hbm>> -> memref<1x32xf32, #tpu.memory_space<hbm>>
    %dma_start3A_212 = tpu.memref_squeeze %dma_start3A_211 : memref<1x32xf32, #tpu.memory_space<hbm>> -> memref<32xf32, #tpu.memory_space<hbm>>
    tpu.enqueue_dma source(%dma_start3A_212 : memref<32xf32, #tpu.memory_space<hbm>>) target(%dma_start3A_209 : memref<32xf32, #tpu.memory_space<hbm>>) target_semaphore(%arg24 : memref<!tpu.dma_semaphore, #tpu.memory_space<semaphore_mem>>)
    %get3A_213 = arith.constant 9 : index
    %get3A_214 = tpu.vector_load %arg21[%get3A_213] {strides = array<i32>} : memref<128xi32, #tpu.memory_space<vmem>>, vector<16xi32>,
    %slice3A_215 = vector.extract_strided_slice %get3A_214 {offsets = [0], sizes = [1], strides = [1]} : vector<16xi32> to vector<1xi32>
    %squeeze3A_216 = vector.extract %slice3A_215[0] : i32 from vector<1xi32>
    %mul3A_217 = arith.constant 4096 : i32
    %mul3A_218 = arith.muli %add3A_4, %mul3A_217 : i32
    %add3A_219 = arith.addi %squeeze3A_216, %mul3A_218 : i32
    %mul3A_220 = arith.constant 32 : i32
    %mul3A_221 = arith.muli %add3A_4, %mul3A_220 : i32
    %add3A_222 = arith.constant 9 : i32
    %add3A_223 = arith.addi %mul3A_221, %add3A_222 : i32
    %dma_start3A_224 = arith.constant 0 : i32
    %dma_start3A_225 = tpu.memref_slice %arg10[%add3A_223, %dma_start3A_224] : memref<2048x32xf32, #tpu.memory_space<hbm>> -> memref<1x32xf32, #tpu.memory_space<hbm>>
    %dma_start3A_226 = tpu.memref_squeeze %dma_start3A_225 : memref<1x32xf32, #tpu.memory_space<hbm>> -> memref<32xf32, #tpu.memory_space<hbm>>
    %dma_start3A_227 = arith.constant 0 : i32
    %dma_start3A_228 = tpu.memref_slice %arg8[%add3A_219, %dma_start3A_227] : memref<262144x32xf32, #tpu.memory_space<hbm>> -> memref<1x32xf32, #tpu.memory_space<hbm>>
    %dma_start3A_229 = tpu.memref_squeeze %dma_start3A_228 : memref<1x32xf32, #tpu.memory_space<hbm>> -> memref<32xf32, #tpu.memory_space<hbm>>
    tpu.enqueue_dma source(%dma_start3A_229 : memref<32xf32, #tpu.memory_space<hbm>>) target(%dma_start3A_226 : memref<32xf32, #tpu.memory_space<hbm>>) target_semaphore(%arg24 : memref<!tpu.dma_semaphore, #tpu.memory_space<semaphore_mem>>)
    %get3A_230 = arith.constant 10 : index
    %get3A_231 = tpu.vector_load %arg21[%get3A_230] {strides = array<i32>} : memref<128xi32, #tpu.memory_space<vmem>>, vector<16xi32>,
    %slice3A_232 = vector.extract_strided_slice %get3A_231 {offsets = [0], sizes = [1], strides = [1]} : vector<16xi32> to vector<1xi32>
    %squeeze3A_233 = vector.extract %slice3A_232[0] : i32 from vector<1xi32>
    %mul3A_234 = arith.constant 4096 : i32
    %mul3A_235 = arith.muli %add3A_4, %mul3A_234 : i32
    %add3A_236 = arith.addi %squeeze3A_233, %mul3A_235 : i32
    %mul3A_237 = arith.constant 32 : i32
    %mul3A_238 = arith.muli %add3A_4, %mul3A_237 : i32
    %add3A_239 = arith.constant 10 : i32
    %add3A_240 = arith.addi %mul3A_238, %add3A_239 : i32
    %dma_start3A_241 = arith.constant 0 : i32
    %dma_start3A_242 = tpu.memref_slice %arg10[%add3A_240, %dma_start3A_241] : memref<2048x32xf32, #tpu.memory_space<hbm>> -> memref<1x32xf32, #tpu.memory_space<hbm>>
    %dma_start3A_243 = tpu.memref_squeeze %dma_start3A_242 : memref<1x32xf32, #tpu.memory_space<hbm>> -> memref<32xf32, #tpu.memory_space<hbm>>
    %dma_start3A_244 = arith.constant 0 : i32
    %dma_start3A_245 = tpu.memref_slice %arg8[%add3A_236, %dma_start3A_244] : memref<262144x32xf32, #tpu.memory_space<hbm>> -> memref<1x32xf32, #tpu.memory_space<hbm>>
    %dma_start3A_246 = tpu.memref_squeeze %dma_start3A_245 : memref<1x32xf32, #tpu.memory_space<hbm>> -> memref<32xf32, #tpu.memory_space<hbm>>
    tpu.enqueue_dma source(%dma_start3A_246 : memref<32xf32, #tpu.memory_space<hbm>>) target(%dma_start3A_243 : memref<32xf32, #tpu.memory_space<hbm>>) target_semaphore(%arg24 : memref<!tpu.dma_semaphore, #tpu.memory_space<semaphore_mem>>)
    %get3A_247 = arith.constant 11 : index
    %get3A_248 = tpu.vector_load %arg21[%get3A_247] {strides = array<i32>} : memref<128xi32, #tpu.memory_space<vmem>>, vector<16xi32>,
    %slice3A_249 = vector.extract_strided_slice %get3A_248 {offsets = [0], sizes = [1], strides = [1]} : vector<16xi32> to vector<1xi32>
    %squeeze3A_250 = vector.extract %slice3A_249[0] : i32 from vector<1xi32>
    %mul3A_251 = arith.constant 4096 : i32
    %mul3A_252 = arith.muli %add3A_4, %mul3A_251 : i32
    %add3A_253 = arith.addi %squeeze3A_250, %mul3A_252 : i32
    %mul3A_254 = arith.constant 32 : i32
    %mul3A_255 = arith.muli %add3A_4, %mul3A_254 : i32
    %add3A_256 = arith.constant 11 : i32
    %add3A_257 = arith.addi %mul3A_255, %add3A_256 : i32
    %dma_start3A_258 = arith.constant 0 : i32
    %dma_start3A_259 = tpu.memref_slice %arg10[%add3A_257, %dma_start3A_258] : memref<2048x32xf32, #tpu.memory_space<hbm>> -> memref<1x32xf32, #tpu.memory_space<hbm>>
    %dma_start3A_260 = tpu.memref_squeeze %dma_start3A_259 : memref<1x32xf32, #tpu.memory_space<hbm>> -> memref<32xf32, #tpu.memory_space<hbm>>
    %dma_start3A_261 = arith.constant 0 : i32
    %dma_start3A_262 = tpu.memref_slice %arg8[%add3A_253, %dma_start3A_261] : memref<262144x32xf32, #tpu.memory_space<hbm>> -> memref<1x32xf32, #tpu.memory_space<hbm>>
    %dma_start3A_263 = tpu.memref_squeeze %dma_start3A_262 : memref<1x32xf32, #tpu.memory_space<hbm>> -> memref<32xf32, #tpu.memory_space<hbm>>
    tpu.enqueue_dma source(%dma_start3A_263 : memref<32xf32, #tpu.memory_space<hbm>>) target(%dma_start3A_260 : memref<32xf32, #tpu.memory_space<hbm>>) target_semaphore(%arg24 : memref<!tpu.dma_semaphore, #tpu.memory_space<semaphore_mem>>)
    %get3A_264 = arith.constant 12 : index
    %get3A_265 = tpu.vector_load %arg21[%get3A_264] {strides = array<i32>} : memref<128xi32, #tpu.memory_space<vmem>>, vector<16xi32>,
    %slice3A_266 = vector.extract_strided_slice %get3A_265 {offsets = [0], sizes = [1], strides = [1]} : vector<16xi32> to vector<1xi32>
    %squeeze3A_267 = vector.extract %slice3A_266[0] : i32 from vector<1xi32>
    %mul3A_268 = arith.constant 4096 : i32
    %mul3A_269 = arith.muli %add3A_4, %mul3A_268 : i32
    %add3A_270 = arith.addi %squeeze3A_267, %mul3A_269 : i32
    %mul3A_271 = arith.constant 32 : i32
    %mul3A_272 = arith.muli %add3A_4, %mul3A_271 : i32
    %add3A_273 = arith.constant 12 : i32
    %add3A_274 = arith.addi %mul3A_272, %add3A_273 : i32
    %dma_start3A_275 = arith.constant 0 : i32
    %dma_start3A_276 = tpu.memref_slice %arg10[%add3A_274, %dma_start3A_275] : memref<2048x32xf32, #tpu.memory_space<hbm>> -> memref<1x32xf32, #tpu.memory_space<hbm>>
    %dma_start3A_277 = tpu.memref_squeeze %dma_start3A_276 : memref<1x32xf32, #tpu.memory_space<hbm>> -> memref<32xf32, #tpu.memory_space<hbm>>
    %dma_start3A_278 = arith.constant 0 : i32
    %dma_start3A_279 = tpu.memref_slice %arg8[%add3A_270, %dma_start3A_278] : memref<262144x32xf32, #tpu.memory_space<hbm>> -> memref<1x32xf32, #tpu.memory_space<hbm>>
    %dma_start3A_280 = tpu.memref_squeeze %dma_start3A_279 : memref<1x32xf32, #tpu.memory_space<hbm>> -> memref<32xf32, #tpu.memory_space<hbm>>
    tpu.enqueue_dma source(%dma_start3A_280 : memref<32xf32, #tpu.memory_space<hbm>>) target(%dma_start3A_277 : memref<32xf32, #tpu.memory_space<hbm>>) target_semaphore(%arg24 : memref<!tpu.dma_semaphore, #tpu.memory_space<semaphore_mem>>)
    %get3A_281 = arith.constant 13 : index
    %get3A_282 = tpu.vector_load %arg21[%get3A_281] {strides = array<i32>} : memref<128xi32, #tpu.memory_space<vmem>>, vector<16xi32>,
    %slice3A_283 = vector.extract_strided_slice %get3A_282 {offsets = [0], sizes = [1], strides = [1]} : vector<16xi32> to vector<1xi32>
    %squeeze3A_284 = vector.extract %slice3A_283[0] : i32 from vector<1xi32>
    %mul3A_285 = arith.constant 4096 : i32
    %mul3A_286 = arith.muli %add3A_4, %mul3A_285 : i32
    %add3A_287 = arith.addi %squeeze3A_284, %mul3A_286 : i32
    %mul3A_288 = arith.constant 32 : i32
    %mul3A_289 = arith.muli %add3A_4, %mul3A_288 : i32
    %add3A_290 = arith.constant 13 : i32
    %add3A_291 = arith.addi %mul3A_289, %add3A_290 : i32
    %dma_start3A_292 = arith.constant 0 : i32
    %dma_start3A_293 = tpu.memref_slice %arg10[%add3A_291, %dma_start3A_292] : memref<2048x32xf32, #tpu.memory_space<hbm>> -> memref<1x32xf32, #tpu.memory_space<hbm>>
    %dma_start3A_294 = tpu.memref_squeeze %dma_start3A_293 : memref<1x32xf32, #tpu.memory_space<hbm>> -> memref<32xf32, #tpu.memory_space<hbm>>
    %dma_start3A_295 = arith.constant 0 : i32
    %dma_start3A_296 = tpu.memref_slice %arg8[%add3A_287, %dma_start3A_295] : memref<262144x32xf32, #tpu.memory_space<hbm>> -> memref<1x32xf32, #tpu.memory_space<hbm>>
    %dma_start3A_297 = tpu.memref_squeeze %dma_start3A_296 : memref<1x32xf32, #tpu.memory_space<hbm>> -> memref<32xf32, #tpu.memory_space<hbm>>
    tpu.enqueue_dma source(%dma_start3A_297 : memref<32xf32, #tpu.memory_space<hbm>>) target(%dma_start3A_294 : memref<32xf32, #tpu.memory_space<hbm>>) target_semaphore(%arg24 : memref<!tpu.dma_semaphore, #tpu.memory_space<semaphore_mem>>)
    %get3A_298 = arith.constant 14 : index
    %get3A_299 = tpu.vector_load %arg21[%get3A_298] {strides = array<i32>} : memref<128xi32, #tpu.memory_space<vmem>>, vector<16xi32>,
    %slice3A_300 = vector.extract_strided_slice %get3A_299 {offsets = [0], sizes = [1], strides = [1]} : vector<16xi32> to vector<1xi32>
    %squeeze3A_301 = vector.extract %slice3A_300[0] : i32 from vector<1xi32>
    %mul3A_302 = arith.constant 4096 : i32
    %mul3A_303 = arith.muli %add3A_4, %mul3A_302 : i32
    %add3A_304 = arith.addi %squeeze3A_301, %mul3A_303 : i32
    %mul3A_305 = arith.constant 32 : i32
    %mul3A_306 = arith.muli %add3A_4, %mul3A_305 : i32
    %add3A_307 = arith.constant 14 : i32
    %add3A_308 = arith.addi %mul3A_306, %add3A_307 : i32
    %dma_start3A_309 = arith.constant 0 : i32
    %dma_start3A_310 = tpu.memref_slice %arg10[%add3A_308, %dma_start3A_309] : memref<2048x32xf32, #tpu.memory_space<hbm>> -> memref<1x32xf32, #tpu.memory_space<hbm>>
    %dma_start3A_311 = tpu.memref_squeeze %dma_start3A_310 : memref<1x32xf32, #tpu.memory_space<hbm>> -> memref<32xf32, #tpu.memory_space<hbm>>
    %dma_start3A_312 = arith.constant 0 : i32
    %dma_start3A_313 = tpu.memref_slice %arg8[%add3A_304, %dma_start3A_312] : memref<262144x32xf32, #tpu.memory_space<hbm>> -> memref<1x32xf32, #tpu.memory_space<hbm>>
    %dma_start3A_314 = tpu.memref_squeeze %dma_start3A_313 : memref<1x32xf32, #tpu.memory_space<hbm>> -> memref<32xf32, #tpu.memory_space<hbm>>
    tpu.enqueue_dma source(%dma_start3A_314 : memref<32xf32, #tpu.memory_space<hbm>>) target(%dma_start3A_311 : memref<32xf32, #tpu.memory_space<hbm>>) target_semaphore(%arg24 : memref<!tpu.dma_semaphore, #tpu.memory_space<semaphore_mem>>)
    %get3A_315 = arith.constant 15 : index
    %get3A_316 = tpu.vector_load %arg21[%get3A_315] {strides = array<i32>} : memref<128xi32, #tpu.memory_space<vmem>>, vector<16xi32>,
    %slice3A_317 = vector.extract_strided_slice %get3A_316 {offsets = [0], sizes = [1], strides = [1]} : vector<16xi32> to vector<1xi32>
    %squeeze3A_318 = vector.extract %slice3A_317[0] : i32 from vector<1xi32>
    %mul3A_319 = arith.constant 4096 : i32
    %mul3A_320 = arith.muli %add3A_4, %mul3A_319 : i32
    %add3A_321 = arith.addi %squeeze3A_318, %mul3A_320 : i32
    %mul3A_322 = arith.constant 32 : i32
    %mul3A_323 = arith.muli %add3A_4, %mul3A_322 : i32
    %add3A_324 = arith.constant 15 : i32
    %add3A_325 = arith.addi %mul3A_323, %add3A_324 : i32
    %dma_start3A_326 = arith.constant 0 : i32
    %dma_start3A_327 = tpu.memref_slice %arg10[%add3A_325, %dma_start3A_326] : memref<2048x32xf32, #tpu.memory_space<hbm>> -> memref<1x32xf32, #tpu.memory_space<hbm>>
    %dma_start3A_328 = tpu.memref_squeeze %dma_start3A_327 : memref<1x32xf32, #tpu.memory_space<hbm>> -> memref<32xf32, #tpu.memory_space<hbm>>
    %dma_start3A_329 = arith.constant 0 : i32
    %dma_start3A_330 = tpu.memref_slice %arg8[%add3A_321, %dma_start3A_329] : memref<262144x32xf32, #tpu.memory_space<hbm>> -> memref<1x32xf32, #tpu.memory_space<hbm>>
    %dma_start3A_331 = tpu.memref_squeeze %dma_start3A_330 : memref<1x32xf32, #tpu.memory_space<hbm>> -> memref<32xf32, #tpu.memory_space<hbm>>
    tpu.enqueue_dma source(%dma_start3A_331 : memref<32xf32, #tpu.memory_space<hbm>>) target(%dma_start3A_328 : memref<32xf32, #tpu.memory_space<hbm>>) target_semaphore(%arg24 : memref<!tpu.dma_semaphore, #tpu.memory_space<semaphore_mem>>)
    %get3A_332 = arith.constant 16 : index
    %get3A_333 = tpu.vector_load %arg21[%get3A_332] {strides = array<i32>} : memref<128xi32, #tpu.memory_space<vmem>>, vector<16xi32>,
    %slice3A_334 = vector.extract_strided_slice %get3A_333 {offsets = [0], sizes = [1], strides = [1]} : vector<16xi32> to vector<1xi32>
    %squeeze3A_335 = vector.extract %slice3A_334[0] : i32 from vector<1xi32>
    %mul3A_336 = arith.constant 4096 : i32
    %mul3A_337 = arith.muli %add3A_4, %mul3A_336 : i32
    %add3A_338 = arith.addi %squeeze3A_335, %mul3A_337 : i32
    %mul3A_339 = arith.constant 32 : i32
    %mul3A_340 = arith.muli %add3A_4, %mul3A_339 : i32
    %add3A_341 = arith.constant 16 : i32
    %add3A_342 = arith.addi %mul3A_340, %add3A_341 : i32
    %dma_start3A_343 = arith.constant 0 : i32
    %dma_start3A_344 = tpu.memref_slice %arg10[%add3A_342, %dma_start3A_343] : memref<2048x32xf32, #tpu.memory_space<hbm>> -> memref<1x32xf32, #tpu.memory_space<hbm>>
    %dma_start3A_345 = tpu.memref_squeeze %dma_start3A_344 : memref<1x32xf32, #tpu.memory_space<hbm>> -> memref<32xf32, #tpu.memory_space<hbm>>
    %dma_start3A_346 = arith.constant 0 : i32
    %dma_start3A_347 = tpu.memref_slice %arg8[%add3A_338, %dma_start3A_346] : memref<262144x32xf32, #tpu.memory_space<hbm>> -> memref<1x32xf32, #tpu.memory_space<hbm>>
    %dma_start3A_348 = tpu.memref_squeeze %dma_start3A_347 : memref<1x32xf32, #tpu.memory_space<hbm>> -> memref<32xf32, #tpu.memory_space<hbm>>
    tpu.enqueue_dma source(%dma_start3A_348 : memref<32xf32, #tpu.memory_space<hbm>>) target(%dma_start3A_345 : memref<32xf32, #tpu.memory_space<hbm>>) target_semaphore(%arg24 : memref<!tpu.dma_semaphore, #tpu.memory_space<semaphore_mem>>)
    %get3A_349 = arith.constant 17 : index
    %get3A_350 = tpu.vector_load %arg21[%get3A_349] {strides = array<i32>} : memref<128xi32, #tpu.memory_space<vmem>>, vector<16xi32>,
    %slice3A_351 = vector.extract_strided_slice %get3A_350 {offsets = [0], sizes = [1], strides = [1]} : vector<16xi32> to vector<1xi32>
    %squeeze3A_352 = vector.extract %slice3A_351[0] : i32 from vector<1xi32>
    %mul3A_353 = arith.constant 4096 : i32
    %mul3A_354 = arith.muli %add3A_4, %mul3A_353 : i32
    %add3A_355 = arith.addi %squeeze3A_352, %mul3A_354 : i32
    %mul3A_356 = arith.constant 32 : i32
    %mul3A_357 = arith.muli %add3A_4, %mul3A_356 : i32
    %add3A_358 = arith.constant 17 : i32
    %add3A_359 = arith.addi %mul3A_357, %add3A_358 : i32
    %dma_start3A_360 = arith.constant 0 : i32
    %dma_start3A_361 = tpu.memref_slice %arg10[%add3A_359, %dma_start3A_360] : memref<2048x32xf32, #tpu.memory_space<hbm>> -> memref<1x32xf32, #tpu.memory_space<hbm>>
    %dma_start3A_362 = tpu.memref_squeeze %dma_start3A_361 : memref<1x32xf32, #tpu.memory_space<hbm>> -> memref<32xf32, #tpu.memory_space<hbm>>
    %dma_start3A_363 = arith.constant 0 : i32
    %dma_start3A_364 = tpu.memref_slice %arg8[%add3A_355, %dma_start3A_363] : memref<262144x32xf32, #tpu.memory_space<hbm>> -> memref<1x32xf32, #tpu.memory_space<hbm>>
    %dma_start3A_365 = tpu.memref_squeeze %dma_start3A_364 : memref<1x32xf32, #tpu.memory_space<hbm>> -> memref<32xf32, #tpu.memory_space<hbm>>
    tpu.enqueue_dma source(%dma_start3A_365 : memref<32xf32, #tpu.memory_space<hbm>>) target(%dma_start3A_362 : memref<32xf32, #tpu.memory_space<hbm>>) target_semaphore(%arg24 : memref<!tpu.dma_semaphore, #tpu.memory_space<semaphore_mem>>)
    %get3A_366 = arith.constant 18 : index
    %get3A_367 = tpu.vector_load %arg21[%get3A_366] {strides = array<i32>} : memref<128xi32, #tpu.memory_space<vmem>>, vector<16xi32>,
    %slice3A_368 = vector.extract_strided_slice %get3A_367 {offsets = [0], sizes = [1], strides = [1]} : vector<16xi32> to vector<1xi32>
    %squeeze3A_369 = vector.extract %slice3A_368[0] : i32 from vector<1xi32>
    %mul3A_370 = arith.constant 4096 : i32
    %mul3A_371 = arith.muli %add3A_4, %mul3A_370 : i32
    %add3A_372 = arith.addi %squeeze3A_369, %mul3A_371 : i32
    %mul3A_373 = arith.constant 32 : i32
    %mul3A_374 = arith.muli %add3A_4, %mul3A_373 : i32
    %add3A_375 = arith.constant 18 : i32
    %add3A_376 = arith.addi %mul3A_374, %add3A_375 : i32
    %dma_start3A_377 = arith.constant 0 : i32
    %dma_start3A_378 = tpu.memref_slice %arg10[%add3A_376, %dma_start3A_377] : memref<2048x32xf32, #tpu.memory_space<hbm>> -> memref<1x32xf32, #tpu.memory_space<hbm>>
    %dma_start3A_379 = tpu.memref_squeeze %dma_start3A_378 : memref<1x32xf32, #tpu.memory_space<hbm>> -> memref<32xf32, #tpu.memory_space<hbm>>
    %dma_start3A_380 = arith.constant 0 : i32
    %dma_start3A_381 = tpu.memref_slice %arg8[%add3A_372, %dma_start3A_380] : memref<262144x32xf32, #tpu.memory_space<hbm>> -> memref<1x32xf32, #tpu.memory_space<hbm>>
    %dma_start3A_382 = tpu.memref_squeeze %dma_start3A_381 : memref<1x32xf32, #tpu.memory_space<hbm>> -> memref<32xf32, #tpu.memory_space<hbm>>
    tpu.enqueue_dma source(%dma_start3A_382 : memref<32xf32, #tpu.memory_space<hbm>>) target(%dma_start3A_379 : memref<32xf32, #tpu.memory_space<hbm>>) target_semaphore(%arg24 : memref<!tpu.dma_semaphore, #tpu.memory_space<semaphore_mem>>)
    %get3A_383 = arith.constant 19 : index
    %get3A_384 = tpu.vector_load %arg21[%get3A_383] {strides = array<i32>} : memref<128xi32, #tpu.memory_space<vmem>>, vector<16xi32>,
    %slice3A_385 = vector.extract_strided_slice %get3A_384 {offsets = [0], sizes = [1], strides = [1]} : vector<16xi32> to vector<1xi32>
    %squeeze3A_386 = vector.extract %slice3A_385[0] : i32 from vector<1xi32>
    %mul3A_387 = arith.constant 4096 : i32
    %mul3A_388 = arith.muli %add3A_4, %mul3A_387 : i32
    %add3A_389 = arith.addi %squeeze3A_386, %mul3A_388 : i32
    %mul3A_390 = arith.constant 32 : i32
    %mul3A_391 = arith.muli %add3A_4, %mul3A_390 : i32
    %add3A_392 = arith.constant 19 : i32
    %add3A_393 = arith.addi %mul3A_391, %add3A_392 : i32
    %dma_start3A_394 = arith.constant 0 : i32
    %dma_start3A_395 = tpu.memref_slice %arg10[%add3A_393, %dma_start3A_394] : memref<2048x32xf32, #tpu.memory_space<hbm>> -> memref<1x32xf32, #tpu.memory_space<hbm>>
    %dma_start3A_396 = tpu.memref_squeeze %dma_start3A_395 : memref<1x32xf32, #tpu.memory_space<hbm>> -> memref<32xf32, #tpu.memory_space<hbm>>
    %dma_start3A_397 = arith.constant 0 : i32
    %dma_start3A_398 = tpu.memref_slice %arg8[%add3A_389, %dma_start3A_397] : memref<262144x32xf32, #tpu.memory_space<hbm>> -> memref<1x32xf32, #tpu.memory_space<hbm>>
    %dma_start3A_399 = tpu.memref_squeeze %dma_start3A_398 : memref<1x32xf32, #tpu.memory_space<hbm>> -> memref<32xf32, #tpu.memory_space<hbm>>
    tpu.enqueue_dma source(%dma_start3A_399 : memref<32xf32, #tpu.memory_space<hbm>>) target(%dma_start3A_396 : memref<32xf32, #tpu.memory_space<hbm>>) target_semaphore(%arg24 : memref<!tpu.dma_semaphore, #tpu.memory_space<semaphore_mem>>)
    %get3A_400 = arith.constant 20 : index
    %get3A_401 = tpu.vector_load %arg21[%get3A_400] {strides = array<i32>} : memref<128xi32, #tpu.memory_space<vmem>>, vector<16xi32>,
    %slice3A_402 = vector.extract_strided_slice %get3A_401 {offsets = [0], sizes = [1], strides = [1]} : vector<16xi32> to vector<1xi32>
    %squeeze3A_403 = vector.extract %slice3A_402[0] : i32 from vector<1xi32>
    %mul3A_404 = arith.constant 4096 : i32
    %mul3A_405 = arith.muli %add3A_4, %mul3A_404 : i32
    %add3A_406 = arith.addi %squeeze3A_403, %mul3A_405 : i32
    %mul3A_407 = arith.constant 32 : i32
    %mul3A_408 = arith.muli %add3A_4, %mul3A_407 : i32
    %add3A_409 = arith.constant 20 : i32
    %add3A_410 = arith.addi %mul3A_408, %add3A_409 : i32
    %dma_start3A_411 = arith.constant 0 : i32
    %dma_start3A_412 = tpu.memref_slice %arg10[%add3A_410, %dma_start3A_411] : memref<2048x32xf32, #tpu.memory_space<hbm>> -> memref<1x32xf32, #tpu.memory_space<hbm>>
    %dma_start3A_413 = tpu.memref_squeeze %dma_start3A_412 : memref<1x32xf32, #tpu.memory_space<hbm>> -> memref<32xf32, #tpu.memory_space<hbm>>
    %dma_start3A_414 = arith.constant 0 : i32
    %dma_start3A_415 = tpu.memref_slice %arg8[%add3A_406, %dma_start3A_414] : memref<262144x32xf32, #tpu.memory_space<hbm>> -> memref<1x32xf32, #tpu.memory_space<hbm>>
    %dma_start3A_416 = tpu.memref_squeeze %dma_start3A_415 : memref<1x32xf32, #tpu.memory_space<hbm>> -> memref<32xf32, #tpu.memory_space<hbm>>
    tpu.enqueue_dma source(%dma_start3A_416 : memref<32xf32, #tpu.memory_space<hbm>>) target(%dma_start3A_413 : memref<32xf32, #tpu.memory_space<hbm>>) target_semaphore(%arg24 : memref<!tpu.dma_semaphore, #tpu.memory_space<semaphore_mem>>)
    %get3A_417 = arith.constant 21 : index
    %get3A_418 = tpu.vector_load %arg21[%get3A_417] {strides = array<i32>} : memref<128xi32, #tpu.memory_space<vmem>>, vector<16xi32>,
    %slice3A_419 = vector.extract_strided_slice %get3A_418 {offsets = [0], sizes = [1], strides = [1]} : vector<16xi32> to vector<1xi32>
    %squeeze3A_420 = vector.extract %slice3A_419[0] : i32 from vector<1xi32>
    %mul3A_421 = arith.constant 4096 : i32
    %mul3A_422 = arith.muli %add3A_4, %mul3A_421 : i32
    %add3A_423 = arith.addi %squeeze3A_420, %mul3A_422 : i32
    %mul3A_424 = arith.constant 32 : i32
    %mul3A_425 = arith.muli %add3A_4, %mul3A_424 : i32
    %add3A_426 = arith.constant 21 : i32
    %add3A_427 = arith.addi %mul3A_425, %add3A_426 : i32
    %dma_start3A_428 = arith.constant 0 : i32
    %dma_start3A_429 = tpu.memref_slice %arg10[%add3A_427, %dma_start3A_428] : memref<2048x32xf32, #tpu.memory_space<hbm>> -> memref<1x32xf32, #tpu.memory_space<hbm>>
    %dma_start3A_430 = tpu.memref_squeeze %dma_start3A_429 : memref<1x32xf32, #tpu.memory_space<hbm>> -> memref<32xf32, #tpu.memory_space<hbm>>
    %dma_start3A_431 = arith.constant 0 : i32
    %dma_start3A_432 = tpu.memref_slice %arg8[%add3A_423, %dma_start3A_431] : memref<262144x32xf32, #tpu.memory_space<hbm>> -> memref<1x32xf32, #tpu.memory_space<hbm>>
    %dma_start3A_433 = tpu.memref_squeeze %dma_start3A_432 : memref<1x32xf32, #tpu.memory_space<hbm>> -> memref<32xf32, #tpu.memory_space<hbm>>
    tpu.enqueue_dma source(%dma_start3A_433 : memref<32xf32, #tpu.memory_space<hbm>>) target(%dma_start3A_430 : memref<32xf32, #tpu.memory_space<hbm>>) target_semaphore(%arg24 : memref<!tpu.dma_semaphore, #tpu.memory_space<semaphore_mem>>)
    %get3A_434 = arith.constant 22 : index
    %get3A_435 = tpu.vector_load %arg21[%get3A_434] {strides = array<i32>} : memref<128xi32, #tpu.memory_space<vmem>>, vector<16xi32>,
    %slice3A_436 = vector.extract_strided_slice %get3A_435 {offsets = [0], sizes = [1], strides = [1]} : vector<16xi32> to vector<1xi32>
    %squeeze3A_437 = vector.extract %slice3A_436[0] : i32 from vector<1xi32>
    %mul3A_438 = arith.constant 4096 : i32
    %mul3A_439 = arith.muli %add3A_4, %mul3A_438 : i32
    %add3A_440 = arith.addi %squeeze3A_437, %mul3A_439 : i32
    %mul3A_441 = arith.constant 32 : i32
    %mul3A_442 = arith.muli %add3A_4, %mul3A_441 : i32
    %add3A_443 = arith.constant 22 : i32
    %add3A_444 = arith.addi %mul3A_442, %add3A_443 : i32
    %dma_start3A_445 = arith.constant 0 : i32
    %dma_start3A_446 = tpu.memref_slice %arg10[%add3A_444, %dma_start3A_445] : memref<2048x32xf32, #tpu.memory_space<hbm>> -> memref<1x32xf32, #tpu.memory_space<hbm>>
    %dma_start3A_447 = tpu.memref_squeeze %dma_start3A_446 : memref<1x32xf32, #tpu.memory_space<hbm>> -> memref<32xf32, #tpu.memory_space<hbm>>
    %dma_start3A_448 = arith.constant 0 : i32
    %dma_start3A_449 = tpu.memref_slice %arg8[%add3A_440, %dma_start3A_448] : memref<262144x32xf32, #tpu.memory_space<hbm>> -> memref<1x32xf32, #tpu.memory_space<hbm>>
    %dma_start3A_450 = tpu.memref_squeeze %dma_start3A_449 : memref<1x32xf32, #tpu.memory_space<hbm>> -> memref<32xf32, #tpu.memory_space<hbm>>
    tpu.enqueue_dma source(%dma_start3A_450 : memref<32xf32, #tpu.memory_space<hbm>>) target(%dma_start3A_447 : memref<32xf32, #tpu.memory_space<hbm>>) target_semaphore(%arg24 : memref<!tpu.dma_semaphore, #tpu.memory_space<semaphore_mem>>)
    %get3A_451 = arith.constant 23 : index
    %get3A_452 = tpu.vector_load %arg21[%get3A_451] {strides = array<i32>} : memref<128xi32, #tpu.memory_space<vmem>>, vector<16xi32>,
    %slice3A_453 = vector.extract_strided_slice %get3A_452 {offsets = [0], sizes = [1], strides = [1]} : vector<16xi32> to vector<1xi32>
    %squeeze3A_454 = vector.extract %slice3A_453[0] : i32 from vector<1xi32>
    %mul3A_455 = arith.constant 4096 : i32
    %mul3A_456 = arith.muli %add3A_4, %mul3A_455 : i32
    %add3A_457 = arith.addi %squeeze3A_454, %mul3A_456 : i32
    %mul3A_458 = arith.constant 32 : i32
    %mul3A_459 = arith.muli %add3A_4, %mul3A_458 : i32
    %add3A_460 = arith.constant 23 : i32
    %add3A_461 = arith.addi %mul3A_459, %add3A_460 : i32
    %dma_start3A_462 = arith.constant 0 : i32
    %dma_start3A_463 = tpu.memref_slice %arg10[%add3A_461, %dma_start3A_462] : memref<2048x32xf32, #tpu.memory_space<hbm>> -> memref<1x32xf32, #tpu.memory_space<hbm>>
    %dma_start3A_464 = tpu.memref_squeeze %dma_start3A_463 : memref<1x32xf32, #tpu.memory_space<hbm>> -> memref<32xf32, #tpu.memory_space<hbm>>
    %dma_start3A_465 = arith.constant 0 : i32
    %dma_start3A_466 = tpu.memref_slice %arg8[%add3A_457, %dma_start3A_465] : memref<262144x32xf32, #tpu.memory_space<hbm>> -> memref<1x32xf32, #tpu.memory_space<hbm>>
    %dma_start3A_467 = tpu.memref_squeeze %dma_start3A_466 : memref<1x32xf32, #tpu.memory_space<hbm>> -> memref<32xf32, #tpu.memory_space<hbm>>
    tpu.enqueue_dma source(%dma_start3A_467 : memref<32xf32, #tpu.memory_space<hbm>>) target(%dma_start3A_464 : memref<32xf32, #tpu.memory_space<hbm>>) target_semaphore(%arg24 : memref<!tpu.dma_semaphore, #tpu.memory_space<semaphore_mem>>)
    %get3A_468 = arith.constant 24 : index
    %get3A_469 = tpu.vector_load %arg21[%get3A_468] {strides = array<i32>} : memref<128xi32, #tpu.memory_space<vmem>>, vector<16xi32>,
    %slice3A_470 = vector.extract_strided_slice %get3A_469 {offsets = [0], sizes = [1], strides = [1]} : vector<16xi32> to vector<1xi32>
    %squeeze3A_471 = vector.extract %slice3A_470[0] : i32 from vector<1xi32>
    %mul3A_472 = arith.constant 4096 : i32
    %mul3A_473 = arith.muli %add3A_4, %mul3A_472 : i32
    %add3A_474 = arith.addi %squeeze3A_471, %mul3A_473 : i32
    %mul3A_475 = arith.constant 32 : i32
    %mul3A_476 = arith.muli %add3A_4, %mul3A_475 : i32
    %add3A_477 = arith.constant 24 : i32
    %add3A_478 = arith.addi %mul3A_476, %add3A_477 : i32
    %dma_start3A_479 = arith.constant 0 : i32
    %dma_start3A_480 = tpu.memref_slice %arg10[%add3A_478, %dma_start3A_479] : memref<2048x32xf32, #tpu.memory_space<hbm>> -> memref<1x32xf32, #tpu.memory_space<hbm>>
    %dma_start3A_481 = tpu.memref_squeeze %dma_start3A_480 : memref<1x32xf32, #tpu.memory_space<hbm>> -> memref<32xf32, #tpu.memory_space<hbm>>
    %dma_start3A_482 = arith.constant 0 : i32
    %dma_start3A_483 = tpu.memref_slice %arg8[%add3A_474, %dma_start3A_482] : memref<262144x32xf32, #tpu.memory_space<hbm>> -> memref<1x32xf32, #tpu.memory_space<hbm>>
    %dma_start3A_484 = tpu.memref_squeeze %dma_start3A_483 : memref<1x32xf32, #tpu.memory_space<hbm>> -> memref<32xf32, #tpu.memory_space<hbm>>
    tpu.enqueue_dma source(%dma_start3A_484 : memref<32xf32, #tpu.memory_space<hbm>>) target(%dma_start3A_481 : memref<32xf32, #tpu.memory_space<hbm>>) target_semaphore(%arg24 : memref<!tpu.dma_semaphore, #tpu.memory_space<semaphore_mem>>)
    %get3A_485 = arith.constant 25 : index
    %get3A_486 = tpu.vector_load %arg21[%get3A_485] {strides = array<i32>} : memref<128xi32, #tpu.memory_space<vmem>>, vector<16xi32>,
    %slice3A_487 = vector.extract_strided_slice %get3A_486 {offsets = [0], sizes = [1], strides = [1]} : vector<16xi32> to vector<1xi32>
    %squeeze3A_488 = vector.extract %slice3A_487[0] : i32 from vector<1xi32>
    %mul3A_489 = arith.constant 4096 : i32
    %mul3A_490 = arith.muli %add3A_4, %mul3A_489 : i32
    %add3A_491 = arith.addi %squeeze3A_488, %mul3A_490 : i32
    %mul3A_492 = arith.constant 32 : i32
    %mul3A_493 = arith.muli %add3A_4, %mul3A_492 : i32
    %add3A_494 = arith.constant 25 : i32
    %add3A_495 = arith.addi %mul3A_493, %add3A_494 : i32
    %dma_start3A_496 = arith.constant 0 : i32
    %dma_start3A_497 = tpu.memref_slice %arg10[%add3A_495, %dma_start3A_496] : memref<2048x32xf32, #tpu.memory_space<hbm>> -> memref<1x32xf32, #tpu.memory_space<hbm>>
    %dma_start3A_498 = tpu.memref_squeeze %dma_start3A_497 : memref<1x32xf32, #tpu.memory_space<hbm>> -> memref<32xf32, #tpu.memory_space<hbm>>
    %dma_start3A_499 = arith.constant 0 : i32
    %dma_start3A_500 = tpu.memref_slice %arg8[%add3A_491, %dma_start3A_499] : memref<262144x32xf32, #tpu.memory_space<hbm>> -> memref<1x32xf32, #tpu.memory_space<hbm>>
    %dma_start3A_501 = tpu.memref_squeeze %dma_start3A_500 : memref<1x32xf32, #tpu.memory_space<hbm>> -> memref<32xf32, #tpu.memory_space<hbm>>
    tpu.enqueue_dma source(%dma_start3A_501 : memref<32xf32, #tpu.memory_space<hbm>>) target(%dma_start3A_498 : memref<32xf32, #tpu.memory_space<hbm>>) target_semaphore(%arg24 : memref<!tpu.dma_semaphore, #tpu.memory_space<semaphore_mem>>)
    %get3A_502 = arith.constant 26 : index
    %get3A_503 = tpu.vector_load %arg21[%get3A_502] {strides = array<i32>} : memref<128xi32, #tpu.memory_space<vmem>>, vector<16xi32>,
    %slice3A_504 = vector.extract_strided_slice %get3A_503 {offsets = [0], sizes = [1], strides = [1]} : vector<16xi32> to vector<1xi32>
    %squeeze3A_505 = vector.extract %slice3A_504[0] : i32 from vector<1xi32>
    %mul3A_506 = arith.constant 4096 : i32
    %mul3A_507 = arith.muli %add3A_4, %mul3A_506 : i32
    %add3A_508 = arith.addi %squeeze3A_505, %mul3A_507 : i32
    %mul3A_509 = arith.constant 32 : i32
    %mul3A_510 = arith.muli %add3A_4, %mul3A_509 : i32
    %add3A_511 = arith.constant 26 : i32
    %add3A_512 = arith.addi %mul3A_510, %add3A_511 : i32
    %dma_start3A_513 = arith.constant 0 : i32
    %dma_start3A_514 = tpu.memref_slice %arg10[%add3A_512, %dma_start3A_513] : memref<2048x32xf32, #tpu.memory_space<hbm>> -> memref<1x32xf32, #tpu.memory_space<hbm>>
    %dma_start3A_515 = tpu.memref_squeeze %dma_start3A_514 : memref<1x32xf32, #tpu.memory_space<hbm>> -> memref<32xf32, #tpu.memory_space<hbm>>
    %dma_start3A_516 = arith.constant 0 : i32
    %dma_start3A_517 = tpu.memref_slice %arg8[%add3A_508, %dma_start3A_516] : memref<262144x32xf32, #tpu.memory_space<hbm>> -> memref<1x32xf32, #tpu.memory_space<hbm>>
    %dma_start3A_518 = tpu.memref_squeeze %dma_start3A_517 : memref<1x32xf32, #tpu.memory_space<hbm>> -> memref<32xf32, #tpu.memory_space<hbm>>
    tpu.enqueue_dma source(%dma_start3A_518 : memref<32xf32, #tpu.memory_space<hbm>>) target(%dma_start3A_515 : memref<32xf32, #tpu.memory_space<hbm>>) target_semaphore(%arg24 : memref<!tpu.dma_semaphore, #tpu.memory_space<semaphore_mem>>)
    %get3A_519 = arith.constant 27 : index
    %get3A_520 = tpu.vector_load %arg21[%get3A_519] {strides = array<i32>} : memref<128xi32, #tpu.memory_space<vmem>>, vector<16xi32>,
    %slice3A_521 = vector.extract_strided_slice %get3A_520 {offsets = [0], sizes = [1], strides = [1]} : vector<16xi32> to vector<1xi32>
    %squeeze3A_522 = vector.extract %slice3A_521[0] : i32 from vector<1xi32>
    %mul3A_523 = arith.constant 4096 : i32
    %mul3A_524 = arith.muli %add3A_4, %mul3A_523 : i32
    %add3A_525 = arith.addi %squeeze3A_522, %mul3A_524 : i32
    %mul3A_526 = arith.constant 32 : i32
    %mul3A_527 = arith.muli %add3A_4, %mul3A_526 : i32
    %add3A_528 = arith.constant 27 : i32
    %add3A_529 = arith.addi %mul3A_527, %add3A_528 : i32
    %dma_start3A_530 = arith.constant 0 : i32
    %dma_start3A_531 = tpu.memref_slice %arg10[%add3A_529, %dma_start3A_530] : memref<2048x32xf32, #tpu.memory_space<hbm>> -> memref<1x32xf32, #tpu.memory_space<hbm>>
    %dma_start3A_532 = tpu.memref_squeeze %dma_start3A_531 : memref<1x32xf32, #tpu.memory_space<hbm>> -> memref<32xf32, #tpu.memory_space<hbm>>
    %dma_start3A_533 = arith.constant 0 : i32
    %dma_start3A_534 = tpu.memref_slice %arg8[%add3A_525, %dma_start3A_533] : memref<262144x32xf32, #tpu.memory_space<hbm>> -> memref<1x32xf32, #tpu.memory_space<hbm>>
    %dma_start3A_535 = tpu.memref_squeeze %dma_start3A_534 : memref<1x32xf32, #tpu.memory_space<hbm>> -> memref<32xf32, #tpu.memory_space<hbm>>
    tpu.enqueue_dma source(%dma_start3A_535 : memref<32xf32, #tpu.memory_space<hbm>>) target(%dma_start3A_532 : memref<32xf32, #tpu.memory_space<hbm>>) target_semaphore(%arg24 : memref<!tpu.dma_semaphore, #tpu.memory_space<semaphore_mem>>)
    %get3A_536 = arith.constant 28 : index
    %get3A_537 = tpu.vector_load %arg21[%get3A_536] {strides = array<i32>} : memref<128xi32, #tpu.memory_space<vmem>>, vector<16xi32>,
    %slice3A_538 = vector.extract_strided_slice %get3A_537 {offsets = [0], sizes = [1], strides = [1]} : vector<16xi32> to vector<1xi32>
    %squeeze3A_539 = vector.extract %slice3A_538[0] : i32 from vector<1xi32>
    %mul3A_540 = arith.constant 4096 : i32
    %mul3A_541 = arith.muli %add3A_4, %mul3A_540 : i32
    %add3A_542 = arith.addi %squeeze3A_539, %mul3A_541 : i32
    %mul3A_543 = arith.constant 32 : i32
    %mul3A_544 = arith.muli %add3A_4, %mul3A_543 : i32
    %add3A_545 = arith.constant 28 : i32
    %add3A_546 = arith.addi %mul3A_544, %add3A_545 : i32
    %dma_start3A_547 = arith.constant 0 : i32
    %dma_start3A_548 = tpu.memref_slice %arg10[%add3A_546, %dma_start3A_547] : memref<2048x32xf32, #tpu.memory_space<hbm>> -> memref<1x32xf32, #tpu.memory_space<hbm>>
    %dma_start3A_549 = tpu.memref_squeeze %dma_start3A_548 : memref<1x32xf32, #tpu.memory_space<hbm>> -> memref<32xf32, #tpu.memory_space<hbm>>
    %dma_start3A_550 = arith.constant 0 : i32
    %dma_start3A_551 = tpu.memref_slice %arg8[%add3A_542, %dma_start3A_550] : memref<262144x32xf32, #tpu.memory_space<hbm>> -> memref<1x32xf32, #tpu.memory_space<hbm>>
    %dma_start3A_552 = tpu.memref_squeeze %dma_start3A_551 : memref<1x32xf32, #tpu.memory_space<hbm>> -> memref<32xf32, #tpu.memory_space<hbm>>
    tpu.enqueue_dma source(%dma_start3A_552 : memref<32xf32, #tpu.memory_space<hbm>>) target(%dma_start3A_549 : memref<32xf32, #tpu.memory_space<hbm>>) target_semaphore(%arg24 : memref<!tpu.dma_semaphore, #tpu.memory_space<semaphore_mem>>)
    %get3A_553 = arith.constant 29 : index
    %get3A_554 = tpu.vector_load %arg21[%get3A_553] {strides = array<i32>} : memref<128xi32, #tpu.memory_space<vmem>>, vector<16xi32>,
    %slice3A_555 = vector.extract_strided_slice %get3A_554 {offsets = [0], sizes = [1], strides = [1]} : vector<16xi32> to vector<1xi32>
    %squeeze3A_556 = vector.extract %slice3A_555[0] : i32 from vector<1xi32>
    %mul3A_557 = arith.constant 4096 : i32
    %mul3A_558 = arith.muli %add3A_4, %mul3A_557 : i32
    %add3A_559 = arith.addi %squeeze3A_556, %mul3A_558 : i32
    %mul3A_560 = arith.constant 32 : i32
    %mul3A_561 = arith.muli %add3A_4, %mul3A_560 : i32
    %add3A_562 = arith.constant 29 : i32
    %add3A_563 = arith.addi %mul3A_561, %add3A_562 : i32
    %dma_start3A_564 = arith.constant 0 : i32
    %dma_start3A_565 = tpu.memref_slice %arg10[%add3A_563, %dma_start3A_564] : memref<2048x32xf32, #tpu.memory_space<hbm>> -> memref<1x32xf32, #tpu.memory_space<hbm>>
    %dma_start3A_566 = tpu.memref_squeeze %dma_start3A_565 : memref<1x32xf32, #tpu.memory_space<hbm>> -> memref<32xf32, #tpu.memory_space<hbm>>
    %dma_start3A_567 = arith.constant 0 : i32
    %dma_start3A_568 = tpu.memref_slice %arg8[%add3A_559, %dma_start3A_567] : memref<262144x32xf32, #tpu.memory_space<hbm>> -> memref<1x32xf32, #tpu.memory_space<hbm>>
    %dma_start3A_569 = tpu.memref_squeeze %dma_start3A_568 : memref<1x32xf32, #tpu.memory_space<hbm>> -> memref<32xf32, #tpu.memory_space<hbm>>
    tpu.enqueue_dma source(%dma_start3A_569 : memref<32xf32, #tpu.memory_space<hbm>>) target(%dma_start3A_566 : memref<32xf32, #tpu.memory_space<hbm>>) target_semaphore(%arg24 : memref<!tpu.dma_semaphore, #tpu.memory_space<semaphore_mem>>)
    %get3A_570 = arith.constant 30 : index
    %get3A_571 = tpu.vector_load %arg21[%get3A_570] {strides = array<i32>} : memref<128xi32, #tpu.memory_space<vmem>>, vector<16xi32>,
    %slice3A_572 = vector.extract_strided_slice %get3A_571 {offsets = [0], sizes = [1], strides = [1]} : vector<16xi32> to vector<1xi32>
    %squeeze3A_573 = vector.extract %slice3A_572[0] : i32 from vector<1xi32>
    %mul3A_574 = arith.constant 4096 : i32
    %mul3A_575 = arith.muli %add3A_4, %mul3A_574 : i32
    %add3A_576 = arith.addi %squeeze3A_573, %mul3A_575 : i32
    %mul3A_577 = arith.constant 32 : i32
    %mul3A_578 = arith.muli %add3A_4, %mul3A_577 : i32
    %add3A_579 = arith.constant 30 : i32
    %add3A_580 = arith.addi %mul3A_578, %add3A_579 : i32
    %dma_start3A_581 = arith.constant 0 : i32
    %dma_start3A_582 = tpu.memref_slice %arg10[%add3A_580, %dma_start3A_581] : memref<2048x32xf32, #tpu.memory_space<hbm>> -> memref<1x32xf32, #tpu.memory_space<hbm>>
    %dma_start3A_583 = tpu.memref_squeeze %dma_start3A_582 : memref<1x32xf32, #tpu.memory_space<hbm>> -> memref<32xf32, #tpu.memory_space<hbm>>
    %dma_start3A_584 = arith.constant 0 : i32
    %dma_start3A_585 = tpu.memref_slice %arg8[%add3A_576, %dma_start3A_584] : memref<262144x32xf32, #tpu.memory_space<hbm>> -> memref<1x32xf32, #tpu.memory_space<hbm>>
    %dma_start3A_586 = tpu.memref_squeeze %dma_start3A_585 : memref<1x32xf32, #tpu.memory_space<hbm>> -> memref<32xf32, #tpu.memory_space<hbm>>
    tpu.enqueue_dma source(%dma_start3A_586 : memref<32xf32, #tpu.memory_space<hbm>>) target(%dma_start3A_583 : memref<32xf32, #tpu.memory_space<hbm>>) target_semaphore(%arg24 : memref<!tpu.dma_semaphore, #tpu.memory_space<semaphore_mem>>)
    %get3A_587 = arith.constant 31 : index
    %get3A_588 = tpu.vector_load %arg21[%get3A_587] {strides = array<i32>} : memref<128xi32, #tpu.memory_space<vmem>>, vector<16xi32>,
    %slice3A_589 = vector.extract_strided_slice %get3A_588 {offsets = [0], sizes = [1], strides = [1]} : vector<16xi32> to vector<1xi32>
    %squeeze3A_590 = vector.extract %slice3A_589[0] : i32 from vector<1xi32>
    %mul3A_591 = arith.constant 4096 : i32
    %mul3A_592 = arith.muli %add3A_4, %mul3A_591 : i32
    %add3A_593 = arith.addi %squeeze3A_590, %mul3A_592 : i32
    %mul3A_594 = arith.constant 32 : i32
    %mul3A_595 = arith.muli %add3A_4, %mul3A_594 : i32
    %add3A_596 = arith.constant 31 : i32
    %add3A_597 = arith.addi %mul3A_595, %add3A_596 : i32
    %dma_start3A_598 = arith.constant 0 : i32
    %dma_start3A_599 = tpu.memref_slice %arg10[%add3A_597, %dma_start3A_598] : memref<2048x32xf32, #tpu.memory_space<hbm>> -> memref<1x32xf32, #tpu.memory_space<hbm>>
    %dma_start3A_600 = tpu.memref_squeeze %dma_start3A_599 : memref<1x32xf32, #tpu.memory_space<hbm>> -> memref<32xf32, #tpu.memory_space<hbm>>
    %dma_start3A_601 = arith.constant 0 : i32
    %dma_start3A_602 = tpu.memref_slice %arg8[%add3A_593, %dma_start3A_601] : memref<262144x32xf32, #tpu.memory_space<hbm>> -> memref<1x32xf32, #tpu.memory_space<hbm>>
    %dma_start3A_603 = tpu.memref_squeeze %dma_start3A_602 : memref<1x32xf32, #tpu.memory_space<hbm>> -> memref<32xf32, #tpu.memory_space<hbm>>
    tpu.enqueue_dma source(%dma_start3A_603 : memref<32xf32, #tpu.memory_space<hbm>>) target(%dma_start3A_600 : memref<32xf32, #tpu.memory_space<hbm>>) target_semaphore(%arg24 : memref<!tpu.dma_semaphore, #tpu.memory_space<semaphore_mem>>)
    %dma_wait3A = arith.constant 0 : i32
    %dma_wait3A_604 = tpu.memref_slice %arg10[%add3A_71, %dma_wait3A] : memref<2048x32xf32, #tpu.memory_space<hbm>> -> memref<1x32xf32, #tpu.memory_space<hbm>>
    %dma_wait3A_605 = tpu.memref_squeeze %dma_wait3A_604 : memref<1x32xf32, #tpu.memory_space<hbm>> -> memref<32xf32, #tpu.memory_space<hbm>>
    %dma_wait3A_606 = arith.constant 0 : i32
    %dma_wait3A_607 = tpu.memref_slice %arg8[%add3A_67, %dma_wait3A_606] : memref<262144x32xf32, #tpu.memory_space<hbm>> -> memref<1x32xf32, #tpu.memory_space<hbm>>
    %dma_wait3A_608 = tpu.memref_squeeze %dma_wait3A_607 : memref<1x32xf32, #tpu.memory_space<hbm>> -> memref<32xf32, #tpu.memory_space<hbm>>
    tpu.wait_dma2 semaphore(%arg24 : memref<!tpu.dma_semaphore, #tpu.memory_space<semaphore_mem>>) src(%dma_wait3A_608 : memref<32xf32, #tpu.memory_space<hbm>>) dst(%dma_wait3A_605 : memref<32xf32, #tpu.memory_space<hbm>>)
    %dma_wait3A_609 = arith.constant 0 : i32
    %dma_wait3A_610 = tpu.memref_slice %arg10[%add3A_87, %dma_wait3A_609] : memref<2048x32xf32, #tpu.memory_space<hbm>> -> memref<1x32xf32, #tpu.memory_space<hbm>>
    %dma_wait3A_611 = tpu.memref_squeeze %dma_wait3A_610 : memref<1x32xf32, #tpu.memory_space<hbm>> -> memref<32xf32, #tpu.memory_space<hbm>>
    %dma_wait3A_612 = arith.constant 0 : i32
    %dma_wait3A_613 = tpu.memref_slice %arg8[%add3A_83, %dma_wait3A_612] : memref<262144x32xf32, #tpu.memory_space<hbm>> -> memref<1x32xf32, #tpu.memory_space<hbm>>
    %dma_wait3A_614 = tpu.memref_squeeze %dma_wait3A_613 : memref<1x32xf32, #tpu.memory_space<hbm>> -> memref<32xf32, #tpu.memory_space<hbm>>
    tpu.wait_dma2 semaphore(%arg24 : memref<!tpu.dma_semaphore, #tpu.memory_space<semaphore_mem>>) src(%dma_wait3A_614 : memref<32xf32, #tpu.memory_space<hbm>>) dst(%dma_wait3A_611 : memref<32xf32, #tpu.memory_space<hbm>>)
    %dma_wait3A_615 = arith.constant 0 : i32
    %dma_wait3A_616 = tpu.memref_slice %arg10[%add3A_104, %dma_wait3A_615] : memref<2048x32xf32, #tpu.memory_space<hbm>> -> memref<1x32xf32, #tpu.memory_space<hbm>>
    %dma_wait3A_617 = tpu.memref_squeeze %dma_wait3A_616 : memref<1x32xf32, #tpu.memory_space<hbm>> -> memref<32xf32, #tpu.memory_space<hbm>>
    %dma_wait3A_618 = arith.constant 0 : i32
    %dma_wait3A_619 = tpu.memref_slice %arg8[%add3A_100, %dma_wait3A_618] : memref<262144x32xf32, #tpu.memory_space<hbm>> -> memref<1x32xf32, #tpu.memory_space<hbm>>
    %dma_wait3A_620 = tpu.memref_squeeze %dma_wait3A_619 : memref<1x32xf32, #tpu.memory_space<hbm>> -> memref<32xf32, #tpu.memory_space<hbm>>
    tpu.wait_dma2 semaphore(%arg24 : memref<!tpu.dma_semaphore, #tpu.memory_space<semaphore_mem>>) src(%dma_wait3A_620 : memref<32xf32, #tpu.memory_space<hbm>>) dst(%dma_wait3A_617 : memref<32xf32, #tpu.memory_space<hbm>>)
    %dma_wait3A_621 = arith.constant 0 : i32
    %dma_wait3A_622 = tpu.memref_slice %arg10[%add3A_121, %dma_wait3A_621] : memref<2048x32xf32, #tpu.memory_space<hbm>> -> memref<1x32xf32, #tpu.memory_space<hbm>>
    %dma_wait3A_623 = tpu.memref_squeeze %dma_wait3A_622 : memref<1x32xf32, #tpu.memory_space<hbm>> -> memref<32xf32, #tpu.memory_space<hbm>>
    %dma_wait3A_624 = arith.constant 0 : i32
    %dma_wait3A_625 = tpu.memref_slice %arg8[%add3A_117, %dma_wait3A_624] : memref<262144x32xf32, #tpu.memory_space<hbm>> -> memref<1x32xf32, #tpu.memory_space<hbm>>
    %dma_wait3A_626 = tpu.memref_squeeze %dma_wait3A_625 : memref<1x32xf32, #tpu.memory_space<hbm>> -> memref<32xf32, #tpu.memory_space<hbm>>
    tpu.wait_dma2 semaphore(%arg24 : memref<!tpu.dma_semaphore, #tpu.memory_space<semaphore_mem>>) src(%dma_wait3A_626 : memref<32xf32, #tpu.memory_space<hbm>>) dst(%dma_wait3A_623 : memref<32xf32, #tpu.memory_space<hbm>>)
    %dma_wait3A_627 = arith.constant 0 : i32
    %dma_wait3A_628 = tpu.memref_slice %arg10[%add3A_138, %dma_wait3A_627] : memref<2048x32xf32, #tpu.memory_space<hbm>> -> memref<1x32xf32, #tpu.memory_space<hbm>>
    %dma_wait3A_629 = tpu.memref_squeeze %dma_wait3A_628 : memref<1x32xf32, #tpu.memory_space<hbm>> -> memref<32xf32, #tpu.memory_space<hbm>>
    %dma_wait3A_630 = arith.constant 0 : i32
    %dma_wait3A_631 = tpu.memref_slice %arg8[%add3A_134, %dma_wait3A_630] : memref<262144x32xf32, #tpu.memory_space<hbm>> -> memref<1x32xf32, #tpu.memory_space<hbm>>
    %dma_wait3A_632 = tpu.memref_squeeze %dma_wait3A_631 : memref<1x32xf32, #tpu.memory_space<hbm>> -> memref<32xf32, #tpu.memory_space<hbm>>
    tpu.wait_dma2 semaphore(%arg24 : memref<!tpu.dma_semaphore, #tpu.memory_space<semaphore_mem>>) src(%dma_wait3A_632 : memref<32xf32, #tpu.memory_space<hbm>>) dst(%dma_wait3A_629 : memref<32xf32, #tpu.memory_space<hbm>>)
    %dma_wait3A_633 = arith.constant 0 : i32
    %dma_wait3A_634 = tpu.memref_slice %arg10[%add3A_155, %dma_wait3A_633] : memref<2048x32xf32, #tpu.memory_space<hbm>> -> memref<1x32xf32, #tpu.memory_space<hbm>>
    %dma_wait3A_635 = tpu.memref_squeeze %dma_wait3A_634 : memref<1x32xf32, #tpu.memory_space<hbm>> -> memref<32xf32, #tpu.memory_space<hbm>>
    %dma_wait3A_636 = arith.constant 0 : i32
    %dma_wait3A_637 = tpu.memref_slice %arg8[%add3A_151, %dma_wait3A_636] : memref<262144x32xf32, #tpu.memory_space<hbm>> -> memref<1x32xf32, #tpu.memory_space<hbm>>
    %dma_wait3A_638 = tpu.memref_squeeze %dma_wait3A_637 : memref<1x32xf32, #tpu.memory_space<hbm>> -> memref<32xf32, #tpu.memory_space<hbm>>
    tpu.wait_dma2 semaphore(%arg24 : memref<!tpu.dma_semaphore, #tpu.memory_space<semaphore_mem>>) src(%dma_wait3A_638 : memref<32xf32, #tpu.memory_space<hbm>>) dst(%dma_wait3A_635 : memref<32xf32, #tpu.memory_space<hbm>>)
    %dma_wait3A_639 = arith.constant 0 : i32
    %dma_wait3A_640 = tpu.memref_slice %arg10[%add3A_172, %dma_wait3A_639] : memref<2048x32xf32, #tpu.memory_space<hbm>> -> memref<1x32xf32, #tpu.memory_space<hbm>>
    %dma_wait3A_641 = tpu.memref_squeeze %dma_wait3A_640 : memref<1x32xf32, #tpu.memory_space<hbm>> -> memref<32xf32, #tpu.memory_space<hbm>>
    %dma_wait3A_642 = arith.constant 0 : i32
    %dma_wait3A_643 = tpu.memref_slice %arg8[%add3A_168, %dma_wait3A_642] : memref<262144x32xf32, #tpu.memory_space<hbm>> -> memref<1x32xf32, #tpu.memory_space<hbm>>
    %dma_wait3A_644 = tpu.memref_squeeze %dma_wait3A_643 : memref<1x32xf32, #tpu.memory_space<hbm>> -> memref<32xf32, #tpu.memory_space<hbm>>
    tpu.wait_dma2 semaphore(%arg24 : memref<!tpu.dma_semaphore, #tpu.memory_space<semaphore_mem>>) src(%dma_wait3A_644 : memref<32xf32, #tpu.memory_space<hbm>>) dst(%dma_wait3A_641 : memref<32xf32, #tpu.memory_space<hbm>>)
    %dma_wait3A_645 = arith.constant 0 : i32
    %dma_wait3A_646 = tpu.memref_slice %arg10[%add3A_189, %dma_wait3A_645] : memref<2048x32xf32, #tpu.memory_space<hbm>> -> memref<1x32xf32, #tpu.memory_space<hbm>>
    %dma_wait3A_647 = tpu.memref_squeeze %dma_wait3A_646 : memref<1x32xf32, #tpu.memory_space<hbm>> -> memref<32xf32, #tpu.memory_space<hbm>>
    %dma_wait3A_648 = arith.constant 0 : i32
    %dma_wait3A_649 = tpu.memref_slice %arg8[%add3A_185, %dma_wait3A_648] : memref<262144x32xf32, #tpu.memory_space<hbm>> -> memref<1x32xf32, #tpu.memory_space<hbm>>
    %dma_wait3A_650 = tpu.memref_squeeze %dma_wait3A_649 : memref<1x32xf32, #tpu.memory_space<hbm>> -> memref<32xf32, #tpu.memory_space<hbm>>
    tpu.wait_dma2 semaphore(%arg24 : memref<!tpu.dma_semaphore, #tpu.memory_space<semaphore_mem>>) src(%dma_wait3A_650 : memref<32xf32, #tpu.memory_space<hbm>>) dst(%dma_wait3A_647 : memref<32xf32, #tpu.memory_space<hbm>>)
    %dma_wait3A_651 = arith.constant 0 : i32
    %dma_wait3A_652 = tpu.memref_slice %arg10[%add3A_206, %dma_wait3A_651] : memref<2048x32xf32, #tpu.memory_space<hbm>> -> memref<1x32xf32, #tpu.memory_space<hbm>>
    %dma_wait3A_653 = tpu.memref_squeeze %dma_wait3A_652 : memref<1x32xf32, #tpu.memory_space<hbm>> -> memref<32xf32, #tpu.memory_space<hbm>>
    %dma_wait3A_654 = arith.constant 0 : i32
    %dma_wait3A_655 = tpu.memref_slice %arg8[%add3A_202, %dma_wait3A_654] : memref<262144x32xf32, #tpu.memory_space<hbm>> -> memref<1x32xf32, #tpu.memory_space<hbm>>
    %dma_wait3A_656 = tpu.memref_squeeze %dma_wait3A_655 : memref<1x32xf32, #tpu.memory_space<hbm>> -> memref<32xf32, #tpu.memory_space<hbm>>
    tpu.wait_dma2 semaphore(%arg24 : memref<!tpu.dma_semaphore, #tpu.memory_space<semaphore_mem>>) src(%dma_wait3A_656 : memref<32xf32, #tpu.memory_space<hbm>>) dst(%dma_wait3A_653 : memref<32xf32, #tpu.memory_space<hbm>>)
    %dma_wait3A_657 = arith.constant 0 : i32
    %dma_wait3A_658 = tpu.memref_slice %arg10[%add3A_223, %dma_wait3A_657] : memref<2048x32xf32, #tpu.memory_space<hbm>> -> memref<1x32xf32, #tpu.memory_space<hbm>>
    %dma_wait3A_659 = tpu.memref_squeeze %dma_wait3A_658 : memref<1x32xf32, #tpu.memory_space<hbm>> -> memref<32xf32, #tpu.memory_space<hbm>>
    %dma_wait3A_660 = arith.constant 0 : i32
    %dma_wait3A_661 = tpu.memref_slice %arg8[%add3A_219, %dma_wait3A_660] : memref<262144x32xf32, #tpu.memory_space<hbm>> -> memref<1x32xf32, #tpu.memory_space<hbm>>
    %dma_wait3A_662 = tpu.memref_squeeze %dma_wait3A_661 : memref<1x32xf32, #tpu.memory_space<hbm>> -> memref<32xf32, #tpu.memory_space<hbm>>
    tpu.wait_dma2 semaphore(%arg24 : memref<!tpu.dma_semaphore, #tpu.memory_space<semaphore_mem>>) src(%dma_wait3A_662 : memref<32xf32, #tpu.memory_space<hbm>>) dst(%dma_wait3A_659 : memref<32xf32, #tpu.memory_space<hbm>>)
    %dma_wait3A_663 = arith.constant 0 : i32
    %dma_wait3A_664 = tpu.memref_slice %arg10[%add3A_240, %dma_wait3A_663] : memref<2048x32xf32, #tpu.memory_space<hbm>> -> memref<1x32xf32, #tpu.memory_space<hbm>>
    %dma_wait3A_665 = tpu.memref_squeeze %dma_wait3A_664 : memref<1x32xf32, #tpu.memory_space<hbm>> -> memref<32xf32, #tpu.memory_space<hbm>>
    %dma_wait3A_666 = arith.constant 0 : i32
    %dma_wait3A_667 = tpu.memref_slice %arg8[%add3A_236, %dma_wait3A_666] : memref<262144x32xf32, #tpu.memory_space<hbm>> -> memref<1x32xf32, #tpu.memory_space<hbm>>
    %dma_wait3A_668 = tpu.memref_squeeze %dma_wait3A_667 : memref<1x32xf32, #tpu.memory_space<hbm>> -> memref<32xf32, #tpu.memory_space<hbm>>
    tpu.wait_dma2 semaphore(%arg24 : memref<!tpu.dma_semaphore, #tpu.memory_space<semaphore_mem>>) src(%dma_wait3A_668 : memref<32xf32, #tpu.memory_space<hbm>>) dst(%dma_wait3A_665 : memref<32xf32, #tpu.memory_space<hbm>>)
    %dma_wait3A_669 = arith.constant 0 : i32
    %dma_wait3A_670 = tpu.memref_slice %arg10[%add3A_257, %dma_wait3A_669] : memref<2048x32xf32, #tpu.memory_space<hbm>> -> memref<1x32xf32, #tpu.memory_space<hbm>>
    %dma_wait3A_671 = tpu.memref_squeeze %dma_wait3A_670 : memref<1x32xf32, #tpu.memory_space<hbm>> -> memref<32xf32, #tpu.memory_space<hbm>>
    %dma_wait3A_672 = arith.constant 0 : i32
    %dma_wait3A_673 = tpu.memref_slice %arg8[%add3A_253, %dma_wait3A_672] : memref<262144x32xf32, #tpu.memory_space<hbm>> -> memref<1x32xf32, #tpu.memory_space<hbm>>
    %dma_wait3A_674 = tpu.memref_squeeze %dma_wait3A_673 : memref<1x32xf32, #tpu.memory_space<hbm>> -> memref<32xf32, #tpu.memory_space<hbm>>
    tpu.wait_dma2 semaphore(%arg24 : memref<!tpu.dma_semaphore, #tpu.memory_space<semaphore_mem>>) src(%dma_wait3A_674 : memref<32xf32, #tpu.memory_space<hbm>>) dst(%dma_wait3A_671 : memref<32xf32, #tpu.memory_space<hbm>>)
    %dma_wait3A_675 = arith.constant 0 : i32
    %dma_wait3A_676 = tpu.memref_slice %arg10[%add3A_274, %dma_wait3A_675] : memref<2048x32xf32, #tpu.memory_space<hbm>> -> memref<1x32xf32, #tpu.memory_space<hbm>>
    %dma_wait3A_677 = tpu.memref_squeeze %dma_wait3A_676 : memref<1x32xf32, #tpu.memory_space<hbm>> -> memref<32xf32, #tpu.memory_space<hbm>>
    %dma_wait3A_678 = arith.constant 0 : i32
    %dma_wait3A_679 = tpu.memref_slice %arg8[%add3A_270, %dma_wait3A_678] : memref<262144x32xf32, #tpu.memory_space<hbm>> -> memref<1x32xf32, #tpu.memory_space<hbm>>
    %dma_wait3A_680 = tpu.memref_squeeze %dma_wait3A_679 : memref<1x32xf32, #tpu.memory_space<hbm>> -> memref<32xf32, #tpu.memory_space<hbm>>
    tpu.wait_dma2 semaphore(%arg24 : memref<!tpu.dma_semaphore, #tpu.memory_space<semaphore_mem>>) src(%dma_wait3A_680 : memref<32xf32, #tpu.memory_space<hbm>>) dst(%dma_wait3A_677 : memref<32xf32, #tpu.memory_space<hbm>>)
    %dma_wait3A_681 = arith.constant 0 : i32
    %dma_wait3A_682 = tpu.memref_slice %arg10[%add3A_291, %dma_wait3A_681] : memref<2048x32xf32, #tpu.memory_space<hbm>> -> memref<1x32xf32, #tpu.memory_space<hbm>>
    %dma_wait3A_683 = tpu.memref_squeeze %dma_wait3A_682 : memref<1x32xf32, #tpu.memory_space<hbm>> -> memref<32xf32, #tpu.memory_space<hbm>>
    %dma_wait3A_684 = arith.constant 0 : i32
    %dma_wait3A_685 = tpu.memref_slice %arg8[%add3A_287, %dma_wait3A_684] : memref<262144x32xf32, #tpu.memory_space<hbm>> -> memref<1x32xf32, #tpu.memory_space<hbm>>
    %dma_wait3A_686 = tpu.memref_squeeze %dma_wait3A_685 : memref<1x32xf32, #tpu.memory_space<hbm>> -> memref<32xf32, #tpu.memory_space<hbm>>
    tpu.wait_dma2 semaphore(%arg24 : memref<!tpu.dma_semaphore, #tpu.memory_space<semaphore_mem>>) src(%dma_wait3A_686 : memref<32xf32, #tpu.memory_space<hbm>>) dst(%dma_wait3A_683 : memref<32xf32, #tpu.memory_space<hbm>>)
    %dma_wait3A_687 = arith.constant 0 : i32
    %dma_wait3A_688 = tpu.memref_slice %arg10[%add3A_308, %dma_wait3A_687] : memref<2048x32xf32, #tpu.memory_space<hbm>> -> memref<1x32xf32, #tpu.memory_space<hbm>>
    %dma_wait3A_689 = tpu.memref_squeeze %dma_wait3A_688 : memref<1x32xf32, #tpu.memory_space<hbm>> -> memref<32xf32, #tpu.memory_space<hbm>>
    %dma_wait3A_690 = arith.constant 0 : i32
    %dma_wait3A_691 = tpu.memref_slice %arg8[%add3A_304, %dma_wait3A_690] : memref<262144x32xf32, #tpu.memory_space<hbm>> -> memref<1x32xf32, #tpu.memory_space<hbm>>
    %dma_wait3A_692 = tpu.memref_squeeze %dma_wait3A_691 : memref<1x32xf32, #tpu.memory_space<hbm>> -> memref<32xf32, #tpu.memory_space<hbm>>
    tpu.wait_dma2 semaphore(%arg24 : memref<!tpu.dma_semaphore, #tpu.memory_space<semaphore_mem>>) src(%dma_wait3A_692 : memref<32xf32, #tpu.memory_space<hbm>>) dst(%dma_wait3A_689 : memref<32xf32, #tpu.memory_space<hbm>>)
    %dma_wait3A_693 = arith.constant 0 : i32
    %dma_wait3A_694 = tpu.memref_slice %arg10[%add3A_325, %dma_wait3A_693] : memref<2048x32xf32, #tpu.memory_space<hbm>> -> memref<1x32xf32, #tpu.memory_space<hbm>>
    %dma_wait3A_695 = tpu.memref_squeeze %dma_wait3A_694 : memref<1x32xf32, #tpu.memory_space<hbm>> -> memref<32xf32, #tpu.memory_space<hbm>>
    %dma_wait3A_696 = arith.constant 0 : i32
    %dma_wait3A_697 = tpu.memref_slice %arg8[%add3A_321, %dma_wait3A_696] : memref<262144x32xf32, #tpu.memory_space<hbm>> -> memref<1x32xf32, #tpu.memory_space<hbm>>
    %dma_wait3A_698 = tpu.memref_squeeze %dma_wait3A_697 : memref<1x32xf32, #tpu.memory_space<hbm>> -> memref<32xf32, #tpu.memory_space<hbm>>
    tpu.wait_dma2 semaphore(%arg24 : memref<!tpu.dma_semaphore, #tpu.memory_space<semaphore_mem>>) src(%dma_wait3A_698 : memref<32xf32, #tpu.memory_space<hbm>>) dst(%dma_wait3A_695 : memref<32xf32, #tpu.memory_space<hbm>>)
    %dma_wait3A_699 = arith.constant 0 : i32
    %dma_wait3A_700 = tpu.memref_slice %arg10[%add3A_342, %dma_wait3A_699] : memref<2048x32xf32, #tpu.memory_space<hbm>> -> memref<1x32xf32, #tpu.memory_space<hbm>>
    %dma_wait3A_701 = tpu.memref_squeeze %dma_wait3A_700 : memref<1x32xf32, #tpu.memory_space<hbm>> -> memref<32xf32, #tpu.memory_space<hbm>>
    %dma_wait3A_702 = arith.constant 0 : i32
    %dma_wait3A_703 = tpu.memref_slice %arg8[%add3A_338, %dma_wait3A_702] : memref<262144x32xf32, #tpu.memory_space<hbm>> -> memref<1x32xf32, #tpu.memory_space<hbm>>
    %dma_wait3A_704 = tpu.memref_squeeze %dma_wait3A_703 : memref<1x32xf32, #tpu.memory_space<hbm>> -> memref<32xf32, #tpu.memory_space<hbm>>
    tpu.wait_dma2 semaphore(%arg24 : memref<!tpu.dma_semaphore, #tpu.memory_space<semaphore_mem>>) src(%dma_wait3A_704 : memref<32xf32, #tpu.memory_space<hbm>>) dst(%dma_wait3A_701 : memref<32xf32, #tpu.memory_space<hbm>>)
    %dma_wait3A_705 = arith.constant 0 : i32
    %dma_wait3A_706 = tpu.memref_slice %arg10[%add3A_359, %dma_wait3A_705] : memref<2048x32xf32, #tpu.memory_space<hbm>> -> memref<1x32xf32, #tpu.memory_space<hbm>>
    %dma_wait3A_707 = tpu.memref_squeeze %dma_wait3A_706 : memref<1x32xf32, #tpu.memory_space<hbm>> -> memref<32xf32, #tpu.memory_space<hbm>>
    %dma_wait3A_708 = arith.constant 0 : i32
    %dma_wait3A_709 = tpu.memref_slice %arg8[%add3A_355, %dma_wait3A_708] : memref<262144x32xf32, #tpu.memory_space<hbm>> -> memref<1x32xf32, #tpu.memory_space<hbm>>
    %dma_wait3A_710 = tpu.memref_squeeze %dma_wait3A_709 : memref<1x32xf32, #tpu.memory_space<hbm>> -> memref<32xf32, #tpu.memory_space<hbm>>
    tpu.wait_dma2 semaphore(%arg24 : memref<!tpu.dma_semaphore, #tpu.memory_space<semaphore_mem>>) src(%dma_wait3A_710 : memref<32xf32, #tpu.memory_space<hbm>>) dst(%dma_wait3A_707 : memref<32xf32, #tpu.memory_space<hbm>>)
    %dma_wait3A_711 = arith.constant 0 : i32
    %dma_wait3A_712 = tpu.memref_slice %arg10[%add3A_376, %dma_wait3A_711] : memref<2048x32xf32, #tpu.memory_space<hbm>> -> memref<1x32xf32, #tpu.memory_space<hbm>>
    %dma_wait3A_713 = tpu.memref_squeeze %dma_wait3A_712 : memref<1x32xf32, #tpu.memory_space<hbm>> -> memref<32xf32, #tpu.memory_space<hbm>>
    %dma_wait3A_714 = arith.constant 0 : i32
    %dma_wait3A_715 = tpu.memref_slice %arg8[%add3A_372, %dma_wait3A_714] : memref<262144x32xf32, #tpu.memory_space<hbm>> -> memref<1x32xf32, #tpu.memory_space<hbm>>
    %dma_wait3A_716 = tpu.memref_squeeze %dma_wait3A_715 : memref<1x32xf32, #tpu.memory_space<hbm>> -> memref<32xf32, #tpu.memory_space<hbm>>
    tpu.wait_dma2 semaphore(%arg24 : memref<!tpu.dma_semaphore, #tpu.memory_space<semaphore_mem>>) src(%dma_wait3A_716 : memref<32xf32, #tpu.memory_space<hbm>>) dst(%dma_wait3A_713 : memref<32xf32, #tpu.memory_space<hbm>>)
    %dma_wait3A_717 = arith.constant 0 : i32
    %dma_wait3A_718 = tpu.memref_slice %arg10[%add3A_393, %dma_wait3A_717] : memref<2048x32xf32, #tpu.memory_space<hbm>> -> memref<1x32xf32, #tpu.memory_space<hbm>>
    %dma_wait3A_719 = tpu.memref_squeeze %dma_wait3A_718 : memref<1x32xf32, #tpu.memory_space<hbm>> -> memref<32xf32, #tpu.memory_space<hbm>>
    %dma_wait3A_720 = arith.constant 0 : i32
    %dma_wait3A_721 = tpu.memref_slice %arg8[%add3A_389, %dma_wait3A_720] : memref<262144x32xf32, #tpu.memory_space<hbm>> -> memref<1x32xf32, #tpu.memory_space<hbm>>
    %dma_wait3A_722 = tpu.memref_squeeze %dma_wait3A_721 : memref<1x32xf32, #tpu.memory_space<hbm>> -> memref<32xf32, #tpu.memory_space<hbm>>
    tpu.wait_dma2 semaphore(%arg24 : memref<!tpu.dma_semaphore, #tpu.memory_space<semaphore_mem>>) src(%dma_wait3A_722 : memref<32xf32, #tpu.memory_space<hbm>>) dst(%dma_wait3A_719 : memref<32xf32, #tpu.memory_space<hbm>>)
    %dma_wait3A_723 = arith.constant 0 : i32
    %dma_wait3A_724 = tpu.memref_slice %arg10[%add3A_410, %dma_wait3A_723] : memref<2048x32xf32, #tpu.memory_space<hbm>> -> memref<1x32xf32, #tpu.memory_space<hbm>>
    %dma_wait3A_725 = tpu.memref_squeeze %dma_wait3A_724 : memref<1x32xf32, #tpu.memory_space<hbm>> -> memref<32xf32, #tpu.memory_space<hbm>>
    %dma_wait3A_726 = arith.constant 0 : i32
    %dma_wait3A_727 = tpu.memref_slice %arg8[%add3A_406, %dma_wait3A_726] : memref<262144x32xf32, #tpu.memory_space<hbm>> -> memref<1x32xf32, #tpu.memory_space<hbm>>
    %dma_wait3A_728 = tpu.memref_squeeze %dma_wait3A_727 : memref<1x32xf32, #tpu.memory_space<hbm>> -> memref<32xf32, #tpu.memory_space<hbm>>
    tpu.wait_dma2 semaphore(%arg24 : memref<!tpu.dma_semaphore, #tpu.memory_space<semaphore_mem>>) src(%dma_wait3A_728 : memref<32xf32, #tpu.memory_space<hbm>>) dst(%dma_wait3A_725 : memref<32xf32, #tpu.memory_space<hbm>>)
    %dma_wait3A_729 = arith.constant 0 : i32
    %dma_wait3A_730 = tpu.memref_slice %arg10[%add3A_427, %dma_wait3A_729] : memref<2048x32xf32, #tpu.memory_space<hbm>> -> memref<1x32xf32, #tpu.memory_space<hbm>>
    %dma_wait3A_731 = tpu.memref_squeeze %dma_wait3A_730 : memref<1x32xf32, #tpu.memory_space<hbm>> -> memref<32xf32, #tpu.memory_space<hbm>>
    %dma_wait3A_732 = arith.constant 0 : i32
    %dma_wait3A_733 = tpu.memref_slice %arg8[%add3A_423, %dma_wait3A_732] : memref<262144x32xf32, #tpu.memory_space<hbm>> -> memref<1x32xf32, #tpu.memory_space<hbm>>
    %dma_wait3A_734 = tpu.memref_squeeze %dma_wait3A_733 : memref<1x32xf32, #tpu.memory_space<hbm>> -> memref<32xf32, #tpu.memory_space<hbm>>
    tpu.wait_dma2 semaphore(%arg24 : memref<!tpu.dma_semaphore, #tpu.memory_space<semaphore_mem>>) src(%dma_wait3A_734 : memref<32xf32, #tpu.memory_space<hbm>>) dst(%dma_wait3A_731 : memref<32xf32, #tpu.memory_space<hbm>>)
    %dma_wait3A_735 = arith.constant 0 : i32
    %dma_wait3A_736 = tpu.memref_slice %arg10[%add3A_444, %dma_wait3A_735] : memref<2048x32xf32, #tpu.memory_space<hbm>> -> memref<1x32xf32, #tpu.memory_space<hbm>>
    %dma_wait3A_737 = tpu.memref_squeeze %dma_wait3A_736 : memref<1x32xf32, #tpu.memory_space<hbm>> -> memref<32xf32, #tpu.memory_space<hbm>>
    %dma_wait3A_738 = arith.constant 0 : i32
    %dma_wait3A_739 = tpu.memref_slice %arg8[%add3A_440, %dma_wait3A_738] : memref<262144x32xf32, #tpu.memory_space<hbm>> -> memref<1x32xf32, #tpu.memory_space<hbm>>
    %dma_wait3A_740 = tpu.memref_squeeze %dma_wait3A_739 : memref<1x32xf32, #tpu.memory_space<hbm>> -> memref<32xf32, #tpu.memory_space<hbm>>
    tpu.wait_dma2 semaphore(%arg24 : memref<!tpu.dma_semaphore, #tpu.memory_space<semaphore_mem>>) src(%dma_wait3A_740 : memref<32xf32, #tpu.memory_space<hbm>>) dst(%dma_wait3A_737 : memref<32xf32, #tpu.memory_space<hbm>>)
    %dma_wait3A_741 = arith.constant 0 : i32
    %dma_wait3A_742 = tpu.memref_slice %arg10[%add3A_461, %dma_wait3A_741] : memref<2048x32xf32, #tpu.memory_space<hbm>> -> memref<1x32xf32, #tpu.memory_space<hbm>>
    %dma_wait3A_743 = tpu.memref_squeeze %dma_wait3A_742 : memref<1x32xf32, #tpu.memory_space<hbm>> -> memref<32xf32, #tpu.memory_space<hbm>>
    %dma_wait3A_744 = arith.constant 0 : i32
    %dma_wait3A_745 = tpu.memref_slice %arg8[%add3A_457, %dma_wait3A_744] : memref<262144x32xf32, #tpu.memory_space<hbm>> -> memref<1x32xf32, #tpu.memory_space<hbm>>
    %dma_wait3A_746 = tpu.memref_squeeze %dma_wait3A_745 : memref<1x32xf32, #tpu.memory_space<hbm>> -> memref<32xf32, #tpu.memory_space<hbm>>
    tpu.wait_dma2 semaphore(%arg24 : memref<!tpu.dma_semaphore, #tpu.memory_space<semaphore_mem>>) src(%dma_wait3A_746 : memref<32xf32, #tpu.memory_space<hbm>>) dst(%dma_wait3A_743 : memref<32xf32, #tpu.memory_space<hbm>>)
    %dma_wait3A_747 = arith.constant 0 : i32
    %dma_wait3A_748 = tpu.memref_slice %arg10[%add3A_478, %dma_wait3A_747] : memref<2048x32xf32, #tpu.memory_space<hbm>> -> memref<1x32xf32, #tpu.memory_space<hbm>>
    %dma_wait3A_749 = tpu.memref_squeeze %dma_wait3A_748 : memref<1x32xf32, #tpu.memory_space<hbm>> -> memref<32xf32, #tpu.memory_space<hbm>>
    %dma_wait3A_750 = arith.constant 0 : i32
    %dma_wait3A_751 = tpu.memref_slice %arg8[%add3A_474, %dma_wait3A_750] : memref<262144x32xf32, #tpu.memory_space<hbm>> -> memref<1x32xf32, #tpu.memory_space<hbm>>
    %dma_wait3A_752 = tpu.memref_squeeze %dma_wait3A_751 : memref<1x32xf32, #tpu.memory_space<hbm>> -> memref<32xf32, #tpu.memory_space<hbm>>
    tpu.wait_dma2 semaphore(%arg24 : memref<!tpu.dma_semaphore, #tpu.memory_space<semaphore_mem>>) src(%dma_wait3A_752 : memref<32xf32, #tpu.memory_space<hbm>>) dst(%dma_wait3A_749 : memref<32xf32, #tpu.memory_space<hbm>>)
    %dma_wait3A_753 = arith.constant 0 : i32
    %dma_wait3A_754 = tpu.memref_slice %arg10[%add3A_495, %dma_wait3A_753] : memref<2048x32xf32, #tpu.memory_space<hbm>> -> memref<1x32xf32, #tpu.memory_space<hbm>>
    %dma_wait3A_755 = tpu.memref_squeeze %dma_wait3A_754 : memref<1x32xf32, #tpu.memory_space<hbm>> -> memref<32xf32, #tpu.memory_space<hbm>>
    %dma_wait3A_756 = arith.constant 0 : i32
    %dma_wait3A_757 = tpu.memref_slice %arg8[%add3A_491, %dma_wait3A_756] : memref<262144x32xf32, #tpu.memory_space<hbm>> -> memref<1x32xf32, #tpu.memory_space<hbm>>
    %dma_wait3A_758 = tpu.memref_squeeze %dma_wait3A_757 : memref<1x32xf32, #tpu.memory_space<hbm>> -> memref<32xf32, #tpu.memory_space<hbm>>
    tpu.wait_dma2 semaphore(%arg24 : memref<!tpu.dma_semaphore, #tpu.memory_space<semaphore_mem>>) src(%dma_wait3A_758 : memref<32xf32, #tpu.memory_space<hbm>>) dst(%dma_wait3A_755 : memref<32xf32, #tpu.memory_space<hbm>>)
    %dma_wait3A_759 = arith.constant 0 : i32
    %dma_wait3A_760 = tpu.memref_slice %arg10[%add3A_512, %dma_wait3A_759] : memref<2048x32xf32, #tpu.memory_space<hbm>> -> memref<1x32xf32, #tpu.memory_space<hbm>>
    %dma_wait3A_761 = tpu.memref_squeeze %dma_wait3A_760 : memref<1x32xf32, #tpu.memory_space<hbm>> -> memref<32xf32, #tpu.memory_space<hbm>>
    %dma_wait3A_762 = arith.constant 0 : i32
    %dma_wait3A_763 = tpu.memref_slice %arg8[%add3A_508, %dma_wait3A_762] : memref<262144x32xf32, #tpu.memory_space<hbm>> -> memref<1x32xf32, #tpu.memory_space<hbm>>
    %dma_wait3A_764 = tpu.memref_squeeze %dma_wait3A_763 : memref<1x32xf32, #tpu.memory_space<hbm>> -> memref<32xf32, #tpu.memory_space<hbm>>
    tpu.wait_dma2 semaphore(%arg24 : memref<!tpu.dma_semaphore, #tpu.memory_space<semaphore_mem>>) src(%dma_wait3A_764 : memref<32xf32, #tpu.memory_space<hbm>>) dst(%dma_wait3A_761 : memref<32xf32, #tpu.memory_space<hbm>>)
    %dma_wait3A_765 = arith.constant 0 : i32
    %dma_wait3A_766 = tpu.memref_slice %arg10[%add3A_529, %dma_wait3A_765] : memref<2048x32xf32, #tpu.memory_space<hbm>> -> memref<1x32xf32, #tpu.memory_space<hbm>>
    %dma_wait3A_767 = tpu.memref_squeeze %dma_wait3A_766 : memref<1x32xf32, #tpu.memory_space<hbm>> -> memref<32xf32, #tpu.memory_space<hbm>>
    %dma_wait3A_768 = arith.constant 0 : i32
    %dma_wait3A_769 = tpu.memref_slice %arg8[%add3A_525, %dma_wait3A_768] : memref<262144x32xf32, #tpu.memory_space<hbm>> -> memref<1x32xf32, #tpu.memory_space<hbm>>
    %dma_wait3A_770 = tpu.memref_squeeze %dma_wait3A_769 : memref<1x32xf32, #tpu.memory_space<hbm>> -> memref<32xf32, #tpu.memory_space<hbm>>
    tpu.wait_dma2 semaphore(%arg24 : memref<!tpu.dma_semaphore, #tpu.memory_space<semaphore_mem>>) src(%dma_wait3A_770 : memref<32xf32, #tpu.memory_space<hbm>>) dst(%dma_wait3A_767 : memref<32xf32, #tpu.memory_space<hbm>>)
    %dma_wait3A_771 = arith.constant 0 : i32
    %dma_wait3A_772 = tpu.memref_slice %arg10[%add3A_546, %dma_wait3A_771] : memref<2048x32xf32, #tpu.memory_space<hbm>> -> memref<1x32xf32, #tpu.memory_space<hbm>>
    %dma_wait3A_773 = tpu.memref_squeeze %dma_wait3A_772 : memref<1x32xf32, #tpu.memory_space<hbm>> -> memref<32xf32, #tpu.memory_space<hbm>>
    %dma_wait3A_774 = arith.constant 0 : i32
    %dma_wait3A_775 = tpu.memref_slice %arg8[%add3A_542, %dma_wait3A_774] : memref<262144x32xf32, #tpu.memory_space<hbm>> -> memref<1x32xf32, #tpu.memory_space<hbm>>
    %dma_wait3A_776 = tpu.memref_squeeze %dma_wait3A_775 : memref<1x32xf32, #tpu.memory_space<hbm>> -> memref<32xf32, #tpu.memory_space<hbm>>
    tpu.wait_dma2 semaphore(%arg24 : memref<!tpu.dma_semaphore, #tpu.memory_space<semaphore_mem>>) src(%dma_wait3A_776 : memref<32xf32, #tpu.memory_space<hbm>>) dst(%dma_wait3A_773 : memref<32xf32, #tpu.memory_space<hbm>>)
    %dma_wait3A_777 = arith.constant 0 : i32
    %dma_wait3A_778 = tpu.memref_slice %arg10[%add3A_563, %dma_wait3A_777] : memref<2048x32xf32, #tpu.memory_space<hbm>> -> memref<1x32xf32, #tpu.memory_space<hbm>>
    %dma_wait3A_779 = tpu.memref_squeeze %dma_wait3A_778 : memref<1x32xf32, #tpu.memory_space<hbm>> -> memref<32xf32, #tpu.memory_space<hbm>>
    %dma_wait3A_780 = arith.constant 0 : i32
    %dma_wait3A_781 = tpu.memref_slice %arg8[%add3A_559, %dma_wait3A_780] : memref<262144x32xf32, #tpu.memory_space<hbm>> -> memref<1x32xf32, #tpu.memory_space<hbm>>
    %dma_wait3A_782 = tpu.memref_squeeze %dma_wait3A_781 : memref<1x32xf32, #tpu.memory_space<hbm>> -> memref<32xf32, #tpu.memory_space<hbm>>
    tpu.wait_dma2 semaphore(%arg24 : memref<!tpu.dma_semaphore, #tpu.memory_space<semaphore_mem>>) src(%dma_wait3A_782 : memref<32xf32, #tpu.memory_space<hbm>>) dst(%dma_wait3A_779 : memref<32xf32, #tpu.memory_space<hbm>>)
    %dma_wait3A_783 = arith.constant 0 : i32
    %dma_wait3A_784 = tpu.memref_slice %arg10[%add3A_580, %dma_wait3A_783] : memref<2048x32xf32, #tpu.memory_space<hbm>> -> memref<1x32xf32, #tpu.memory_space<hbm>>
    %dma_wait3A_785 = tpu.memref_squeeze %dma_wait3A_784 : memref<1x32xf32, #tpu.memory_space<hbm>> -> memref<32xf32, #tpu.memory_space<hbm>>
    %dma_wait3A_786 = arith.constant 0 : i32
    %dma_wait3A_787 = tpu.memref_slice %arg8[%add3A_576, %dma_wait3A_786] : memref<262144x32xf32, #tpu.memory_space<hbm>> -> memref<1x32xf32, #tpu.memory_space<hbm>>
    %dma_wait3A_788 = tpu.memref_squeeze %dma_wait3A_787 : memref<1x32xf32, #tpu.memory_space<hbm>> -> memref<32xf32, #tpu.memory_space<hbm>>
    tpu.wait_dma2 semaphore(%arg24 : memref<!tpu.dma_semaphore, #tpu.memory_space<semaphore_mem>>) src(%dma_wait3A_788 : memref<32xf32, #tpu.memory_space<hbm>>) dst(%dma_wait3A_785 : memref<32xf32, #tpu.memory_space<hbm>>)
    %dma_wait3A_789 = arith.constant 0 : i32
    %dma_wait3A_790 = tpu.memref_slice %arg10[%add3A_597, %dma_wait3A_789] : memref<2048x32xf32, #tpu.memory_space<hbm>> -> memref<1x32xf32, #tpu.memory_space<hbm>>
    %dma_wait3A_791 = tpu.memref_squeeze %dma_wait3A_790 : memref<1x32xf32, #tpu.memory_space<hbm>> -> memref<32xf32, #tpu.memory_space<hbm>>
    %dma_wait3A_792 = arith.constant 0 : i32
    %dma_wait3A_793 = tpu.memref_slice %arg8[%add3A_593, %dma_wait3A_792] : memref<262144x32xf32, #tpu.memory_space<hbm>> -> memref<1x32xf32, #tpu.memory_space<hbm>>
    %dma_wait3A_794 = tpu.memref_squeeze %dma_wait3A_793 : memref<1x32xf32, #tpu.memory_space<hbm>> -> memref<32xf32, #tpu.memory_space<hbm>>
    tpu.wait_dma2 semaphore(%arg24 : memref<!tpu.dma_semaphore, #tpu.memory_space<semaphore_mem>>) src(%dma_wait3A_794 : memref<32xf32, #tpu.memory_space<hbm>>) dst(%dma_wait3A_791 : memref<32xf32, #tpu.memory_space<hbm>>)
    %mul3A_795 = arith.constant 2 : i32
    %mul3A_796 = arith.muli %add3A, %mul3A_795 : i32
    %add3A_797 = arith.constant 1 : i32
    %add3A_798 = arith.addi %mul3A_796, %add3A_797 : i32
    "tpu.region"() ({
      %run_scoped3A = tpu.sem_alloc : memref<!tpu.dma_semaphore, #tpu.memory_space<semaphore_mem>>
      %dma_start3A_1599 = arith.constant 0 : i32
      %dma_start3A_1600 = tpu.memref_slice %arg2[%add3A_798, %dma_start3A_1599] : memref<64x4096xf32, #tpu.memory_space<hbm>> -> memref<1x4096xf32, #tpu.memory_space<hbm>>
      %dma_start3A_1601 = tpu.memref_squeeze %dma_start3A_1600 : memref<1x4096xf32, #tpu.memory_space<hbm>> -> memref<4096xf32, #tpu.memory_space<hbm>>
      %dma_start3A_1602 = arith.constant 0 : i32
      %dma_start3A_1603 = tpu.memref_slice %arg2[%add3A_798, %dma_start3A_1602] : memref<64x4096xf32, #tpu.memory_space<hbm>> -> memref<1x4096xf32, #tpu.memory_space<hbm>>
      %dma_start3A_1604 = tpu.memref_squeeze %dma_start3A_1603 : memref<1x4096xf32, #tpu.memory_space<hbm>> -> memref<4096xf32, #tpu.memory_space<hbm>>
      tpu.enqueue_dma source(%dma_start3A_1604 : memref<4096xf32, #tpu.memory_space<hbm>>) target(%arg11 : memref<4096xf32, #tpu.memory_space<vmem>>) target_semaphore(%run_scoped3A : memref<!tpu.dma_semaphore, #tpu.memory_space<semaphore_mem>>)
      %dma_wait3A_1605 = arith.constant 0 : i32
      %dma_wait3A_1606 = tpu.memref_slice %arg2[%add3A_798, %dma_wait3A_1605] : memref<64x4096xf32, #tpu.memory_space<hbm>> -> memref<1x4096xf32, #tpu.memory_space<hbm>>
      %dma_wait3A_1607 = tpu.memref_squeeze %dma_wait3A_1606 : memref<1x4096xf32, #tpu.memory_space<hbm>> -> memref<4096xf32, #tpu.memory_space<hbm>>
      %dma_wait3A_1608 = arith.constant 0 : i32
      %dma_wait3A_1609 = tpu.memref_slice %arg2[%add3A_798, %dma_wait3A_1608] : memref<64x4096xf32, #tpu.memory_space<hbm>> -> memref<1x4096xf32, #tpu.memory_space<hbm>>
      %dma_wait3A_1610 = tpu.memref_squeeze %dma_wait3A_1609 : memref<1x4096xf32, #tpu.memory_space<hbm>> -> memref<4096xf32, #tpu.memory_space<hbm>>
      tpu.wait_dma2 semaphore(%run_scoped3A : memref<!tpu.dma_semaphore, #tpu.memory_space<semaphore_mem>>) src(%dma_wait3A_1610 : memref<4096xf32, #tpu.memory_space<hbm>>) dst(%arg11 : memref<4096xf32, #tpu.memory_space<vmem>>)
      tpu.yield
    }) : () -> ()
    "tpu.region"() ({
      %run_scoped3A = tpu.sem_alloc : memref<!tpu.dma_semaphore, #tpu.memory_space<semaphore_mem>>
      %dma_start3A_1599 = arith.constant 0 : i32
      %dma_start3A_1600 = tpu.memref_slice %arg3[%add3A_798, %dma_start3A_1599] : memref<64x4096xf32, #tpu.memory_space<hbm>> -> memref<1x4096xf32, #tpu.memory_space<hbm>>
      %dma_start3A_1601 = tpu.memref_squeeze %dma_start3A_1600 : memref<1x4096xf32, #tpu.memory_space<hbm>> -> memref<4096xf32, #tpu.memory_space<hbm>>
      %dma_start3A_1602 = arith.constant 0 : i32
      %dma_start3A_1603 = tpu.memref_slice %arg3[%add3A_798, %dma_start3A_1602] : memref<64x4096xf32, #tpu.memory_space<hbm>> -> memref<1x4096xf32, #tpu.memory_space<hbm>>
      %dma_start3A_1604 = tpu.memref_squeeze %dma_start3A_1603 : memref<1x4096xf32, #tpu.memory_space<hbm>> -> memref<4096xf32, #tpu.memory_space<hbm>>
      tpu.enqueue_dma source(%dma_start3A_1604 : memref<4096xf32, #tpu.memory_space<hbm>>) target(%arg12 : memref<4096xf32, #tpu.memory_space<vmem>>) target_semaphore(%run_scoped3A : memref<!tpu.dma_semaphore, #tpu.memory_space<semaphore_mem>>)
      %dma_wait3A_1605 = arith.constant 0 : i32
      %dma_wait3A_1606 = tpu.memref_slice %arg3[%add3A_798, %dma_wait3A_1605] : memref<64x4096xf32, #tpu.memory_space<hbm>> -> memref<1x4096xf32, #tpu.memory_space<hbm>>
      %dma_wait3A_1607 = tpu.memref_squeeze %dma_wait3A_1606 : memref<1x4096xf32, #tpu.memory_space<hbm>> -> memref<4096xf32, #tpu.memory_space<hbm>>
      %dma_wait3A_1608 = arith.constant 0 : i32
      %dma_wait3A_1609 = tpu.memref_slice %arg3[%add3A_798, %dma_wait3A_1608] : memref<64x4096xf32, #tpu.memory_space<hbm>> -> memref<1x4096xf32, #tpu.memory_space<hbm>>
      %dma_wait3A_1610 = tpu.memref_squeeze %dma_wait3A_1609 : memref<1x4096xf32, #tpu.memory_space<hbm>> -> memref<4096xf32, #tpu.memory_space<hbm>>
      tpu.wait_dma2 semaphore(%run_scoped3A : memref<!tpu.dma_semaphore, #tpu.memory_space<semaphore_mem>>) src(%dma_wait3A_1610 : memref<4096xf32, #tpu.memory_space<hbm>>) dst(%arg12 : memref<4096xf32, #tpu.memory_space<vmem>>)
      tpu.yield
    }) : () -> ()
    "tpu.region"() ({
      %run_scoped3A = tpu.sem_alloc : memref<!tpu.dma_semaphore, #tpu.memory_space<semaphore_mem>>
      %dma_start3A_1599 = arith.constant 0 : i32
      %dma_start3A_1600 = tpu.memref_slice %arg4[%add3A_798, %dma_start3A_1599] : memref<64x4096xf32, #tpu.memory_space<hbm>> -> memref<1x4096xf32, #tpu.memory_space<hbm>>
      %dma_start3A_1601 = tpu.memref_squeeze %dma_start3A_1600 : memref<1x4096xf32, #tpu.memory_space<hbm>> -> memref<4096xf32, #tpu.memory_space<hbm>>
      %dma_start3A_1602 = arith.constant 0 : i32
      %dma_start3A_1603 = tpu.memref_slice %arg4[%add3A_798, %dma_start3A_1602] : memref<64x4096xf32, #tpu.memory_space<hbm>> -> memref<1x4096xf32, #tpu.memory_space<hbm>>
      %dma_start3A_1604 = tpu.memref_squeeze %dma_start3A_1603 : memref<1x4096xf32, #tpu.memory_space<hbm>> -> memref<4096xf32, #tpu.memory_space<hbm>>
      tpu.enqueue_dma source(%dma_start3A_1604 : memref<4096xf32, #tpu.memory_space<hbm>>) target(%arg13 : memref<4096xf32, #tpu.memory_space<vmem>>) target_semaphore(%run_scoped3A : memref<!tpu.dma_semaphore, #tpu.memory_space<semaphore_mem>>)
      %dma_wait3A_1605 = arith.constant 0 : i32
      %dma_wait3A_1606 = tpu.memref_slice %arg4[%add3A_798, %dma_wait3A_1605] : memref<64x4096xf32, #tpu.memory_space<hbm>> -> memref<1x4096xf32, #tpu.memory_space<hbm>>
      %dma_wait3A_1607 = tpu.memref_squeeze %dma_wait3A_1606 : memref<1x4096xf32, #tpu.memory_space<hbm>> -> memref<4096xf32, #tpu.memory_space<hbm>>
      %dma_wait3A_1608 = arith.constant 0 : i32
      %dma_wait3A_1609 = tpu.memref_slice %arg4[%add3A_798, %dma_wait3A_1608] : memref<64x4096xf32, #tpu.memory_space<hbm>> -> memref<1x4096xf32, #tpu.memory_space<hbm>>
      %dma_wait3A_1610 = tpu.memref_squeeze %dma_wait3A_1609 : memref<1x4096xf32, #tpu.memory_space<hbm>> -> memref<4096xf32, #tpu.memory_space<hbm>>
      tpu.wait_dma2 semaphore(%run_scoped3A : memref<!tpu.dma_semaphore, #tpu.memory_space<semaphore_mem>>) src(%dma_wait3A_1610 : memref<4096xf32, #tpu.memory_space<hbm>>) dst(%arg13 : memref<4096xf32, #tpu.memory_space<vmem>>)
      tpu.yield
    }) : () -> ()
    "tpu.region"() ({
      %run_scoped3A = tpu.sem_alloc : memref<!tpu.dma_semaphore, #tpu.memory_space<semaphore_mem>>
      %dma_start3A_1599 = arith.constant 0 : i32
      %dma_start3A_1600 = tpu.memref_slice %arg5[%add3A_798, %dma_start3A_1599] : memref<64x4096xi32, #tpu.memory_space<hbm>> -> memref<1x4096xi32, #tpu.memory_space<hbm>>
      %dma_start3A_1601 = tpu.memref_squeeze %dma_start3A_1600 : memref<1x4096xi32, #tpu.memory_space<hbm>> -> memref<4096xi32, #tpu.memory_space<hbm>>
      %dma_start3A_1602 = arith.constant 0 : i32
      %dma_start3A_1603 = tpu.memref_slice %arg5[%add3A_798, %dma_start3A_1602] : memref<64x4096xi32, #tpu.memory_space<hbm>> -> memref<1x4096xi32, #tpu.memory_space<hbm>>
      %dma_start3A_1604 = tpu.memref_squeeze %dma_start3A_1603 : memref<1x4096xi32, #tpu.memory_space<hbm>> -> memref<4096xi32, #tpu.memory_space<hbm>>
      tpu.enqueue_dma source(%dma_start3A_1604 : memref<4096xi32, #tpu.memory_space<hbm>>) target(%arg14 : memref<4096xi32, #tpu.memory_space<vmem>>) target_semaphore(%run_scoped3A : memref<!tpu.dma_semaphore, #tpu.memory_space<semaphore_mem>>)
      %dma_wait3A_1605 = arith.constant 0 : i32
      %dma_wait3A_1606 = tpu.memref_slice %arg5[%add3A_798, %dma_wait3A_1605] : memref<64x4096xi32, #tpu.memory_space<hbm>> -> memref<1x4096xi32, #tpu.memory_space<hbm>>
      %dma_wait3A_1607 = tpu.memref_squeeze %dma_wait3A_1606 : memref<1x4096xi32, #tpu.memory_space<hbm>> -> memref<4096xi32, #tpu.memory_space<hbm>>
      %dma_wait3A_1608 = arith.constant 0 : i32
      %dma_wait3A_1609 = tpu.memref_slice %arg5[%add3A_798, %dma_wait3A_1608] : memref<64x4096xi32, #tpu.memory_space<hbm>> -> memref<1x4096xi32, #tpu.memory_space<hbm>>
      %dma_wait3A_1610 = tpu.memref_squeeze %dma_wait3A_1609 : memref<1x4096xi32, #tpu.memory_space<hbm>> -> memref<4096xi32, #tpu.memory_space<hbm>>
      tpu.wait_dma2 semaphore(%run_scoped3A : memref<!tpu.dma_semaphore, #tpu.memory_space<semaphore_mem>>) src(%dma_wait3A_1610 : memref<4096xi32, #tpu.memory_space<hbm>>) dst(%arg14 : memref<4096xi32, #tpu.memory_space<vmem>>)
      tpu.yield
    }) : () -> ()
    "tpu.region"() ({
      %run_scoped3A = tpu.sem_alloc : memref<!tpu.dma_semaphore, #tpu.memory_space<semaphore_mem>>
      %dma_start3A_1599 = arith.constant 0 : i32
      %dma_start3A_1600 = tpu.memref_slice %arg6[%add3A_798, %dma_start3A_1599] : memref<64x128xi32, #tpu.memory_space<hbm>> -> memref<1x128xi32, #tpu.memory_space<hbm>>
      %dma_start3A_1601 = tpu.memref_squeeze %dma_start3A_1600 : memref<1x128xi32, #tpu.memory_space<hbm>> -> memref<128xi32, #tpu.memory_space<hbm>>
      %dma_start3A_1602 = arith.constant 0 : i32
      %dma_start3A_1603 = tpu.memref_slice %arg6[%add3A_798, %dma_start3A_1602] : memref<64x128xi32, #tpu.memory_space<hbm>> -> memref<1x128xi32, #tpu.memory_space<hbm>>
      %dma_start3A_1604 = tpu.memref_squeeze %dma_start3A_1603 : memref<1x128xi32, #tpu.memory_space<hbm>> -> memref<128xi32, #tpu.memory_space<hbm>>
      tpu.enqueue_dma source(%dma_start3A_1604 : memref<128xi32, #tpu.memory_space<hbm>>) target(%arg22 : memref<128xi32, #tpu.memory_space<vmem>>) target_semaphore(%run_scoped3A : memref<!tpu.dma_semaphore, #tpu.memory_space<semaphore_mem>>)
      %dma_wait3A_1605 = arith.constant 0 : i32
      %dma_wait3A_1606 = tpu.memref_slice %arg6[%add3A_798, %dma_wait3A_1605] : memref<64x128xi32, #tpu.memory_space<hbm>> -> memref<1x128xi32, #tpu.memory_space<hbm>>
      %dma_wait3A_1607 = tpu.memref_squeeze %dma_wait3A_1606 : memref<1x128xi32, #tpu.memory_space<hbm>> -> memref<128xi32, #tpu.memory_space<hbm>>
      %dma_wait3A_1608 = arith.constant 0 : i32
      %dma_wait3A_1609 = tpu.memref_slice %arg6[%add3A_798, %dma_wait3A_1608] : memref<64x128xi32, #tpu.memory_space<hbm>> -> memref<1x128xi32, #tpu.memory_space<hbm>>
      %dma_wait3A_1610 = tpu.memref_squeeze %dma_wait3A_1609 : memref<1x128xi32, #tpu.memory_space<hbm>> -> memref<128xi32, #tpu.memory_space<hbm>>
      tpu.wait_dma2 semaphore(%run_scoped3A : memref<!tpu.dma_semaphore, #tpu.memory_space<semaphore_mem>>) src(%dma_wait3A_1610 : memref<128xi32, #tpu.memory_space<hbm>>) dst(%arg22 : memref<128xi32, #tpu.memory_space<vmem>>)
      tpu.yield
    }) : () -> ()
    "tpu.region"() ({
      %run_scoped3A = tpu.sem_alloc : memref<!tpu.dma_semaphore, #tpu.memory_space<semaphore_mem>>
      %dma_start3A_1599 = arith.constant 0 : i32
      %dma_start3A_1600 = tpu.memref_slice %arg7[%add3A_798, %dma_start3A_1599] : memref<64x128xi32, #tpu.memory_space<hbm>> -> memref<1x128xi32, #tpu.memory_space<hbm>>
      %dma_start3A_1601 = tpu.memref_squeeze %dma_start3A_1600 : memref<1x128xi32, #tpu.memory_space<hbm>> -> memref<128xi32, #tpu.memory_space<hbm>>
      %dma_start3A_1602 = arith.constant 0 : i32
      %dma_start3A_1603 = tpu.memref_slice %arg7[%add3A_798, %dma_start3A_1602] : memref<64x128xi32, #tpu.memory_space<hbm>> -> memref<1x128xi32, #tpu.memory_space<hbm>>
      %dma_start3A_1604 = tpu.memref_squeeze %dma_start3A_1603 : memref<1x128xi32, #tpu.memory_space<hbm>> -> memref<128xi32, #tpu.memory_space<hbm>>
      tpu.enqueue_dma source(%dma_start3A_1604 : memref<128xi32, #tpu.memory_space<hbm>>) target(%arg23 : memref<128xi32, #tpu.memory_space<vmem>>) target_semaphore(%run_scoped3A : memref<!tpu.dma_semaphore, #tpu.memory_space<semaphore_mem>>)
      %dma_wait3A_1605 = arith.constant 0 : i32
      %dma_wait3A_1606 = tpu.memref_slice %arg7[%add3A_798, %dma_wait3A_1605] : memref<64x128xi32, #tpu.memory_space<hbm>> -> memref<1x128xi32, #tpu.memory_space<hbm>>
      %dma_wait3A_1607 = tpu.memref_squeeze %dma_wait3A_1606 : memref<1x128xi32, #tpu.memory_space<hbm>> -> memref<128xi32, #tpu.memory_space<hbm>>
      %dma_wait3A_1608 = arith.constant 0 : i32
      %dma_wait3A_1609 = tpu.memref_slice %arg7[%add3A_798, %dma_wait3A_1608] : memref<64x128xi32, #tpu.memory_space<hbm>> -> memref<1x128xi32, #tpu.memory_space<hbm>>
      %dma_wait3A_1610 = tpu.memref_squeeze %dma_wait3A_1609 : memref<1x128xi32, #tpu.memory_space<hbm>> -> memref<128xi32, #tpu.memory_space<hbm>>
      tpu.wait_dma2 semaphore(%run_scoped3A : memref<!tpu.dma_semaphore, #tpu.memory_space<semaphore_mem>>) src(%dma_wait3A_1610 : memref<128xi32, #tpu.memory_space<hbm>>) dst(%arg23 : memref<128xi32, #tpu.memory_space<vmem>>)
      tpu.yield
    }) : () -> ()
    %get3A_799 = arith.constant 0 : index
    %get3A_800 = tpu.vector_load %arg22[%get3A_799] {strides = array<i32>} : memref<128xi32, #tpu.memory_space<vmem>>, vector<16xi32>,
    %get3A_801 = arith.constant 0 : index
    %get3A_802 = tpu.vector_load %arg23[%get3A_801] {strides = array<i32>} : memref<128xi32, #tpu.memory_space<vmem>>, vector<16xi32>,
    %scan3A_803 = arith.constant 0 : i32
    %scan3A_804 = arith.constant 0 : i32
    %scan3A_805 = arith.constant 256 : i32
    %scan3A_806 = arith.addi %scan3A_804, %scan3A_805 : i32
    %scan3A_807 = arith.constant 4 : i32
    %scan3A_808 = scf.for %scan3A_1599 = %scan3A_804 to %scan3A_806 step %scan3A_807 iter_args(%scan3A_1600 = %scan3A_803) -> (i32)  : i32 {
      %mul3A_1601 = arith.constant 16 : i32
      %mul3A_1602 = arith.muli %scan3A_1599, %mul3A_1601 : i32
      %get3A_1603 = arith.index_cast %mul3A_1602 : i32 to index
      %get3A_1604 = tpu.vector_load %arg14[%get3A_1603] {strides = array<i32>} : memref<4096xi32, #tpu.memory_space<vmem>>, vector<16xi32>,
      %mul3A_1605 = arith.constant 16 : i32
      %mul3A_1606 = arith.muli %scan3A_1599, %mul3A_1605 : i32
      %broadcast_in_dim3A_1607 = vector.broadcast %mul3A_1606 : i32 to vector<16xi32>
      %add3A_1608 = arith.addi %iota3A, %broadcast_in_dim3A_1607 : vector<16xi32>
      %lt3A = arith.cmpi slt, %get3A_1604, %get3A_800 : vector<16xi32>
      %eq3A_1609 = arith.cmpi eq, %get3A_1604, %get3A_800 : vector<16xi32>
      %le3A = arith.cmpi sle, %add3A_1608, %get3A_802 : vector<16xi32>
      %and3A = arith.andi %eq3A_1609, %le3A : vector<16xi1>
      %or3A = arith.ori %lt3A, %and3A : vector<16xi1>
      %convert_element_type3A = arith.extui %or3A : vector<16xi1> to vector<16xi32>
      %broadcast_in_dim3A_1610 = arith.constant true
      %broadcast_in_dim3A_1611 = vector.broadcast %broadcast_in_dim3A_1610 : i1 to vector<16xi1>
      %masked_cumsum3A = tpu.scan <sum>, %convert_element_type3A masked %broadcast_in_dim3A_1611 : vector<16xi32>, vector<16xi1> -> vector<16xi32>
      %sub3A = arith.subi %masked_cumsum3A, %convert_element_type3A : vector<16xi32>
      %broadcast_in_dim3A_1612 = vector.broadcast %scan3A_1600 : i32 to vector<16xi32>
      %add3A_1613 = arith.addi %sub3A, %broadcast_in_dim3A_1612 : vector<16xi32>
      %mul3A_1614 = arith.constant 16 : i32
      %mul3A_1615 = arith.muli %scan3A_1599, %mul3A_1614 : i32
      %get3A_1616 = arith.index_cast %mul3A_1615 : i32 to index
      %get3A_1617 = tpu.vector_load %arg11[%get3A_1616] {strides = array<i32>} : memref<4096xf32, #tpu.memory_space<vmem>>, vector<16xf32>,
      tpu.vector_store_idx %arg15[%add3A_1613], %get3A_1617 masked %or3A : memref<1040xf32, #tpu.memory_space<vmem>>[vector<16xi32>], vector<16xf32>, vector<16xi1>
      %mul3A_1618 = arith.constant 16 : i32
      %mul3A_1619 = arith.muli %scan3A_1599, %mul3A_1618 : i32
      %get3A_1620 = arith.index_cast %mul3A_1619 : i32 to index
      %get3A_1621 = tpu.vector_load %arg12[%get3A_1620] {strides = array<i32>} : memref<4096xf32, #tpu.memory_space<vmem>>, vector<16xf32>,
      tpu.vector_store_idx %arg16[%add3A_1613], %get3A_1621 masked %or3A : memref<1040xf32, #tpu.memory_space<vmem>>[vector<16xi32>], vector<16xf32>, vector<16xi1>
      %mul3A_1622 = arith.constant 16 : i32
      %mul3A_1623 = arith.muli %scan3A_1599, %mul3A_1622 : i32
      %get3A_1624 = arith.index_cast %mul3A_1623 : i32 to index
      %get3A_1625 = tpu.vector_load %arg13[%get3A_1624] {strides = array<i32>} : memref<4096xf32, #tpu.memory_space<vmem>>, vector<16xf32>,
      tpu.vector_store_idx %arg17[%add3A_1613], %get3A_1625 masked %or3A : memref<1040xf32, #tpu.memory_space<vmem>>[vector<16xi32>], vector<16xf32>, vector<16xi1>
      tpu.vector_store_idx %arg18[%add3A_1613], %get3A_1604 masked %or3A : memref<1040xi32, #tpu.memory_space<vmem>>[vector<16xi32>], vector<16xi32>, vector<16xi1>
      tpu.vector_store_idx %arg19[%add3A_1613], %add3A_1608 masked %or3A : memref<1040xi32, #tpu.memory_space<vmem>>[vector<16xi32>], vector<16xi32>, vector<16xi1>
      %slice3A_1626 = vector.extract_strided_slice %masked_cumsum3A {offsets = [15], sizes = [1], strides = [1]} : vector<16xi32> to vector<1xi32>
      %squeeze3A_1627 = vector.extract %slice3A_1626[0] : i32 from vector<1xi32>
      %add3A_1628 = arith.addi %scan3A_1600, %squeeze3A_1627 : i32
      %scan3A_1629 = arith.constant 1 : i32
      %scan3A_1630 = arith.addi %scan3A_1599, %scan3A_1629 : i32
      %mul3A_1631 = arith.constant 16 : i32
      %mul3A_1632 = arith.muli %scan3A_1630, %mul3A_1631 : i32
      %get3A_1633 = arith.index_cast %mul3A_1632 : i32 to index
      %get3A_1634 = tpu.vector_load %arg14[%get3A_1633] {strides = array<i32>} : memref<4096xi32, #tpu.memory_space<vmem>>, vector<16xi32>,
      %mul3A_1635 = arith.constant 16 : i32
      %mul3A_1636 = arith.muli %scan3A_1630, %mul3A_1635 : i32
      %broadcast_in_dim3A_1637 = vector.broadcast %mul3A_1636 : i32 to vector<16xi32>
      %add3A_1638 = arith.addi %iota3A, %broadcast_in_dim3A_1637 : vector<16xi32>
      %lt3A_1639 = arith.cmpi slt, %get3A_1634, %get3A_800 : vector<16xi32>
      %eq3A_1640 = arith.cmpi eq, %get3A_1634, %get3A_800 : vector<16xi32>
      %le3A_1641 = arith.cmpi sle, %add3A_1638, %get3A_802 : vector<16xi32>
      %and3A_1642 = arith.andi %eq3A_1640, %le3A_1641 : vector<16xi1>
      %or3A_1643 = arith.ori %lt3A_1639, %and3A_1642 : vector<16xi1>
      %convert_element_type3A_1644 = arith.extui %or3A_1643 : vector<16xi1> to vector<16xi32>
      %broadcast_in_dim3A_1645 = arith.constant true
      %broadcast_in_dim3A_1646 = vector.broadcast %broadcast_in_dim3A_1645 : i1 to vector<16xi1>
      %masked_cumsum3A_1647 = tpu.scan <sum>, %convert_element_type3A_1644 masked %broadcast_in_dim3A_1646 : vector<16xi32>, vector<16xi1> -> vector<16xi32>
      %sub3A_1648 = arith.subi %masked_cumsum3A_1647, %convert_element_type3A_1644 : vector<16xi32>
      %broadcast_in_dim3A_1649 = vector.broadcast %add3A_1628 : i32 to vector<16xi32>
      %add3A_1650 = arith.addi %sub3A_1648, %broadcast_in_dim3A_1649 : vector<16xi32>
      %mul3A_1651 = arith.constant 16 : i32
      %mul3A_1652 = arith.muli %scan3A_1630, %mul3A_1651 : i32
      %get3A_1653 = arith.index_cast %mul3A_1652 : i32 to index
      %get3A_1654 = tpu.vector_load %arg11[%get3A_1653] {strides = array<i32>} : memref<4096xf32, #tpu.memory_space<vmem>>, vector<16xf32>,
      tpu.vector_store_idx %arg15[%add3A_1650], %get3A_1654 masked %or3A_1643 : memref<1040xf32, #tpu.memory_space<vmem>>[vector<16xi32>], vector<16xf32>, vector<16xi1>
      %mul3A_1655 = arith.constant 16 : i32
      %mul3A_1656 = arith.muli %scan3A_1630, %mul3A_1655 : i32
      %get3A_1657 = arith.index_cast %mul3A_1656 : i32 to index
      %get3A_1658 = tpu.vector_load %arg12[%get3A_1657] {strides = array<i32>} : memref<4096xf32, #tpu.memory_space<vmem>>, vector<16xf32>,
      tpu.vector_store_idx %arg16[%add3A_1650], %get3A_1658 masked %or3A_1643 : memref<1040xf32, #tpu.memory_space<vmem>>[vector<16xi32>], vector<16xf32>, vector<16xi1>
      %mul3A_1659 = arith.constant 16 : i32
      %mul3A_1660 = arith.muli %scan3A_1630, %mul3A_1659 : i32
      %get3A_1661 = arith.index_cast %mul3A_1660 : i32 to index
      %get3A_1662 = tpu.vector_load %arg13[%get3A_1661] {strides = array<i32>} : memref<4096xf32, #tpu.memory_space<vmem>>, vector<16xf32>,
      tpu.vector_store_idx %arg17[%add3A_1650], %get3A_1662 masked %or3A_1643 : memref<1040xf32, #tpu.memory_space<vmem>>[vector<16xi32>], vector<16xf32>, vector<16xi1>
      tpu.vector_store_idx %arg18[%add3A_1650], %get3A_1634 masked %or3A_1643 : memref<1040xi32, #tpu.memory_space<vmem>>[vector<16xi32>], vector<16xi32>, vector<16xi1>
      tpu.vector_store_idx %arg19[%add3A_1650], %add3A_1638 masked %or3A_1643 : memref<1040xi32, #tpu.memory_space<vmem>>[vector<16xi32>], vector<16xi32>, vector<16xi1>
      %slice3A_1663 = vector.extract_strided_slice %masked_cumsum3A_1647 {offsets = [15], sizes = [1], strides = [1]} : vector<16xi32> to vector<1xi32>
      %squeeze3A_1664 = vector.extract %slice3A_1663[0] : i32 from vector<1xi32>
      %add3A_1665 = arith.addi %add3A_1628, %squeeze3A_1664 : i32
      %scan3A_1666 = arith.constant 2 : i32
      %scan3A_1667 = arith.addi %scan3A_1599, %scan3A_1666 : i32
      %mul3A_1668 = arith.constant 16 : i32
      %mul3A_1669 = arith.muli %scan3A_1667, %mul3A_1668 : i32
      %get3A_1670 = arith.index_cast %mul3A_1669 : i32 to index
      %get3A_1671 = tpu.vector_load %arg14[%get3A_1670] {strides = array<i32>} : memref<4096xi32, #tpu.memory_space<vmem>>, vector<16xi32>,
      %mul3A_1672 = arith.constant 16 : i32
      %mul3A_1673 = arith.muli %scan3A_1667, %mul3A_1672 : i32
      %broadcast_in_dim3A_1674 = vector.broadcast %mul3A_1673 : i32 to vector<16xi32>
      %add3A_1675 = arith.addi %iota3A, %broadcast_in_dim3A_1674 : vector<16xi32>
      %lt3A_1676 = arith.cmpi slt, %get3A_1671, %get3A_800 : vector<16xi32>
      %eq3A_1677 = arith.cmpi eq, %get3A_1671, %get3A_800 : vector<16xi32>
      %le3A_1678 = arith.cmpi sle, %add3A_1675, %get3A_802 : vector<16xi32>
      %and3A_1679 = arith.andi %eq3A_1677, %le3A_1678 : vector<16xi1>
      %or3A_1680 = arith.ori %lt3A_1676, %and3A_1679 : vector<16xi1>
      %convert_element_type3A_1681 = arith.extui %or3A_1680 : vector<16xi1> to vector<16xi32>
      %broadcast_in_dim3A_1682 = arith.constant true
      %broadcast_in_dim3A_1683 = vector.broadcast %broadcast_in_dim3A_1682 : i1 to vector<16xi1>
      %masked_cumsum3A_1684 = tpu.scan <sum>, %convert_element_type3A_1681 masked %broadcast_in_dim3A_1683 : vector<16xi32>, vector<16xi1> -> vector<16xi32>
      %sub3A_1685 = arith.subi %masked_cumsum3A_1684, %convert_element_type3A_1681 : vector<16xi32>
      %broadcast_in_dim3A_1686 = vector.broadcast %add3A_1665 : i32 to vector<16xi32>
      %add3A_1687 = arith.addi %sub3A_1685, %broadcast_in_dim3A_1686 : vector<16xi32>
      %mul3A_1688 = arith.constant 16 : i32
      %mul3A_1689 = arith.muli %scan3A_1667, %mul3A_1688 : i32
      %get3A_1690 = arith.index_cast %mul3A_1689 : i32 to index
      %get3A_1691 = tpu.vector_load %arg11[%get3A_1690] {strides = array<i32>} : memref<4096xf32, #tpu.memory_space<vmem>>, vector<16xf32>,
      tpu.vector_store_idx %arg15[%add3A_1687], %get3A_1691 masked %or3A_1680 : memref<1040xf32, #tpu.memory_space<vmem>>[vector<16xi32>], vector<16xf32>, vector<16xi1>
      %mul3A_1692 = arith.constant 16 : i32
      %mul3A_1693 = arith.muli %scan3A_1667, %mul3A_1692 : i32
      %get3A_1694 = arith.index_cast %mul3A_1693 : i32 to index
      %get3A_1695 = tpu.vector_load %arg12[%get3A_1694] {strides = array<i32>} : memref<4096xf32, #tpu.memory_space<vmem>>, vector<16xf32>,
      tpu.vector_store_idx %arg16[%add3A_1687], %get3A_1695 masked %or3A_1680 : memref<1040xf32, #tpu.memory_space<vmem>>[vector<16xi32>], vector<16xf32>, vector<16xi1>
      %mul3A_1696 = arith.constant 16 : i32
      %mul3A_1697 = arith.muli %scan3A_1667, %mul3A_1696 : i32
      %get3A_1698 = arith.index_cast %mul3A_1697 : i32 to index
      %get3A_1699 = tpu.vector_load %arg13[%get3A_1698] {strides = array<i32>} : memref<4096xf32, #tpu.memory_space<vmem>>, vector<16xf32>,
      tpu.vector_store_idx %arg17[%add3A_1687], %get3A_1699 masked %or3A_1680 : memref<1040xf32, #tpu.memory_space<vmem>>[vector<16xi32>], vector<16xf32>, vector<16xi1>
      tpu.vector_store_idx %arg18[%add3A_1687], %get3A_1671 masked %or3A_1680 : memref<1040xi32, #tpu.memory_space<vmem>>[vector<16xi32>], vector<16xi32>, vector<16xi1>
      tpu.vector_store_idx %arg19[%add3A_1687], %add3A_1675 masked %or3A_1680 : memref<1040xi32, #tpu.memory_space<vmem>>[vector<16xi32>], vector<16xi32>, vector<16xi1>
      %slice3A_1700 = vector.extract_strided_slice %masked_cumsum3A_1684 {offsets = [15], sizes = [1], strides = [1]} : vector<16xi32> to vector<1xi32>
      %squeeze3A_1701 = vector.extract %slice3A_1700[0] : i32 from vector<1xi32>
      %add3A_1702 = arith.addi %add3A_1665, %squeeze3A_1701 : i32
      %scan3A_1703 = arith.constant 3 : i32
      %scan3A_1704 = arith.addi %scan3A_1599, %scan3A_1703 : i32
      %mul3A_1705 = arith.constant 16 : i32
      %mul3A_1706 = arith.muli %scan3A_1704, %mul3A_1705 : i32
      %get3A_1707 = arith.index_cast %mul3A_1706 : i32 to index
      %get3A_1708 = tpu.vector_load %arg14[%get3A_1707] {strides = array<i32>} : memref<4096xi32, #tpu.memory_space<vmem>>, vector<16xi32>,
      %mul3A_1709 = arith.constant 16 : i32
      %mul3A_1710 = arith.muli %scan3A_1704, %mul3A_1709 : i32
      %broadcast_in_dim3A_1711 = vector.broadcast %mul3A_1710 : i32 to vector<16xi32>
      %add3A_1712 = arith.addi %iota3A, %broadcast_in_dim3A_1711 : vector<16xi32>
      %lt3A_1713 = arith.cmpi slt, %get3A_1708, %get3A_800 : vector<16xi32>
      %eq3A_1714 = arith.cmpi eq, %get3A_1708, %get3A_800 : vector<16xi32>
      %le3A_1715 = arith.cmpi sle, %add3A_1712, %get3A_802 : vector<16xi32>
      %and3A_1716 = arith.andi %eq3A_1714, %le3A_1715 : vector<16xi1>
      %or3A_1717 = arith.ori %lt3A_1713, %and3A_1716 : vector<16xi1>
      %convert_element_type3A_1718 = arith.extui %or3A_1717 : vector<16xi1> to vector<16xi32>
      %broadcast_in_dim3A_1719 = arith.constant true
      %broadcast_in_dim3A_1720 = vector.broadcast %broadcast_in_dim3A_1719 : i1 to vector<16xi1>
      %masked_cumsum3A_1721 = tpu.scan <sum>, %convert_element_type3A_1718 masked %broadcast_in_dim3A_1720 : vector<16xi32>, vector<16xi1> -> vector<16xi32>
      %sub3A_1722 = arith.subi %masked_cumsum3A_1721, %convert_element_type3A_1718 : vector<16xi32>
      %broadcast_in_dim3A_1723 = vector.broadcast %add3A_1702 : i32 to vector<16xi32>
      %add3A_1724 = arith.addi %sub3A_1722, %broadcast_in_dim3A_1723 : vector<16xi32>
      %mul3A_1725 = arith.constant 16 : i32
      %mul3A_1726 = arith.muli %scan3A_1704, %mul3A_1725 : i32
      %get3A_1727 = arith.index_cast %mul3A_1726 : i32 to index
      %get3A_1728 = tpu.vector_load %arg11[%get3A_1727] {strides = array<i32>} : memref<4096xf32, #tpu.memory_space<vmem>>, vector<16xf32>,
      tpu.vector_store_idx %arg15[%add3A_1724], %get3A_1728 masked %or3A_1717 : memref<1040xf32, #tpu.memory_space<vmem>>[vector<16xi32>], vector<16xf32>, vector<16xi1>
      %mul3A_1729 = arith.constant 16 : i32
      %mul3A_1730 = arith.muli %scan3A_1704, %mul3A_1729 : i32
      %get3A_1731 = arith.index_cast %mul3A_1730 : i32 to index
      %get3A_1732 = tpu.vector_load %arg12[%get3A_1731] {strides = array<i32>} : memref<4096xf32, #tpu.memory_space<vmem>>, vector<16xf32>,
      tpu.vector_store_idx %arg16[%add3A_1724], %get3A_1732 masked %or3A_1717 : memref<1040xf32, #tpu.memory_space<vmem>>[vector<16xi32>], vector<16xf32>, vector<16xi1>
      %mul3A_1733 = arith.constant 16 : i32
      %mul3A_1734 = arith.muli %scan3A_1704, %mul3A_1733 : i32
      %get3A_1735 = arith.index_cast %mul3A_1734 : i32 to index
      %get3A_1736 = tpu.vector_load %arg13[%get3A_1735] {strides = array<i32>} : memref<4096xf32, #tpu.memory_space<vmem>>, vector<16xf32>,
      tpu.vector_store_idx %arg17[%add3A_1724], %get3A_1736 masked %or3A_1717 : memref<1040xf32, #tpu.memory_space<vmem>>[vector<16xi32>], vector<16xf32>, vector<16xi1>
      tpu.vector_store_idx %arg18[%add3A_1724], %get3A_1708 masked %or3A_1717 : memref<1040xi32, #tpu.memory_space<vmem>>[vector<16xi32>], vector<16xi32>, vector<16xi1>
      tpu.vector_store_idx %arg19[%add3A_1724], %add3A_1712 masked %or3A_1717 : memref<1040xi32, #tpu.memory_space<vmem>>[vector<16xi32>], vector<16xi32>, vector<16xi1>
      %slice3A_1737 = vector.extract_strided_slice %masked_cumsum3A_1721 {offsets = [15], sizes = [1], strides = [1]} : vector<16xi32> to vector<1xi32>
      %squeeze3A_1738 = vector.extract %slice3A_1737[0] : i32 from vector<1xi32>
      %add3A_1739 = arith.addi %add3A_1702, %squeeze3A_1738 : i32
      scf.yield %add3A_1739 : i32
    }
    %scan3A_809 = arith.constant 256 : i32
    %broadcast_in_dim3A_810 = arith.constant 2139095039 : i32
    %broadcast_in_dim3A_811 = vector.broadcast %broadcast_in_dim3A_810 : i32 to vector<16xi32>
    %broadcast_in_dim3A_812 = arith.constant 0 : i32
    %broadcast_in_dim3A_813 = vector.broadcast %broadcast_in_dim3A_812 : i32 to vector<16xi32>
    %scan3A_814 = arith.constant 0 : i32
    %scan3A_815 = arith.constant 64 : i32
    %scan3A_816 = arith.addi %scan3A_814, %scan3A_815 : i32
    %scan3A_817 = arith.constant 4 : i32
    %scan3A_818:2 = scf.for %scan3A_1599 = %scan3A_814 to %scan3A_816 step %scan3A_817 iter_args(%scan3A_1600 = %broadcast_in_dim3A_811, %scan3A_1601 = %broadcast_in_dim3A_813) -> (vector<16xi32>, vector<16xi32>)  : i32 {
      %mul3A_1602 = arith.constant 16 : i32
      %mul3A_1603 = arith.muli %scan3A_1599, %mul3A_1602 : i32
      %get3A_1604 = arith.index_cast %mul3A_1603 : i32 to index
      %get3A_1605 = tpu.vector_load %arg18[%get3A_1604] {strides = array<i32>} : memref<1040xi32, #tpu.memory_space<vmem>>, vector<16xi32>,
      %mul3A_1606 = arith.constant 16 : i32
      %mul3A_1607 = arith.muli %scan3A_1599, %mul3A_1606 : i32
      %broadcast_in_dim3A_1608 = vector.broadcast %mul3A_1607 : i32 to vector<16xi32>
      %add3A_1609 = arith.addi %iota3A, %broadcast_in_dim3A_1608 : vector<16xi32>
      %lt3A = arith.cmpi slt, %get3A_1605, %scan3A_1600 : vector<16xi32>
      %select_n3A_1610 = arith.select %lt3A, %get3A_1605, %scan3A_1600 : vector<16xi1>, vector<16xi32>
      %select_n3A_1611 = arith.select %lt3A, %add3A_1609, %scan3A_1601 : vector<16xi1>, vector<16xi32>
      %scan3A_1612 = arith.constant 1 : i32
      %scan3A_1613 = arith.addi %scan3A_1599, %scan3A_1612 : i32
      %mul3A_1614 = arith.constant 16 : i32
      %mul3A_1615 = arith.muli %scan3A_1613, %mul3A_1614 : i32
      %get3A_1616 = arith.index_cast %mul3A_1615 : i32 to index
      %get3A_1617 = tpu.vector_load %arg18[%get3A_1616] {strides = array<i32>} : memref<1040xi32, #tpu.memory_space<vmem>>, vector<16xi32>,
      %mul3A_1618 = arith.constant 16 : i32
      %mul3A_1619 = arith.muli %scan3A_1613, %mul3A_1618 : i32
      %broadcast_in_dim3A_1620 = vector.broadcast %mul3A_1619 : i32 to vector<16xi32>
      %add3A_1621 = arith.addi %iota3A, %broadcast_in_dim3A_1620 : vector<16xi32>
      %lt3A_1622 = arith.cmpi slt, %get3A_1617, %select_n3A_1610 : vector<16xi32>
      %select_n3A_1623 = arith.select %lt3A_1622, %get3A_1617, %select_n3A_1610 : vector<16xi1>, vector<16xi32>
      %select_n3A_1624 = arith.select %lt3A_1622, %add3A_1621, %select_n3A_1611 : vector<16xi1>, vector<16xi32>
      %scan3A_1625 = arith.constant 2 : i32
      %scan3A_1626 = arith.addi %scan3A_1599, %scan3A_1625 : i32
      %mul3A_1627 = arith.constant 16 : i32
      %mul3A_1628 = arith.muli %scan3A_1626, %mul3A_1627 : i32
      %get3A_1629 = arith.index_cast %mul3A_1628 : i32 to index
      %get3A_1630 = tpu.vector_load %arg18[%get3A_1629] {strides = array<i32>} : memref<1040xi32, #tpu.memory_space<vmem>>, vector<16xi32>,
      %mul3A_1631 = arith.constant 16 : i32
      %mul3A_1632 = arith.muli %scan3A_1626, %mul3A_1631 : i32
      %broadcast_in_dim3A_1633 = vector.broadcast %mul3A_1632 : i32 to vector<16xi32>
      %add3A_1634 = arith.addi %iota3A, %broadcast_in_dim3A_1633 : vector<16xi32>
      %lt3A_1635 = arith.cmpi slt, %get3A_1630, %select_n3A_1623 : vector<16xi32>
      %select_n3A_1636 = arith.select %lt3A_1635, %get3A_1630, %select_n3A_1623 : vector<16xi1>, vector<16xi32>
      %select_n3A_1637 = arith.select %lt3A_1635, %add3A_1634, %select_n3A_1624 : vector<16xi1>, vector<16xi32>
      %scan3A_1638 = arith.constant 3 : i32
      %scan3A_1639 = arith.addi %scan3A_1599, %scan3A_1638 : i32
      %mul3A_1640 = arith.constant 16 : i32
      %mul3A_1641 = arith.muli %scan3A_1639, %mul3A_1640 : i32
      %get3A_1642 = arith.index_cast %mul3A_1641 : i32 to index
      %get3A_1643 = tpu.vector_load %arg18[%get3A_1642] {strides = array<i32>} : memref<1040xi32, #tpu.memory_space<vmem>>, vector<16xi32>,
      %mul3A_1644 = arith.constant 16 : i32
      %mul3A_1645 = arith.muli %scan3A_1639, %mul3A_1644 : i32
      %broadcast_in_dim3A_1646 = vector.broadcast %mul3A_1645 : i32 to vector<16xi32>
      %add3A_1647 = arith.addi %iota3A, %broadcast_in_dim3A_1646 : vector<16xi32>
      %lt3A_1648 = arith.cmpi slt, %get3A_1643, %select_n3A_1636 : vector<16xi32>
      %select_n3A_1649 = arith.select %lt3A_1648, %get3A_1643, %select_n3A_1636 : vector<16xi1>, vector<16xi32>
      %select_n3A_1650 = arith.select %lt3A_1648, %add3A_1647, %select_n3A_1637 : vector<16xi1>, vector<16xi32>
      scf.yield %select_n3A_1649, %select_n3A_1650 : vector<16xi32>, vector<16xi32>
    }
    %scan3A_819 = arith.constant 64 : i32
    %broadcast_in_dim3A_820 = arith.constant 1024 : i32
    %broadcast_in_dim3A_821 = vector.broadcast %broadcast_in_dim3A_820 : i32 to vector<16xi32>
    %reduce_min3A_822 = arith.constant true
    %reduce_min3A_823 = vector.broadcast %reduce_min3A_822 : i1 to vector<16xi1>
    %reduce_min3A_824 = arith.constant -2147483648 : i32
    %reduce_min3A_825 = vector.broadcast %reduce_min3A_824 : i32 to vector<16xi32>
    %reduce_min3A_826 = arith.xori %scan3A_818#0, %reduce_min3A_825 : vector<16xi32>
    %reduce_min3A_827 = tpu.scan <min>, %reduce_min3A_826 masked %reduce_min3A_823 : vector<16xi32>, vector<16xi1> -> vector<16xi32>
    %reduce_min3A_828 = arith.xori %reduce_min3A_827, %reduce_min3A_825 : vector<16xi32>
    %reduce_min3A_829 = vector.extract %reduce_min3A_828[15] : i32 from vector<16xi32>
    %broadcast_in_dim3A_830 = vector.broadcast %reduce_min3A_829 : i32 to vector<16xi32>
    %eq3A_831 = arith.cmpi eq, %scan3A_818#0, %broadcast_in_dim3A_830 : vector<16xi32>
    %select_n3A_832 = arith.select %eq3A_831, %scan3A_818#1, %broadcast_in_dim3A_821 : vector<16xi1>, vector<16xi32>
    %reduce_min3A_833 = arith.constant true
    %reduce_min3A_834 = vector.broadcast %reduce_min3A_833 : i1 to vector<16xi1>
    %reduce_min3A_835 = arith.constant -2147483648 : i32
    %reduce_min3A_836 = vector.broadcast %reduce_min3A_835 : i32 to vector<16xi32>
    %reduce_min3A_837 = arith.xori %select_n3A_832, %reduce_min3A_836 : vector<16xi32>
    %reduce_min3A_838 = tpu.scan <min>, %reduce_min3A_837 masked %reduce_min3A_834 : vector<16xi32>, vector<16xi1> -> vector<16xi32>
    %reduce_min3A_839 = arith.xori %reduce_min3A_838, %reduce_min3A_836 : vector<16xi32>
    %reduce_min3A_840 = vector.extract %reduce_min3A_839[15] : i32 from vector<16xi32>
    %scan3A_841 = arith.constant 0 : i32
    %scan3A_842 = arith.constant 0 : i32
    %scan3A_843 = arith.constant 64 : i32
    %scan3A_844 = arith.addi %scan3A_842, %scan3A_843 : i32
    %scan3A_845 = arith.constant 4 : i32
    scf.for %scan3A_1599 = %scan3A_842 to %scan3A_844 step %scan3A_845  : i32 {
      %broadcast_in_dim3A_1600 = arith.constant 3.000000e+38 : f32
      %broadcast_in_dim3A_1601 = vector.broadcast %broadcast_in_dim3A_1600 : f32 to vector<16xf32>
      %mul3A_1602 = arith.constant 16 : i32
      %mul3A_1603 = arith.muli %scan3A_1599, %mul3A_1602 : i32
      %swap3A = arith.index_cast %mul3A_1603 : i32 to index
      %swap3A_1604 = tpu.vector_load %arg20[%swap3A] {strides = array<i32>} : memref<1024xf32, #tpu.memory_space<vmem>>, vector<16xf32>,
      tpu.vector_store %arg20[%swap3A], %broadcast_in_dim3A_1601 {strides = array<i32>} : memref<1024xf32, #tpu.memory_space<vmem>>, vector<16xf32>,
      %scan3A_1605 = arith.constant 1 : i32
      %scan3A_1606 = arith.addi %scan3A_1599, %scan3A_1605 : i32
      %broadcast_in_dim3A_1607 = arith.constant 3.000000e+38 : f32
      %broadcast_in_dim3A_1608 = vector.broadcast %broadcast_in_dim3A_1607 : f32 to vector<16xf32>
      %mul3A_1609 = arith.constant 16 : i32
      %mul3A_1610 = arith.muli %scan3A_1606, %mul3A_1609 : i32
      %swap3A_1611 = arith.index_cast %mul3A_1610 : i32 to index
      %swap3A_1612 = tpu.vector_load %arg20[%swap3A_1611] {strides = array<i32>} : memref<1024xf32, #tpu.memory_space<vmem>>, vector<16xf32>,
      tpu.vector_store %arg20[%swap3A_1611], %broadcast_in_dim3A_1608 {strides = array<i32>} : memref<1024xf32, #tpu.memory_space<vmem>>, vector<16xf32>,
      %scan3A_1613 = arith.constant 2 : i32
      %scan3A_1614 = arith.addi %scan3A_1599, %scan3A_1613 : i32
      %broadcast_in_dim3A_1615 = arith.constant 3.000000e+38 : f32
      %broadcast_in_dim3A_1616 = vector.broadcast %broadcast_in_dim3A_1615 : f32 to vector<16xf32>
      %mul3A_1617 = arith.constant 16 : i32
      %mul3A_1618 = arith.muli %scan3A_1614, %mul3A_1617 : i32
      %swap3A_1619 = arith.index_cast %mul3A_1618 : i32 to index
      %swap3A_1620 = tpu.vector_load %arg20[%swap3A_1619] {strides = array<i32>} : memref<1024xf32, #tpu.memory_space<vmem>>, vector<16xf32>,
      tpu.vector_store %arg20[%swap3A_1619], %broadcast_in_dim3A_1616 {strides = array<i32>} : memref<1024xf32, #tpu.memory_space<vmem>>, vector<16xf32>,
      %scan3A_1621 = arith.constant 3 : i32
      %scan3A_1622 = arith.addi %scan3A_1599, %scan3A_1621 : i32
      %broadcast_in_dim3A_1623 = arith.constant 3.000000e+38 : f32
      %broadcast_in_dim3A_1624 = vector.broadcast %broadcast_in_dim3A_1623 : f32 to vector<16xf32>
      %mul3A_1625 = arith.constant 16 : i32
      %mul3A_1626 = arith.muli %scan3A_1622, %mul3A_1625 : i32
      %swap3A_1627 = arith.index_cast %mul3A_1626 : i32 to index
      %swap3A_1628 = tpu.vector_load %arg20[%swap3A_1627] {strides = array<i32>} : memref<1024xf32, #tpu.memory_space<vmem>>, vector<16xf32>,
      tpu.vector_store %arg20[%swap3A_1627], %broadcast_in_dim3A_1624 {strides = array<i32>} : memref<1024xf32, #tpu.memory_space<vmem>>, vector<16xf32>,
    }
    %scan3A_846 = arith.constant 64 : i32
    %get3A_847 = arith.index_cast %reduce_min3A_840 : i32 to index
    %get3A_848 = tpu.vector_load %arg19[%get3A_847] {strides = array<i32>} : memref<1040xi32, #tpu.memory_space<vmem>>, vector<16xi32>,
    %slice3A_849 = vector.extract_strided_slice %get3A_848 {offsets = [0], sizes = [1], strides = [1]} : vector<16xi32> to vector<1xi32>
    %squeeze3A_850 = vector.extract %slice3A_849[0] : i32 from vector<1xi32>
    %broadcast_in_dim3A_851 = vector.broadcast %squeeze3A_850 : i32 to vector<16xi32>
    %broadcast_in_dim3A_852 = arith.constant 0 : i32
    %broadcast_in_dim3A_853 = vector.broadcast %broadcast_in_dim3A_852 : i32 to vector<16xi32>
    %eq3A_854 = arith.cmpi eq, %iota3A, %broadcast_in_dim3A_853 : vector<16xi32>
    %broadcast_in_dim3A_855 = arith.constant 0 : i32
    %broadcast_in_dim3A_856 = vector.broadcast %broadcast_in_dim3A_855 : i32 to vector<16xi32>
    tpu.vector_store_idx %arg21[%broadcast_in_dim3A_856], %broadcast_in_dim3A_851 masked %eq3A_854 : memref<128xi32, #tpu.memory_space<vmem>>[vector<16xi32>], vector<16xi32>, vector<16xi1>
    %scan3A_857 = arith.constant 1 : i32
    %scan3A_858 = arith.constant 31 : i32
    %scan3A_859 = arith.addi %scan3A_857, %scan3A_858 : i32
    %scan3A_860 = arith.constant 1 : i32
    %scan3A_861 = scf.for %scan3A_1599 = %scan3A_857 to %scan3A_859 step %scan3A_860 iter_args(%scan3A_1600 = %reduce_min3A_840) -> (i32)  : i32 {
      %get3A_1601 = arith.index_cast %scan3A_1600 : i32 to index
      %get3A_1602 = tpu.vector_load %arg15[%get3A_1601] {strides = array<i32>} : memref<1040xf32, #tpu.memory_space<vmem>>, vector<16xf32>,
      %slice3A_1603 = vector.extract_strided_slice %get3A_1602 {offsets = [0], sizes = [1], strides = [1]} : vector<16xf32> to vector<1xf32>
      %squeeze3A_1604 = vector.extract %slice3A_1603[0] : f32 from vector<1xf32>
      %broadcast_in_dim3A_1605 = vector.broadcast %squeeze3A_1604 : f32 to vector<16xf32>
      %get3A_1606 = arith.index_cast %scan3A_1600 : i32 to index
      %get3A_1607 = tpu.vector_load %arg16[%get3A_1606] {strides = array<i32>} : memref<1040xf32, #tpu.memory_space<vmem>>, vector<16xf32>,
      %slice3A_1608 = vector.extract_strided_slice %get3A_1607 {offsets = [0], sizes = [1], strides = [1]} : vector<16xf32> to vector<1xf32>
      %squeeze3A_1609 = vector.extract %slice3A_1608[0] : f32 from vector<1xf32>
      %broadcast_in_dim3A_1610 = vector.broadcast %squeeze3A_1609 : f32 to vector<16xf32>
      %get3A_1611 = arith.index_cast %scan3A_1600 : i32 to index
      %get3A_1612 = tpu.vector_load %arg17[%get3A_1611] {strides = array<i32>} : memref<1040xf32, #tpu.memory_space<vmem>>, vector<16xf32>,
      %slice3A_1613 = vector.extract_strided_slice %get3A_1612 {offsets = [0], sizes = [1], strides = [1]} : vector<16xf32> to vector<1xf32>
      %squeeze3A_1614 = vector.extract %slice3A_1613[0] : f32 from vector<1xf32>
      %broadcast_in_dim3A_1615 = vector.broadcast %squeeze3A_1614 : f32 to vector<16xf32>
      %broadcast_in_dim3A_1616 = arith.constant -3.000000e+38 : f32
      %broadcast_in_dim3A_1617 = vector.broadcast %broadcast_in_dim3A_1616 : f32 to vector<16xf32>
      %broadcast_in_dim3A_1618 = arith.constant 0 : i32
      %broadcast_in_dim3A_1619 = vector.broadcast %broadcast_in_dim3A_1618 : i32 to vector<16xi32>
      %scan3A_1620 = arith.constant 0 : i32
      %scan3A_1621 = arith.constant 64 : i32
      %scan3A_1622 = arith.addi %scan3A_1620, %scan3A_1621 : i32
      %scan3A_1623 = arith.constant 8 : i32
      %scan3A_1624:2 = scf.for %scan3A_1648 = %scan3A_1620 to %scan3A_1622 step %scan3A_1623 iter_args(%scan3A_1649 = %broadcast_in_dim3A_1617, %scan3A_1650 = %broadcast_in_dim3A_1619) -> (vector<16xf32>, vector<16xi32>)  : i32 {
        %mul3A_1651 = arith.constant 16 : i32
        %mul3A_1652 = arith.muli %scan3A_1648, %mul3A_1651 : i32
        %get3A_1653 = arith.index_cast %mul3A_1652 : i32 to index
        %get3A_1654 = tpu.vector_load %arg15[%get3A_1653] {strides = array<i32>} : memref<1040xf32, #tpu.memory_space<vmem>>, vector<16xf32>,
        %sub3A = arith.subf %get3A_1654, %broadcast_in_dim3A_1605 : vector<16xf32>
        %mul3A_1655 = arith.constant 16 : i32
        %mul3A_1656 = arith.muli %scan3A_1648, %mul3A_1655 : i32
        %get3A_1657 = arith.index_cast %mul3A_1656 : i32 to index
        %get3A_1658 = tpu.vector_load %arg16[%get3A_1657] {strides = array<i32>} : memref<1040xf32, #tpu.memory_space<vmem>>, vector<16xf32>,
        %sub3A_1659 = arith.subf %get3A_1658, %broadcast_in_dim3A_1610 : vector<16xf32>
        %mul3A_1660 = arith.constant 16 : i32
        %mul3A_1661 = arith.muli %scan3A_1648, %mul3A_1660 : i32
        %get3A_1662 = arith.index_cast %mul3A_1661 : i32 to index
        %get3A_1663 = tpu.vector_load %arg17[%get3A_1662] {strides = array<i32>} : memref<1040xf32, #tpu.memory_space<vmem>>, vector<16xf32>,
        %sub3A_1664 = arith.subf %get3A_1663, %broadcast_in_dim3A_1615 : vector<16xf32>
        %mul3A_1665 = arith.mulf %sub3A, %sub3A : vector<16xf32>
        %mul3A_1666 = arith.mulf %sub3A_1659, %sub3A_1659 : vector<16xf32>
        %add3A_1667 = arith.addf %mul3A_1665, %mul3A_1666 : vector<16xf32>
        %mul3A_1668 = arith.mulf %sub3A_1664, %sub3A_1664 : vector<16xf32>
        %add3A_1669 = arith.addf %add3A_1667, %mul3A_1668 : vector<16xf32>
        %mul3A_1670 = arith.constant 16 : i32
        %mul3A_1671 = arith.muli %scan3A_1648, %mul3A_1670 : i32
        %get3A_1672 = arith.index_cast %mul3A_1671 : i32 to index
        %get3A_1673 = tpu.vector_load %arg20[%get3A_1672] {strides = array<i32>} : memref<1024xf32, #tpu.memory_space<vmem>>, vector<16xf32>,
        %min3A = arith.minimumf %get3A_1673, %add3A_1669 : vector<16xf32>
        %mul3A_1674 = arith.constant 16 : i32
        %mul3A_1675 = arith.muli %scan3A_1648, %mul3A_1674 : i32
        %swap3A = arith.index_cast %mul3A_1675 : i32 to index
        %swap3A_1676 = tpu.vector_load %arg20[%swap3A] {strides = array<i32>} : memref<1024xf32, #tpu.memory_space<vmem>>, vector<16xf32>,
        tpu.vector_store %arg20[%swap3A], %min3A {strides = array<i32>} : memref<1024xf32, #tpu.memory_space<vmem>>, vector<16xf32>,
        %gt3A = arith.cmpf ogt, %min3A, %scan3A_1649 : vector<16xf32>
        %mul3A_1677 = arith.constant 16 : i32
        %mul3A_1678 = arith.muli %scan3A_1648, %mul3A_1677 : i32
        %broadcast_in_dim3A_1679 = vector.broadcast %mul3A_1678 : i32 to vector<16xi32>
        %add3A_1680 = arith.addi %iota3A, %broadcast_in_dim3A_1679 : vector<16xi32>
        %select_n3A_1681 = arith.select %gt3A, %min3A, %scan3A_1649 : vector<16xi1>, vector<16xf32>
        %select_n3A_1682 = arith.select %gt3A, %add3A_1680, %scan3A_1650 : vector<16xi1>, vector<16xi32>
        %scan3A_1683 = arith.constant 1 : i32
        %scan3A_1684 = arith.addi %scan3A_1648, %scan3A_1683 : i32
        %mul3A_1685 = arith.constant 16 : i32
        %mul3A_1686 = arith.muli %scan3A_1684, %mul3A_1685 : i32
        %get3A_1687 = arith.index_cast %mul3A_1686 : i32 to index
        %get3A_1688 = tpu.vector_load %arg15[%get3A_1687] {strides = array<i32>} : memref<1040xf32, #tpu.memory_space<vmem>>, vector<16xf32>,
        %sub3A_1689 = arith.subf %get3A_1688, %broadcast_in_dim3A_1605 : vector<16xf32>
        %mul3A_1690 = arith.constant 16 : i32
        %mul3A_1691 = arith.muli %scan3A_1684, %mul3A_1690 : i32
        %get3A_1692 = arith.index_cast %mul3A_1691 : i32 to index
        %get3A_1693 = tpu.vector_load %arg16[%get3A_1692] {strides = array<i32>} : memref<1040xf32, #tpu.memory_space<vmem>>, vector<16xf32>,
        %sub3A_1694 = arith.subf %get3A_1693, %broadcast_in_dim3A_1610 : vector<16xf32>
        %mul3A_1695 = arith.constant 16 : i32
        %mul3A_1696 = arith.muli %scan3A_1684, %mul3A_1695 : i32
        %get3A_1697 = arith.index_cast %mul3A_1696 : i32 to index
        %get3A_1698 = tpu.vector_load %arg17[%get3A_1697] {strides = array<i32>} : memref<1040xf32, #tpu.memory_space<vmem>>, vector<16xf32>,
        %sub3A_1699 = arith.subf %get3A_1698, %broadcast_in_dim3A_1615 : vector<16xf32>
        %mul3A_1700 = arith.mulf %sub3A_1689, %sub3A_1689 : vector<16xf32>
        %mul3A_1701 = arith.mulf %sub3A_1694, %sub3A_1694 : vector<16xf32>
        %add3A_1702 = arith.addf %mul3A_1700, %mul3A_1701 : vector<16xf32>
        %mul3A_1703 = arith.mulf %sub3A_1699, %sub3A_1699 : vector<16xf32>
        %add3A_1704 = arith.addf %add3A_1702, %mul3A_1703 : vector<16xf32>
        %mul3A_1705 = arith.constant 16 : i32
        %mul3A_1706 = arith.muli %scan3A_1684, %mul3A_1705 : i32
        %get3A_1707 = arith.index_cast %mul3A_1706 : i32 to index
        %get3A_1708 = tpu.vector_load %arg20[%get3A_1707] {strides = array<i32>} : memref<1024xf32, #tpu.memory_space<vmem>>, vector<16xf32>,
        %min3A_1709 = arith.minimumf %get3A_1708, %add3A_1704 : vector<16xf32>
        %mul3A_1710 = arith.constant 16 : i32
        %mul3A_1711 = arith.muli %scan3A_1684, %mul3A_1710 : i32
        %swap3A_1712 = arith.index_cast %mul3A_1711 : i32 to index
        %swap3A_1713 = tpu.vector_load %arg20[%swap3A_1712] {strides = array<i32>} : memref<1024xf32, #tpu.memory_space<vmem>>, vector<16xf32>,
        tpu.vector_store %arg20[%swap3A_1712], %min3A_1709 {strides = array<i32>} : memref<1024xf32, #tpu.memory_space<vmem>>, vector<16xf32>,
        %gt3A_1714 = arith.cmpf ogt, %min3A_1709, %select_n3A_1681 : vector<16xf32>
        %mul3A_1715 = arith.constant 16 : i32
        %mul3A_1716 = arith.muli %scan3A_1684, %mul3A_1715 : i32
        %broadcast_in_dim3A_1717 = vector.broadcast %mul3A_1716 : i32 to vector<16xi32>
        %add3A_1718 = arith.addi %iota3A, %broadcast_in_dim3A_1717 : vector<16xi32>
        %select_n3A_1719 = arith.select %gt3A_1714, %min3A_1709, %select_n3A_1681 : vector<16xi1>, vector<16xf32>
        %select_n3A_1720 = arith.select %gt3A_1714, %add3A_1718, %select_n3A_1682 : vector<16xi1>, vector<16xi32>
        %scan3A_1721 = arith.constant 2 : i32
        %scan3A_1722 = arith.addi %scan3A_1648, %scan3A_1721 : i32
        %mul3A_1723 = arith.constant 16 : i32
        %mul3A_1724 = arith.muli %scan3A_1722, %mul3A_1723 : i32
        %get3A_1725 = arith.index_cast %mul3A_1724 : i32 to index
        %get3A_1726 = tpu.vector_load %arg15[%get3A_1725] {strides = array<i32>} : memref<1040xf32, #tpu.memory_space<vmem>>, vector<16xf32>,
        %sub3A_1727 = arith.subf %get3A_1726, %broadcast_in_dim3A_1605 : vector<16xf32>
        %mul3A_1728 = arith.constant 16 : i32
        %mul3A_1729 = arith.muli %scan3A_1722, %mul3A_1728 : i32
        %get3A_1730 = arith.index_cast %mul3A_1729 : i32 to index
        %get3A_1731 = tpu.vector_load %arg16[%get3A_1730] {strides = array<i32>} : memref<1040xf32, #tpu.memory_space<vmem>>, vector<16xf32>,
        %sub3A_1732 = arith.subf %get3A_1731, %broadcast_in_dim3A_1610 : vector<16xf32>
        %mul3A_1733 = arith.constant 16 : i32
        %mul3A_1734 = arith.muli %scan3A_1722, %mul3A_1733 : i32
        %get3A_1735 = arith.index_cast %mul3A_1734 : i32 to index
        %get3A_1736 = tpu.vector_load %arg17[%get3A_1735] {strides = array<i32>} : memref<1040xf32, #tpu.memory_space<vmem>>, vector<16xf32>,
        %sub3A_1737 = arith.subf %get3A_1736, %broadcast_in_dim3A_1615 : vector<16xf32>
        %mul3A_1738 = arith.mulf %sub3A_1727, %sub3A_1727 : vector<16xf32>
        %mul3A_1739 = arith.mulf %sub3A_1732, %sub3A_1732 : vector<16xf32>
        %add3A_1740 = arith.addf %mul3A_1738, %mul3A_1739 : vector<16xf32>
        %mul3A_1741 = arith.mulf %sub3A_1737, %sub3A_1737 : vector<16xf32>
        %add3A_1742 = arith.addf %add3A_1740, %mul3A_1741 : vector<16xf32>
        %mul3A_1743 = arith.constant 16 : i32
        %mul3A_1744 = arith.muli %scan3A_1722, %mul3A_1743 : i32
        %get3A_1745 = arith.index_cast %mul3A_1744 : i32 to index
        %get3A_1746 = tpu.vector_load %arg20[%get3A_1745] {strides = array<i32>} : memref<1024xf32, #tpu.memory_space<vmem>>, vector<16xf32>,
        %min3A_1747 = arith.minimumf %get3A_1746, %add3A_1742 : vector<16xf32>
        %mul3A_1748 = arith.constant 16 : i32
        %mul3A_1749 = arith.muli %scan3A_1722, %mul3A_1748 : i32
        %swap3A_1750 = arith.index_cast %mul3A_1749 : i32 to index
        %swap3A_1751 = tpu.vector_load %arg20[%swap3A_1750] {strides = array<i32>} : memref<1024xf32, #tpu.memory_space<vmem>>, vector<16xf32>,
        tpu.vector_store %arg20[%swap3A_1750], %min3A_1747 {strides = array<i32>} : memref<1024xf32, #tpu.memory_space<vmem>>, vector<16xf32>,
        %gt3A_1752 = arith.cmpf ogt, %min3A_1747, %select_n3A_1719 : vector<16xf32>
        %mul3A_1753 = arith.constant 16 : i32
        %mul3A_1754 = arith.muli %scan3A_1722, %mul3A_1753 : i32
        %broadcast_in_dim3A_1755 = vector.broadcast %mul3A_1754 : i32 to vector<16xi32>
        %add3A_1756 = arith.addi %iota3A, %broadcast_in_dim3A_1755 : vector<16xi32>
        %select_n3A_1757 = arith.select %gt3A_1752, %min3A_1747, %select_n3A_1719 : vector<16xi1>, vector<16xf32>
        %select_n3A_1758 = arith.select %gt3A_1752, %add3A_1756, %select_n3A_1720 : vector<16xi1>, vector<16xi32>
        %scan3A_1759 = arith.constant 3 : i32
        %scan3A_1760 = arith.addi %scan3A_1648, %scan3A_1759 : i32
        %mul3A_1761 = arith.constant 16 : i32
        %mul3A_1762 = arith.muli %scan3A_1760, %mul3A_1761 : i32
        %get3A_1763 = arith.index_cast %mul3A_1762 : i32 to index
        %get3A_1764 = tpu.vector_load %arg15[%get3A_1763] {strides = array<i32>} : memref<1040xf32, #tpu.memory_space<vmem>>, vector<16xf32>,
        %sub3A_1765 = arith.subf %get3A_1764, %broadcast_in_dim3A_1605 : vector<16xf32>
        %mul3A_1766 = arith.constant 16 : i32
        %mul3A_1767 = arith.muli %scan3A_1760, %mul3A_1766 : i32
        %get3A_1768 = arith.index_cast %mul3A_1767 : i32 to index
        %get3A_1769 = tpu.vector_load %arg16[%get3A_1768] {strides = array<i32>} : memref<1040xf32, #tpu.memory_space<vmem>>, vector<16xf32>,
        %sub3A_1770 = arith.subf %get3A_1769, %broadcast_in_dim3A_1610 : vector<16xf32>
        %mul3A_1771 = arith.constant 16 : i32
        %mul3A_1772 = arith.muli %scan3A_1760, %mul3A_1771 : i32
        %get3A_1773 = arith.index_cast %mul3A_1772 : i32 to index
        %get3A_1774 = tpu.vector_load %arg17[%get3A_1773] {strides = array<i32>} : memref<1040xf32, #tpu.memory_space<vmem>>, vector<16xf32>,
        %sub3A_1775 = arith.subf %get3A_1774, %broadcast_in_dim3A_1615 : vector<16xf32>
        %mul3A_1776 = arith.mulf %sub3A_1765, %sub3A_1765 : vector<16xf32>
        %mul3A_1777 = arith.mulf %sub3A_1770, %sub3A_1770 : vector<16xf32>
        %add3A_1778 = arith.addf %mul3A_1776, %mul3A_1777 : vector<16xf32>
        %mul3A_1779 = arith.mulf %sub3A_1775, %sub3A_1775 : vector<16xf32>
        %add3A_1780 = arith.addf %add3A_1778, %mul3A_1779 : vector<16xf32>
        %mul3A_1781 = arith.constant 16 : i32
        %mul3A_1782 = arith.muli %scan3A_1760, %mul3A_1781 : i32
        %get3A_1783 = arith.index_cast %mul3A_1782 : i32 to index
        %get3A_1784 = tpu.vector_load %arg20[%get3A_1783] {strides = array<i32>} : memref<1024xf32, #tpu.memory_space<vmem>>, vector<16xf32>,
        %min3A_1785 = arith.minimumf %get3A_1784, %add3A_1780 : vector<16xf32>
        %mul3A_1786 = arith.constant 16 : i32
        %mul3A_1787 = arith.muli %scan3A_1760, %mul3A_1786 : i32
        %swap3A_1788 = arith.index_cast %mul3A_1787 : i32 to index
        %swap3A_1789 = tpu.vector_load %arg20[%swap3A_1788] {strides = array<i32>} : memref<1024xf32, #tpu.memory_space<vmem>>, vector<16xf32>,
        tpu.vector_store %arg20[%swap3A_1788], %min3A_1785 {strides = array<i32>} : memref<1024xf32, #tpu.memory_space<vmem>>, vector<16xf32>,
        %gt3A_1790 = arith.cmpf ogt, %min3A_1785, %select_n3A_1757 : vector<16xf32>
        %mul3A_1791 = arith.constant 16 : i32
        %mul3A_1792 = arith.muli %scan3A_1760, %mul3A_1791 : i32
        %broadcast_in_dim3A_1793 = vector.broadcast %mul3A_1792 : i32 to vector<16xi32>
        %add3A_1794 = arith.addi %iota3A, %broadcast_in_dim3A_1793 : vector<16xi32>
        %select_n3A_1795 = arith.select %gt3A_1790, %min3A_1785, %select_n3A_1757 : vector<16xi1>, vector<16xf32>
        %select_n3A_1796 = arith.select %gt3A_1790, %add3A_1794, %select_n3A_1758 : vector<16xi1>, vector<16xi32>
        %scan3A_1797 = arith.constant 4 : i32
        %scan3A_1798 = arith.addi %scan3A_1648, %scan3A_1797 : i32
        %mul3A_1799 = arith.constant 16 : i32
        %mul3A_1800 = arith.muli %scan3A_1798, %mul3A_1799 : i32
        %get3A_1801 = arith.index_cast %mul3A_1800 : i32 to index
        %get3A_1802 = tpu.vector_load %arg15[%get3A_1801] {strides = array<i32>} : memref<1040xf32, #tpu.memory_space<vmem>>, vector<16xf32>,
        %sub3A_1803 = arith.subf %get3A_1802, %broadcast_in_dim3A_1605 : vector<16xf32>
        %mul3A_1804 = arith.constant 16 : i32
        %mul3A_1805 = arith.muli %scan3A_1798, %mul3A_1804 : i32
        %get3A_1806 = arith.index_cast %mul3A_1805 : i32 to index
        %get3A_1807 = tpu.vector_load %arg16[%get3A_1806] {strides = array<i32>} : memref<1040xf32, #tpu.memory_space<vmem>>, vector<16xf32>,
        %sub3A_1808 = arith.subf %get3A_1807, %broadcast_in_dim3A_1610 : vector<16xf32>
        %mul3A_1809 = arith.constant 16 : i32
        %mul3A_1810 = arith.muli %scan3A_1798, %mul3A_1809 : i32
        %get3A_1811 = arith.index_cast %mul3A_1810 : i32 to index
        %get3A_1812 = tpu.vector_load %arg17[%get3A_1811] {strides = array<i32>} : memref<1040xf32, #tpu.memory_space<vmem>>, vector<16xf32>,
        %sub3A_1813 = arith.subf %get3A_1812, %broadcast_in_dim3A_1615 : vector<16xf32>
        %mul3A_1814 = arith.mulf %sub3A_1803, %sub3A_1803 : vector<16xf32>
        %mul3A_1815 = arith.mulf %sub3A_1808, %sub3A_1808 : vector<16xf32>
        %add3A_1816 = arith.addf %mul3A_1814, %mul3A_1815 : vector<16xf32>
        %mul3A_1817 = arith.mulf %sub3A_1813, %sub3A_1813 : vector<16xf32>
        %add3A_1818 = arith.addf %add3A_1816, %mul3A_1817 : vector<16xf32>
        %mul3A_1819 = arith.constant 16 : i32
        %mul3A_1820 = arith.muli %scan3A_1798, %mul3A_1819 : i32
        %get3A_1821 = arith.index_cast %mul3A_1820 : i32 to index
        %get3A_1822 = tpu.vector_load %arg20[%get3A_1821] {strides = array<i32>} : memref<1024xf32, #tpu.memory_space<vmem>>, vector<16xf32>,
        %min3A_1823 = arith.minimumf %get3A_1822, %add3A_1818 : vector<16xf32>
        %mul3A_1824 = arith.constant 16 : i32
        %mul3A_1825 = arith.muli %scan3A_1798, %mul3A_1824 : i32
        %swap3A_1826 = arith.index_cast %mul3A_1825 : i32 to index
        %swap3A_1827 = tpu.vector_load %arg20[%swap3A_1826] {strides = array<i32>} : memref<1024xf32, #tpu.memory_space<vmem>>, vector<16xf32>,
        tpu.vector_store %arg20[%swap3A_1826], %min3A_1823 {strides = array<i32>} : memref<1024xf32, #tpu.memory_space<vmem>>, vector<16xf32>,
        %gt3A_1828 = arith.cmpf ogt, %min3A_1823, %select_n3A_1795 : vector<16xf32>
        %mul3A_1829 = arith.constant 16 : i32
        %mul3A_1830 = arith.muli %scan3A_1798, %mul3A_1829 : i32
        %broadcast_in_dim3A_1831 = vector.broadcast %mul3A_1830 : i32 to vector<16xi32>
        %add3A_1832 = arith.addi %iota3A, %broadcast_in_dim3A_1831 : vector<16xi32>
        %select_n3A_1833 = arith.select %gt3A_1828, %min3A_1823, %select_n3A_1795 : vector<16xi1>, vector<16xf32>
        %select_n3A_1834 = arith.select %gt3A_1828, %add3A_1832, %select_n3A_1796 : vector<16xi1>, vector<16xi32>
        %scan3A_1835 = arith.constant 5 : i32
        %scan3A_1836 = arith.addi %scan3A_1648, %scan3A_1835 : i32
        %mul3A_1837 = arith.constant 16 : i32
        %mul3A_1838 = arith.muli %scan3A_1836, %mul3A_1837 : i32
        %get3A_1839 = arith.index_cast %mul3A_1838 : i32 to index
        %get3A_1840 = tpu.vector_load %arg15[%get3A_1839] {strides = array<i32>} : memref<1040xf32, #tpu.memory_space<vmem>>, vector<16xf32>,
        %sub3A_1841 = arith.subf %get3A_1840, %broadcast_in_dim3A_1605 : vector<16xf32>
        %mul3A_1842 = arith.constant 16 : i32
        %mul3A_1843 = arith.muli %scan3A_1836, %mul3A_1842 : i32
        %get3A_1844 = arith.index_cast %mul3A_1843 : i32 to index
        %get3A_1845 = tpu.vector_load %arg16[%get3A_1844] {strides = array<i32>} : memref<1040xf32, #tpu.memory_space<vmem>>, vector<16xf32>,
        %sub3A_1846 = arith.subf %get3A_1845, %broadcast_in_dim3A_1610 : vector<16xf32>
        %mul3A_1847 = arith.constant 16 : i32
        %mul3A_1848 = arith.muli %scan3A_1836, %mul3A_1847 : i32
        %get3A_1849 = arith.index_cast %mul3A_1848 : i32 to index
        %get3A_1850 = tpu.vector_load %arg17[%get3A_1849] {strides = array<i32>} : memref<1040xf32, #tpu.memory_space<vmem>>, vector<16xf32>,
        %sub3A_1851 = arith.subf %get3A_1850, %broadcast_in_dim3A_1615 : vector<16xf32>
        %mul3A_1852 = arith.mulf %sub3A_1841, %sub3A_1841 : vector<16xf32>
        %mul3A_1853 = arith.mulf %sub3A_1846, %sub3A_1846 : vector<16xf32>
        %add3A_1854 = arith.addf %mul3A_1852, %mul3A_1853 : vector<16xf32>
        %mul3A_1855 = arith.mulf %sub3A_1851, %sub3A_1851 : vector<16xf32>
        %add3A_1856 = arith.addf %add3A_1854, %mul3A_1855 : vector<16xf32>
        %mul3A_1857 = arith.constant 16 : i32
        %mul3A_1858 = arith.muli %scan3A_1836, %mul3A_1857 : i32
        %get3A_1859 = arith.index_cast %mul3A_1858 : i32 to index
        %get3A_1860 = tpu.vector_load %arg20[%get3A_1859] {strides = array<i32>} : memref<1024xf32, #tpu.memory_space<vmem>>, vector<16xf32>,
        %min3A_1861 = arith.minimumf %get3A_1860, %add3A_1856 : vector<16xf32>
        %mul3A_1862 = arith.constant 16 : i32
        %mul3A_1863 = arith.muli %scan3A_1836, %mul3A_1862 : i32
        %swap3A_1864 = arith.index_cast %mul3A_1863 : i32 to index
        %swap3A_1865 = tpu.vector_load %arg20[%swap3A_1864] {strides = array<i32>} : memref<1024xf32, #tpu.memory_space<vmem>>, vector<16xf32>,
        tpu.vector_store %arg20[%swap3A_1864], %min3A_1861 {strides = array<i32>} : memref<1024xf32, #tpu.memory_space<vmem>>, vector<16xf32>,
        %gt3A_1866 = arith.cmpf ogt, %min3A_1861, %select_n3A_1833 : vector<16xf32>
        %mul3A_1867 = arith.constant 16 : i32
        %mul3A_1868 = arith.muli %scan3A_1836, %mul3A_1867 : i32
        %broadcast_in_dim3A_1869 = vector.broadcast %mul3A_1868 : i32 to vector<16xi32>
        %add3A_1870 = arith.addi %iota3A, %broadcast_in_dim3A_1869 : vector<16xi32>
        %select_n3A_1871 = arith.select %gt3A_1866, %min3A_1861, %select_n3A_1833 : vector<16xi1>, vector<16xf32>
        %select_n3A_1872 = arith.select %gt3A_1866, %add3A_1870, %select_n3A_1834 : vector<16xi1>, vector<16xi32>
        %scan3A_1873 = arith.constant 6 : i32
        %scan3A_1874 = arith.addi %scan3A_1648, %scan3A_1873 : i32
        %mul3A_1875 = arith.constant 16 : i32
        %mul3A_1876 = arith.muli %scan3A_1874, %mul3A_1875 : i32
        %get3A_1877 = arith.index_cast %mul3A_1876 : i32 to index
        %get3A_1878 = tpu.vector_load %arg15[%get3A_1877] {strides = array<i32>} : memref<1040xf32, #tpu.memory_space<vmem>>, vector<16xf32>,
        %sub3A_1879 = arith.subf %get3A_1878, %broadcast_in_dim3A_1605 : vector<16xf32>
        %mul3A_1880 = arith.constant 16 : i32
        %mul3A_1881 = arith.muli %scan3A_1874, %mul3A_1880 : i32
        %get3A_1882 = arith.index_cast %mul3A_1881 : i32 to index
        %get3A_1883 = tpu.vector_load %arg16[%get3A_1882] {strides = array<i32>} : memref<1040xf32, #tpu.memory_space<vmem>>, vector<16xf32>,
        %sub3A_1884 = arith.subf %get3A_1883, %broadcast_in_dim3A_1610 : vector<16xf32>
        %mul3A_1885 = arith.constant 16 : i32
        %mul3A_1886 = arith.muli %scan3A_1874, %mul3A_1885 : i32
        %get3A_1887 = arith.index_cast %mul3A_1886 : i32 to index
        %get3A_1888 = tpu.vector_load %arg17[%get3A_1887] {strides = array<i32>} : memref<1040xf32, #tpu.memory_space<vmem>>, vector<16xf32>,
        %sub3A_1889 = arith.subf %get3A_1888, %broadcast_in_dim3A_1615 : vector<16xf32>
        %mul3A_1890 = arith.mulf %sub3A_1879, %sub3A_1879 : vector<16xf32>
        %mul3A_1891 = arith.mulf %sub3A_1884, %sub3A_1884 : vector<16xf32>
        %add3A_1892 = arith.addf %mul3A_1890, %mul3A_1891 : vector<16xf32>
        %mul3A_1893 = arith.mulf %sub3A_1889, %sub3A_1889 : vector<16xf32>
        %add3A_1894 = arith.addf %add3A_1892, %mul3A_1893 : vector<16xf32>
        %mul3A_1895 = arith.constant 16 : i32
        %mul3A_1896 = arith.muli %scan3A_1874, %mul3A_1895 : i32
        %get3A_1897 = arith.index_cast %mul3A_1896 : i32 to index
        %get3A_1898 = tpu.vector_load %arg20[%get3A_1897] {strides = array<i32>} : memref<1024xf32, #tpu.memory_space<vmem>>, vector<16xf32>,
        %min3A_1899 = arith.minimumf %get3A_1898, %add3A_1894 : vector<16xf32>
        %mul3A_1900 = arith.constant 16 : i32
        %mul3A_1901 = arith.muli %scan3A_1874, %mul3A_1900 : i32
        %swap3A_1902 = arith.index_cast %mul3A_1901 : i32 to index
        %swap3A_1903 = tpu.vector_load %arg20[%swap3A_1902] {strides = array<i32>} : memref<1024xf32, #tpu.memory_space<vmem>>, vector<16xf32>,
        tpu.vector_store %arg20[%swap3A_1902], %min3A_1899 {strides = array<i32>} : memref<1024xf32, #tpu.memory_space<vmem>>, vector<16xf32>,
        %gt3A_1904 = arith.cmpf ogt, %min3A_1899, %select_n3A_1871 : vector<16xf32>
        %mul3A_1905 = arith.constant 16 : i32
        %mul3A_1906 = arith.muli %scan3A_1874, %mul3A_1905 : i32
        %broadcast_in_dim3A_1907 = vector.broadcast %mul3A_1906 : i32 to vector<16xi32>
        %add3A_1908 = arith.addi %iota3A, %broadcast_in_dim3A_1907 : vector<16xi32>
        %select_n3A_1909 = arith.select %gt3A_1904, %min3A_1899, %select_n3A_1871 : vector<16xi1>, vector<16xf32>
        %select_n3A_1910 = arith.select %gt3A_1904, %add3A_1908, %select_n3A_1872 : vector<16xi1>, vector<16xi32>
        %scan3A_1911 = arith.constant 7 : i32
        %scan3A_1912 = arith.addi %scan3A_1648, %scan3A_1911 : i32
        %mul3A_1913 = arith.constant 16 : i32
        %mul3A_1914 = arith.muli %scan3A_1912, %mul3A_1913 : i32
        %get3A_1915 = arith.index_cast %mul3A_1914 : i32 to index
        %get3A_1916 = tpu.vector_load %arg15[%get3A_1915] {strides = array<i32>} : memref<1040xf32, #tpu.memory_space<vmem>>, vector<16xf32>,
        %sub3A_1917 = arith.subf %get3A_1916, %broadcast_in_dim3A_1605 : vector<16xf32>
        %mul3A_1918 = arith.constant 16 : i32
        %mul3A_1919 = arith.muli %scan3A_1912, %mul3A_1918 : i32
        %get3A_1920 = arith.index_cast %mul3A_1919 : i32 to index
        %get3A_1921 = tpu.vector_load %arg16[%get3A_1920] {strides = array<i32>} : memref<1040xf32, #tpu.memory_space<vmem>>, vector<16xf32>,
        %sub3A_1922 = arith.subf %get3A_1921, %broadcast_in_dim3A_1610 : vector<16xf32>
        %mul3A_1923 = arith.constant 16 : i32
        %mul3A_1924 = arith.muli %scan3A_1912, %mul3A_1923 : i32
        %get3A_1925 = arith.index_cast %mul3A_1924 : i32 to index
        %get3A_1926 = tpu.vector_load %arg17[%get3A_1925] {strides = array<i32>} : memref<1040xf32, #tpu.memory_space<vmem>>, vector<16xf32>,
        %sub3A_1927 = arith.subf %get3A_1926, %broadcast_in_dim3A_1615 : vector<16xf32>
        %mul3A_1928 = arith.mulf %sub3A_1917, %sub3A_1917 : vector<16xf32>
        %mul3A_1929 = arith.mulf %sub3A_1922, %sub3A_1922 : vector<16xf32>
        %add3A_1930 = arith.addf %mul3A_1928, %mul3A_1929 : vector<16xf32>
        %mul3A_1931 = arith.mulf %sub3A_1927, %sub3A_1927 : vector<16xf32>
        %add3A_1932 = arith.addf %add3A_1930, %mul3A_1931 : vector<16xf32>
        %mul3A_1933 = arith.constant 16 : i32
        %mul3A_1934 = arith.muli %scan3A_1912, %mul3A_1933 : i32
        %get3A_1935 = arith.index_cast %mul3A_1934 : i32 to index
        %get3A_1936 = tpu.vector_load %arg20[%get3A_1935] {strides = array<i32>} : memref<1024xf32, #tpu.memory_space<vmem>>, vector<16xf32>,
        %min3A_1937 = arith.minimumf %get3A_1936, %add3A_1932 : vector<16xf32>
        %mul3A_1938 = arith.constant 16 : i32
        %mul3A_1939 = arith.muli %scan3A_1912, %mul3A_1938 : i32
        %swap3A_1940 = arith.index_cast %mul3A_1939 : i32 to index
        %swap3A_1941 = tpu.vector_load %arg20[%swap3A_1940] {strides = array<i32>} : memref<1024xf32, #tpu.memory_space<vmem>>, vector<16xf32>,
        tpu.vector_store %arg20[%swap3A_1940], %min3A_1937 {strides = array<i32>} : memref<1024xf32, #tpu.memory_space<vmem>>, vector<16xf32>,
        %gt3A_1942 = arith.cmpf ogt, %min3A_1937, %select_n3A_1909 : vector<16xf32>
        %mul3A_1943 = arith.constant 16 : i32
        %mul3A_1944 = arith.muli %scan3A_1912, %mul3A_1943 : i32
        %broadcast_in_dim3A_1945 = vector.broadcast %mul3A_1944 : i32 to vector<16xi32>
        %add3A_1946 = arith.addi %iota3A, %broadcast_in_dim3A_1945 : vector<16xi32>
        %select_n3A_1947 = arith.select %gt3A_1942, %min3A_1937, %select_n3A_1909 : vector<16xi1>, vector<16xf32>
        %select_n3A_1948 = arith.select %gt3A_1942, %add3A_1946, %select_n3A_1910 : vector<16xi1>, vector<16xi32>
        scf.yield %select_n3A_1947, %select_n3A_1948 : vector<16xf32>, vector<16xi32>
      }
      %scan3A_1625 = arith.constant 64 : i32
      %reduce_max3A = arith.constant true
      %reduce_max3A_1626 = vector.broadcast %reduce_max3A : i1 to vector<16xi1>
      %reduce_max3A_1627 = tpu.scan <max>, %scan3A_1624#0 masked %reduce_max3A_1626 : vector<16xf32>, vector<16xi1> -> vector<16xf32>
      %reduce_max3A_1628 = vector.extract %reduce_max3A_1627[15] : f32 from vector<16xf32>
      %broadcast_in_dim3A_1629 = vector.broadcast %reduce_max3A_1628 : f32 to vector<16xf32>
      %broadcast_in_dim3A_1630 = arith.constant 1024 : i32
      %broadcast_in_dim3A_1631 = vector.broadcast %broadcast_in_dim3A_1630 : i32 to vector<16xi32>
      %eq3A_1632 = arith.cmpf oeq, %scan3A_1624#0, %broadcast_in_dim3A_1629 : vector<16xf32>
      %select_n3A_1633 = arith.select %eq3A_1632, %scan3A_1624#1, %broadcast_in_dim3A_1631 : vector<16xi1>, vector<16xi32>
      %reduce_min3A_1634 = arith.constant true
      %reduce_min3A_1635 = vector.broadcast %reduce_min3A_1634 : i1 to vector<16xi1>
      %reduce_min3A_1636 = arith.constant -2147483648 : i32
      %reduce_min3A_1637 = vector.broadcast %reduce_min3A_1636 : i32 to vector<16xi32>
      %reduce_min3A_1638 = arith.xori %select_n3A_1633, %reduce_min3A_1637 : vector<16xi32>
      %reduce_min3A_1639 = tpu.scan <min>, %reduce_min3A_1638 masked %reduce_min3A_1635 : vector<16xi32>, vector<16xi1> -> vector<16xi32>
      %reduce_min3A_1640 = arith.xori %reduce_min3A_1639, %reduce_min3A_1637 : vector<16xi32>
      %reduce_min3A_1641 = vector.extract %reduce_min3A_1640[15] : i32 from vector<16xi32>
      %get3A_1642 = arith.index_cast %reduce_min3A_1641 : i32 to index
      %get3A_1643 = tpu.vector_load %arg19[%get3A_1642] {strides = array<i32>} : memref<1040xi32, #tpu.memory_space<vmem>>, vector<16xi32>,
      %slice3A_1644 = vector.extract_strided_slice %get3A_1643 {offsets = [0], sizes = [1], strides = [1]} : vector<16xi32> to vector<1xi32>
      %squeeze3A_1645 = vector.extract %slice3A_1644[0] : i32 from vector<1xi32>
      %broadcast_in_dim3A_1646 = vector.broadcast %squeeze3A_1645 : i32 to vector<16xi32>
      %broadcast_in_dim3A_1647 = vector.broadcast %scan3A_1599 : i32 to vector<16xi32>
      tpu.vector_store_idx %arg21[%broadcast_in_dim3A_1647], %broadcast_in_dim3A_1646 masked %eq3A_854 : memref<128xi32, #tpu.memory_space<vmem>>[vector<16xi32>], vector<16xi32>, vector<16xi1>
      scf.yield %reduce_min3A_1641 : i32
    }
    %scan3A_862 = arith.constant 31 : i32
    "tpu.region"() ({
      %run_scoped3A = tpu.sem_alloc : memref<!tpu.dma_semaphore, #tpu.memory_space<semaphore_mem>>
      %dma_start3A_1599 = arith.constant 0 : i32
      %dma_start3A_1600 = tpu.memref_slice %arg9[%add3A_798, %dma_start3A_1599] : memref<64x128xi32, #tpu.memory_space<hbm>> -> memref<1x128xi32, #tpu.memory_space<hbm>>
      %dma_start3A_1601 = tpu.memref_squeeze %dma_start3A_1600 : memref<1x128xi32, #tpu.memory_space<hbm>> -> memref<128xi32, #tpu.memory_space<hbm>>
      %dma_start3A_1602 = arith.constant 0 : i32
      %dma_start3A_1603 = tpu.memref_slice %arg9[%add3A_798, %dma_start3A_1602] : memref<64x128xi32, #tpu.memory_space<hbm>> -> memref<1x128xi32, #tpu.memory_space<hbm>>
      %dma_start3A_1604 = tpu.memref_squeeze %dma_start3A_1603 : memref<1x128xi32, #tpu.memory_space<hbm>> -> memref<128xi32, #tpu.memory_space<hbm>>
      tpu.enqueue_dma source(%arg21 : memref<128xi32, #tpu.memory_space<vmem>>) target(%dma_start3A_1604 : memref<128xi32, #tpu.memory_space<hbm>>) target_semaphore(%run_scoped3A : memref<!tpu.dma_semaphore, #tpu.memory_space<semaphore_mem>>)
      %dma_wait3A_1605 = arith.constant 0 : i32
      %dma_wait3A_1606 = tpu.memref_slice %arg9[%add3A_798, %dma_wait3A_1605] : memref<64x128xi32, #tpu.memory_space<hbm>> -> memref<1x128xi32, #tpu.memory_space<hbm>>
      %dma_wait3A_1607 = tpu.memref_squeeze %dma_wait3A_1606 : memref<1x128xi32, #tpu.memory_space<hbm>> -> memref<128xi32, #tpu.memory_space<hbm>>
      %dma_wait3A_1608 = arith.constant 0 : i32
      %dma_wait3A_1609 = tpu.memref_slice %arg9[%add3A_798, %dma_wait3A_1608] : memref<64x128xi32, #tpu.memory_space<hbm>> -> memref<1x128xi32, #tpu.memory_space<hbm>>
      %dma_wait3A_1610 = tpu.memref_squeeze %dma_wait3A_1609 : memref<1x128xi32, #tpu.memory_space<hbm>> -> memref<128xi32, #tpu.memory_space<hbm>>
      tpu.wait_dma2 semaphore(%run_scoped3A : memref<!tpu.dma_semaphore, #tpu.memory_space<semaphore_mem>>) src(%arg21 : memref<128xi32, #tpu.memory_space<vmem>>) dst(%dma_wait3A_1610 : memref<128xi32, #tpu.memory_space<hbm>>)
      tpu.yield
    }) : () -> ()
    %get3A_863 = arith.constant 0 : index
    %get3A_864 = tpu.vector_load %arg21[%get3A_863] {strides = array<i32>} : memref<128xi32, #tpu.memory_space<vmem>>, vector<16xi32>,
    %slice3A_865 = vector.extract_strided_slice %get3A_864 {offsets = [0], sizes = [1], strides = [1]} : vector<16xi32> to vector<1xi32>
    %squeeze3A_866 = vector.extract %slice3A_865[0] : i32 from vector<1xi32>
    %mul3A_867 = arith.constant 4096 : i32
    %mul3A_868 = arith.muli %add3A_798, %mul3A_867 : i32
    %add3A_869 = arith.addi %squeeze3A_866, %mul3A_868 : i32
    %mul3A_870 = arith.constant 32 : i32
    %mul3A_871 = arith.muli %add3A_798, %mul3A_870 : i32
    %add3A_872 = arith.constant 0 : i32
    %add3A_873 = arith.addi %mul3A_871, %add3A_872 : i32
    %dma_start3A_874 = arith.constant 0 : i32
    %dma_start3A_875 = tpu.memref_slice %arg10[%add3A_873, %dma_start3A_874] : memref<2048x32xf32, #tpu.memory_space<hbm>> -> memref<1x32xf32, #tpu.memory_space<hbm>>
    %dma_start3A_876 = tpu.memref_squeeze %dma_start3A_875 : memref<1x32xf32, #tpu.memory_space<hbm>> -> memref<32xf32, #tpu.memory_space<hbm>>
    %dma_start3A_877 = arith.constant 0 : i32
    %dma_start3A_878 = tpu.memref_slice %arg8[%add3A_869, %dma_start3A_877] : memref<262144x32xf32, #tpu.memory_space<hbm>> -> memref<1x32xf32, #tpu.memory_space<hbm>>
    %dma_start3A_879 = tpu.memref_squeeze %dma_start3A_878 : memref<1x32xf32, #tpu.memory_space<hbm>> -> memref<32xf32, #tpu.memory_space<hbm>>
    tpu.enqueue_dma source(%dma_start3A_879 : memref<32xf32, #tpu.memory_space<hbm>>) target(%dma_start3A_876 : memref<32xf32, #tpu.memory_space<hbm>>) target_semaphore(%arg24 : memref<!tpu.dma_semaphore, #tpu.memory_space<semaphore_mem>>)
    %get3A_880 = arith.constant 1 : index
    %get3A_881 = tpu.vector_load %arg21[%get3A_880] {strides = array<i32>} : memref<128xi32, #tpu.memory_space<vmem>>, vector<16xi32>,
    %slice3A_882 = vector.extract_strided_slice %get3A_881 {offsets = [0], sizes = [1], strides = [1]} : vector<16xi32> to vector<1xi32>
    %squeeze3A_883 = vector.extract %slice3A_882[0] : i32 from vector<1xi32>
    %mul3A_884 = arith.constant 4096 : i32
    %mul3A_885 = arith.muli %add3A_798, %mul3A_884 : i32
    %add3A_886 = arith.addi %squeeze3A_883, %mul3A_885 : i32
    %mul3A_887 = arith.constant 32 : i32
    %mul3A_888 = arith.muli %add3A_798, %mul3A_887 : i32
    %add3A_889 = arith.constant 1 : i32
    %add3A_890 = arith.addi %mul3A_888, %add3A_889 : i32
    %dma_start3A_891 = arith.constant 0 : i32
    %dma_start3A_892 = tpu.memref_slice %arg10[%add3A_890, %dma_start3A_891] : memref<2048x32xf32, #tpu.memory_space<hbm>> -> memref<1x32xf32, #tpu.memory_space<hbm>>
    %dma_start3A_893 = tpu.memref_squeeze %dma_start3A_892 : memref<1x32xf32, #tpu.memory_space<hbm>> -> memref<32xf32, #tpu.memory_space<hbm>>
    %dma_start3A_894 = arith.constant 0 : i32
    %dma_start3A_895 = tpu.memref_slice %arg8[%add3A_886, %dma_start3A_894] : memref<262144x32xf32, #tpu.memory_space<hbm>> -> memref<1x32xf32, #tpu.memory_space<hbm>>
    %dma_start3A_896 = tpu.memref_squeeze %dma_start3A_895 : memref<1x32xf32, #tpu.memory_space<hbm>> -> memref<32xf32, #tpu.memory_space<hbm>>
    tpu.enqueue_dma source(%dma_start3A_896 : memref<32xf32, #tpu.memory_space<hbm>>) target(%dma_start3A_893 : memref<32xf32, #tpu.memory_space<hbm>>) target_semaphore(%arg24 : memref<!tpu.dma_semaphore, #tpu.memory_space<semaphore_mem>>)
    %get3A_897 = arith.constant 2 : index
    %get3A_898 = tpu.vector_load %arg21[%get3A_897] {strides = array<i32>} : memref<128xi32, #tpu.memory_space<vmem>>, vector<16xi32>,
    %slice3A_899 = vector.extract_strided_slice %get3A_898 {offsets = [0], sizes = [1], strides = [1]} : vector<16xi32> to vector<1xi32>
    %squeeze3A_900 = vector.extract %slice3A_899[0] : i32 from vector<1xi32>
    %mul3A_901 = arith.constant 4096 : i32
    %mul3A_902 = arith.muli %add3A_798, %mul3A_901 : i32
    %add3A_903 = arith.addi %squeeze3A_900, %mul3A_902 : i32
    %mul3A_904 = arith.constant 32 : i32
    %mul3A_905 = arith.muli %add3A_798, %mul3A_904 : i32
    %add3A_906 = arith.constant 2 : i32
    %add3A_907 = arith.addi %mul3A_905, %add3A_906 : i32
    %dma_start3A_908 = arith.constant 0 : i32
    %dma_start3A_909 = tpu.memref_slice %arg10[%add3A_907, %dma_start3A_908] : memref<2048x32xf32, #tpu.memory_space<hbm>> -> memref<1x32xf32, #tpu.memory_space<hbm>>
    %dma_start3A_910 = tpu.memref_squeeze %dma_start3A_909 : memref<1x32xf32, #tpu.memory_space<hbm>> -> memref<32xf32, #tpu.memory_space<hbm>>
    %dma_start3A_911 = arith.constant 0 : i32
    %dma_start3A_912 = tpu.memref_slice %arg8[%add3A_903, %dma_start3A_911] : memref<262144x32xf32, #tpu.memory_space<hbm>> -> memref<1x32xf32, #tpu.memory_space<hbm>>
    %dma_start3A_913 = tpu.memref_squeeze %dma_start3A_912 : memref<1x32xf32, #tpu.memory_space<hbm>> -> memref<32xf32, #tpu.memory_space<hbm>>
    tpu.enqueue_dma source(%dma_start3A_913 : memref<32xf32, #tpu.memory_space<hbm>>) target(%dma_start3A_910 : memref<32xf32, #tpu.memory_space<hbm>>) target_semaphore(%arg24 : memref<!tpu.dma_semaphore, #tpu.memory_space<semaphore_mem>>)
    %get3A_914 = arith.constant 3 : index
    %get3A_915 = tpu.vector_load %arg21[%get3A_914] {strides = array<i32>} : memref<128xi32, #tpu.memory_space<vmem>>, vector<16xi32>,
    %slice3A_916 = vector.extract_strided_slice %get3A_915 {offsets = [0], sizes = [1], strides = [1]} : vector<16xi32> to vector<1xi32>
    %squeeze3A_917 = vector.extract %slice3A_916[0] : i32 from vector<1xi32>
    %mul3A_918 = arith.constant 4096 : i32
    %mul3A_919 = arith.muli %add3A_798, %mul3A_918 : i32
    %add3A_920 = arith.addi %squeeze3A_917, %mul3A_919 : i32
    %mul3A_921 = arith.constant 32 : i32
    %mul3A_922 = arith.muli %add3A_798, %mul3A_921 : i32
    %add3A_923 = arith.constant 3 : i32
    %add3A_924 = arith.addi %mul3A_922, %add3A_923 : i32
    %dma_start3A_925 = arith.constant 0 : i32
    %dma_start3A_926 = tpu.memref_slice %arg10[%add3A_924, %dma_start3A_925] : memref<2048x32xf32, #tpu.memory_space<hbm>> -> memref<1x32xf32, #tpu.memory_space<hbm>>
    %dma_start3A_927 = tpu.memref_squeeze %dma_start3A_926 : memref<1x32xf32, #tpu.memory_space<hbm>> -> memref<32xf32, #tpu.memory_space<hbm>>
    %dma_start3A_928 = arith.constant 0 : i32
    %dma_start3A_929 = tpu.memref_slice %arg8[%add3A_920, %dma_start3A_928] : memref<262144x32xf32, #tpu.memory_space<hbm>> -> memref<1x32xf32, #tpu.memory_space<hbm>>
    %dma_start3A_930 = tpu.memref_squeeze %dma_start3A_929 : memref<1x32xf32, #tpu.memory_space<hbm>> -> memref<32xf32, #tpu.memory_space<hbm>>
    tpu.enqueue_dma source(%dma_start3A_930 : memref<32xf32, #tpu.memory_space<hbm>>) target(%dma_start3A_927 : memref<32xf32, #tpu.memory_space<hbm>>) target_semaphore(%arg24 : memref<!tpu.dma_semaphore, #tpu.memory_space<semaphore_mem>>)
    %get3A_931 = arith.constant 4 : index
    %get3A_932 = tpu.vector_load %arg21[%get3A_931] {strides = array<i32>} : memref<128xi32, #tpu.memory_space<vmem>>, vector<16xi32>,
    %slice3A_933 = vector.extract_strided_slice %get3A_932 {offsets = [0], sizes = [1], strides = [1]} : vector<16xi32> to vector<1xi32>
    %squeeze3A_934 = vector.extract %slice3A_933[0] : i32 from vector<1xi32>
    %mul3A_935 = arith.constant 4096 : i32
    %mul3A_936 = arith.muli %add3A_798, %mul3A_935 : i32
    %add3A_937 = arith.addi %squeeze3A_934, %mul3A_936 : i32
    %mul3A_938 = arith.constant 32 : i32
    %mul3A_939 = arith.muli %add3A_798, %mul3A_938 : i32
    %add3A_940 = arith.constant 4 : i32
    %add3A_941 = arith.addi %mul3A_939, %add3A_940 : i32
    %dma_start3A_942 = arith.constant 0 : i32
    %dma_start3A_943 = tpu.memref_slice %arg10[%add3A_941, %dma_start3A_942] : memref<2048x32xf32, #tpu.memory_space<hbm>> -> memref<1x32xf32, #tpu.memory_space<hbm>>
    %dma_start3A_944 = tpu.memref_squeeze %dma_start3A_943 : memref<1x32xf32, #tpu.memory_space<hbm>> -> memref<32xf32, #tpu.memory_space<hbm>>
    %dma_start3A_945 = arith.constant 0 : i32
    %dma_start3A_946 = tpu.memref_slice %arg8[%add3A_937, %dma_start3A_945] : memref<262144x32xf32, #tpu.memory_space<hbm>> -> memref<1x32xf32, #tpu.memory_space<hbm>>
    %dma_start3A_947 = tpu.memref_squeeze %dma_start3A_946 : memref<1x32xf32, #tpu.memory_space<hbm>> -> memref<32xf32, #tpu.memory_space<hbm>>
    tpu.enqueue_dma source(%dma_start3A_947 : memref<32xf32, #tpu.memory_space<hbm>>) target(%dma_start3A_944 : memref<32xf32, #tpu.memory_space<hbm>>) target_semaphore(%arg24 : memref<!tpu.dma_semaphore, #tpu.memory_space<semaphore_mem>>)
    %get3A_948 = arith.constant 5 : index
    %get3A_949 = tpu.vector_load %arg21[%get3A_948] {strides = array<i32>} : memref<128xi32, #tpu.memory_space<vmem>>, vector<16xi32>,
    %slice3A_950 = vector.extract_strided_slice %get3A_949 {offsets = [0], sizes = [1], strides = [1]} : vector<16xi32> to vector<1xi32>
    %squeeze3A_951 = vector.extract %slice3A_950[0] : i32 from vector<1xi32>
    %mul3A_952 = arith.constant 4096 : i32
    %mul3A_953 = arith.muli %add3A_798, %mul3A_952 : i32
    %add3A_954 = arith.addi %squeeze3A_951, %mul3A_953 : i32
    %mul3A_955 = arith.constant 32 : i32
    %mul3A_956 = arith.muli %add3A_798, %mul3A_955 : i32
    %add3A_957 = arith.constant 5 : i32
    %add3A_958 = arith.addi %mul3A_956, %add3A_957 : i32
    %dma_start3A_959 = arith.constant 0 : i32
    %dma_start3A_960 = tpu.memref_slice %arg10[%add3A_958, %dma_start3A_959] : memref<2048x32xf32, #tpu.memory_space<hbm>> -> memref<1x32xf32, #tpu.memory_space<hbm>>
    %dma_start3A_961 = tpu.memref_squeeze %dma_start3A_960 : memref<1x32xf32, #tpu.memory_space<hbm>> -> memref<32xf32, #tpu.memory_space<hbm>>
    %dma_start3A_962 = arith.constant 0 : i32
    %dma_start3A_963 = tpu.memref_slice %arg8[%add3A_954, %dma_start3A_962] : memref<262144x32xf32, #tpu.memory_space<hbm>> -> memref<1x32xf32, #tpu.memory_space<hbm>>
    %dma_start3A_964 = tpu.memref_squeeze %dma_start3A_963 : memref<1x32xf32, #tpu.memory_space<hbm>> -> memref<32xf32, #tpu.memory_space<hbm>>
    tpu.enqueue_dma source(%dma_start3A_964 : memref<32xf32, #tpu.memory_space<hbm>>) target(%dma_start3A_961 : memref<32xf32, #tpu.memory_space<hbm>>) target_semaphore(%arg24 : memref<!tpu.dma_semaphore, #tpu.memory_space<semaphore_mem>>)
    %get3A_965 = arith.constant 6 : index
    %get3A_966 = tpu.vector_load %arg21[%get3A_965] {strides = array<i32>} : memref<128xi32, #tpu.memory_space<vmem>>, vector<16xi32>,
    %slice3A_967 = vector.extract_strided_slice %get3A_966 {offsets = [0], sizes = [1], strides = [1]} : vector<16xi32> to vector<1xi32>
    %squeeze3A_968 = vector.extract %slice3A_967[0] : i32 from vector<1xi32>
    %mul3A_969 = arith.constant 4096 : i32
    %mul3A_970 = arith.muli %add3A_798, %mul3A_969 : i32
    %add3A_971 = arith.addi %squeeze3A_968, %mul3A_970 : i32
    %mul3A_972 = arith.constant 32 : i32
    %mul3A_973 = arith.muli %add3A_798, %mul3A_972 : i32
    %add3A_974 = arith.constant 6 : i32
    %add3A_975 = arith.addi %mul3A_973, %add3A_974 : i32
    %dma_start3A_976 = arith.constant 0 : i32
    %dma_start3A_977 = tpu.memref_slice %arg10[%add3A_975, %dma_start3A_976] : memref<2048x32xf32, #tpu.memory_space<hbm>> -> memref<1x32xf32, #tpu.memory_space<hbm>>
    %dma_start3A_978 = tpu.memref_squeeze %dma_start3A_977 : memref<1x32xf32, #tpu.memory_space<hbm>> -> memref<32xf32, #tpu.memory_space<hbm>>
    %dma_start3A_979 = arith.constant 0 : i32
    %dma_start3A_980 = tpu.memref_slice %arg8[%add3A_971, %dma_start3A_979] : memref<262144x32xf32, #tpu.memory_space<hbm>> -> memref<1x32xf32, #tpu.memory_space<hbm>>
    %dma_start3A_981 = tpu.memref_squeeze %dma_start3A_980 : memref<1x32xf32, #tpu.memory_space<hbm>> -> memref<32xf32, #tpu.memory_space<hbm>>
    tpu.enqueue_dma source(%dma_start3A_981 : memref<32xf32, #tpu.memory_space<hbm>>) target(%dma_start3A_978 : memref<32xf32, #tpu.memory_space<hbm>>) target_semaphore(%arg24 : memref<!tpu.dma_semaphore, #tpu.memory_space<semaphore_mem>>)
    %get3A_982 = arith.constant 7 : index
    %get3A_983 = tpu.vector_load %arg21[%get3A_982] {strides = array<i32>} : memref<128xi32, #tpu.memory_space<vmem>>, vector<16xi32>,
    %slice3A_984 = vector.extract_strided_slice %get3A_983 {offsets = [0], sizes = [1], strides = [1]} : vector<16xi32> to vector<1xi32>
    %squeeze3A_985 = vector.extract %slice3A_984[0] : i32 from vector<1xi32>
    %mul3A_986 = arith.constant 4096 : i32
    %mul3A_987 = arith.muli %add3A_798, %mul3A_986 : i32
    %add3A_988 = arith.addi %squeeze3A_985, %mul3A_987 : i32
    %mul3A_989 = arith.constant 32 : i32
    %mul3A_990 = arith.muli %add3A_798, %mul3A_989 : i32
    %add3A_991 = arith.constant 7 : i32
    %add3A_992 = arith.addi %mul3A_990, %add3A_991 : i32
    %dma_start3A_993 = arith.constant 0 : i32
    %dma_start3A_994 = tpu.memref_slice %arg10[%add3A_992, %dma_start3A_993] : memref<2048x32xf32, #tpu.memory_space<hbm>> -> memref<1x32xf32, #tpu.memory_space<hbm>>
    %dma_start3A_995 = tpu.memref_squeeze %dma_start3A_994 : memref<1x32xf32, #tpu.memory_space<hbm>> -> memref<32xf32, #tpu.memory_space<hbm>>
    %dma_start3A_996 = arith.constant 0 : i32
    %dma_start3A_997 = tpu.memref_slice %arg8[%add3A_988, %dma_start3A_996] : memref<262144x32xf32, #tpu.memory_space<hbm>> -> memref<1x32xf32, #tpu.memory_space<hbm>>
    %dma_start3A_998 = tpu.memref_squeeze %dma_start3A_997 : memref<1x32xf32, #tpu.memory_space<hbm>> -> memref<32xf32, #tpu.memory_space<hbm>>
    tpu.enqueue_dma source(%dma_start3A_998 : memref<32xf32, #tpu.memory_space<hbm>>) target(%dma_start3A_995 : memref<32xf32, #tpu.memory_space<hbm>>) target_semaphore(%arg24 : memref<!tpu.dma_semaphore, #tpu.memory_space<semaphore_mem>>)
    %get3A_999 = arith.constant 8 : index
    %get3A_1000 = tpu.vector_load %arg21[%get3A_999] {strides = array<i32>} : memref<128xi32, #tpu.memory_space<vmem>>, vector<16xi32>,
    %slice3A_1001 = vector.extract_strided_slice %get3A_1000 {offsets = [0], sizes = [1], strides = [1]} : vector<16xi32> to vector<1xi32>
    %squeeze3A_1002 = vector.extract %slice3A_1001[0] : i32 from vector<1xi32>
    %mul3A_1003 = arith.constant 4096 : i32
    %mul3A_1004 = arith.muli %add3A_798, %mul3A_1003 : i32
    %add3A_1005 = arith.addi %squeeze3A_1002, %mul3A_1004 : i32
    %mul3A_1006 = arith.constant 32 : i32
    %mul3A_1007 = arith.muli %add3A_798, %mul3A_1006 : i32
    %add3A_1008 = arith.constant 8 : i32
    %add3A_1009 = arith.addi %mul3A_1007, %add3A_1008 : i32
    %dma_start3A_1010 = arith.constant 0 : i32
    %dma_start3A_1011 = tpu.memref_slice %arg10[%add3A_1009, %dma_start3A_1010] : memref<2048x32xf32, #tpu.memory_space<hbm>> -> memref<1x32xf32, #tpu.memory_space<hbm>>
    %dma_start3A_1012 = tpu.memref_squeeze %dma_start3A_1011 : memref<1x32xf32, #tpu.memory_space<hbm>> -> memref<32xf32, #tpu.memory_space<hbm>>
    %dma_start3A_1013 = arith.constant 0 : i32
    %dma_start3A_1014 = tpu.memref_slice %arg8[%add3A_1005, %dma_start3A_1013] : memref<262144x32xf32, #tpu.memory_space<hbm>> -> memref<1x32xf32, #tpu.memory_space<hbm>>
    %dma_start3A_1015 = tpu.memref_squeeze %dma_start3A_1014 : memref<1x32xf32, #tpu.memory_space<hbm>> -> memref<32xf32, #tpu.memory_space<hbm>>
    tpu.enqueue_dma source(%dma_start3A_1015 : memref<32xf32, #tpu.memory_space<hbm>>) target(%dma_start3A_1012 : memref<32xf32, #tpu.memory_space<hbm>>) target_semaphore(%arg24 : memref<!tpu.dma_semaphore, #tpu.memory_space<semaphore_mem>>)
    %get3A_1016 = arith.constant 9 : index
    %get3A_1017 = tpu.vector_load %arg21[%get3A_1016] {strides = array<i32>} : memref<128xi32, #tpu.memory_space<vmem>>, vector<16xi32>,
    %slice3A_1018 = vector.extract_strided_slice %get3A_1017 {offsets = [0], sizes = [1], strides = [1]} : vector<16xi32> to vector<1xi32>
    %squeeze3A_1019 = vector.extract %slice3A_1018[0] : i32 from vector<1xi32>
    %mul3A_1020 = arith.constant 4096 : i32
    %mul3A_1021 = arith.muli %add3A_798, %mul3A_1020 : i32
    %add3A_1022 = arith.addi %squeeze3A_1019, %mul3A_1021 : i32
    %mul3A_1023 = arith.constant 32 : i32
    %mul3A_1024 = arith.muli %add3A_798, %mul3A_1023 : i32
    %add3A_1025 = arith.constant 9 : i32
    %add3A_1026 = arith.addi %mul3A_1024, %add3A_1025 : i32
    %dma_start3A_1027 = arith.constant 0 : i32
    %dma_start3A_1028 = tpu.memref_slice %arg10[%add3A_1026, %dma_start3A_1027] : memref<2048x32xf32, #tpu.memory_space<hbm>> -> memref<1x32xf32, #tpu.memory_space<hbm>>
    %dma_start3A_1029 = tpu.memref_squeeze %dma_start3A_1028 : memref<1x32xf32, #tpu.memory_space<hbm>> -> memref<32xf32, #tpu.memory_space<hbm>>
    %dma_start3A_1030 = arith.constant 0 : i32
    %dma_start3A_1031 = tpu.memref_slice %arg8[%add3A_1022, %dma_start3A_1030] : memref<262144x32xf32, #tpu.memory_space<hbm>> -> memref<1x32xf32, #tpu.memory_space<hbm>>
    %dma_start3A_1032 = tpu.memref_squeeze %dma_start3A_1031 : memref<1x32xf32, #tpu.memory_space<hbm>> -> memref<32xf32, #tpu.memory_space<hbm>>
    tpu.enqueue_dma source(%dma_start3A_1032 : memref<32xf32, #tpu.memory_space<hbm>>) target(%dma_start3A_1029 : memref<32xf32, #tpu.memory_space<hbm>>) target_semaphore(%arg24 : memref<!tpu.dma_semaphore, #tpu.memory_space<semaphore_mem>>)
    %get3A_1033 = arith.constant 10 : index
    %get3A_1034 = tpu.vector_load %arg21[%get3A_1033] {strides = array<i32>} : memref<128xi32, #tpu.memory_space<vmem>>, vector<16xi32>,
    %slice3A_1035 = vector.extract_strided_slice %get3A_1034 {offsets = [0], sizes = [1], strides = [1]} : vector<16xi32> to vector<1xi32>
    %squeeze3A_1036 = vector.extract %slice3A_1035[0] : i32 from vector<1xi32>
    %mul3A_1037 = arith.constant 4096 : i32
    %mul3A_1038 = arith.muli %add3A_798, %mul3A_1037 : i32
    %add3A_1039 = arith.addi %squeeze3A_1036, %mul3A_1038 : i32
    %mul3A_1040 = arith.constant 32 : i32
    %mul3A_1041 = arith.muli %add3A_798, %mul3A_1040 : i32
    %add3A_1042 = arith.constant 10 : i32
    %add3A_1043 = arith.addi %mul3A_1041, %add3A_1042 : i32
    %dma_start3A_1044 = arith.constant 0 : i32
    %dma_start3A_1045 = tpu.memref_slice %arg10[%add3A_1043, %dma_start3A_1044] : memref<2048x32xf32, #tpu.memory_space<hbm>> -> memref<1x32xf32, #tpu.memory_space<hbm>>
    %dma_start3A_1046 = tpu.memref_squeeze %dma_start3A_1045 : memref<1x32xf32, #tpu.memory_space<hbm>> -> memref<32xf32, #tpu.memory_space<hbm>>
    %dma_start3A_1047 = arith.constant 0 : i32
    %dma_start3A_1048 = tpu.memref_slice %arg8[%add3A_1039, %dma_start3A_1047] : memref<262144x32xf32, #tpu.memory_space<hbm>> -> memref<1x32xf32, #tpu.memory_space<hbm>>
    %dma_start3A_1049 = tpu.memref_squeeze %dma_start3A_1048 : memref<1x32xf32, #tpu.memory_space<hbm>> -> memref<32xf32, #tpu.memory_space<hbm>>
    tpu.enqueue_dma source(%dma_start3A_1049 : memref<32xf32, #tpu.memory_space<hbm>>) target(%dma_start3A_1046 : memref<32xf32, #tpu.memory_space<hbm>>) target_semaphore(%arg24 : memref<!tpu.dma_semaphore, #tpu.memory_space<semaphore_mem>>)
    %get3A_1050 = arith.constant 11 : index
    %get3A_1051 = tpu.vector_load %arg21[%get3A_1050] {strides = array<i32>} : memref<128xi32, #tpu.memory_space<vmem>>, vector<16xi32>,
    %slice3A_1052 = vector.extract_strided_slice %get3A_1051 {offsets = [0], sizes = [1], strides = [1]} : vector<16xi32> to vector<1xi32>
    %squeeze3A_1053 = vector.extract %slice3A_1052[0] : i32 from vector<1xi32>
    %mul3A_1054 = arith.constant 4096 : i32
    %mul3A_1055 = arith.muli %add3A_798, %mul3A_1054 : i32
    %add3A_1056 = arith.addi %squeeze3A_1053, %mul3A_1055 : i32
    %mul3A_1057 = arith.constant 32 : i32
    %mul3A_1058 = arith.muli %add3A_798, %mul3A_1057 : i32
    %add3A_1059 = arith.constant 11 : i32
    %add3A_1060 = arith.addi %mul3A_1058, %add3A_1059 : i32
    %dma_start3A_1061 = arith.constant 0 : i32
    %dma_start3A_1062 = tpu.memref_slice %arg10[%add3A_1060, %dma_start3A_1061] : memref<2048x32xf32, #tpu.memory_space<hbm>> -> memref<1x32xf32, #tpu.memory_space<hbm>>
    %dma_start3A_1063 = tpu.memref_squeeze %dma_start3A_1062 : memref<1x32xf32, #tpu.memory_space<hbm>> -> memref<32xf32, #tpu.memory_space<hbm>>
    %dma_start3A_1064 = arith.constant 0 : i32
    %dma_start3A_1065 = tpu.memref_slice %arg8[%add3A_1056, %dma_start3A_1064] : memref<262144x32xf32, #tpu.memory_space<hbm>> -> memref<1x32xf32, #tpu.memory_space<hbm>>
    %dma_start3A_1066 = tpu.memref_squeeze %dma_start3A_1065 : memref<1x32xf32, #tpu.memory_space<hbm>> -> memref<32xf32, #tpu.memory_space<hbm>>
    tpu.enqueue_dma source(%dma_start3A_1066 : memref<32xf32, #tpu.memory_space<hbm>>) target(%dma_start3A_1063 : memref<32xf32, #tpu.memory_space<hbm>>) target_semaphore(%arg24 : memref<!tpu.dma_semaphore, #tpu.memory_space<semaphore_mem>>)
    %get3A_1067 = arith.constant 12 : index
    %get3A_1068 = tpu.vector_load %arg21[%get3A_1067] {strides = array<i32>} : memref<128xi32, #tpu.memory_space<vmem>>, vector<16xi32>,
    %slice3A_1069 = vector.extract_strided_slice %get3A_1068 {offsets = [0], sizes = [1], strides = [1]} : vector<16xi32> to vector<1xi32>
    %squeeze3A_1070 = vector.extract %slice3A_1069[0] : i32 from vector<1xi32>
    %mul3A_1071 = arith.constant 4096 : i32
    %mul3A_1072 = arith.muli %add3A_798, %mul3A_1071 : i32
    %add3A_1073 = arith.addi %squeeze3A_1070, %mul3A_1072 : i32
    %mul3A_1074 = arith.constant 32 : i32
    %mul3A_1075 = arith.muli %add3A_798, %mul3A_1074 : i32
    %add3A_1076 = arith.constant 12 : i32
    %add3A_1077 = arith.addi %mul3A_1075, %add3A_1076 : i32
    %dma_start3A_1078 = arith.constant 0 : i32
    %dma_start3A_1079 = tpu.memref_slice %arg10[%add3A_1077, %dma_start3A_1078] : memref<2048x32xf32, #tpu.memory_space<hbm>> -> memref<1x32xf32, #tpu.memory_space<hbm>>
    %dma_start3A_1080 = tpu.memref_squeeze %dma_start3A_1079 : memref<1x32xf32, #tpu.memory_space<hbm>> -> memref<32xf32, #tpu.memory_space<hbm>>
    %dma_start3A_1081 = arith.constant 0 : i32
    %dma_start3A_1082 = tpu.memref_slice %arg8[%add3A_1073, %dma_start3A_1081] : memref<262144x32xf32, #tpu.memory_space<hbm>> -> memref<1x32xf32, #tpu.memory_space<hbm>>
    %dma_start3A_1083 = tpu.memref_squeeze %dma_start3A_1082 : memref<1x32xf32, #tpu.memory_space<hbm>> -> memref<32xf32, #tpu.memory_space<hbm>>
    tpu.enqueue_dma source(%dma_start3A_1083 : memref<32xf32, #tpu.memory_space<hbm>>) target(%dma_start3A_1080 : memref<32xf32, #tpu.memory_space<hbm>>) target_semaphore(%arg24 : memref<!tpu.dma_semaphore, #tpu.memory_space<semaphore_mem>>)
    %get3A_1084 = arith.constant 13 : index
    %get3A_1085 = tpu.vector_load %arg21[%get3A_1084] {strides = array<i32>} : memref<128xi32, #tpu.memory_space<vmem>>, vector<16xi32>,
    %slice3A_1086 = vector.extract_strided_slice %get3A_1085 {offsets = [0], sizes = [1], strides = [1]} : vector<16xi32> to vector<1xi32>
    %squeeze3A_1087 = vector.extract %slice3A_1086[0] : i32 from vector<1xi32>
    %mul3A_1088 = arith.constant 4096 : i32
    %mul3A_1089 = arith.muli %add3A_798, %mul3A_1088 : i32
    %add3A_1090 = arith.addi %squeeze3A_1087, %mul3A_1089 : i32
    %mul3A_1091 = arith.constant 32 : i32
    %mul3A_1092 = arith.muli %add3A_798, %mul3A_1091 : i32
    %add3A_1093 = arith.constant 13 : i32
    %add3A_1094 = arith.addi %mul3A_1092, %add3A_1093 : i32
    %dma_start3A_1095 = arith.constant 0 : i32
    %dma_start3A_1096 = tpu.memref_slice %arg10[%add3A_1094, %dma_start3A_1095] : memref<2048x32xf32, #tpu.memory_space<hbm>> -> memref<1x32xf32, #tpu.memory_space<hbm>>
    %dma_start3A_1097 = tpu.memref_squeeze %dma_start3A_1096 : memref<1x32xf32, #tpu.memory_space<hbm>> -> memref<32xf32, #tpu.memory_space<hbm>>
    %dma_start3A_1098 = arith.constant 0 : i32
    %dma_start3A_1099 = tpu.memref_slice %arg8[%add3A_1090, %dma_start3A_1098] : memref<262144x32xf32, #tpu.memory_space<hbm>> -> memref<1x32xf32, #tpu.memory_space<hbm>>
    %dma_start3A_1100 = tpu.memref_squeeze %dma_start3A_1099 : memref<1x32xf32, #tpu.memory_space<hbm>> -> memref<32xf32, #tpu.memory_space<hbm>>
    tpu.enqueue_dma source(%dma_start3A_1100 : memref<32xf32, #tpu.memory_space<hbm>>) target(%dma_start3A_1097 : memref<32xf32, #tpu.memory_space<hbm>>) target_semaphore(%arg24 : memref<!tpu.dma_semaphore, #tpu.memory_space<semaphore_mem>>)
    %get3A_1101 = arith.constant 14 : index
    %get3A_1102 = tpu.vector_load %arg21[%get3A_1101] {strides = array<i32>} : memref<128xi32, #tpu.memory_space<vmem>>, vector<16xi32>,
    %slice3A_1103 = vector.extract_strided_slice %get3A_1102 {offsets = [0], sizes = [1], strides = [1]} : vector<16xi32> to vector<1xi32>
    %squeeze3A_1104 = vector.extract %slice3A_1103[0] : i32 from vector<1xi32>
    %mul3A_1105 = arith.constant 4096 : i32
    %mul3A_1106 = arith.muli %add3A_798, %mul3A_1105 : i32
    %add3A_1107 = arith.addi %squeeze3A_1104, %mul3A_1106 : i32
    %mul3A_1108 = arith.constant 32 : i32
    %mul3A_1109 = arith.muli %add3A_798, %mul3A_1108 : i32
    %add3A_1110 = arith.constant 14 : i32
    %add3A_1111 = arith.addi %mul3A_1109, %add3A_1110 : i32
    %dma_start3A_1112 = arith.constant 0 : i32
    %dma_start3A_1113 = tpu.memref_slice %arg10[%add3A_1111, %dma_start3A_1112] : memref<2048x32xf32, #tpu.memory_space<hbm>> -> memref<1x32xf32, #tpu.memory_space<hbm>>
    %dma_start3A_1114 = tpu.memref_squeeze %dma_start3A_1113 : memref<1x32xf32, #tpu.memory_space<hbm>> -> memref<32xf32, #tpu.memory_space<hbm>>
    %dma_start3A_1115 = arith.constant 0 : i32
    %dma_start3A_1116 = tpu.memref_slice %arg8[%add3A_1107, %dma_start3A_1115] : memref<262144x32xf32, #tpu.memory_space<hbm>> -> memref<1x32xf32, #tpu.memory_space<hbm>>
    %dma_start3A_1117 = tpu.memref_squeeze %dma_start3A_1116 : memref<1x32xf32, #tpu.memory_space<hbm>> -> memref<32xf32, #tpu.memory_space<hbm>>
    tpu.enqueue_dma source(%dma_start3A_1117 : memref<32xf32, #tpu.memory_space<hbm>>) target(%dma_start3A_1114 : memref<32xf32, #tpu.memory_space<hbm>>) target_semaphore(%arg24 : memref<!tpu.dma_semaphore, #tpu.memory_space<semaphore_mem>>)
    %get3A_1118 = arith.constant 15 : index
    %get3A_1119 = tpu.vector_load %arg21[%get3A_1118] {strides = array<i32>} : memref<128xi32, #tpu.memory_space<vmem>>, vector<16xi32>,
    %slice3A_1120 = vector.extract_strided_slice %get3A_1119 {offsets = [0], sizes = [1], strides = [1]} : vector<16xi32> to vector<1xi32>
    %squeeze3A_1121 = vector.extract %slice3A_1120[0] : i32 from vector<1xi32>
    %mul3A_1122 = arith.constant 4096 : i32
    %mul3A_1123 = arith.muli %add3A_798, %mul3A_1122 : i32
    %add3A_1124 = arith.addi %squeeze3A_1121, %mul3A_1123 : i32
    %mul3A_1125 = arith.constant 32 : i32
    %mul3A_1126 = arith.muli %add3A_798, %mul3A_1125 : i32
    %add3A_1127 = arith.constant 15 : i32
    %add3A_1128 = arith.addi %mul3A_1126, %add3A_1127 : i32
    %dma_start3A_1129 = arith.constant 0 : i32
    %dma_start3A_1130 = tpu.memref_slice %arg10[%add3A_1128, %dma_start3A_1129] : memref<2048x32xf32, #tpu.memory_space<hbm>> -> memref<1x32xf32, #tpu.memory_space<hbm>>
    %dma_start3A_1131 = tpu.memref_squeeze %dma_start3A_1130 : memref<1x32xf32, #tpu.memory_space<hbm>> -> memref<32xf32, #tpu.memory_space<hbm>>
    %dma_start3A_1132 = arith.constant 0 : i32
    %dma_start3A_1133 = tpu.memref_slice %arg8[%add3A_1124, %dma_start3A_1132] : memref<262144x32xf32, #tpu.memory_space<hbm>> -> memref<1x32xf32, #tpu.memory_space<hbm>>
    %dma_start3A_1134 = tpu.memref_squeeze %dma_start3A_1133 : memref<1x32xf32, #tpu.memory_space<hbm>> -> memref<32xf32, #tpu.memory_space<hbm>>
    tpu.enqueue_dma source(%dma_start3A_1134 : memref<32xf32, #tpu.memory_space<hbm>>) target(%dma_start3A_1131 : memref<32xf32, #tpu.memory_space<hbm>>) target_semaphore(%arg24 : memref<!tpu.dma_semaphore, #tpu.memory_space<semaphore_mem>>)
    %get3A_1135 = arith.constant 16 : index
    %get3A_1136 = tpu.vector_load %arg21[%get3A_1135] {strides = array<i32>} : memref<128xi32, #tpu.memory_space<vmem>>, vector<16xi32>,
    %slice3A_1137 = vector.extract_strided_slice %get3A_1136 {offsets = [0], sizes = [1], strides = [1]} : vector<16xi32> to vector<1xi32>
    %squeeze3A_1138 = vector.extract %slice3A_1137[0] : i32 from vector<1xi32>
    %mul3A_1139 = arith.constant 4096 : i32
    %mul3A_1140 = arith.muli %add3A_798, %mul3A_1139 : i32
    %add3A_1141 = arith.addi %squeeze3A_1138, %mul3A_1140 : i32
    %mul3A_1142 = arith.constant 32 : i32
    %mul3A_1143 = arith.muli %add3A_798, %mul3A_1142 : i32
    %add3A_1144 = arith.constant 16 : i32
    %add3A_1145 = arith.addi %mul3A_1143, %add3A_1144 : i32
    %dma_start3A_1146 = arith.constant 0 : i32
    %dma_start3A_1147 = tpu.memref_slice %arg10[%add3A_1145, %dma_start3A_1146] : memref<2048x32xf32, #tpu.memory_space<hbm>> -> memref<1x32xf32, #tpu.memory_space<hbm>>
    %dma_start3A_1148 = tpu.memref_squeeze %dma_start3A_1147 : memref<1x32xf32, #tpu.memory_space<hbm>> -> memref<32xf32, #tpu.memory_space<hbm>>
    %dma_start3A_1149 = arith.constant 0 : i32
    %dma_start3A_1150 = tpu.memref_slice %arg8[%add3A_1141, %dma_start3A_1149] : memref<262144x32xf32, #tpu.memory_space<hbm>> -> memref<1x32xf32, #tpu.memory_space<hbm>>
    %dma_start3A_1151 = tpu.memref_squeeze %dma_start3A_1150 : memref<1x32xf32, #tpu.memory_space<hbm>> -> memref<32xf32, #tpu.memory_space<hbm>>
    tpu.enqueue_dma source(%dma_start3A_1151 : memref<32xf32, #tpu.memory_space<hbm>>) target(%dma_start3A_1148 : memref<32xf32, #tpu.memory_space<hbm>>) target_semaphore(%arg24 : memref<!tpu.dma_semaphore, #tpu.memory_space<semaphore_mem>>)
    %get3A_1152 = arith.constant 17 : index
    %get3A_1153 = tpu.vector_load %arg21[%get3A_1152] {strides = array<i32>} : memref<128xi32, #tpu.memory_space<vmem>>, vector<16xi32>,
    %slice3A_1154 = vector.extract_strided_slice %get3A_1153 {offsets = [0], sizes = [1], strides = [1]} : vector<16xi32> to vector<1xi32>
    %squeeze3A_1155 = vector.extract %slice3A_1154[0] : i32 from vector<1xi32>
    %mul3A_1156 = arith.constant 4096 : i32
    %mul3A_1157 = arith.muli %add3A_798, %mul3A_1156 : i32
    %add3A_1158 = arith.addi %squeeze3A_1155, %mul3A_1157 : i32
    %mul3A_1159 = arith.constant 32 : i32
    %mul3A_1160 = arith.muli %add3A_798, %mul3A_1159 : i32
    %add3A_1161 = arith.constant 17 : i32
    %add3A_1162 = arith.addi %mul3A_1160, %add3A_1161 : i32
    %dma_start3A_1163 = arith.constant 0 : i32
    %dma_start3A_1164 = tpu.memref_slice %arg10[%add3A_1162, %dma_start3A_1163] : memref<2048x32xf32, #tpu.memory_space<hbm>> -> memref<1x32xf32, #tpu.memory_space<hbm>>
    %dma_start3A_1165 = tpu.memref_squeeze %dma_start3A_1164 : memref<1x32xf32, #tpu.memory_space<hbm>> -> memref<32xf32, #tpu.memory_space<hbm>>
    %dma_start3A_1166 = arith.constant 0 : i32
    %dma_start3A_1167 = tpu.memref_slice %arg8[%add3A_1158, %dma_start3A_1166] : memref<262144x32xf32, #tpu.memory_space<hbm>> -> memref<1x32xf32, #tpu.memory_space<hbm>>
    %dma_start3A_1168 = tpu.memref_squeeze %dma_start3A_1167 : memref<1x32xf32, #tpu.memory_space<hbm>> -> memref<32xf32, #tpu.memory_space<hbm>>
    tpu.enqueue_dma source(%dma_start3A_1168 : memref<32xf32, #tpu.memory_space<hbm>>) target(%dma_start3A_1165 : memref<32xf32, #tpu.memory_space<hbm>>) target_semaphore(%arg24 : memref<!tpu.dma_semaphore, #tpu.memory_space<semaphore_mem>>)
    %get3A_1169 = arith.constant 18 : index
    %get3A_1170 = tpu.vector_load %arg21[%get3A_1169] {strides = array<i32>} : memref<128xi32, #tpu.memory_space<vmem>>, vector<16xi32>,
    %slice3A_1171 = vector.extract_strided_slice %get3A_1170 {offsets = [0], sizes = [1], strides = [1]} : vector<16xi32> to vector<1xi32>
    %squeeze3A_1172 = vector.extract %slice3A_1171[0] : i32 from vector<1xi32>
    %mul3A_1173 = arith.constant 4096 : i32
    %mul3A_1174 = arith.muli %add3A_798, %mul3A_1173 : i32
    %add3A_1175 = arith.addi %squeeze3A_1172, %mul3A_1174 : i32
    %mul3A_1176 = arith.constant 32 : i32
    %mul3A_1177 = arith.muli %add3A_798, %mul3A_1176 : i32
    %add3A_1178 = arith.constant 18 : i32
    %add3A_1179 = arith.addi %mul3A_1177, %add3A_1178 : i32
    %dma_start3A_1180 = arith.constant 0 : i32
    %dma_start3A_1181 = tpu.memref_slice %arg10[%add3A_1179, %dma_start3A_1180] : memref<2048x32xf32, #tpu.memory_space<hbm>> -> memref<1x32xf32, #tpu.memory_space<hbm>>
    %dma_start3A_1182 = tpu.memref_squeeze %dma_start3A_1181 : memref<1x32xf32, #tpu.memory_space<hbm>> -> memref<32xf32, #tpu.memory_space<hbm>>
    %dma_start3A_1183 = arith.constant 0 : i32
    %dma_start3A_1184 = tpu.memref_slice %arg8[%add3A_1175, %dma_start3A_1183] : memref<262144x32xf32, #tpu.memory_space<hbm>> -> memref<1x32xf32, #tpu.memory_space<hbm>>
    %dma_start3A_1185 = tpu.memref_squeeze %dma_start3A_1184 : memref<1x32xf32, #tpu.memory_space<hbm>> -> memref<32xf32, #tpu.memory_space<hbm>>
    tpu.enqueue_dma source(%dma_start3A_1185 : memref<32xf32, #tpu.memory_space<hbm>>) target(%dma_start3A_1182 : memref<32xf32, #tpu.memory_space<hbm>>) target_semaphore(%arg24 : memref<!tpu.dma_semaphore, #tpu.memory_space<semaphore_mem>>)
    %get3A_1186 = arith.constant 19 : index
    %get3A_1187 = tpu.vector_load %arg21[%get3A_1186] {strides = array<i32>} : memref<128xi32, #tpu.memory_space<vmem>>, vector<16xi32>,
    %slice3A_1188 = vector.extract_strided_slice %get3A_1187 {offsets = [0], sizes = [1], strides = [1]} : vector<16xi32> to vector<1xi32>
    %squeeze3A_1189 = vector.extract %slice3A_1188[0] : i32 from vector<1xi32>
    %mul3A_1190 = arith.constant 4096 : i32
    %mul3A_1191 = arith.muli %add3A_798, %mul3A_1190 : i32
    %add3A_1192 = arith.addi %squeeze3A_1189, %mul3A_1191 : i32
    %mul3A_1193 = arith.constant 32 : i32
    %mul3A_1194 = arith.muli %add3A_798, %mul3A_1193 : i32
    %add3A_1195 = arith.constant 19 : i32
    %add3A_1196 = arith.addi %mul3A_1194, %add3A_1195 : i32
    %dma_start3A_1197 = arith.constant 0 : i32
    %dma_start3A_1198 = tpu.memref_slice %arg10[%add3A_1196, %dma_start3A_1197] : memref<2048x32xf32, #tpu.memory_space<hbm>> -> memref<1x32xf32, #tpu.memory_space<hbm>>
    %dma_start3A_1199 = tpu.memref_squeeze %dma_start3A_1198 : memref<1x32xf32, #tpu.memory_space<hbm>> -> memref<32xf32, #tpu.memory_space<hbm>>
    %dma_start3A_1200 = arith.constant 0 : i32
    %dma_start3A_1201 = tpu.memref_slice %arg8[%add3A_1192, %dma_start3A_1200] : memref<262144x32xf32, #tpu.memory_space<hbm>> -> memref<1x32xf32, #tpu.memory_space<hbm>>
    %dma_start3A_1202 = tpu.memref_squeeze %dma_start3A_1201 : memref<1x32xf32, #tpu.memory_space<hbm>> -> memref<32xf32, #tpu.memory_space<hbm>>
    tpu.enqueue_dma source(%dma_start3A_1202 : memref<32xf32, #tpu.memory_space<hbm>>) target(%dma_start3A_1199 : memref<32xf32, #tpu.memory_space<hbm>>) target_semaphore(%arg24 : memref<!tpu.dma_semaphore, #tpu.memory_space<semaphore_mem>>)
    %get3A_1203 = arith.constant 20 : index
    %get3A_1204 = tpu.vector_load %arg21[%get3A_1203] {strides = array<i32>} : memref<128xi32, #tpu.memory_space<vmem>>, vector<16xi32>,
    %slice3A_1205 = vector.extract_strided_slice %get3A_1204 {offsets = [0], sizes = [1], strides = [1]} : vector<16xi32> to vector<1xi32>
    %squeeze3A_1206 = vector.extract %slice3A_1205[0] : i32 from vector<1xi32>
    %mul3A_1207 = arith.constant 4096 : i32
    %mul3A_1208 = arith.muli %add3A_798, %mul3A_1207 : i32
    %add3A_1209 = arith.addi %squeeze3A_1206, %mul3A_1208 : i32
    %mul3A_1210 = arith.constant 32 : i32
    %mul3A_1211 = arith.muli %add3A_798, %mul3A_1210 : i32
    %add3A_1212 = arith.constant 20 : i32
    %add3A_1213 = arith.addi %mul3A_1211, %add3A_1212 : i32
    %dma_start3A_1214 = arith.constant 0 : i32
    %dma_start3A_1215 = tpu.memref_slice %arg10[%add3A_1213, %dma_start3A_1214] : memref<2048x32xf32, #tpu.memory_space<hbm>> -> memref<1x32xf32, #tpu.memory_space<hbm>>
    %dma_start3A_1216 = tpu.memref_squeeze %dma_start3A_1215 : memref<1x32xf32, #tpu.memory_space<hbm>> -> memref<32xf32, #tpu.memory_space<hbm>>
    %dma_start3A_1217 = arith.constant 0 : i32
    %dma_start3A_1218 = tpu.memref_slice %arg8[%add3A_1209, %dma_start3A_1217] : memref<262144x32xf32, #tpu.memory_space<hbm>> -> memref<1x32xf32, #tpu.memory_space<hbm>>
    %dma_start3A_1219 = tpu.memref_squeeze %dma_start3A_1218 : memref<1x32xf32, #tpu.memory_space<hbm>> -> memref<32xf32, #tpu.memory_space<hbm>>
    tpu.enqueue_dma source(%dma_start3A_1219 : memref<32xf32, #tpu.memory_space<hbm>>) target(%dma_start3A_1216 : memref<32xf32, #tpu.memory_space<hbm>>) target_semaphore(%arg24 : memref<!tpu.dma_semaphore, #tpu.memory_space<semaphore_mem>>)
    %get3A_1220 = arith.constant 21 : index
    %get3A_1221 = tpu.vector_load %arg21[%get3A_1220] {strides = array<i32>} : memref<128xi32, #tpu.memory_space<vmem>>, vector<16xi32>,
    %slice3A_1222 = vector.extract_strided_slice %get3A_1221 {offsets = [0], sizes = [1], strides = [1]} : vector<16xi32> to vector<1xi32>
    %squeeze3A_1223 = vector.extract %slice3A_1222[0] : i32 from vector<1xi32>
    %mul3A_1224 = arith.constant 4096 : i32
    %mul3A_1225 = arith.muli %add3A_798, %mul3A_1224 : i32
    %add3A_1226 = arith.addi %squeeze3A_1223, %mul3A_1225 : i32
    %mul3A_1227 = arith.constant 32 : i32
    %mul3A_1228 = arith.muli %add3A_798, %mul3A_1227 : i32
    %add3A_1229 = arith.constant 21 : i32
    %add3A_1230 = arith.addi %mul3A_1228, %add3A_1229 : i32
    %dma_start3A_1231 = arith.constant 0 : i32
    %dma_start3A_1232 = tpu.memref_slice %arg10[%add3A_1230, %dma_start3A_1231] : memref<2048x32xf32, #tpu.memory_space<hbm>> -> memref<1x32xf32, #tpu.memory_space<hbm>>
    %dma_start3A_1233 = tpu.memref_squeeze %dma_start3A_1232 : memref<1x32xf32, #tpu.memory_space<hbm>> -> memref<32xf32, #tpu.memory_space<hbm>>
    %dma_start3A_1234 = arith.constant 0 : i32
    %dma_start3A_1235 = tpu.memref_slice %arg8[%add3A_1226, %dma_start3A_1234] : memref<262144x32xf32, #tpu.memory_space<hbm>> -> memref<1x32xf32, #tpu.memory_space<hbm>>
    %dma_start3A_1236 = tpu.memref_squeeze %dma_start3A_1235 : memref<1x32xf32, #tpu.memory_space<hbm>> -> memref<32xf32, #tpu.memory_space<hbm>>
    tpu.enqueue_dma source(%dma_start3A_1236 : memref<32xf32, #tpu.memory_space<hbm>>) target(%dma_start3A_1233 : memref<32xf32, #tpu.memory_space<hbm>>) target_semaphore(%arg24 : memref<!tpu.dma_semaphore, #tpu.memory_space<semaphore_mem>>)
    %get3A_1237 = arith.constant 22 : index
    %get3A_1238 = tpu.vector_load %arg21[%get3A_1237] {strides = array<i32>} : memref<128xi32, #tpu.memory_space<vmem>>, vector<16xi32>,
    %slice3A_1239 = vector.extract_strided_slice %get3A_1238 {offsets = [0], sizes = [1], strides = [1]} : vector<16xi32> to vector<1xi32>
    %squeeze3A_1240 = vector.extract %slice3A_1239[0] : i32 from vector<1xi32>
    %mul3A_1241 = arith.constant 4096 : i32
    %mul3A_1242 = arith.muli %add3A_798, %mul3A_1241 : i32
    %add3A_1243 = arith.addi %squeeze3A_1240, %mul3A_1242 : i32
    %mul3A_1244 = arith.constant 32 : i32
    %mul3A_1245 = arith.muli %add3A_798, %mul3A_1244 : i32
    %add3A_1246 = arith.constant 22 : i32
    %add3A_1247 = arith.addi %mul3A_1245, %add3A_1246 : i32
    %dma_start3A_1248 = arith.constant 0 : i32
    %dma_start3A_1249 = tpu.memref_slice %arg10[%add3A_1247, %dma_start3A_1248] : memref<2048x32xf32, #tpu.memory_space<hbm>> -> memref<1x32xf32, #tpu.memory_space<hbm>>
    %dma_start3A_1250 = tpu.memref_squeeze %dma_start3A_1249 : memref<1x32xf32, #tpu.memory_space<hbm>> -> memref<32xf32, #tpu.memory_space<hbm>>
    %dma_start3A_1251 = arith.constant 0 : i32
    %dma_start3A_1252 = tpu.memref_slice %arg8[%add3A_1243, %dma_start3A_1251] : memref<262144x32xf32, #tpu.memory_space<hbm>> -> memref<1x32xf32, #tpu.memory_space<hbm>>
    %dma_start3A_1253 = tpu.memref_squeeze %dma_start3A_1252 : memref<1x32xf32, #tpu.memory_space<hbm>> -> memref<32xf32, #tpu.memory_space<hbm>>
    tpu.enqueue_dma source(%dma_start3A_1253 : memref<32xf32, #tpu.memory_space<hbm>>) target(%dma_start3A_1250 : memref<32xf32, #tpu.memory_space<hbm>>) target_semaphore(%arg24 : memref<!tpu.dma_semaphore, #tpu.memory_space<semaphore_mem>>)
    %get3A_1254 = arith.constant 23 : index
    %get3A_1255 = tpu.vector_load %arg21[%get3A_1254] {strides = array<i32>} : memref<128xi32, #tpu.memory_space<vmem>>, vector<16xi32>,
    %slice3A_1256 = vector.extract_strided_slice %get3A_1255 {offsets = [0], sizes = [1], strides = [1]} : vector<16xi32> to vector<1xi32>
    %squeeze3A_1257 = vector.extract %slice3A_1256[0] : i32 from vector<1xi32>
    %mul3A_1258 = arith.constant 4096 : i32
    %mul3A_1259 = arith.muli %add3A_798, %mul3A_1258 : i32
    %add3A_1260 = arith.addi %squeeze3A_1257, %mul3A_1259 : i32
    %mul3A_1261 = arith.constant 32 : i32
    %mul3A_1262 = arith.muli %add3A_798, %mul3A_1261 : i32
    %add3A_1263 = arith.constant 23 : i32
    %add3A_1264 = arith.addi %mul3A_1262, %add3A_1263 : i32
    %dma_start3A_1265 = arith.constant 0 : i32
    %dma_start3A_1266 = tpu.memref_slice %arg10[%add3A_1264, %dma_start3A_1265] : memref<2048x32xf32, #tpu.memory_space<hbm>> -> memref<1x32xf32, #tpu.memory_space<hbm>>
    %dma_start3A_1267 = tpu.memref_squeeze %dma_start3A_1266 : memref<1x32xf32, #tpu.memory_space<hbm>> -> memref<32xf32, #tpu.memory_space<hbm>>
    %dma_start3A_1268 = arith.constant 0 : i32
    %dma_start3A_1269 = tpu.memref_slice %arg8[%add3A_1260, %dma_start3A_1268] : memref<262144x32xf32, #tpu.memory_space<hbm>> -> memref<1x32xf32, #tpu.memory_space<hbm>>
    %dma_start3A_1270 = tpu.memref_squeeze %dma_start3A_1269 : memref<1x32xf32, #tpu.memory_space<hbm>> -> memref<32xf32, #tpu.memory_space<hbm>>
    tpu.enqueue_dma source(%dma_start3A_1270 : memref<32xf32, #tpu.memory_space<hbm>>) target(%dma_start3A_1267 : memref<32xf32, #tpu.memory_space<hbm>>) target_semaphore(%arg24 : memref<!tpu.dma_semaphore, #tpu.memory_space<semaphore_mem>>)
    %get3A_1271 = arith.constant 24 : index
    %get3A_1272 = tpu.vector_load %arg21[%get3A_1271] {strides = array<i32>} : memref<128xi32, #tpu.memory_space<vmem>>, vector<16xi32>,
    %slice3A_1273 = vector.extract_strided_slice %get3A_1272 {offsets = [0], sizes = [1], strides = [1]} : vector<16xi32> to vector<1xi32>
    %squeeze3A_1274 = vector.extract %slice3A_1273[0] : i32 from vector<1xi32>
    %mul3A_1275 = arith.constant 4096 : i32
    %mul3A_1276 = arith.muli %add3A_798, %mul3A_1275 : i32
    %add3A_1277 = arith.addi %squeeze3A_1274, %mul3A_1276 : i32
    %mul3A_1278 = arith.constant 32 : i32
    %mul3A_1279 = arith.muli %add3A_798, %mul3A_1278 : i32
    %add3A_1280 = arith.constant 24 : i32
    %add3A_1281 = arith.addi %mul3A_1279, %add3A_1280 : i32
    %dma_start3A_1282 = arith.constant 0 : i32
    %dma_start3A_1283 = tpu.memref_slice %arg10[%add3A_1281, %dma_start3A_1282] : memref<2048x32xf32, #tpu.memory_space<hbm>> -> memref<1x32xf32, #tpu.memory_space<hbm>>
    %dma_start3A_1284 = tpu.memref_squeeze %dma_start3A_1283 : memref<1x32xf32, #tpu.memory_space<hbm>> -> memref<32xf32, #tpu.memory_space<hbm>>
    %dma_start3A_1285 = arith.constant 0 : i32
    %dma_start3A_1286 = tpu.memref_slice %arg8[%add3A_1277, %dma_start3A_1285] : memref<262144x32xf32, #tpu.memory_space<hbm>> -> memref<1x32xf32, #tpu.memory_space<hbm>>
    %dma_start3A_1287 = tpu.memref_squeeze %dma_start3A_1286 : memref<1x32xf32, #tpu.memory_space<hbm>> -> memref<32xf32, #tpu.memory_space<hbm>>
    tpu.enqueue_dma source(%dma_start3A_1287 : memref<32xf32, #tpu.memory_space<hbm>>) target(%dma_start3A_1284 : memref<32xf32, #tpu.memory_space<hbm>>) target_semaphore(%arg24 : memref<!tpu.dma_semaphore, #tpu.memory_space<semaphore_mem>>)
    %get3A_1288 = arith.constant 25 : index
    %get3A_1289 = tpu.vector_load %arg21[%get3A_1288] {strides = array<i32>} : memref<128xi32, #tpu.memory_space<vmem>>, vector<16xi32>,
    %slice3A_1290 = vector.extract_strided_slice %get3A_1289 {offsets = [0], sizes = [1], strides = [1]} : vector<16xi32> to vector<1xi32>
    %squeeze3A_1291 = vector.extract %slice3A_1290[0] : i32 from vector<1xi32>
    %mul3A_1292 = arith.constant 4096 : i32
    %mul3A_1293 = arith.muli %add3A_798, %mul3A_1292 : i32
    %add3A_1294 = arith.addi %squeeze3A_1291, %mul3A_1293 : i32
    %mul3A_1295 = arith.constant 32 : i32
    %mul3A_1296 = arith.muli %add3A_798, %mul3A_1295 : i32
    %add3A_1297 = arith.constant 25 : i32
    %add3A_1298 = arith.addi %mul3A_1296, %add3A_1297 : i32
    %dma_start3A_1299 = arith.constant 0 : i32
    %dma_start3A_1300 = tpu.memref_slice %arg10[%add3A_1298, %dma_start3A_1299] : memref<2048x32xf32, #tpu.memory_space<hbm>> -> memref<1x32xf32, #tpu.memory_space<hbm>>
    %dma_start3A_1301 = tpu.memref_squeeze %dma_start3A_1300 : memref<1x32xf32, #tpu.memory_space<hbm>> -> memref<32xf32, #tpu.memory_space<hbm>>
    %dma_start3A_1302 = arith.constant 0 : i32
    %dma_start3A_1303 = tpu.memref_slice %arg8[%add3A_1294, %dma_start3A_1302] : memref<262144x32xf32, #tpu.memory_space<hbm>> -> memref<1x32xf32, #tpu.memory_space<hbm>>
    %dma_start3A_1304 = tpu.memref_squeeze %dma_start3A_1303 : memref<1x32xf32, #tpu.memory_space<hbm>> -> memref<32xf32, #tpu.memory_space<hbm>>
    tpu.enqueue_dma source(%dma_start3A_1304 : memref<32xf32, #tpu.memory_space<hbm>>) target(%dma_start3A_1301 : memref<32xf32, #tpu.memory_space<hbm>>) target_semaphore(%arg24 : memref<!tpu.dma_semaphore, #tpu.memory_space<semaphore_mem>>)
    %get3A_1305 = arith.constant 26 : index
    %get3A_1306 = tpu.vector_load %arg21[%get3A_1305] {strides = array<i32>} : memref<128xi32, #tpu.memory_space<vmem>>, vector<16xi32>,
    %slice3A_1307 = vector.extract_strided_slice %get3A_1306 {offsets = [0], sizes = [1], strides = [1]} : vector<16xi32> to vector<1xi32>
    %squeeze3A_1308 = vector.extract %slice3A_1307[0] : i32 from vector<1xi32>
    %mul3A_1309 = arith.constant 4096 : i32
    %mul3A_1310 = arith.muli %add3A_798, %mul3A_1309 : i32
    %add3A_1311 = arith.addi %squeeze3A_1308, %mul3A_1310 : i32
    %mul3A_1312 = arith.constant 32 : i32
    %mul3A_1313 = arith.muli %add3A_798, %mul3A_1312 : i32
    %add3A_1314 = arith.constant 26 : i32
    %add3A_1315 = arith.addi %mul3A_1313, %add3A_1314 : i32
    %dma_start3A_1316 = arith.constant 0 : i32
    %dma_start3A_1317 = tpu.memref_slice %arg10[%add3A_1315, %dma_start3A_1316] : memref<2048x32xf32, #tpu.memory_space<hbm>> -> memref<1x32xf32, #tpu.memory_space<hbm>>
    %dma_start3A_1318 = tpu.memref_squeeze %dma_start3A_1317 : memref<1x32xf32, #tpu.memory_space<hbm>> -> memref<32xf32, #tpu.memory_space<hbm>>
    %dma_start3A_1319 = arith.constant 0 : i32
    %dma_start3A_1320 = tpu.memref_slice %arg8[%add3A_1311, %dma_start3A_1319] : memref<262144x32xf32, #tpu.memory_space<hbm>> -> memref<1x32xf32, #tpu.memory_space<hbm>>
    %dma_start3A_1321 = tpu.memref_squeeze %dma_start3A_1320 : memref<1x32xf32, #tpu.memory_space<hbm>> -> memref<32xf32, #tpu.memory_space<hbm>>
    tpu.enqueue_dma source(%dma_start3A_1321 : memref<32xf32, #tpu.memory_space<hbm>>) target(%dma_start3A_1318 : memref<32xf32, #tpu.memory_space<hbm>>) target_semaphore(%arg24 : memref<!tpu.dma_semaphore, #tpu.memory_space<semaphore_mem>>)
    %get3A_1322 = arith.constant 27 : index
    %get3A_1323 = tpu.vector_load %arg21[%get3A_1322] {strides = array<i32>} : memref<128xi32, #tpu.memory_space<vmem>>, vector<16xi32>,
    %slice3A_1324 = vector.extract_strided_slice %get3A_1323 {offsets = [0], sizes = [1], strides = [1]} : vector<16xi32> to vector<1xi32>
    %squeeze3A_1325 = vector.extract %slice3A_1324[0] : i32 from vector<1xi32>
    %mul3A_1326 = arith.constant 4096 : i32
    %mul3A_1327 = arith.muli %add3A_798, %mul3A_1326 : i32
    %add3A_1328 = arith.addi %squeeze3A_1325, %mul3A_1327 : i32
    %mul3A_1329 = arith.constant 32 : i32
    %mul3A_1330 = arith.muli %add3A_798, %mul3A_1329 : i32
    %add3A_1331 = arith.constant 27 : i32
    %add3A_1332 = arith.addi %mul3A_1330, %add3A_1331 : i32
    %dma_start3A_1333 = arith.constant 0 : i32
    %dma_start3A_1334 = tpu.memref_slice %arg10[%add3A_1332, %dma_start3A_1333] : memref<2048x32xf32, #tpu.memory_space<hbm>> -> memref<1x32xf32, #tpu.memory_space<hbm>>
    %dma_start3A_1335 = tpu.memref_squeeze %dma_start3A_1334 : memref<1x32xf32, #tpu.memory_space<hbm>> -> memref<32xf32, #tpu.memory_space<hbm>>
    %dma_start3A_1336 = arith.constant 0 : i32
    %dma_start3A_1337 = tpu.memref_slice %arg8[%add3A_1328, %dma_start3A_1336] : memref<262144x32xf32, #tpu.memory_space<hbm>> -> memref<1x32xf32, #tpu.memory_space<hbm>>
    %dma_start3A_1338 = tpu.memref_squeeze %dma_start3A_1337 : memref<1x32xf32, #tpu.memory_space<hbm>> -> memref<32xf32, #tpu.memory_space<hbm>>
    tpu.enqueue_dma source(%dma_start3A_1338 : memref<32xf32, #tpu.memory_space<hbm>>) target(%dma_start3A_1335 : memref<32xf32, #tpu.memory_space<hbm>>) target_semaphore(%arg24 : memref<!tpu.dma_semaphore, #tpu.memory_space<semaphore_mem>>)
    %get3A_1339 = arith.constant 28 : index
    %get3A_1340 = tpu.vector_load %arg21[%get3A_1339] {strides = array<i32>} : memref<128xi32, #tpu.memory_space<vmem>>, vector<16xi32>,
    %slice3A_1341 = vector.extract_strided_slice %get3A_1340 {offsets = [0], sizes = [1], strides = [1]} : vector<16xi32> to vector<1xi32>
    %squeeze3A_1342 = vector.extract %slice3A_1341[0] : i32 from vector<1xi32>
    %mul3A_1343 = arith.constant 4096 : i32
    %mul3A_1344 = arith.muli %add3A_798, %mul3A_1343 : i32
    %add3A_1345 = arith.addi %squeeze3A_1342, %mul3A_1344 : i32
    %mul3A_1346 = arith.constant 32 : i32
    %mul3A_1347 = arith.muli %add3A_798, %mul3A_1346 : i32
    %add3A_1348 = arith.constant 28 : i32
    %add3A_1349 = arith.addi %mul3A_1347, %add3A_1348 : i32
    %dma_start3A_1350 = arith.constant 0 : i32
    %dma_start3A_1351 = tpu.memref_slice %arg10[%add3A_1349, %dma_start3A_1350] : memref<2048x32xf32, #tpu.memory_space<hbm>> -> memref<1x32xf32, #tpu.memory_space<hbm>>
    %dma_start3A_1352 = tpu.memref_squeeze %dma_start3A_1351 : memref<1x32xf32, #tpu.memory_space<hbm>> -> memref<32xf32, #tpu.memory_space<hbm>>
    %dma_start3A_1353 = arith.constant 0 : i32
    %dma_start3A_1354 = tpu.memref_slice %arg8[%add3A_1345, %dma_start3A_1353] : memref<262144x32xf32, #tpu.memory_space<hbm>> -> memref<1x32xf32, #tpu.memory_space<hbm>>
    %dma_start3A_1355 = tpu.memref_squeeze %dma_start3A_1354 : memref<1x32xf32, #tpu.memory_space<hbm>> -> memref<32xf32, #tpu.memory_space<hbm>>
    tpu.enqueue_dma source(%dma_start3A_1355 : memref<32xf32, #tpu.memory_space<hbm>>) target(%dma_start3A_1352 : memref<32xf32, #tpu.memory_space<hbm>>) target_semaphore(%arg24 : memref<!tpu.dma_semaphore, #tpu.memory_space<semaphore_mem>>)
    %get3A_1356 = arith.constant 29 : index
    %get3A_1357 = tpu.vector_load %arg21[%get3A_1356] {strides = array<i32>} : memref<128xi32, #tpu.memory_space<vmem>>, vector<16xi32>,
    %slice3A_1358 = vector.extract_strided_slice %get3A_1357 {offsets = [0], sizes = [1], strides = [1]} : vector<16xi32> to vector<1xi32>
    %squeeze3A_1359 = vector.extract %slice3A_1358[0] : i32 from vector<1xi32>
    %mul3A_1360 = arith.constant 4096 : i32
    %mul3A_1361 = arith.muli %add3A_798, %mul3A_1360 : i32
    %add3A_1362 = arith.addi %squeeze3A_1359, %mul3A_1361 : i32
    %mul3A_1363 = arith.constant 32 : i32
    %mul3A_1364 = arith.muli %add3A_798, %mul3A_1363 : i32
    %add3A_1365 = arith.constant 29 : i32
    %add3A_1366 = arith.addi %mul3A_1364, %add3A_1365 : i32
    %dma_start3A_1367 = arith.constant 0 : i32
    %dma_start3A_1368 = tpu.memref_slice %arg10[%add3A_1366, %dma_start3A_1367] : memref<2048x32xf32, #tpu.memory_space<hbm>> -> memref<1x32xf32, #tpu.memory_space<hbm>>
    %dma_start3A_1369 = tpu.memref_squeeze %dma_start3A_1368 : memref<1x32xf32, #tpu.memory_space<hbm>> -> memref<32xf32, #tpu.memory_space<hbm>>
    %dma_start3A_1370 = arith.constant 0 : i32
    %dma_start3A_1371 = tpu.memref_slice %arg8[%add3A_1362, %dma_start3A_1370] : memref<262144x32xf32, #tpu.memory_space<hbm>> -> memref<1x32xf32, #tpu.memory_space<hbm>>
    %dma_start3A_1372 = tpu.memref_squeeze %dma_start3A_1371 : memref<1x32xf32, #tpu.memory_space<hbm>> -> memref<32xf32, #tpu.memory_space<hbm>>
    tpu.enqueue_dma source(%dma_start3A_1372 : memref<32xf32, #tpu.memory_space<hbm>>) target(%dma_start3A_1369 : memref<32xf32, #tpu.memory_space<hbm>>) target_semaphore(%arg24 : memref<!tpu.dma_semaphore, #tpu.memory_space<semaphore_mem>>)
    %get3A_1373 = arith.constant 30 : index
    %get3A_1374 = tpu.vector_load %arg21[%get3A_1373] {strides = array<i32>} : memref<128xi32, #tpu.memory_space<vmem>>, vector<16xi32>,
    %slice3A_1375 = vector.extract_strided_slice %get3A_1374 {offsets = [0], sizes = [1], strides = [1]} : vector<16xi32> to vector<1xi32>
    %squeeze3A_1376 = vector.extract %slice3A_1375[0] : i32 from vector<1xi32>
    %mul3A_1377 = arith.constant 4096 : i32
    %mul3A_1378 = arith.muli %add3A_798, %mul3A_1377 : i32
    %add3A_1379 = arith.addi %squeeze3A_1376, %mul3A_1378 : i32
    %mul3A_1380 = arith.constant 32 : i32
    %mul3A_1381 = arith.muli %add3A_798, %mul3A_1380 : i32
    %add3A_1382 = arith.constant 30 : i32
    %add3A_1383 = arith.addi %mul3A_1381, %add3A_1382 : i32
    %dma_start3A_1384 = arith.constant 0 : i32
    %dma_start3A_1385 = tpu.memref_slice %arg10[%add3A_1383, %dma_start3A_1384] : memref<2048x32xf32, #tpu.memory_space<hbm>> -> memref<1x32xf32, #tpu.memory_space<hbm>>
    %dma_start3A_1386 = tpu.memref_squeeze %dma_start3A_1385 : memref<1x32xf32, #tpu.memory_space<hbm>> -> memref<32xf32, #tpu.memory_space<hbm>>
    %dma_start3A_1387 = arith.constant 0 : i32
    %dma_start3A_1388 = tpu.memref_slice %arg8[%add3A_1379, %dma_start3A_1387] : memref<262144x32xf32, #tpu.memory_space<hbm>> -> memref<1x32xf32, #tpu.memory_space<hbm>>
    %dma_start3A_1389 = tpu.memref_squeeze %dma_start3A_1388 : memref<1x32xf32, #tpu.memory_space<hbm>> -> memref<32xf32, #tpu.memory_space<hbm>>
    tpu.enqueue_dma source(%dma_start3A_1389 : memref<32xf32, #tpu.memory_space<hbm>>) target(%dma_start3A_1386 : memref<32xf32, #tpu.memory_space<hbm>>) target_semaphore(%arg24 : memref<!tpu.dma_semaphore, #tpu.memory_space<semaphore_mem>>)
    %get3A_1390 = arith.constant 31 : index
    %get3A_1391 = tpu.vector_load %arg21[%get3A_1390] {strides = array<i32>} : memref<128xi32, #tpu.memory_space<vmem>>, vector<16xi32>,
    %slice3A_1392 = vector.extract_strided_slice %get3A_1391 {offsets = [0], sizes = [1], strides = [1]} : vector<16xi32> to vector<1xi32>
    %squeeze3A_1393 = vector.extract %slice3A_1392[0] : i32 from vector<1xi32>
    %mul3A_1394 = arith.constant 4096 : i32
    %mul3A_1395 = arith.muli %add3A_798, %mul3A_1394 : i32
    %add3A_1396 = arith.addi %squeeze3A_1393, %mul3A_1395 : i32
    %mul3A_1397 = arith.constant 32 : i32
    %mul3A_1398 = arith.muli %add3A_798, %mul3A_1397 : i32
    %add3A_1399 = arith.constant 31 : i32
    %add3A_1400 = arith.addi %mul3A_1398, %add3A_1399 : i32
    %dma_start3A_1401 = arith.constant 0 : i32
    %dma_start3A_1402 = tpu.memref_slice %arg10[%add3A_1400, %dma_start3A_1401] : memref<2048x32xf32, #tpu.memory_space<hbm>> -> memref<1x32xf32, #tpu.memory_space<hbm>>
    %dma_start3A_1403 = tpu.memref_squeeze %dma_start3A_1402 : memref<1x32xf32, #tpu.memory_space<hbm>> -> memref<32xf32, #tpu.memory_space<hbm>>
    %dma_start3A_1404 = arith.constant 0 : i32
    %dma_start3A_1405 = tpu.memref_slice %arg8[%add3A_1396, %dma_start3A_1404] : memref<262144x32xf32, #tpu.memory_space<hbm>> -> memref<1x32xf32, #tpu.memory_space<hbm>>
    %dma_start3A_1406 = tpu.memref_squeeze %dma_start3A_1405 : memref<1x32xf32, #tpu.memory_space<hbm>> -> memref<32xf32, #tpu.memory_space<hbm>>
    tpu.enqueue_dma source(%dma_start3A_1406 : memref<32xf32, #tpu.memory_space<hbm>>) target(%dma_start3A_1403 : memref<32xf32, #tpu.memory_space<hbm>>) target_semaphore(%arg24 : memref<!tpu.dma_semaphore, #tpu.memory_space<semaphore_mem>>)
    %dma_wait3A_1407 = arith.constant 0 : i32
    %dma_wait3A_1408 = tpu.memref_slice %arg10[%add3A_873, %dma_wait3A_1407] : memref<2048x32xf32, #tpu.memory_space<hbm>> -> memref<1x32xf32, #tpu.memory_space<hbm>>
    %dma_wait3A_1409 = tpu.memref_squeeze %dma_wait3A_1408 : memref<1x32xf32, #tpu.memory_space<hbm>> -> memref<32xf32, #tpu.memory_space<hbm>>
    %dma_wait3A_1410 = arith.constant 0 : i32
    %dma_wait3A_1411 = tpu.memref_slice %arg8[%add3A_869, %dma_wait3A_1410] : memref<262144x32xf32, #tpu.memory_space<hbm>> -> memref<1x32xf32, #tpu.memory_space<hbm>>
    %dma_wait3A_1412 = tpu.memref_squeeze %dma_wait3A_1411 : memref<1x32xf32, #tpu.memory_space<hbm>> -> memref<32xf32, #tpu.memory_space<hbm>>
    tpu.wait_dma2 semaphore(%arg24 : memref<!tpu.dma_semaphore, #tpu.memory_space<semaphore_mem>>) src(%dma_wait3A_1412 : memref<32xf32, #tpu.memory_space<hbm>>) dst(%dma_wait3A_1409 : memref<32xf32, #tpu.memory_space<hbm>>)
    %dma_wait3A_1413 = arith.constant 0 : i32
    %dma_wait3A_1414 = tpu.memref_slice %arg10[%add3A_890, %dma_wait3A_1413] : memref<2048x32xf32, #tpu.memory_space<hbm>> -> memref<1x32xf32, #tpu.memory_space<hbm>>
    %dma_wait3A_1415 = tpu.memref_squeeze %dma_wait3A_1414 : memref<1x32xf32, #tpu.memory_space<hbm>> -> memref<32xf32, #tpu.memory_space<hbm>>
    %dma_wait3A_1416 = arith.constant 0 : i32
    %dma_wait3A_1417 = tpu.memref_slice %arg8[%add3A_886, %dma_wait3A_1416] : memref<262144x32xf32, #tpu.memory_space<hbm>> -> memref<1x32xf32, #tpu.memory_space<hbm>>
    %dma_wait3A_1418 = tpu.memref_squeeze %dma_wait3A_1417 : memref<1x32xf32, #tpu.memory_space<hbm>> -> memref<32xf32, #tpu.memory_space<hbm>>
    tpu.wait_dma2 semaphore(%arg24 : memref<!tpu.dma_semaphore, #tpu.memory_space<semaphore_mem>>) src(%dma_wait3A_1418 : memref<32xf32, #tpu.memory_space<hbm>>) dst(%dma_wait3A_1415 : memref<32xf32, #tpu.memory_space<hbm>>)
    %dma_wait3A_1419 = arith.constant 0 : i32
    %dma_wait3A_1420 = tpu.memref_slice %arg10[%add3A_907, %dma_wait3A_1419] : memref<2048x32xf32, #tpu.memory_space<hbm>> -> memref<1x32xf32, #tpu.memory_space<hbm>>
    %dma_wait3A_1421 = tpu.memref_squeeze %dma_wait3A_1420 : memref<1x32xf32, #tpu.memory_space<hbm>> -> memref<32xf32, #tpu.memory_space<hbm>>
    %dma_wait3A_1422 = arith.constant 0 : i32
    %dma_wait3A_1423 = tpu.memref_slice %arg8[%add3A_903, %dma_wait3A_1422] : memref<262144x32xf32, #tpu.memory_space<hbm>> -> memref<1x32xf32, #tpu.memory_space<hbm>>
    %dma_wait3A_1424 = tpu.memref_squeeze %dma_wait3A_1423 : memref<1x32xf32, #tpu.memory_space<hbm>> -> memref<32xf32, #tpu.memory_space<hbm>>
    tpu.wait_dma2 semaphore(%arg24 : memref<!tpu.dma_semaphore, #tpu.memory_space<semaphore_mem>>) src(%dma_wait3A_1424 : memref<32xf32, #tpu.memory_space<hbm>>) dst(%dma_wait3A_1421 : memref<32xf32, #tpu.memory_space<hbm>>)
    %dma_wait3A_1425 = arith.constant 0 : i32
    %dma_wait3A_1426 = tpu.memref_slice %arg10[%add3A_924, %dma_wait3A_1425] : memref<2048x32xf32, #tpu.memory_space<hbm>> -> memref<1x32xf32, #tpu.memory_space<hbm>>
    %dma_wait3A_1427 = tpu.memref_squeeze %dma_wait3A_1426 : memref<1x32xf32, #tpu.memory_space<hbm>> -> memref<32xf32, #tpu.memory_space<hbm>>
    %dma_wait3A_1428 = arith.constant 0 : i32
    %dma_wait3A_1429 = tpu.memref_slice %arg8[%add3A_920, %dma_wait3A_1428] : memref<262144x32xf32, #tpu.memory_space<hbm>> -> memref<1x32xf32, #tpu.memory_space<hbm>>
    %dma_wait3A_1430 = tpu.memref_squeeze %dma_wait3A_1429 : memref<1x32xf32, #tpu.memory_space<hbm>> -> memref<32xf32, #tpu.memory_space<hbm>>
    tpu.wait_dma2 semaphore(%arg24 : memref<!tpu.dma_semaphore, #tpu.memory_space<semaphore_mem>>) src(%dma_wait3A_1430 : memref<32xf32, #tpu.memory_space<hbm>>) dst(%dma_wait3A_1427 : memref<32xf32, #tpu.memory_space<hbm>>)
    %dma_wait3A_1431 = arith.constant 0 : i32
    %dma_wait3A_1432 = tpu.memref_slice %arg10[%add3A_941, %dma_wait3A_1431] : memref<2048x32xf32, #tpu.memory_space<hbm>> -> memref<1x32xf32, #tpu.memory_space<hbm>>
    %dma_wait3A_1433 = tpu.memref_squeeze %dma_wait3A_1432 : memref<1x32xf32, #tpu.memory_space<hbm>> -> memref<32xf32, #tpu.memory_space<hbm>>
    %dma_wait3A_1434 = arith.constant 0 : i32
    %dma_wait3A_1435 = tpu.memref_slice %arg8[%add3A_937, %dma_wait3A_1434] : memref<262144x32xf32, #tpu.memory_space<hbm>> -> memref<1x32xf32, #tpu.memory_space<hbm>>
    %dma_wait3A_1436 = tpu.memref_squeeze %dma_wait3A_1435 : memref<1x32xf32, #tpu.memory_space<hbm>> -> memref<32xf32, #tpu.memory_space<hbm>>
    tpu.wait_dma2 semaphore(%arg24 : memref<!tpu.dma_semaphore, #tpu.memory_space<semaphore_mem>>) src(%dma_wait3A_1436 : memref<32xf32, #tpu.memory_space<hbm>>) dst(%dma_wait3A_1433 : memref<32xf32, #tpu.memory_space<hbm>>)
    %dma_wait3A_1437 = arith.constant 0 : i32
    %dma_wait3A_1438 = tpu.memref_slice %arg10[%add3A_958, %dma_wait3A_1437] : memref<2048x32xf32, #tpu.memory_space<hbm>> -> memref<1x32xf32, #tpu.memory_space<hbm>>
    %dma_wait3A_1439 = tpu.memref_squeeze %dma_wait3A_1438 : memref<1x32xf32, #tpu.memory_space<hbm>> -> memref<32xf32, #tpu.memory_space<hbm>>
    %dma_wait3A_1440 = arith.constant 0 : i32
    %dma_wait3A_1441 = tpu.memref_slice %arg8[%add3A_954, %dma_wait3A_1440] : memref<262144x32xf32, #tpu.memory_space<hbm>> -> memref<1x32xf32, #tpu.memory_space<hbm>>
    %dma_wait3A_1442 = tpu.memref_squeeze %dma_wait3A_1441 : memref<1x32xf32, #tpu.memory_space<hbm>> -> memref<32xf32, #tpu.memory_space<hbm>>
    tpu.wait_dma2 semaphore(%arg24 : memref<!tpu.dma_semaphore, #tpu.memory_space<semaphore_mem>>) src(%dma_wait3A_1442 : memref<32xf32, #tpu.memory_space<hbm>>) dst(%dma_wait3A_1439 : memref<32xf32, #tpu.memory_space<hbm>>)
    %dma_wait3A_1443 = arith.constant 0 : i32
    %dma_wait3A_1444 = tpu.memref_slice %arg10[%add3A_975, %dma_wait3A_1443] : memref<2048x32xf32, #tpu.memory_space<hbm>> -> memref<1x32xf32, #tpu.memory_space<hbm>>
    %dma_wait3A_1445 = tpu.memref_squeeze %dma_wait3A_1444 : memref<1x32xf32, #tpu.memory_space<hbm>> -> memref<32xf32, #tpu.memory_space<hbm>>
    %dma_wait3A_1446 = arith.constant 0 : i32
    %dma_wait3A_1447 = tpu.memref_slice %arg8[%add3A_971, %dma_wait3A_1446] : memref<262144x32xf32, #tpu.memory_space<hbm>> -> memref<1x32xf32, #tpu.memory_space<hbm>>
    %dma_wait3A_1448 = tpu.memref_squeeze %dma_wait3A_1447 : memref<1x32xf32, #tpu.memory_space<hbm>> -> memref<32xf32, #tpu.memory_space<hbm>>
    tpu.wait_dma2 semaphore(%arg24 : memref<!tpu.dma_semaphore, #tpu.memory_space<semaphore_mem>>) src(%dma_wait3A_1448 : memref<32xf32, #tpu.memory_space<hbm>>) dst(%dma_wait3A_1445 : memref<32xf32, #tpu.memory_space<hbm>>)
    %dma_wait3A_1449 = arith.constant 0 : i32
    %dma_wait3A_1450 = tpu.memref_slice %arg10[%add3A_992, %dma_wait3A_1449] : memref<2048x32xf32, #tpu.memory_space<hbm>> -> memref<1x32xf32, #tpu.memory_space<hbm>>
    %dma_wait3A_1451 = tpu.memref_squeeze %dma_wait3A_1450 : memref<1x32xf32, #tpu.memory_space<hbm>> -> memref<32xf32, #tpu.memory_space<hbm>>
    %dma_wait3A_1452 = arith.constant 0 : i32
    %dma_wait3A_1453 = tpu.memref_slice %arg8[%add3A_988, %dma_wait3A_1452] : memref<262144x32xf32, #tpu.memory_space<hbm>> -> memref<1x32xf32, #tpu.memory_space<hbm>>
    %dma_wait3A_1454 = tpu.memref_squeeze %dma_wait3A_1453 : memref<1x32xf32, #tpu.memory_space<hbm>> -> memref<32xf32, #tpu.memory_space<hbm>>
    tpu.wait_dma2 semaphore(%arg24 : memref<!tpu.dma_semaphore, #tpu.memory_space<semaphore_mem>>) src(%dma_wait3A_1454 : memref<32xf32, #tpu.memory_space<hbm>>) dst(%dma_wait3A_1451 : memref<32xf32, #tpu.memory_space<hbm>>)
    %dma_wait3A_1455 = arith.constant 0 : i32
    %dma_wait3A_1456 = tpu.memref_slice %arg10[%add3A_1009, %dma_wait3A_1455] : memref<2048x32xf32, #tpu.memory_space<hbm>> -> memref<1x32xf32, #tpu.memory_space<hbm>>
    %dma_wait3A_1457 = tpu.memref_squeeze %dma_wait3A_1456 : memref<1x32xf32, #tpu.memory_space<hbm>> -> memref<32xf32, #tpu.memory_space<hbm>>
    %dma_wait3A_1458 = arith.constant 0 : i32
    %dma_wait3A_1459 = tpu.memref_slice %arg8[%add3A_1005, %dma_wait3A_1458] : memref<262144x32xf32, #tpu.memory_space<hbm>> -> memref<1x32xf32, #tpu.memory_space<hbm>>
    %dma_wait3A_1460 = tpu.memref_squeeze %dma_wait3A_1459 : memref<1x32xf32, #tpu.memory_space<hbm>> -> memref<32xf32, #tpu.memory_space<hbm>>
    tpu.wait_dma2 semaphore(%arg24 : memref<!tpu.dma_semaphore, #tpu.memory_space<semaphore_mem>>) src(%dma_wait3A_1460 : memref<32xf32, #tpu.memory_space<hbm>>) dst(%dma_wait3A_1457 : memref<32xf32, #tpu.memory_space<hbm>>)
    %dma_wait3A_1461 = arith.constant 0 : i32
    %dma_wait3A_1462 = tpu.memref_slice %arg10[%add3A_1026, %dma_wait3A_1461] : memref<2048x32xf32, #tpu.memory_space<hbm>> -> memref<1x32xf32, #tpu.memory_space<hbm>>
    %dma_wait3A_1463 = tpu.memref_squeeze %dma_wait3A_1462 : memref<1x32xf32, #tpu.memory_space<hbm>> -> memref<32xf32, #tpu.memory_space<hbm>>
    %dma_wait3A_1464 = arith.constant 0 : i32
    %dma_wait3A_1465 = tpu.memref_slice %arg8[%add3A_1022, %dma_wait3A_1464] : memref<262144x32xf32, #tpu.memory_space<hbm>> -> memref<1x32xf32, #tpu.memory_space<hbm>>
    %dma_wait3A_1466 = tpu.memref_squeeze %dma_wait3A_1465 : memref<1x32xf32, #tpu.memory_space<hbm>> -> memref<32xf32, #tpu.memory_space<hbm>>
    tpu.wait_dma2 semaphore(%arg24 : memref<!tpu.dma_semaphore, #tpu.memory_space<semaphore_mem>>) src(%dma_wait3A_1466 : memref<32xf32, #tpu.memory_space<hbm>>) dst(%dma_wait3A_1463 : memref<32xf32, #tpu.memory_space<hbm>>)
    %dma_wait3A_1467 = arith.constant 0 : i32
    %dma_wait3A_1468 = tpu.memref_slice %arg10[%add3A_1043, %dma_wait3A_1467] : memref<2048x32xf32, #tpu.memory_space<hbm>> -> memref<1x32xf32, #tpu.memory_space<hbm>>
    %dma_wait3A_1469 = tpu.memref_squeeze %dma_wait3A_1468 : memref<1x32xf32, #tpu.memory_space<hbm>> -> memref<32xf32, #tpu.memory_space<hbm>>
    %dma_wait3A_1470 = arith.constant 0 : i32
    %dma_wait3A_1471 = tpu.memref_slice %arg8[%add3A_1039, %dma_wait3A_1470] : memref<262144x32xf32, #tpu.memory_space<hbm>> -> memref<1x32xf32, #tpu.memory_space<hbm>>
    %dma_wait3A_1472 = tpu.memref_squeeze %dma_wait3A_1471 : memref<1x32xf32, #tpu.memory_space<hbm>> -> memref<32xf32, #tpu.memory_space<hbm>>
    tpu.wait_dma2 semaphore(%arg24 : memref<!tpu.dma_semaphore, #tpu.memory_space<semaphore_mem>>) src(%dma_wait3A_1472 : memref<32xf32, #tpu.memory_space<hbm>>) dst(%dma_wait3A_1469 : memref<32xf32, #tpu.memory_space<hbm>>)
    %dma_wait3A_1473 = arith.constant 0 : i32
    %dma_wait3A_1474 = tpu.memref_slice %arg10[%add3A_1060, %dma_wait3A_1473] : memref<2048x32xf32, #tpu.memory_space<hbm>> -> memref<1x32xf32, #tpu.memory_space<hbm>>
    %dma_wait3A_1475 = tpu.memref_squeeze %dma_wait3A_1474 : memref<1x32xf32, #tpu.memory_space<hbm>> -> memref<32xf32, #tpu.memory_space<hbm>>
    %dma_wait3A_1476 = arith.constant 0 : i32
    %dma_wait3A_1477 = tpu.memref_slice %arg8[%add3A_1056, %dma_wait3A_1476] : memref<262144x32xf32, #tpu.memory_space<hbm>> -> memref<1x32xf32, #tpu.memory_space<hbm>>
    %dma_wait3A_1478 = tpu.memref_squeeze %dma_wait3A_1477 : memref<1x32xf32, #tpu.memory_space<hbm>> -> memref<32xf32, #tpu.memory_space<hbm>>
    tpu.wait_dma2 semaphore(%arg24 : memref<!tpu.dma_semaphore, #tpu.memory_space<semaphore_mem>>) src(%dma_wait3A_1478 : memref<32xf32, #tpu.memory_space<hbm>>) dst(%dma_wait3A_1475 : memref<32xf32, #tpu.memory_space<hbm>>)
    %dma_wait3A_1479 = arith.constant 0 : i32
    %dma_wait3A_1480 = tpu.memref_slice %arg10[%add3A_1077, %dma_wait3A_1479] : memref<2048x32xf32, #tpu.memory_space<hbm>> -> memref<1x32xf32, #tpu.memory_space<hbm>>
    %dma_wait3A_1481 = tpu.memref_squeeze %dma_wait3A_1480 : memref<1x32xf32, #tpu.memory_space<hbm>> -> memref<32xf32, #tpu.memory_space<hbm>>
    %dma_wait3A_1482 = arith.constant 0 : i32
    %dma_wait3A_1483 = tpu.memref_slice %arg8[%add3A_1073, %dma_wait3A_1482] : memref<262144x32xf32, #tpu.memory_space<hbm>> -> memref<1x32xf32, #tpu.memory_space<hbm>>
    %dma_wait3A_1484 = tpu.memref_squeeze %dma_wait3A_1483 : memref<1x32xf32, #tpu.memory_space<hbm>> -> memref<32xf32, #tpu.memory_space<hbm>>
    tpu.wait_dma2 semaphore(%arg24 : memref<!tpu.dma_semaphore, #tpu.memory_space<semaphore_mem>>) src(%dma_wait3A_1484 : memref<32xf32, #tpu.memory_space<hbm>>) dst(%dma_wait3A_1481 : memref<32xf32, #tpu.memory_space<hbm>>)
    %dma_wait3A_1485 = arith.constant 0 : i32
    %dma_wait3A_1486 = tpu.memref_slice %arg10[%add3A_1094, %dma_wait3A_1485] : memref<2048x32xf32, #tpu.memory_space<hbm>> -> memref<1x32xf32, #tpu.memory_space<hbm>>
    %dma_wait3A_1487 = tpu.memref_squeeze %dma_wait3A_1486 : memref<1x32xf32, #tpu.memory_space<hbm>> -> memref<32xf32, #tpu.memory_space<hbm>>
    %dma_wait3A_1488 = arith.constant 0 : i32
    %dma_wait3A_1489 = tpu.memref_slice %arg8[%add3A_1090, %dma_wait3A_1488] : memref<262144x32xf32, #tpu.memory_space<hbm>> -> memref<1x32xf32, #tpu.memory_space<hbm>>
    %dma_wait3A_1490 = tpu.memref_squeeze %dma_wait3A_1489 : memref<1x32xf32, #tpu.memory_space<hbm>> -> memref<32xf32, #tpu.memory_space<hbm>>
    tpu.wait_dma2 semaphore(%arg24 : memref<!tpu.dma_semaphore, #tpu.memory_space<semaphore_mem>>) src(%dma_wait3A_1490 : memref<32xf32, #tpu.memory_space<hbm>>) dst(%dma_wait3A_1487 : memref<32xf32, #tpu.memory_space<hbm>>)
    %dma_wait3A_1491 = arith.constant 0 : i32
    %dma_wait3A_1492 = tpu.memref_slice %arg10[%add3A_1111, %dma_wait3A_1491] : memref<2048x32xf32, #tpu.memory_space<hbm>> -> memref<1x32xf32, #tpu.memory_space<hbm>>
    %dma_wait3A_1493 = tpu.memref_squeeze %dma_wait3A_1492 : memref<1x32xf32, #tpu.memory_space<hbm>> -> memref<32xf32, #tpu.memory_space<hbm>>
    %dma_wait3A_1494 = arith.constant 0 : i32
    %dma_wait3A_1495 = tpu.memref_slice %arg8[%add3A_1107, %dma_wait3A_1494] : memref<262144x32xf32, #tpu.memory_space<hbm>> -> memref<1x32xf32, #tpu.memory_space<hbm>>
    %dma_wait3A_1496 = tpu.memref_squeeze %dma_wait3A_1495 : memref<1x32xf32, #tpu.memory_space<hbm>> -> memref<32xf32, #tpu.memory_space<hbm>>
    tpu.wait_dma2 semaphore(%arg24 : memref<!tpu.dma_semaphore, #tpu.memory_space<semaphore_mem>>) src(%dma_wait3A_1496 : memref<32xf32, #tpu.memory_space<hbm>>) dst(%dma_wait3A_1493 : memref<32xf32, #tpu.memory_space<hbm>>)
    %dma_wait3A_1497 = arith.constant 0 : i32
    %dma_wait3A_1498 = tpu.memref_slice %arg10[%add3A_1128, %dma_wait3A_1497] : memref<2048x32xf32, #tpu.memory_space<hbm>> -> memref<1x32xf32, #tpu.memory_space<hbm>>
    %dma_wait3A_1499 = tpu.memref_squeeze %dma_wait3A_1498 : memref<1x32xf32, #tpu.memory_space<hbm>> -> memref<32xf32, #tpu.memory_space<hbm>>
    %dma_wait3A_1500 = arith.constant 0 : i32
    %dma_wait3A_1501 = tpu.memref_slice %arg8[%add3A_1124, %dma_wait3A_1500] : memref<262144x32xf32, #tpu.memory_space<hbm>> -> memref<1x32xf32, #tpu.memory_space<hbm>>
    %dma_wait3A_1502 = tpu.memref_squeeze %dma_wait3A_1501 : memref<1x32xf32, #tpu.memory_space<hbm>> -> memref<32xf32, #tpu.memory_space<hbm>>
    tpu.wait_dma2 semaphore(%arg24 : memref<!tpu.dma_semaphore, #tpu.memory_space<semaphore_mem>>) src(%dma_wait3A_1502 : memref<32xf32, #tpu.memory_space<hbm>>) dst(%dma_wait3A_1499 : memref<32xf32, #tpu.memory_space<hbm>>)
    %dma_wait3A_1503 = arith.constant 0 : i32
    %dma_wait3A_1504 = tpu.memref_slice %arg10[%add3A_1145, %dma_wait3A_1503] : memref<2048x32xf32, #tpu.memory_space<hbm>> -> memref<1x32xf32, #tpu.memory_space<hbm>>
    %dma_wait3A_1505 = tpu.memref_squeeze %dma_wait3A_1504 : memref<1x32xf32, #tpu.memory_space<hbm>> -> memref<32xf32, #tpu.memory_space<hbm>>
    %dma_wait3A_1506 = arith.constant 0 : i32
    %dma_wait3A_1507 = tpu.memref_slice %arg8[%add3A_1141, %dma_wait3A_1506] : memref<262144x32xf32, #tpu.memory_space<hbm>> -> memref<1x32xf32, #tpu.memory_space<hbm>>
    %dma_wait3A_1508 = tpu.memref_squeeze %dma_wait3A_1507 : memref<1x32xf32, #tpu.memory_space<hbm>> -> memref<32xf32, #tpu.memory_space<hbm>>
    tpu.wait_dma2 semaphore(%arg24 : memref<!tpu.dma_semaphore, #tpu.memory_space<semaphore_mem>>) src(%dma_wait3A_1508 : memref<32xf32, #tpu.memory_space<hbm>>) dst(%dma_wait3A_1505 : memref<32xf32, #tpu.memory_space<hbm>>)
    %dma_wait3A_1509 = arith.constant 0 : i32
    %dma_wait3A_1510 = tpu.memref_slice %arg10[%add3A_1162, %dma_wait3A_1509] : memref<2048x32xf32, #tpu.memory_space<hbm>> -> memref<1x32xf32, #tpu.memory_space<hbm>>
    %dma_wait3A_1511 = tpu.memref_squeeze %dma_wait3A_1510 : memref<1x32xf32, #tpu.memory_space<hbm>> -> memref<32xf32, #tpu.memory_space<hbm>>
    %dma_wait3A_1512 = arith.constant 0 : i32
    %dma_wait3A_1513 = tpu.memref_slice %arg8[%add3A_1158, %dma_wait3A_1512] : memref<262144x32xf32, #tpu.memory_space<hbm>> -> memref<1x32xf32, #tpu.memory_space<hbm>>
    %dma_wait3A_1514 = tpu.memref_squeeze %dma_wait3A_1513 : memref<1x32xf32, #tpu.memory_space<hbm>> -> memref<32xf32, #tpu.memory_space<hbm>>
    tpu.wait_dma2 semaphore(%arg24 : memref<!tpu.dma_semaphore, #tpu.memory_space<semaphore_mem>>) src(%dma_wait3A_1514 : memref<32xf32, #tpu.memory_space<hbm>>) dst(%dma_wait3A_1511 : memref<32xf32, #tpu.memory_space<hbm>>)
    %dma_wait3A_1515 = arith.constant 0 : i32
    %dma_wait3A_1516 = tpu.memref_slice %arg10[%add3A_1179, %dma_wait3A_1515] : memref<2048x32xf32, #tpu.memory_space<hbm>> -> memref<1x32xf32, #tpu.memory_space<hbm>>
    %dma_wait3A_1517 = tpu.memref_squeeze %dma_wait3A_1516 : memref<1x32xf32, #tpu.memory_space<hbm>> -> memref<32xf32, #tpu.memory_space<hbm>>
    %dma_wait3A_1518 = arith.constant 0 : i32
    %dma_wait3A_1519 = tpu.memref_slice %arg8[%add3A_1175, %dma_wait3A_1518] : memref<262144x32xf32, #tpu.memory_space<hbm>> -> memref<1x32xf32, #tpu.memory_space<hbm>>
    %dma_wait3A_1520 = tpu.memref_squeeze %dma_wait3A_1519 : memref<1x32xf32, #tpu.memory_space<hbm>> -> memref<32xf32, #tpu.memory_space<hbm>>
    tpu.wait_dma2 semaphore(%arg24 : memref<!tpu.dma_semaphore, #tpu.memory_space<semaphore_mem>>) src(%dma_wait3A_1520 : memref<32xf32, #tpu.memory_space<hbm>>) dst(%dma_wait3A_1517 : memref<32xf32, #tpu.memory_space<hbm>>)
    %dma_wait3A_1521 = arith.constant 0 : i32
    %dma_wait3A_1522 = tpu.memref_slice %arg10[%add3A_1196, %dma_wait3A_1521] : memref<2048x32xf32, #tpu.memory_space<hbm>> -> memref<1x32xf32, #tpu.memory_space<hbm>>
    %dma_wait3A_1523 = tpu.memref_squeeze %dma_wait3A_1522 : memref<1x32xf32, #tpu.memory_space<hbm>> -> memref<32xf32, #tpu.memory_space<hbm>>
    %dma_wait3A_1524 = arith.constant 0 : i32
    %dma_wait3A_1525 = tpu.memref_slice %arg8[%add3A_1192, %dma_wait3A_1524] : memref<262144x32xf32, #tpu.memory_space<hbm>> -> memref<1x32xf32, #tpu.memory_space<hbm>>
    %dma_wait3A_1526 = tpu.memref_squeeze %dma_wait3A_1525 : memref<1x32xf32, #tpu.memory_space<hbm>> -> memref<32xf32, #tpu.memory_space<hbm>>
    tpu.wait_dma2 semaphore(%arg24 : memref<!tpu.dma_semaphore, #tpu.memory_space<semaphore_mem>>) src(%dma_wait3A_1526 : memref<32xf32, #tpu.memory_space<hbm>>) dst(%dma_wait3A_1523 : memref<32xf32, #tpu.memory_space<hbm>>)
    %dma_wait3A_1527 = arith.constant 0 : i32
    %dma_wait3A_1528 = tpu.memref_slice %arg10[%add3A_1213, %dma_wait3A_1527] : memref<2048x32xf32, #tpu.memory_space<hbm>> -> memref<1x32xf32, #tpu.memory_space<hbm>>
    %dma_wait3A_1529 = tpu.memref_squeeze %dma_wait3A_1528 : memref<1x32xf32, #tpu.memory_space<hbm>> -> memref<32xf32, #tpu.memory_space<hbm>>
    %dma_wait3A_1530 = arith.constant 0 : i32
    %dma_wait3A_1531 = tpu.memref_slice %arg8[%add3A_1209, %dma_wait3A_1530] : memref<262144x32xf32, #tpu.memory_space<hbm>> -> memref<1x32xf32, #tpu.memory_space<hbm>>
    %dma_wait3A_1532 = tpu.memref_squeeze %dma_wait3A_1531 : memref<1x32xf32, #tpu.memory_space<hbm>> -> memref<32xf32, #tpu.memory_space<hbm>>
    tpu.wait_dma2 semaphore(%arg24 : memref<!tpu.dma_semaphore, #tpu.memory_space<semaphore_mem>>) src(%dma_wait3A_1532 : memref<32xf32, #tpu.memory_space<hbm>>) dst(%dma_wait3A_1529 : memref<32xf32, #tpu.memory_space<hbm>>)
    %dma_wait3A_1533 = arith.constant 0 : i32
    %dma_wait3A_1534 = tpu.memref_slice %arg10[%add3A_1230, %dma_wait3A_1533] : memref<2048x32xf32, #tpu.memory_space<hbm>> -> memref<1x32xf32, #tpu.memory_space<hbm>>
    %dma_wait3A_1535 = tpu.memref_squeeze %dma_wait3A_1534 : memref<1x32xf32, #tpu.memory_space<hbm>> -> memref<32xf32, #tpu.memory_space<hbm>>
    %dma_wait3A_1536 = arith.constant 0 : i32
    %dma_wait3A_1537 = tpu.memref_slice %arg8[%add3A_1226, %dma_wait3A_1536] : memref<262144x32xf32, #tpu.memory_space<hbm>> -> memref<1x32xf32, #tpu.memory_space<hbm>>
    %dma_wait3A_1538 = tpu.memref_squeeze %dma_wait3A_1537 : memref<1x32xf32, #tpu.memory_space<hbm>> -> memref<32xf32, #tpu.memory_space<hbm>>
    tpu.wait_dma2 semaphore(%arg24 : memref<!tpu.dma_semaphore, #tpu.memory_space<semaphore_mem>>) src(%dma_wait3A_1538 : memref<32xf32, #tpu.memory_space<hbm>>) dst(%dma_wait3A_1535 : memref<32xf32, #tpu.memory_space<hbm>>)
    %dma_wait3A_1539 = arith.constant 0 : i32
    %dma_wait3A_1540 = tpu.memref_slice %arg10[%add3A_1247, %dma_wait3A_1539] : memref<2048x32xf32, #tpu.memory_space<hbm>> -> memref<1x32xf32, #tpu.memory_space<hbm>>
    %dma_wait3A_1541 = tpu.memref_squeeze %dma_wait3A_1540 : memref<1x32xf32, #tpu.memory_space<hbm>> -> memref<32xf32, #tpu.memory_space<hbm>>
    %dma_wait3A_1542 = arith.constant 0 : i32
    %dma_wait3A_1543 = tpu.memref_slice %arg8[%add3A_1243, %dma_wait3A_1542] : memref<262144x32xf32, #tpu.memory_space<hbm>> -> memref<1x32xf32, #tpu.memory_space<hbm>>
    %dma_wait3A_1544 = tpu.memref_squeeze %dma_wait3A_1543 : memref<1x32xf32, #tpu.memory_space<hbm>> -> memref<32xf32, #tpu.memory_space<hbm>>
    tpu.wait_dma2 semaphore(%arg24 : memref<!tpu.dma_semaphore, #tpu.memory_space<semaphore_mem>>) src(%dma_wait3A_1544 : memref<32xf32, #tpu.memory_space<hbm>>) dst(%dma_wait3A_1541 : memref<32xf32, #tpu.memory_space<hbm>>)
    %dma_wait3A_1545 = arith.constant 0 : i32
    %dma_wait3A_1546 = tpu.memref_slice %arg10[%add3A_1264, %dma_wait3A_1545] : memref<2048x32xf32, #tpu.memory_space<hbm>> -> memref<1x32xf32, #tpu.memory_space<hbm>>
    %dma_wait3A_1547 = tpu.memref_squeeze %dma_wait3A_1546 : memref<1x32xf32, #tpu.memory_space<hbm>> -> memref<32xf32, #tpu.memory_space<hbm>>
    %dma_wait3A_1548 = arith.constant 0 : i32
    %dma_wait3A_1549 = tpu.memref_slice %arg8[%add3A_1260, %dma_wait3A_1548] : memref<262144x32xf32, #tpu.memory_space<hbm>> -> memref<1x32xf32, #tpu.memory_space<hbm>>
    %dma_wait3A_1550 = tpu.memref_squeeze %dma_wait3A_1549 : memref<1x32xf32, #tpu.memory_space<hbm>> -> memref<32xf32, #tpu.memory_space<hbm>>
    tpu.wait_dma2 semaphore(%arg24 : memref<!tpu.dma_semaphore, #tpu.memory_space<semaphore_mem>>) src(%dma_wait3A_1550 : memref<32xf32, #tpu.memory_space<hbm>>) dst(%dma_wait3A_1547 : memref<32xf32, #tpu.memory_space<hbm>>)
    %dma_wait3A_1551 = arith.constant 0 : i32
    %dma_wait3A_1552 = tpu.memref_slice %arg10[%add3A_1281, %dma_wait3A_1551] : memref<2048x32xf32, #tpu.memory_space<hbm>> -> memref<1x32xf32, #tpu.memory_space<hbm>>
    %dma_wait3A_1553 = tpu.memref_squeeze %dma_wait3A_1552 : memref<1x32xf32, #tpu.memory_space<hbm>> -> memref<32xf32, #tpu.memory_space<hbm>>
    %dma_wait3A_1554 = arith.constant 0 : i32
    %dma_wait3A_1555 = tpu.memref_slice %arg8[%add3A_1277, %dma_wait3A_1554] : memref<262144x32xf32, #tpu.memory_space<hbm>> -> memref<1x32xf32, #tpu.memory_space<hbm>>
    %dma_wait3A_1556 = tpu.memref_squeeze %dma_wait3A_1555 : memref<1x32xf32, #tpu.memory_space<hbm>> -> memref<32xf32, #tpu.memory_space<hbm>>
    tpu.wait_dma2 semaphore(%arg24 : memref<!tpu.dma_semaphore, #tpu.memory_space<semaphore_mem>>) src(%dma_wait3A_1556 : memref<32xf32, #tpu.memory_space<hbm>>) dst(%dma_wait3A_1553 : memref<32xf32, #tpu.memory_space<hbm>>)
    %dma_wait3A_1557 = arith.constant 0 : i32
    %dma_wait3A_1558 = tpu.memref_slice %arg10[%add3A_1298, %dma_wait3A_1557] : memref<2048x32xf32, #tpu.memory_space<hbm>> -> memref<1x32xf32, #tpu.memory_space<hbm>>
    %dma_wait3A_1559 = tpu.memref_squeeze %dma_wait3A_1558 : memref<1x32xf32, #tpu.memory_space<hbm>> -> memref<32xf32, #tpu.memory_space<hbm>>
    %dma_wait3A_1560 = arith.constant 0 : i32
    %dma_wait3A_1561 = tpu.memref_slice %arg8[%add3A_1294, %dma_wait3A_1560] : memref<262144x32xf32, #tpu.memory_space<hbm>> -> memref<1x32xf32, #tpu.memory_space<hbm>>
    %dma_wait3A_1562 = tpu.memref_squeeze %dma_wait3A_1561 : memref<1x32xf32, #tpu.memory_space<hbm>> -> memref<32xf32, #tpu.memory_space<hbm>>
    tpu.wait_dma2 semaphore(%arg24 : memref<!tpu.dma_semaphore, #tpu.memory_space<semaphore_mem>>) src(%dma_wait3A_1562 : memref<32xf32, #tpu.memory_space<hbm>>) dst(%dma_wait3A_1559 : memref<32xf32, #tpu.memory_space<hbm>>)
    %dma_wait3A_1563 = arith.constant 0 : i32
    %dma_wait3A_1564 = tpu.memref_slice %arg10[%add3A_1315, %dma_wait3A_1563] : memref<2048x32xf32, #tpu.memory_space<hbm>> -> memref<1x32xf32, #tpu.memory_space<hbm>>
    %dma_wait3A_1565 = tpu.memref_squeeze %dma_wait3A_1564 : memref<1x32xf32, #tpu.memory_space<hbm>> -> memref<32xf32, #tpu.memory_space<hbm>>
    %dma_wait3A_1566 = arith.constant 0 : i32
    %dma_wait3A_1567 = tpu.memref_slice %arg8[%add3A_1311, %dma_wait3A_1566] : memref<262144x32xf32, #tpu.memory_space<hbm>> -> memref<1x32xf32, #tpu.memory_space<hbm>>
    %dma_wait3A_1568 = tpu.memref_squeeze %dma_wait3A_1567 : memref<1x32xf32, #tpu.memory_space<hbm>> -> memref<32xf32, #tpu.memory_space<hbm>>
    tpu.wait_dma2 semaphore(%arg24 : memref<!tpu.dma_semaphore, #tpu.memory_space<semaphore_mem>>) src(%dma_wait3A_1568 : memref<32xf32, #tpu.memory_space<hbm>>) dst(%dma_wait3A_1565 : memref<32xf32, #tpu.memory_space<hbm>>)
    %dma_wait3A_1569 = arith.constant 0 : i32
    %dma_wait3A_1570 = tpu.memref_slice %arg10[%add3A_1332, %dma_wait3A_1569] : memref<2048x32xf32, #tpu.memory_space<hbm>> -> memref<1x32xf32, #tpu.memory_space<hbm>>
    %dma_wait3A_1571 = tpu.memref_squeeze %dma_wait3A_1570 : memref<1x32xf32, #tpu.memory_space<hbm>> -> memref<32xf32, #tpu.memory_space<hbm>>
    %dma_wait3A_1572 = arith.constant 0 : i32
    %dma_wait3A_1573 = tpu.memref_slice %arg8[%add3A_1328, %dma_wait3A_1572] : memref<262144x32xf32, #tpu.memory_space<hbm>> -> memref<1x32xf32, #tpu.memory_space<hbm>>
    %dma_wait3A_1574 = tpu.memref_squeeze %dma_wait3A_1573 : memref<1x32xf32, #tpu.memory_space<hbm>> -> memref<32xf32, #tpu.memory_space<hbm>>
    tpu.wait_dma2 semaphore(%arg24 : memref<!tpu.dma_semaphore, #tpu.memory_space<semaphore_mem>>) src(%dma_wait3A_1574 : memref<32xf32, #tpu.memory_space<hbm>>) dst(%dma_wait3A_1571 : memref<32xf32, #tpu.memory_space<hbm>>)
    %dma_wait3A_1575 = arith.constant 0 : i32
    %dma_wait3A_1576 = tpu.memref_slice %arg10[%add3A_1349, %dma_wait3A_1575] : memref<2048x32xf32, #tpu.memory_space<hbm>> -> memref<1x32xf32, #tpu.memory_space<hbm>>
    %dma_wait3A_1577 = tpu.memref_squeeze %dma_wait3A_1576 : memref<1x32xf32, #tpu.memory_space<hbm>> -> memref<32xf32, #tpu.memory_space<hbm>>
    %dma_wait3A_1578 = arith.constant 0 : i32
    %dma_wait3A_1579 = tpu.memref_slice %arg8[%add3A_1345, %dma_wait3A_1578] : memref<262144x32xf32, #tpu.memory_space<hbm>> -> memref<1x32xf32, #tpu.memory_space<hbm>>
    %dma_wait3A_1580 = tpu.memref_squeeze %dma_wait3A_1579 : memref<1x32xf32, #tpu.memory_space<hbm>> -> memref<32xf32, #tpu.memory_space<hbm>>
    tpu.wait_dma2 semaphore(%arg24 : memref<!tpu.dma_semaphore, #tpu.memory_space<semaphore_mem>>) src(%dma_wait3A_1580 : memref<32xf32, #tpu.memory_space<hbm>>) dst(%dma_wait3A_1577 : memref<32xf32, #tpu.memory_space<hbm>>)
    %dma_wait3A_1581 = arith.constant 0 : i32
    %dma_wait3A_1582 = tpu.memref_slice %arg10[%add3A_1366, %dma_wait3A_1581] : memref<2048x32xf32, #tpu.memory_space<hbm>> -> memref<1x32xf32, #tpu.memory_space<hbm>>
    %dma_wait3A_1583 = tpu.memref_squeeze %dma_wait3A_1582 : memref<1x32xf32, #tpu.memory_space<hbm>> -> memref<32xf32, #tpu.memory_space<hbm>>
    %dma_wait3A_1584 = arith.constant 0 : i32
    %dma_wait3A_1585 = tpu.memref_slice %arg8[%add3A_1362, %dma_wait3A_1584] : memref<262144x32xf32, #tpu.memory_space<hbm>> -> memref<1x32xf32, #tpu.memory_space<hbm>>
    %dma_wait3A_1586 = tpu.memref_squeeze %dma_wait3A_1585 : memref<1x32xf32, #tpu.memory_space<hbm>> -> memref<32xf32, #tpu.memory_space<hbm>>
    tpu.wait_dma2 semaphore(%arg24 : memref<!tpu.dma_semaphore, #tpu.memory_space<semaphore_mem>>) src(%dma_wait3A_1586 : memref<32xf32, #tpu.memory_space<hbm>>) dst(%dma_wait3A_1583 : memref<32xf32, #tpu.memory_space<hbm>>)
    %dma_wait3A_1587 = arith.constant 0 : i32
    %dma_wait3A_1588 = tpu.memref_slice %arg10[%add3A_1383, %dma_wait3A_1587] : memref<2048x32xf32, #tpu.memory_space<hbm>> -> memref<1x32xf32, #tpu.memory_space<hbm>>
    %dma_wait3A_1589 = tpu.memref_squeeze %dma_wait3A_1588 : memref<1x32xf32, #tpu.memory_space<hbm>> -> memref<32xf32, #tpu.memory_space<hbm>>
    %dma_wait3A_1590 = arith.constant 0 : i32
    %dma_wait3A_1591 = tpu.memref_slice %arg8[%add3A_1379, %dma_wait3A_1590] : memref<262144x32xf32, #tpu.memory_space<hbm>> -> memref<1x32xf32, #tpu.memory_space<hbm>>
    %dma_wait3A_1592 = tpu.memref_squeeze %dma_wait3A_1591 : memref<1x32xf32, #tpu.memory_space<hbm>> -> memref<32xf32, #tpu.memory_space<hbm>>
    tpu.wait_dma2 semaphore(%arg24 : memref<!tpu.dma_semaphore, #tpu.memory_space<semaphore_mem>>) src(%dma_wait3A_1592 : memref<32xf32, #tpu.memory_space<hbm>>) dst(%dma_wait3A_1589 : memref<32xf32, #tpu.memory_space<hbm>>)
    %dma_wait3A_1593 = arith.constant 0 : i32
    %dma_wait3A_1594 = tpu.memref_slice %arg10[%add3A_1400, %dma_wait3A_1593] : memref<2048x32xf32, #tpu.memory_space<hbm>> -> memref<1x32xf32, #tpu.memory_space<hbm>>
    %dma_wait3A_1595 = tpu.memref_squeeze %dma_wait3A_1594 : memref<1x32xf32, #tpu.memory_space<hbm>> -> memref<32xf32, #tpu.memory_space<hbm>>
    %dma_wait3A_1596 = arith.constant 0 : i32
    %dma_wait3A_1597 = tpu.memref_slice %arg8[%add3A_1396, %dma_wait3A_1596] : memref<262144x32xf32, #tpu.memory_space<hbm>> -> memref<1x32xf32, #tpu.memory_space<hbm>>
    %dma_wait3A_1598 = tpu.memref_squeeze %dma_wait3A_1597 : memref<1x32xf32, #tpu.memory_space<hbm>> -> memref<32xf32, #tpu.memory_space<hbm>>
    tpu.wait_dma2 semaphore(%arg24 : memref<!tpu.dma_semaphore, #tpu.memory_space<semaphore_mem>>) src(%dma_wait3A_1598 : memref<32xf32, #tpu.memory_space<hbm>>) dst(%dma_wait3A_1595 : memref<32xf32, #tpu.memory_space<hbm>>)
    return
  }
}

module attributes {stable_mosaic.version = 14 : i64} {
  func.func @_cutoff_body(%arg0: memref<64x4096xf32, #tpu.memory_space<vmem>>, %arg1: memref<64x4096xf32, #tpu.memory_space<vmem>>, %arg2: memref<64x4096xi32, #tpu.memory_space<vmem>>, %arg3: memref<64x128xi32, #tpu.memory_space<vmem>>, %arg4: memref<64x128xi32, #tpu.memory_space<vmem>>) attributes {dimension_semantics = [], scalar_prefetch = 0 : i64, scratch_operands = 0 : i64, tpu.core_type = #tpu.core_type<tc>} {
    %get3A = arith.constant 0 : index
    %get3A_0 = arith.constant 0 : index
    %get3A_1 = vector.load %arg0[%get3A, %get3A_0] : memref<64x4096xf32, #tpu.memory_space<vmem>>, vector<64x4096xf32>
    %get3A_2 = arith.constant 0 : index
    %get3A_3 = arith.constant 0 : index
    %get3A_4 = vector.load %arg1[%get3A_2, %get3A_3] : memref<64x4096xf32, #tpu.memory_space<vmem>>, vector<64x4096xf32>
    %mul3A = arith.mulf %get3A_1, %get3A_1 : vector<64x4096xf32>
    %mul3A_5 = arith.mulf %get3A_4, %get3A_4 : vector<64x4096xf32>
    %add3A = arith.addf %mul3A, %mul3A_5 : vector<64x4096xf32>
    %sqrt3A = math.sqrt %add3A : vector<64x4096xf32>
    %bitcast_convert_type3A = tpu.bitcast %sqrt3A : vector<64x4096xf32> -> vector<64x4096xi32>
    %swap3A = arith.constant 0 : index
    %swap3A_6 = arith.constant 0 : index
    %swap3A_7 = vector.load %arg2[%swap3A, %swap3A_6] : memref<64x4096xi32, #tpu.memory_space<vmem>>, vector<64x4096xi32>
    tpu.vector_store %arg2[%swap3A, %swap3A_6], %bitcast_convert_type3A {strides = array<i32>} : memref<64x4096xi32, #tpu.memory_space<vmem>>, vector<64x4096xi32>,
    %broadcast_in_dim3A = arith.constant -1 : i32
    %broadcast_in_dim3A_8 = vector.broadcast %broadcast_in_dim3A : i32 to vector<64x1xi32>
    %broadcast_in_dim3A_9 = arith.constant 2139095039 : i32
    %broadcast_in_dim3A_10 = vector.broadcast %broadcast_in_dim3A_9 : i32 to vector<64x1xi32>
    %scan3A = arith.constant 0 : i32
    %scan3A_11 = arith.constant 31 : i32
    %scan3A_12 = arith.addi %scan3A, %scan3A_11 : i32
    %scan3A_13 = arith.constant 1 : i32
    %scan3A_14:2 = scf.for %scan3A_38 = %scan3A to %scan3A_12 step %scan3A_13 iter_args(%scan3A_39 = %broadcast_in_dim3A_8, %scan3A_40 = %broadcast_in_dim3A_10) -> (vector<64x1xi32>, vector<64x1xi32>)  : i32 {
      %sub3A = arith.subi %scan3A_40, %scan3A_39 : vector<64x1xi32>
      %jit3A = arith.constant 2 : i32
      %div3A = vector.broadcast %jit3A : i32 to vector<64x1xi32>
      %div3A_41 = arith.divsi %sub3A, %div3A : vector<64x1xi32>
      %sign3A = arith.constant 0 : i32
      %sign3A_42 = vector.broadcast %sign3A : i32 to vector<64x1xi32>
      %sign3A_43 = arith.cmpi sgt, %sub3A, %sign3A_42 : vector<64x1xi32>
      %sign3A_44 = arith.extui %sign3A_43 : vector<64x1xi1> to vector<64x1xi32>
      %sign3A_45 = arith.constant 0 : i32
      %sign3A_46 = vector.broadcast %sign3A_45 : i32 to vector<64x1xi32>
      %sign3A_47 = arith.cmpi slt, %sub3A, %sign3A_46 : vector<64x1xi32>
      %sign3A_48 = arith.extui %sign3A_47 : vector<64x1xi1> to vector<64x1xi32>
      %sign3A_49 = arith.subi %sign3A_44, %sign3A_48 : vector<64x1xi32>
      %sign3A_50 = arith.constant 0 : i32
      %sign3A_51 = arith.cmpi sgt, %jit3A, %sign3A_50 : i32
      %sign3A_52 = arith.extui %sign3A_51 : i1 to i32
      %sign3A_53 = arith.constant 0 : i32
      %sign3A_54 = arith.cmpi slt, %jit3A, %sign3A_53 : i32
      %sign3A_55 = arith.extui %sign3A_54 : i1 to i32
      %sign3A_56 = arith.subi %sign3A_52, %sign3A_55 : i32
      %ne3A = vector.broadcast %sign3A_56 : i32 to vector<64x1xi32>
      %ne3A_57 = arith.cmpi ne, %sign3A_49, %ne3A : vector<64x1xi32>
      %rem3A = vector.broadcast %jit3A : i32 to vector<64x1xi32>
      %rem3A_58 = arith.remsi %sub3A, %rem3A : vector<64x1xi32>
      %ne3A_59 = arith.constant 0 : i32
      %ne3A_60 = vector.broadcast %ne3A_59 : i32 to vector<64x1xi32>
      %ne3A_61 = arith.cmpi ne, %rem3A_58, %ne3A_60 : vector<64x1xi32>
      %and3A = arith.andi %ne3A_57, %ne3A_61 : vector<64x1xi1>
      %sub3A_62 = arith.constant 1 : i32
      %sub3A_63 = vector.broadcast %sub3A_62 : i32 to vector<64x1xi32>
      %sub3A_64 = arith.subi %div3A_41, %sub3A_63 : vector<64x1xi32>
      %select_n3A = arith.select %and3A, %sub3A_64, %div3A_41 : vector<64x1xi1>, vector<64x1xi32>
      %add3A_65 = arith.addi %scan3A_39, %select_n3A : vector<64x1xi32>
      %le3A = vector.broadcast %add3A_65 : vector<64x1xi32> to vector<64x4096xi32>
      %le3A_66 = arith.cmpi sle, %bitcast_convert_type3A, %le3A : vector<64x4096xi32>
      %convert_element_type3A_67 = arith.extui %le3A_66 : vector<64x4096xi1> to vector<64x4096xi32>
      %reduce_sum3A_68 = arith.constant dense<0> : vector<64xi32>
      %reduce_sum3A_69 = vector.multi_reduction <add>, %convert_element_type3A_67, %reduce_sum3A_68 [1] : vector<64x4096xi32> to vector<64xi32>
      %broadcast_in_dim3A_70 = vector.shape_cast %reduce_sum3A_69 : vector<64xi32> to vector<64x1xi32>
      %ge3A = arith.constant 1024 : i32
      %ge3A_71 = vector.broadcast %ge3A : i32 to vector<64x1xi32>
      %ge3A_72 = arith.cmpi sge, %broadcast_in_dim3A_70, %ge3A_71 : vector<64x1xi32>
      %select_n3A_73 = arith.select %ge3A_72, %scan3A_39, %add3A_65 : vector<64x1xi1>, vector<64x1xi32>
      %select_n3A_74 = arith.select %ge3A_72, %add3A_65, %scan3A_40 : vector<64x1xi1>, vector<64x1xi32>
      scf.yield %select_n3A_73, %select_n3A_74 : vector<64x1xi32>, vector<64x1xi32>
    }
    %iota3A = tpu.iota {dimensions = array<i32: 1>} : vector<64x4096xi32>
    %lt3A = vector.broadcast %scan3A_14#1 : vector<64x1xi32> to vector<64x4096xi32>
    %lt3A_15 = arith.cmpi slt, %bitcast_convert_type3A, %lt3A : vector<64x4096xi32>
    %convert_element_type3A = arith.extui %lt3A_15 : vector<64x4096xi1> to vector<64x4096xi32>
    %reduce_sum3A = arith.constant dense<0> : vector<64xi32>
    %reduce_sum3A_16 = vector.multi_reduction <add>, %convert_element_type3A, %reduce_sum3A [1] : vector<64x4096xi32> to vector<64xi32>
    %broadcast_in_dim3A_17 = vector.shape_cast %reduce_sum3A_16 : vector<64xi32> to vector<64x1xi32>
    %eq3A = vector.broadcast %scan3A_14#1 : vector<64x1xi32> to vector<64x4096xi32>
    %eq3A_18 = arith.cmpi eq, %bitcast_convert_type3A, %eq3A : vector<64x4096xi32>
    %broadcast_in_dim3A_19 = arith.constant -1 : i32
    %broadcast_in_dim3A_20 = vector.broadcast %broadcast_in_dim3A_19 : i32 to vector<64x1xi32>
    %broadcast_in_dim3A_21 = arith.constant 4095 : i32
    %broadcast_in_dim3A_22 = vector.broadcast %broadcast_in_dim3A_21 : i32 to vector<64x1xi32>
    %scan3A_23 = arith.constant 0 : i32
    %scan3A_24 = arith.constant 12 : i32
    %scan3A_25 = arith.addi %scan3A_23, %scan3A_24 : i32
    %scan3A_26 = arith.constant 1 : i32
    %scan3A_27:2 = scf.for %scan3A_38 = %scan3A_23 to %scan3A_25 step %scan3A_26 iter_args(%scan3A_39 = %broadcast_in_dim3A_20, %scan3A_40 = %broadcast_in_dim3A_22) -> (vector<64x1xi32>, vector<64x1xi32>)  : i32 {
      %sub3A = arith.subi %scan3A_40, %scan3A_39 : vector<64x1xi32>
      %jit3A = arith.constant 2 : i32
      %div3A = vector.broadcast %jit3A : i32 to vector<64x1xi32>
      %div3A_41 = arith.divsi %sub3A, %div3A : vector<64x1xi32>
      %sign3A = arith.constant 0 : i32
      %sign3A_42 = vector.broadcast %sign3A : i32 to vector<64x1xi32>
      %sign3A_43 = arith.cmpi sgt, %sub3A, %sign3A_42 : vector<64x1xi32>
      %sign3A_44 = arith.extui %sign3A_43 : vector<64x1xi1> to vector<64x1xi32>
      %sign3A_45 = arith.constant 0 : i32
      %sign3A_46 = vector.broadcast %sign3A_45 : i32 to vector<64x1xi32>
      %sign3A_47 = arith.cmpi slt, %sub3A, %sign3A_46 : vector<64x1xi32>
      %sign3A_48 = arith.extui %sign3A_47 : vector<64x1xi1> to vector<64x1xi32>
      %sign3A_49 = arith.subi %sign3A_44, %sign3A_48 : vector<64x1xi32>
      %sign3A_50 = arith.constant 0 : i32
      %sign3A_51 = arith.cmpi sgt, %jit3A, %sign3A_50 : i32
      %sign3A_52 = arith.extui %sign3A_51 : i1 to i32
      %sign3A_53 = arith.constant 0 : i32
      %sign3A_54 = arith.cmpi slt, %jit3A, %sign3A_53 : i32
      %sign3A_55 = arith.extui %sign3A_54 : i1 to i32
      %sign3A_56 = arith.subi %sign3A_52, %sign3A_55 : i32
      %ne3A = vector.broadcast %sign3A_56 : i32 to vector<64x1xi32>
      %ne3A_57 = arith.cmpi ne, %sign3A_49, %ne3A : vector<64x1xi32>
      %rem3A = vector.broadcast %jit3A : i32 to vector<64x1xi32>
      %rem3A_58 = arith.remsi %sub3A, %rem3A : vector<64x1xi32>
      %ne3A_59 = arith.constant 0 : i32
      %ne3A_60 = vector.broadcast %ne3A_59 : i32 to vector<64x1xi32>
      %ne3A_61 = arith.cmpi ne, %rem3A_58, %ne3A_60 : vector<64x1xi32>
      %and3A = arith.andi %ne3A_57, %ne3A_61 : vector<64x1xi1>
      %sub3A_62 = arith.constant 1 : i32
      %sub3A_63 = vector.broadcast %sub3A_62 : i32 to vector<64x1xi32>
      %sub3A_64 = arith.subi %div3A_41, %sub3A_63 : vector<64x1xi32>
      %select_n3A = arith.select %and3A, %sub3A_64, %div3A_41 : vector<64x1xi1>, vector<64x1xi32>
      %add3A_65 = arith.addi %scan3A_39, %select_n3A : vector<64x1xi32>
      %le3A = vector.broadcast %add3A_65 : vector<64x1xi32> to vector<64x4096xi32>
      %le3A_66 = arith.cmpi sle, %iota3A, %le3A : vector<64x4096xi32>
      %and3A_67 = arith.andi %eq3A_18, %le3A_66 : vector<64x4096xi1>
      %convert_element_type3A_68 = arith.extui %and3A_67 : vector<64x4096xi1> to vector<64x4096xi32>
      %reduce_sum3A_69 = arith.constant dense<0> : vector<64xi32>
      %reduce_sum3A_70 = vector.multi_reduction <add>, %convert_element_type3A_68, %reduce_sum3A_69 [1] : vector<64x4096xi32> to vector<64xi32>
      %broadcast_in_dim3A_71 = vector.shape_cast %reduce_sum3A_70 : vector<64xi32> to vector<64x1xi32>
      %add3A_72 = arith.addi %broadcast_in_dim3A_17, %broadcast_in_dim3A_71 : vector<64x1xi32>
      %ge3A = arith.constant 1024 : i32
      %ge3A_73 = vector.broadcast %ge3A : i32 to vector<64x1xi32>
      %ge3A_74 = arith.cmpi sge, %add3A_72, %ge3A_73 : vector<64x1xi32>
      %select_n3A_75 = arith.select %ge3A_74, %scan3A_39, %add3A_65 : vector<64x1xi1>, vector<64x1xi32>
      %select_n3A_76 = arith.select %ge3A_74, %add3A_65, %scan3A_40 : vector<64x1xi1>, vector<64x1xi32>
      scf.yield %select_n3A_75, %select_n3A_76 : vector<64x1xi32>, vector<64x1xi32>
    }
    %broadcast_in_dim3A_28 = vector.shape_cast %scan3A_14#1 : vector<64x1xi32> to vector<64x1xi32>
    %broadcast_in_dim3A_29 = vector.broadcast %broadcast_in_dim3A_28 : vector<64x1xi32> to vector<64x128xi32>
    %swap3A_30 = arith.constant 0 : index
    %swap3A_31 = arith.constant 0 : index
    %swap3A_32 = vector.load %arg3[%swap3A_30, %swap3A_31] : memref<64x128xi32, #tpu.memory_space<vmem>>, vector<64x128xi32>
    tpu.vector_store %arg3[%swap3A_30, %swap3A_31], %broadcast_in_dim3A_29 {strides = array<i32>} : memref<64x128xi32, #tpu.memory_space<vmem>>, vector<64x128xi32>,
    %broadcast_in_dim3A_33 = vector.shape_cast %scan3A_27#1 : vector<64x1xi32> to vector<64x1xi32>
    %broadcast_in_dim3A_34 = vector.broadcast %broadcast_in_dim3A_33 : vector<64x1xi32> to vector<64x128xi32>
    %swap3A_35 = arith.constant 0 : index
    %swap3A_36 = arith.constant 0 : index
    %swap3A_37 = vector.load %arg4[%swap3A_35, %swap3A_36] : memref<64x128xi32, #tpu.memory_space<vmem>>, vector<64x128xi32>
    tpu.vector_store %arg4[%swap3A_35, %swap3A_36], %broadcast_in_dim3A_34 {strides = array<i32>} : memref<64x128xi32, #tpu.memory_space<vmem>>, vector<64x128xi32>,
    return
  }
}

module attributes {stable_mosaic.version = 14 : i64} {
  func.func @_mlp_body(%arg0: memref<2048x32xf32, #tpu.memory_space<vmem>>, %arg1: memref<32x16xf32, #tpu.memory_space<vmem>>, %arg2: memref<1x16xf32, #tpu.memory_space<vmem>>, %arg3: memref<16x8xf32, #tpu.memory_space<vmem>>, %arg4: memref<1x8xf32, #tpu.memory_space<vmem>>, %arg5: memref<8x1xf32, #tpu.memory_space<vmem>>, %arg6: memref<1x1xf32, #tpu.memory_space<vmem>>, %arg7: memref<2048x1xf32, #tpu.memory_space<vmem>>) attributes {dimension_semantics = [], scalar_prefetch = 0 : i64, scratch_operands = 0 : i64, tpu.core_type = #tpu.core_type<tc>} {
    %get3A = arith.constant 0 : index
    %get3A_0 = arith.constant 0 : index
    %get3A_1 = vector.load %arg0[%get3A, %get3A_0] : memref<2048x32xf32, #tpu.memory_space<vmem>>, vector<2048x32xf32>
    %get3A_2 = arith.constant 0 : index
    %get3A_3 = arith.constant 0 : index
    %get3A_4 = vector.load %arg1[%get3A_2, %get3A_3] : memref<32x16xf32, #tpu.memory_space<vmem>>, vector<32x16xf32>
    %dot_general3A = arith.constant dense<0.000000e+00> : vector<2048x16xf32>
    %dot_general3A_5 = tpu.matmul %get3A_1, %get3A_4, %dot_general3A {dimension_numbers = #tpu.dot_dimension_numbers<[1], [0], [0], [1], [0, 0, 1, 1], [], []>, transpose_lhs_hint = false} : vector<2048x32xf32>, vector<32x16xf32>, vector<2048x16xf32> -> vector<2048x16xf32>
    %get3A_6 = arith.constant 0 : index
    %get3A_7 = arith.constant 0 : index
    %get3A_8 = vector.load %arg2[%get3A_6, %get3A_7] : memref<1x16xf32, #tpu.memory_space<vmem>>, vector<1x16xf32>
    %add3A = vector.broadcast %get3A_8 : vector<1x16xf32> to vector<2048x16xf32>
    %add3A_9 = arith.addf %dot_general3A_5, %add3A : vector<2048x16xf32>
    %max3A = arith.constant 0.000000e+00 : f32
    %max3A_10 = vector.broadcast %max3A : f32 to vector<2048x16xf32>
    %max3A_11 = arith.maximumf %add3A_9, %max3A_10 : vector<2048x16xf32>
    %get3A_12 = arith.constant 0 : index
    %get3A_13 = arith.constant 0 : index
    %get3A_14 = vector.load %arg3[%get3A_12, %get3A_13] : memref<16x8xf32, #tpu.memory_space<vmem>>, vector<16x8xf32>
    %dot_general3A_15 = arith.constant dense<0.000000e+00> : vector<2048x8xf32>
    %dot_general3A_16 = tpu.matmul %max3A_11, %get3A_14, %dot_general3A_15 {dimension_numbers = #tpu.dot_dimension_numbers<[1], [0], [0], [1], [0, 0, 1, 1], [], []>, transpose_lhs_hint = false} : vector<2048x16xf32>, vector<16x8xf32>, vector<2048x8xf32> -> vector<2048x8xf32>
    %get3A_17 = arith.constant 0 : index
    %get3A_18 = arith.constant 0 : index
    %get3A_19 = vector.load %arg4[%get3A_17, %get3A_18] : memref<1x8xf32, #tpu.memory_space<vmem>>, vector<1x8xf32>
    %add3A_20 = vector.broadcast %get3A_19 : vector<1x8xf32> to vector<2048x8xf32>
    %add3A_21 = arith.addf %dot_general3A_16, %add3A_20 : vector<2048x8xf32>
    %max3A_22 = arith.constant 0.000000e+00 : f32
    %max3A_23 = vector.broadcast %max3A_22 : f32 to vector<2048x8xf32>
    %max3A_24 = arith.maximumf %add3A_21, %max3A_23 : vector<2048x8xf32>
    %get3A_25 = arith.constant 0 : index
    %get3A_26 = arith.constant 0 : index
    %get3A_27 = vector.load %arg5[%get3A_25, %get3A_26] : memref<8x1xf32, #tpu.memory_space<vmem>>, vector<8x1xf32>
    %dot_general3A_28 = arith.constant dense<0.000000e+00> : vector<2048x1xf32>
    %dot_general3A_29 = tpu.matmul %max3A_24, %get3A_27, %dot_general3A_28 {dimension_numbers = #tpu.dot_dimension_numbers<[1], [0], [0], [1], [0, 0, 1, 1], [], []>, transpose_lhs_hint = false} : vector<2048x8xf32>, vector<8x1xf32>, vector<2048x1xf32> -> vector<2048x1xf32>
    %get3A_30 = arith.constant 0 : index
    %get3A_31 = arith.constant 0 : index
    %get3A_32 = vector.load %arg6[%get3A_30, %get3A_31] : memref<1x1xf32, #tpu.memory_space<vmem>>, vector<1x1xf32>
    %add3A_33 = vector.broadcast %get3A_32 : vector<1x1xf32> to vector<2048x1xf32>
    %add3A_34 = arith.addf %dot_general3A_29, %add3A_33 : vector<2048x1xf32>
    %max3A_35 = arith.constant 0.000000e+00 : f32
    %max3A_36 = vector.broadcast %max3A_35 : f32 to vector<2048x1xf32>
    %max3A_37 = arith.maximumf %add3A_34, %max3A_36 : vector<2048x1xf32>
    %abs3A = math.absf %add3A_34 : vector<2048x1xf32>
    %neg3A = arith.constant 0.000000e+00 : f32
    %neg3A_38 = vector.broadcast %neg3A : f32 to vector<2048x1xf32>
    %neg3A_39 = arith.subf %neg3A_38, %abs3A : vector<2048x1xf32>
    %exp3A = math.exp %neg3A_39 : vector<2048x1xf32>
    %log1p3A = math.log1p %exp3A : vector<2048x1xf32>
    %add3A_40 = arith.addf %max3A_37, %log1p3A : vector<2048x1xf32>
    %swap3A = arith.constant 0 : index
    %swap3A_41 = arith.constant 0 : index
    %swap3A_42 = vector.load %arg7[%swap3A, %swap3A_41] : memref<2048x1xf32, #tpu.memory_space<vmem>>, vector<2048x1xf32>
    tpu.vector_store %arg7[%swap3A, %swap3A_41], %add3A_40 {strides = array<i32>} : memref<2048x1xf32, #tpu.memory_space<vmem>>, vector<2048x1xf32>,
    return
  }
}

</mosaic_0001>

<sc_bundles>
// kernel: kernel.5.cloned.1.call-start
scs
__scs_entry_jumppad:
0x0: {  	(pc) =	sbr.rel $0x88, $3  }
0x1: {  	(tag) =	ssettag $0x0;
	lr =	simm.s32 $0x1  }
0x2: {  	[smem:$0x3F99] =	sst lr;
	_ =	strace $0xD0000000  }
0x3: {  	_ = 	snop  }
0x4: {  	_ = 	snop  }
0x5: {  	_ = 	snop  }
0x6: {  	_ = 	snop  }
0x7: {  	_ = 	snop  }
__scs_overlays_trampoline_lowered:
0x8: {  	[smem:$0x3FA8] =	sst s0  }
0x9: {  	[smem:$0x3FA9] =	sst s1  }
0xa: {  	[smem:$0x3FAA] =	sst s2  }
0xb: {  	[smem:$0x3FAB] =	sst s3  }
0xc: {  	[smem:$0x3FAC] =	sst s4  }
0xd: {  	[smem:$0x3FAD] =	sst s5  }
0xe: {  	[smem:$0x3FAE] =	sst s6  }
0xf: {  	[smem:$0x3FAF] =	sst s7  }
0x10: {  	[smem:$0x3FB0] =	sst s8  }
0x11: {  	[smem:$0x3FB1] =	sst s9;
	s0 =	simm.s32 @!p0 $0x0  }
0x12: {  	s1 =	sld [smem:$0x3F97];
	s0 =	simm.s32 @p0 $0x1  }
0x13: {  	[smem:$0x3FB2] =	sst s0;
	s0 =	simm.s32 @!p1 $0x0  }
0x14: {  	s2 =	sld [smem:$0x3F96];
	s0 =	simm.s32 @p1 $0x1  }
0x15: {  	[smem:$0x3FB3] =	sst s0;
	s0 =	simm.s32 @!p2 $0x0  }
0x16: {  	s3 =	sld [smem:$0x3FDB];
	s0 =	simm.s32 @p2 $0x1  }
0x17: {  	s4 =	simm.s32 $0x1BF5;
	[smem:$0x3FB5] =	sst s0  }
0x18: {  	s0 =	sld [smem:$0x3F98];
	_ =	swait.ge [sflag:s4], $0x0  }
0x19: {  	s7 =	sld [smem:$0x3F99]  }
0x1a: {  	s8 =	sadd.s32 $0xFFFFE003, lr  }
0x1b: {  	s9 =	sadd.s32 $0xFFFFFEF7, lr;
	s5 =	simm.s32 $0xFFFFFFFF;
	p2 =	slt.u32 s8, $0xFFFFF086  }
0x1c: {  	p1 =	slt.u32 s9, $0xF7A;
	s5 =	simm.s32 @!p2 $0x0  }
0x1d: {  	s5 =	simm.s32 @p1 $0x1;
	p0 =	seq.s32 s7, s2  }
0x1e: {  	s7 =	smul.u32 @!p0 $0xF7A, s2;
	p2 =	seq.s32 @!p0 s5, $0x0  }
0x1f: {  	s9 =	smul.u32 $0xF7A, s1;
	s8 =	simm.s32 @!p0 $0x1BF5;
	p2 =	por !p2, p0  }
0x20: {  	[sflag:s8] =	ssyncset.s32 @!p0 $0xFFFFF086;
	s6 =	sadd.s32 @!p0 s3, s7;
	s7 =	simm.s32 @!p0 $0x108  }
0x21: {  	s3 =	sadd.s32 s3, s9;
	s6 =	sadd.s32 @!p0 $0x88, s6;
	s7 =	simm.s32 @p2 $0x1082  }
0x22: {  	[simem:s7], [sflag:s8] =	dma.local @!p0 [hbm:s6], $0xF7A  }
0x23: {  	s9 =	sor.u32 $0xD0000000, s2;
	s6 =	simm.s32 $0x108;
	_ =	swait.ge @!p0 [sflag:s8], $0x0  }
0x24: {  	s3 =	sadd.s32 $0x88, s3;
	s6 =	simm.s32 @!p1 $0x1082;
	[sflag:s4] =	ssyncset.s32 $0xFFFFF086  }
0x25: {  	[simem:s6], [sflag:s4] =	dma.local [hbm:s3], $0xF7A  }
0x26: {  	[smem:$0x3F99] =	sst s1;
	(tag) =	ssettag s2;
	_ =	strace s9  }
0x27: {  	s1 =	sld [smem:$0x3FA9]  }
0x28: {  	s2 =	sld [smem:$0x3FAA]  }
0x29: {  	s4 =	sld [smem:$0x3FAC]  }
0x2a: {  	p0 =	seq.s32 s5, $0x0;
	s5 =	sld [smem:$0x3FAD]  }
0x2b: {  	s6 =	sld [smem:$0x3FAE]  }
0x2c: {  	s7 =	sld [smem:$0x3FAF]  }
0x2d: {  	s3 =	simm.s32 $0x108;
	s8 =	sld [smem:$0x3FB0]  }
0x2e: {  	s3 =	simm.s32 @!p0 $0x1082;
	s9 =	sld [smem:$0x3FB1]  }
0x2f: {  	lr =	sadd.s32 s0, s3;
	s0 =	sld [smem:$0x3FA8]  }
0x30: {  	s3 =	sld [smem:$0x3FAB]  }
0x31: {  	[smem:$0x3FB4] =	sst s10  }
0x32: {  	s10 =	sld [smem:$0x3FB2];
	_ =	sdelay $0x3  }
0x33: {  	p0 =	seq.s32 s10, $0x1;
	s10 =	sld [smem:$0x3FB4];
	_ =	sdelay $0x3  }
0x34: {  	[smem:$0x3FB4] =	sst s10  }
0x35: {  	s10 =	sld [smem:$0x3FB3];
	_ =	sdelay $0x3  }
0x36: {  	p1 =	seq.s32 s10, $0x1;
	s10 =	sld [smem:$0x3FB4];
	_ =	sdelay $0x3  }
0x37: {  	[smem:$0x3FB4] =	sst s10  }
0x38: {  	s10 =	sld [smem:$0x3FB5]  }
0x39: {  	_ = 	snop;
	(pc) =	sbr.ind lr, $3  }
0x3a: {  	_ = 	snop  }
0x3b: {  	_ = 	snop  }
0x3c: {  	p2 =	seq.s32 s10, $0x1;
	s10 =	sld [smem:$0x3FB4]  }
0x3d: {  	_ =	shalt  }
0x3e: {  	_ =	shalt  }
0x3f: {  	_ =	shalt  }
0x40: {  	_ =	shalt  }
0x41: {  	_ =	shalt  }
0x42: {  	_ =	shalt  }
0x43: {  	_ =	shalt  }
0x44: {  	_ =	shalt  }
0x45: {  	_ =	shalt  }
0x46: {  	_ =	shalt  }
0x47: {  	_ =	shalt  }
0x48: {  	_ =	shalt  }
0x49: {  	_ =	shalt  }
0x4a: {  	_ =	shalt  }
0x4b: {  	_ =	shalt  }
0x4c: {  	_ =	shalt  }
0x4d: {  	_ =	shalt  }
0x4e: {  	_ =	shalt  }
0x4f: {  	_ =	shalt  }
0x50: {  	_ =	shalt  }
0x51: {  	_ =	shalt  }
0x52: {  	_ =	shalt  }
0x53: {  	_ =	shalt  }
0x54: {  	_ =	shalt  }
0x55: {  	_ =	shalt  }
0x56: {  	_ =	shalt  }
0x57: {  	_ =	shalt  }
0x58: {  	_ =	shalt  }
0x59: {  	_ =	shalt  }
0x5a: {  	_ =	shalt  }
0x5b: {  	_ =	shalt  }
0x5c: {  	_ =	shalt  }
0x5d: {  	_ =	shalt  }
0x5e: {  	_ =	shalt  }
0x5f: {  	_ =	shalt  }
0x60: {  	_ =	shalt  }
0x61: {  	_ =	shalt  }
0x62: {  	_ =	shalt  }
0x63: {  	_ =	shalt  }
0x64: {  	_ =	shalt  }
0x65: {  	_ =	shalt  }
0x66: {  	_ =	shalt  }
0x67: {  	_ =	shalt  }
0x68: {  	_ =	shalt  }
0x69: {  	_ =	shalt  }
0x6a: {  	_ =	shalt  }
0x6b: {  	_ =	shalt  }
0x6c: {  	_ =	shalt  }
0x6d: {  	_ =	shalt  }
0x6e: {  	_ =	shalt  }
0x6f: {  	_ =	shalt  }
0x70: {  	_ =	shalt  }
0x71: {  	_ =	shalt  }
0x72: {  	_ =	shalt  }
0x73: {  	_ =	shalt  }
0x74: {  	_ =	shalt  }
0x75: {  	_ =	shalt  }
0x76: {  	_ =	shalt  }
0x77: {  	_ =	shalt  }
0x78: {  	_ =	shalt  }
0x79: {  	_ =	shalt  }
0x7a: {  	_ =	shalt  }
0x7b: {  	_ =	shalt  }
0x7c: {  	_ =	shalt  }
0x7d: {  	_ =	shalt  }
0x7e: {  	_ =	shalt  }
0x7f: {  	_ =	shalt  }
0x80: {  	_ =	shalt  }
0x81: {  	_ =	shalt  }
0x82: {  	_ =	shalt  }
0x83: {  	_ =	shalt  }
0x84: {  	_ =	shalt  }
0x85: {  	_ =	shalt  }
0x86: {  	_ =	shalt  }
0x87: {  	_ =	shalt  }
.Lfunc_end0:
.L_simem_size_0:
called_computation_lowered:
.L_overlay_start_0:
0x88: {  	s2 =	sld [smem:$0x3FD9]  }
0x89: {  	s3 =	sld [smem:$0x3FFE];
	_ =	sdelay $0x1  }
0x8a: {  	s1 =	srdreg.scid  }
0x8b: {  	s0 =	sand.u32 $0x1, s1  }
0x8c: {  	s16 =	sshll.u32 s0, $0xA;
	s2 =	sadd.s32 s3, s2  }
0x8d: {  	s2 =	sadd.s32 s2, s16  }
0x8e: {  	[smem:$0x3FC0] =	sst s2  }
0x8f: {  	_ = 	snop  }
0x90: {  	(tm) =	ssettm $0x1  }
0x91: {  	s17 =	sld [smem:$0x3FFB];
	_ =	sdelay $0x3  }
0x92: {  	_ =	strace s17  }
0x93: {  	s2 =	sld [smem:$0x3FFC];
	_ =	sdelay $0x3  }
0x94: {  	_ =	strace s2  }
0x95: {  	s2 =	sld [smem:$0x3FFD];
	_ =	sdelay $0x3  }
0x96: {  	_ =	strace s2  }
0x97: {  	_ =	strace $0x8FFFFFFF  }
0x98: {  	s18 =	sld [smem:$0x3FDB];
	_ =	sdelay $0x1  }
0x99: {  	s19 =	simm.s32 $_scs_section_size  }
0x9a: {  	s4 =	simm.s32 $_size__tile_overlayer_lowered;
	s5 =	simm.s32 $_tile_overlayer_lowered  }
0x9b: {  	s22 =	simm.s32 $0x1BFF;
	s21 =	sshll.u32 s5, $0x1;
	s2 =	sadd.s32 s19, s18  }
0x9c: {  	s6 =	simm.s32 $0x0;
	s20 =	sshll.u32 s4, $0x1;
	s4 =	sadd.s32 s21, s2  }
0x9d: {  	[timem:s6], [sflag:s22] =	dma.local [hbm:s4], s20  }
0x9e: {  	_ =	swait.ge [sflag:s22], s20  }
0x9f: {  	s3 =	ssub.s32 $0x0, s20;
	[sflag:s22] =	ssyncset.done $0x0  }
0xa0: {  	[sflag:s22] =	ssyncadd.s32 s3;
	_ =	sdelay $0x1  }
0xa1: {  	s23 =	simm.s32 $0x1B8B  }
0xa2: {  	_ =	swait.ge [sflag:s23], $0x1  }
0xa3: {  	[sflag:s23] =	ssyncset.done $0x0  }
0xa4: {  	s25 =	simm.s32 $0x1B8E;
	s24 =	sld [smem:$0x3FFE];
	[sflag:s23] =	ssyncadd.s32 $0xFFFFFFFF  }
0xa5: {  	s26 =	simm.s32 $execute0_lowered;
	[smem:$0x3FD2] =	sst s25  }
0xa6: {  	s4 =	sshll.u32 s26, $0x1;
	_ =	strace $0x80000046;
	[dreg:$0x1] =	wrdreg $0xFFFFFFFF  }
0xa7: {  	s28 =	simm.s32 $_size_execute0_lowered;
	s2 =	sadd.s32 s2, s4;
	[dreg:$0x0] =	wrdreg $0x0  }
0xa8: {  	s4 =	sshll.u32 s28, $0x1;
	[dreg:$0x2] =	wrdreg s2  }
0xa9: {  	[dreg:$0x3] =	wrdreg s4  }
0xaa: {  	[dreg:$0x4] =	wrdreg $0xC0  }
0xab: {  	_ =	task [dreg:s6], $0x5FFFF  }
0xac: {  	[dreg:$0x1] =	wrdreg $0xFFFFFFFF  }
0xad: {  	[dreg:$0x0] =	wrdreg $0x60  }
0xae: {  	[dreg:$0x2] =	wrdreg s24  }
0xaf: {  	[dreg:$0x3] =	wrdreg $0x9  }
0xb0: {  	_ =	task.clear_ibuf [dreg:s6], $0x4FFFF;
	_ =	strace $0x90000046  }
0xb1: {  	s29 =	simm.s32 $0x9;
	_ =	strace $0x80000048  }
0xb2: {  	_ =	swait.ge [sflag:s29], $0x1  }
0xb3: {  	[sflag:s29] =	ssyncadd.s32 $0xFFFFFFFF  }
0xb4: {  	_ =	strace $0x90000048  }
0xb5: {  	_ =	sfence  }
0xb6: {  	s30 =	sld [smem:$0x0];
	_ =	sdelay $0x2  }
0xb7: {  	s31 =	sshll.u32 s1, $0xD;
	s1 =	sshrl.u32 s1, $0x2  }
0xb8: {  	s3 =	sand.u32 $0x4000, s31;
	s1 =	sadd.s32 s1, s30  }
0xb9: {  	s0 =	sor.u32 s3, s0;
	s1 =	sshll.u32 s1, $0x11  }
0xba: {  	s0 =	sor.u32 s1, s0  }
0xbb: {  	s0 =	sadd.s32 $0x8F2B, s0  }
0xbc: {  	[sflag:s0] =	ssyncadd.remote.s32 $0x1  }
0xbd: {  	_ =	sfence.sel $0xFFFF  }
0xbe: {  	[dreg:$0x0] =	wrdreg $0xFFFFFFFF;
	(pc) =	sbr.abs _section_cstart, $3  }
0xbf: {  	[dreg:$0x1] =	wrdreg $0xFFFFFFFF  }
0xc0: {  	_ =	task.clear_ibuf [dreg:s6], $0x2FFFF;
	_ =	strace $0x9FFFFFFF  }
0xc1: {  	(tm) =	ssettm $0x7FFFFFFF  }
tec
execute0_lowered:
.L_overlay_start_1:
0x0: {  	(tag) =	ssettag $0x1  }
0x1: {  	s0 =	rddreg [dreg:$0x0];
	s1 =	simm.s32 $0x0;
	s15 =	srdreg.scid  }
0x2: {  	s3 =	stileid.u32;
	[smem:$0x7FF] =	sst s1;
	s7 =	sadd.s32 $0x9E00, s0  }
0x3: {  	s8 =	sadd.s32 $0x11E00, s0;
	s2 =	sand.u32 $0x1, s15;
	s16 =	sshll.u32 s3, $0x1  }
0x4: {  	s9 =	sadd.s32 $0x1E00, s0;
	s10 =	sadd.s32 $0x419E00, s0;
	s11 =	sadd.s32 $0x421E00, s0  }
0x5: {  	s3 =	sshrl.u32 s3, $0x1;
	s12 =	sadd.s32 $0x422200, s0;
	s13 =	sadd.s32 $0x42A600, s0  }
0x6: {  	s16 =	sor.u32 s2, s16;
	s6 =	sshll.u32 s3, $0xF;
	s2 =	ssub.s32 $0x2, s2  }
0x7: {  	s4 =	sshll.u32 s16, $0x8;
	s15 =	sshrl.u32 s2, $0x1;
	s20 =	smov.u32 s16  }
0x8: {  	[smem:$0x7F9] =	sst s16;
	s21 =	sshllo.u32 s16, $0x1;
	s5 =	sand.u32 $0x300, s4  }
0x9: {  	s4 =	sadd.s32 $0x422600, s0;
	s17 =	ssub.s32 s2, s15;
	[smem:$0x7D2] =	sst s21  }
0xa: {  	s24 =	sshll.u32 s21, $0x7;
	s14 =	sor.u32 s6, s5;
	[smem:$0x7D3] =	sst s4  }
0xb: {  	s21 =	sadd.s32 $0x422610, s0;
	[smem:$0x7FC] =	sst s17;
	s14 =	sshrl.u32 s14, $0x3  }
0xc: {  	s15 =	sshll.u32 s3, $0xA;
	[smem:$0x7D5] =	sst s21;
	s18 =	sadd.s32 s7, s14  }
0xd: {  	s5 =	sor.u32 s15, s5;
	s19 =	sadd.s32 s8, s14;
	[dreg:$0x2] =	wrdreg s18  }
0xe: {  	s3 =	sand.u32 $0x380, s24;
	s22 =	sadd.s32 s9, s14;
	[dreg:$0x3] =	wrdreg s19  }
0xf: {  	s23 =	sshrl.u32 s5, $0x3;
	s25 =	sadd.s32 s10, s14;
	[dreg:$0x4] =	wrdreg s22  }
0x10: {  	s5 =	sshll.u32 s20, $0xA;
	s26 =	sadd.s32 s11, s23;
	[dreg:$0x5] =	wrdreg s25  }
0x11: {  	s6 =	sor.u32 s6, s3;
	s17 =	sadd.s32 s12, s23;
	[dreg:$0x6] =	wrdreg s26  }
0x12: {  	s14 =	sor.u32 s15, s3;
	s3 =	sadd.s32 s5, s21;
	[dreg:$0x7] =	wrdreg s17  }
0x13: {  	s18 =	sadd.s32 s13, s23;
	[dreg:$0xe] =	wrdreg s3  }
0x14: {  	s20 =	sshrl.u32 s6, $0x3;
	s19 =	sadd.s32 s4, s5;
	[dreg:$0x8] =	wrdreg s18  }
0x15: {  	s22 =	sadd.s32 s7, s20;
	[dreg:$0x9] =	wrdreg s19  }
0x16: {  	s23 =	sadd.s32 s8, s20;
	[dreg:$0xa] =	wrdreg s22  }
0x17: {  	s24 =	sadd.s32 s9, s20;
	[dreg:$0xb] =	wrdreg s23  }
0x18: {  	s26 =	sadd.s32 s10, s20;
	[dreg:$0xc] =	wrdreg s24  }
0x19: {  	s8 =	sadd.s32 $0x422620, s0;
	[dreg:$0xd] =	wrdreg s26  }
0x1a: {  	s9 =	sadd.s32 $0x422630, s0;
	[smem:$0x7D7] =	sst s8  }
0x1b: {  	s25 =	sshrl.u32 s14, $0x3;
	s10 =	sadd.s32 $0x422640, s0;
	[smem:$0x7D9] =	sst s9  }
0x1c: {  	s4 =	sadd.s32 s11, s25;
	[smem:$0x7DB] =	sst s10  }
0x1d: {  	s6 =	sadd.s32 s12, s25;
	[dreg:$0xf] =	wrdreg s4  }
0x1e: {  	s7 =	sadd.s32 s13, s25;
	[dreg:$0x10] =	wrdreg s6  }
0x1f: {  	s1 =	sadd.s32 s5, s8;
	[dreg:$0x11] =	wrdreg s7  }
0x20: {  	s31 =	sadd.s32 $0x422790, s0;
	s11 =	sadd.s32 s5, s10;
	[dreg:$0x12] =	wrdreg s1  }
0x21: {  	s8 =	sadd.s32 s5, s31;
	[dreg:$0x14] =	wrdreg s11  }
0x22: {  	s10 =	sadd.s32 $0x422650, s0;
	s1 =	sadd.s32 s5, s9;
	[smem:$0x7CB] =	sst s8  }
0x23: {  	s28 =	sadd.s32 $0x422760, s0;
	s12 =	sadd.s32 s5, s10;
	[dreg:$0x13] =	wrdreg s1  }
0x24: {  	s29 =	sadd.s32 $0x422770, s0;
	s4 =	sadd.s32 s5, s28;
	[dreg:$0x15] =	wrdreg s12  }
0x25: {  	s30 =	sadd.s32 $0x422780, s0;
	s6 =	sadd.s32 s5, s29;
	[smem:$0x7C8] =	sst s4  }
0x26: {  	s11 =	sadd.s32 $0x422660, s0;
	s7 =	sadd.s32 s5, s30;
	[smem:$0x7C9] =	sst s6  }
0x27: {  	s12 =	sadd.s32 $0x422670, s0;
	s13 =	sadd.s32 s5, s11;
	[smem:$0x7CA] =	sst s7  }
0x28: {  	s7 =	sadd.s32 $0x4227A0, s0;
	[dreg:$0x16] =	wrdreg s13;
	s14 =	sadd.s32 s5, s12  }
0x29: {  	s13 =	sadd.s32 $0x422680, s0;
	s9 =	sadd.s32 s5, s7;
	[dreg:$0x17] =	wrdreg s14  }
0x2a: {  	s1 =	sadd.s32 $0x4227E0, s0;
	s15 =	sadd.s32 s5, s13;
	[smem:$0x7CC] =	sst s9  }
0x2b: {  	s9 =	sadd.s32 s5, s1;
	[dreg:$0x18] =	wrdreg s15  }
0x2c: {  	s14 =	sadd.s32 $0x422690, s0;
	[smem:$0x7D0] =	sst s9  }
0x2d: {  	s15 =	sadd.s32 $0x4226A0, s0;
	s16 =	sadd.s32 s5, s14;
	s9 =	sld [smem:$0x7D2]  }
0x2e: {  	[dreg:$0x19] =	wrdreg s16;
	s17 =	sadd.s32 s5, s15;
	s16 =	sadd.s32 $0x4226B0, s0  }
0x2f: {  	[dreg:$0x1a] =	wrdreg s17;
	s18 =	sadd.s32 s5, s16;
	s17 =	sadd.s32 $0x4226C0, s0  }
0x30: {  	[dreg:$0x1b] =	wrdreg s18;
	s18 =	sadd.s32 $0x4226D0, s0;
	s19 =	sadd.s32 s5, s17  }
0x31: {  	[dreg:$0x1c] =	wrdreg s19;
	s20 =	sadd.s32 s5, s18;
	s19 =	sadd.s32 $0x4226E0, s0  }
0x32: {  	[dreg:$0x1d] =	wrdreg s20;
	s21 =	sadd.s32 s5, s19;
	s20 =	sadd.s32 $0x4226F0, s0  }
0x33: {  	[dreg:$0x1e] =	wrdreg s21;
	s21 =	sadd.s32 $0x422700, s0;
	s22 =	sadd.s32 s5, s20  }
0x34: {  	[dreg:$0x1f] =	wrdreg s22;
	s23 =	sadd.s32 s5, s21;
	s22 =	sadd.s32 $0x422710, s0  }
0x35: {  	[smem:$0x7C2] =	sst s23;
	s24 =	sadd.s32 s5, s22;
	s23 =	sadd.s32 $0x422720, s0  }
0x36: {  	[smem:$0x7C3] =	sst s24;
	s24 =	sadd.s32 $0x422730, s0;
	s25 =	sadd.s32 s5, s23  }
0x37: {  	[smem:$0x7C4] =	sst s25;
	s26 =	sadd.s32 s5, s24;
	s25 =	sadd.s32 $0x422740, s0  }
0x38: {  	[smem:$0x7C5] =	sst s26;
	s2 =	sadd.s32 s5, s25;
	s26 =	sadd.s32 $0x422750, s0  }
0x39: {  	s4 =	sadd.s32 $0x4227C0, s0;
	[smem:$0x7C6] =	sst s2;
	s3 =	sadd.s32 s5, s26  }
0x3a: {  	s6 =	sadd.s32 $0x4227B0, s0;
	[smem:$0x7C7] =	sst s3;
	s3 =	sadd.s32 s5, s4  }
0x3b: {  	s2 =	sadd.s32 s5, s6;
	[smem:$0x7CE] =	sst s3;
	s3 =	sadd.s32 $0x4227D0, s0  }
0x3c: {  	[smem:$0x7CD] =	sst s2;
	s2 =	sadd.s32 $0x4227F0, s0;
	s8 =	sadd.s32 s5, s3  }
0x3d: {  	s5 =	sadd.s32 s5, s2;
	[smem:$0x7CF] =	sst s8  }
0x3e: {  	[smem:$0x7D1] =	sst s5;
	s5 =	sshll.u32 s9, $0x9  }
0x3f: {  	s8 =	sld [smem:$0x7D3];
	s10 =	sadd.s32 s5, s10  }
0x40: {  	s11 =	sadd.s32 s5, s11;
	[smem:$0x7DD] =	sst s10  }
0x41: {  	s12 =	sadd.s32 s5, s12;
	[smem:$0x7DE] =	sst s11  }
0x42: {  	s13 =	sadd.s32 s5, s13;
	[smem:$0x7DF] =	sst s12  }
0x43: {  	s14 =	sadd.s32 s5, s14;
	[smem:$0x7E0] =	sst s13  }
0x44: {  	s15 =	sadd.s32 s5, s15;
	[smem:$0x7E1] =	sst s14  }
0x45: {  	s16 =	sadd.s32 s5, s16;
	[smem:$0x7E2] =	sst s15  }
0x46: {  	s17 =	sadd.s32 s5, s17;
	[smem:$0x7E3] =	sst s16  }
0x47: {  	s7 =	sadd.s32 s5, s7;
	[smem:$0x7E4] =	sst s17  }
0x48: {  	s6 =	sadd.s32 s5, s6;
	[smem:$0x7F2] =	sst s7  }
0x49: {  	s4 =	sadd.s32 s5, s4;
	[smem:$0x7F3] =	sst s6  }
0x4a: {  	s3 =	sadd.s32 s5, s3;
	[smem:$0x7F4] =	sst s4  }
0x4b: {  	s1 =	sadd.s32 s5, s1;
	[smem:$0x7F5] =	sst s3  }
0x4c: {  	s10 =	sadd.s32 s5, s18;
	[smem:$0x7F6] =	sst s1  }
0x4d: {  	s11 =	sadd.s32 s5, s19;
	[smem:$0x7E5] =	sst s10  }
0x4e: {  	s8 =	sadd.s32 s8, s5;
	[smem:$0x7E6] =	sst s11  }
0x4f: {  	[smem:$0x7D4] =	sst s8  }
0x50: {  	s12 =	sadd.s32 s5, s20;
	s8 =	sld [smem:$0x7D5]  }
0x51: {  	s13 =	sadd.s32 s5, s21;
	[smem:$0x7E7] =	sst s12  }
0x52: {  	s14 =	sadd.s32 s5, s22;
	[smem:$0x7E8] =	sst s13  }
0x53: {  	[smem:$0x7E9] =	sst s14;
	s8 =	sadd.s32 s5, s8  }
0x54: {  	[smem:$0x7D6] =	sst s8  }
0x55: {  	s15 =	sadd.s32 s5, s23;
	s8 =	sld [smem:$0x7D7]  }
0x56: {  	s16 =	sadd.s32 s5, s24;
	[smem:$0x7EA] =	sst s15  }
0x57: {  	s17 =	sadd.s32 s5, s25;
	[smem:$0x7EB] =	sst s16  }
0x58: {  	[smem:$0x7EC] =	sst s17;
	s8 =	sadd.s32 s5, s8  }
0x59: {  	[smem:$0x7D8] =	sst s8  }
0x5a: {  	s18 =	sadd.s32 s5, s26;
	s8 =	sld [smem:$0x7D9]  }
0x5b: {  	s19 =	sadd.s32 s5, s28;
	[smem:$0x7ED] =	sst s18  }
0x5c: {  	s20 =	sadd.s32 s5, s29;
	[smem:$0x7EE] =	sst s19  }
0x5d: {  	[smem:$0x7EF] =	sst s20;
	s8 =	sadd.s32 s5, s8  }
0x5e: {  	[smem:$0x7DA] =	sst s8  }
0x5f: {  	s21 =	sadd.s32 s5, s30;
	s8 =	sld [smem:$0x7DB]  }
0x60: {  	s22 =	sadd.s32 s5, s31;
	[smem:$0x7F0] =	sst s21  }
0x61: {  	s23 =	sadd.s32 s5, s2;
	[smem:$0x7F1] =	sst s22  }
0x62: {  	[smem:$0x7F7] =	sst s23;
	s8 =	sadd.s32 s5, s8  }
0x63: {  	[smem:$0x7DC] =	sst s8  }
0x64: {  	_ =	strace $0x80000047  }
0x65: {  	s0 =	sadd.s32 $0x19E00, s0;
	s3 =	simm.s32 $0x0;
	s24 =	sld [smem:$0x7F9]  }
0x66: {  	s25 =	sshll.u32 s9, $0xC;
	s6 =	simm.s32 $0x2;
	s26 =	sld [smem:$0x7FC]  }
0x67: {  	s28 =	simm.s32 $0x4000;
	s29 =	simm.s32 $0x4480;
	[smem:$0x7F8] =	sst s0  }
0x68: {  	s30 =	simm.s32 $0x4900;
	[smem:$0x7FB] =	sst s25;
	s0 =	sshll.u32 s24, $0xD  }
0x69: {  	s31 =	simm.s32 $0x4D80;
	[smem:$0x7FA] =	sst s0;
	s0 =	smax.u32 s26, $0x1  }
0x6a: {  	v0 =	vlaneseq.u32;
	v1 =	vimm.s32 $0x0;
	v2 =	vimm.f32 $3.000000010e+38;
	s4 =	simm.s32 $0x0;
	[smem:$0x7FD] =	sst s0;
	s0 =	simm.s32 $0x5200  }
.LBB2_1:
0x6b: {  	[smem:$0x7C1] =	sst s4  }
0x6c: {  	s1 =	rddreg [dreg:$0x2];
	s2 =	simm.s32 $0x80;
	s17 =	simm.s32 $0x400  }
0x6d: {  	[tilespmem:s3], [sflag:$0x2] =	stream.strided.gather [hbm4b:s1+s2], $0x1000, s17, s2, $0x38;
	[tilespmem:$0x5C00] =	vst v63  }
0x6e: {  	_ =	swait.ge [sflag:s6], $0x1000  }
0x6f: {  	[sflag:s6] =	ssyncset.done $0x0  }
0x70: {  	s5 =	simm.s32 $0x1000;
	s18 =	rddreg [dreg:$0x3];
	[sflag:s6] =	ssyncadd.s32 $0xFFFFF000  }
0x71: {  	[tilespmem:s5], [sflag:$0x2] =	stream.strided.gather [hbm4b:s18+s2], $0x1000, s17, s2, $0x38;
	[tilespmem:$0x5C00] =	vst v63  }
0x72: {  	_ =	swait.ge [sflag:s6], $0x1000  }
0x73: {  	[sflag:s6] =	ssyncset.done $0x0  }
0x74: {  	s20 =	simm.s32 $0x2000;
	s19 =	rddreg [dreg:$0x4];
	[sflag:s6] =	ssyncadd.s32 $0xFFFFF000  }
0x75: {  	[tilespmem:s20], [sflag:$0x2] =	stream.strided.gather [hbm4b:s19+s2], $0x1000, s17, s2, $0x38;
	[tilespmem:$0x5C00] =	vst v63  }
0x76: {  	_ =	swait.ge [sflag:s6], $0x1000  }
0x77: {  	[sflag:s6] =	ssyncset.done $0x0  }
0x78: {  	s22 =	simm.s32 $0x3000;
	s21 =	rddreg [dreg:$0x5];
	[sflag:s6] =	ssyncadd.s32 $0xFFFFF000  }
0x79: {  	[tilespmem:s22], [sflag:$0x2] =	stream.strided.gather [hbm4b:s21+s2], $0x1000, s17, s2, $0x38;
	[tilespmem:$0x5C00] =	vst v63  }
0x7a: {  	_ =	swait.ge [sflag:s6], $0x1000  }
0x7b: {  	[sflag:s6] =	ssyncset.done $0x0  }
0x7c: {  	s24 =	simm.s32 $0x5B00;
	s23 =	rddreg [dreg:$0x6];
	[sflag:s6] =	ssyncadd.s32 $0xFFFFF000  }
0x7d: {  	[tilespmem:s24], [sflag:$0x2] =	stream.linear.gather [hbm4b:s23+s3], $0x80, $0x38;
	[tilespmem:$0x5C00] =	vst v63  }
0x7e: {  	_ =	swait.ge [sflag:s6], $0x80  }
0x7f: {  	[sflag:s6] =	ssyncset.done $0x0  }
0x80: {  	s26 =	simm.s32 $0x5B80;
	s25 =	rddreg [dreg:$0x7];
	[sflag:s6] =	ssyncadd.s32 $0xFFFFFF80  }
0x81: {  	[tilespmem:s26], [sflag:$0x2] =	stream.linear.gather [hbm4b:s25+s3], $0x80, $0x38;
	[tilespmem:$0x5C00] =	vst v63  }
0x82: {  	_ =	swait.ge [sflag:s6], $0x80  }
0x83: {  	[sflag:s6] =	ssyncset.done $0x0  }
0x84: {  	s4 =	simm.s32 $0x2020;
	s7 =	simm.s32 $0x1020;
	[sflag:s6] =	ssyncadd.s32 $0xFFFFFF80  }
0x85: {  	s8 =	simm.s32 $0x0;
	s9 =	simm.s32 $0xFFFFFFFC;
	s11 =	simm.s32 $0x0;
	v3 =	vld [tilespmem:$0x5B00]  }
0x86: {  	s1 =	simm.s32 $0xFFFFFFFC;
	s5 =	simm.s32 $0x3020;
	s6 =	simm.s32 $0x20;
	v4 =	vld [tilespmem:$0x5B80]  }
.LBB2_2:
0x87: {  	v5 =	vld [tilespmem:s5+$0xFFFFFFE0];
	_ =	sdelay $0x3  }
0x88: {  	v6 =	vor.u32 s8, v0  }
0x89: {  	vm1 =	vle.s32 v6, v4;
	vm0 =	veq.s32 v5, v3  }
0x8a: {  	vm2 =	vlt.s32 v5, v3;
	vm0 =	vmand vm1, vm0  }
0x8b: {  	vm0 =	vmor vm2, vm0  }
0x8c: {  	v7 =	vsel vm0, $0x1, v1  }
0x8d: {  	(xrf0) =	vadd.scan.msk.s32 $0xffff, v7;
	_ =	sdelay $0x5  }
0x8e: {  	v8, _, _ =	vpop (xrf0)  }
0x8f: {  	v7 =	vsub.s32 v8, v7  }
0x90: {  	v9 =	vld [tilespmem:s6+$0xFFFFFFE0];
	v7 =	vadd.s32 s11, v7;
	_ =	sdelay $0x4  }
0x91: {  	[tilespmem:v7+s28+$0x0] =	vst.idx.msk vm0, v9  }
0x92: {  	v9 =	vld [tilespmem:s7+$0xFFFFFFE0];
	_ =	sdelay $0x4  }
0x93: {  	[tilespmem:v7+s29+$0x0] =	vst.idx.msk vm0, v9  }
0x94: {  	v9 =	vld [tilespmem:s4+$0xFFFFFFE0];
	_ =	sdelay $0x4  }
0x95: {  	[tilespmem:v7+s30+$0x0] =	vst.idx.msk vm0, v9  }
0x96: {  	[tilespmem:v7+s31+$0x0] =	vst.idx.msk vm0, v5  }
0x97: {  	[tilespmem:v7+s0+$0x0] =	vst.idx.msk vm0, v6  }
0x98: {  	(v2sf) =	vpush v8, $0xF;
	v5 =	vld [tilespmem:s5+$0xFFFFFFF0];
	_ =	sdelay $0x2  }
0x99: {  	s10 =	sadd.s32 $0x10, s8  }
0x9a: {  	v6 =	vor.u32 s10, v0  }
0x9b: {  	vm8 =	vle.s32 v6, v4;
	vm7 =	veq.s32 v5, v3  }
0x9c: {  	vm9 =	vlt.s32 v5, v3;
	vm0 =	vmand vm8, vm7  }
0x9d: {  	vm0 =	vmor vm9, vm0  }
0x9e: {  	v7 =	vsel vm0, $0x1, v1  }
0x9f: {  	(xrf0) =	vadd.scan.msk.s32 $0xffff, v7;
	_ =	sdelay $0x5  }
0xa0: {  	s21 =	spop (v2sf);
	v8, _, _ =	vpop (xrf0)  }
0xa1: {  	s10 =	sadd.s32 s11, s21;
	v7 =	vsub.s32 v8, v7  }
0xa2: {  	v9 =	vld [tilespmem:s6+$0xFFFFFFF0];
	v7 =	vadd.s32 s10, v7;
	_ =	sdelay $0x4  }
0xa3: {  	[tilespmem:v7+s28+$0x0] =	vst.idx.msk vm0, v9  }
0xa4: {  	v9 =	vld [tilespmem:s7+$0xFFFFFFF0];
	_ =	sdelay $0x4  }
0xa5: {  	[tilespmem:v7+s29+$0x0] =	vst.idx.msk vm0, v9  }
0xa6: {  	v9 =	vld [tilespmem:s4+$0xFFFFFFF0];
	_ =	sdelay $0x4  }
0xa7: {  	[tilespmem:v7+s30+$0x0] =	vst.idx.msk vm0, v9  }
0xa8: {  	[tilespmem:v7+s31+$0x0] =	vst.idx.msk vm0, v5  }
0xa9: {  	[tilespmem:v7+s0+$0x0] =	vst.idx.msk vm0, v6  }
0xaa: {  	(v2sf) =	vpush v8, $0xF;
	v5 =	vld [tilespmem:s5+$0x0];
	_ =	sdelay $0x2  }
0xab: {  	s22 =	sadd.s32 $0x20, s8  }
0xac: {  	v6 =	vor.u32 s22, v0  }
0xad: {  	vm11 =	vle.s32 v6, v4;
	vm10 =	veq.s32 v5, v3  }
0xae: {  	vm12 =	vlt.s32 v5, v3;
	vm0 =	vmand vm11, vm10  }
0xaf: {  	vm0 =	vmor vm12, vm0  }
0xb0: {  	v7 =	vsel vm0, $0x1, v1  }
0xb1: {  	(xrf0) =	vadd.scan.msk.s32 $0xffff, v7;
	_ =	sdelay $0x5  }
0xb2: {  	s23 =	spop (v2sf);
	v8, _, _ =	vpop (xrf0)  }
0xb3: {  	s10 =	sadd.s32 s10, s23;
	v7 =	vsub.s32 v8, v7  }
0xb4: {  	v9 =	vld [tilespmem:s6+$0x0];
	v7 =	vadd.s32 s10, v7;
	_ =	sdelay $0x4  }
0xb5: {  	[tilespmem:v7+s28+$0x0] =	vst.idx.msk vm0, v9  }
0xb6: {  	v9 =	vld [tilespmem:s7+$0x0];
	_ =	sdelay $0x4  }
0xb7: {  	[tilespmem:v7+s29+$0x0] =	vst.idx.msk vm0, v9  }
0xb8: {  	v9 =	vld [tilespmem:s4+$0x0];
	_ =	sdelay $0x4  }
0xb9: {  	[tilespmem:v7+s30+$0x0] =	vst.idx.msk vm0, v9  }
0xba: {  	[tilespmem:v7+s31+$0x0] =	vst.idx.msk vm0, v5  }
0xbb: {  	[tilespmem:v7+s0+$0x0] =	vst.idx.msk vm0, v6  }
0xbc: {  	(v2sf) =	vpush v8, $0xF;
	v5 =	vld [tilespmem:s5+$0x10];
	_ =	sdelay $0x2  }
0xbd: {  	s24 =	sadd.s32 $0x30, s8  }
0xbe: {  	v6 =	vor.u32 s24, v0  }
0xbf: {  	vm14 =	vle.s32 v6, v4;
	vm13 =	veq.s32 v5, v3  }
0xc0: {  	vm15 =	vlt.s32 v5, v3;
	vm0 =	vmand vm14, vm13  }
0xc1: {  	vm0 =	vmor vm15, vm0  }
0xc2: {  	v7 =	vsel vm0, $0x1, v1  }
0xc3: {  	(xrf0) =	vadd.scan.msk.s32 $0xffff, v7;
	_ =	sdelay $0x5  }
0xc4: {  	s25 =	spop (v2sf);
	v8, _, _ =	vpop (xrf0)  }
0xc5: {  	s10 =	sadd.s32 s10, s25;
	v7 =	vsub.s32 v8, v7  }
0xc6: {  	v9 =	vld [tilespmem:s6+$0x10];
	v7 =	vadd.s32 s10, v7;
	_ =	sdelay $0x2  }
0xc7: {  	(v2sf) =	vpush v8, $0xF;
	_ =	sdelay $0x1  }
0xc8: {  	[tilespmem:v7+s28+$0x0] =	vst.idx.msk vm0, v9  }
0xc9: {  	v8 =	vld [tilespmem:s7+$0x10];
	_ =	sdelay $0x4  }
0xca: {  	[tilespmem:v7+s29+$0x0] =	vst.idx.msk vm0, v8  }
0xcb: {  	v8 =	vld [tilespmem:s4+$0x10]  }
0xcc: {  	s9 =	sadd.s32 $0x4, s9  }
0xcd: {  	p0 =	slt.u32 s9, $0xFC  }
.Ltmp0:
0xce: {  	_ = 	snop;
	(pc) =	sbr.rel @p0 .LBB2_2-.Ltmp0, $4  }
0xcf: {  	_ = 	snop  }
0xd0: {  	s8 =	sadd.s32 $0x40, s8;
	s12 =	simm.s32 $0x4DA0;
	s5 =	sadd.s32 $0x40, s5;
	[tilespmem:v7+s30+$0x0] =	vst.idx.msk vm0, v8  }
0xd1: {  	s6 =	sadd.s32 $0x40, s6;
	s7 =	sadd.s32 $0x40, s7;
	s26 =	spop (v2sf);
	[tilespmem:v7+s31+$0x0] =	vst.idx.msk vm0, v5  }
0xd2: {  	s4 =	sadd.s32 $0x40, s4;
	s11 =	sadd.s32 s10, s26;
	s10 =	simm.s32 $0x0;
	v8 =	vimm.s32 $0x7F7FFFFF;
	[tilespmem:v7+s0+$0x0] =	vst.idx.msk vm0, v6;
	v7 =	vimm.s32 $0x0  }
0xd3: {  	v3 =	vld [tilespmem:s12+$0xFFFFFFE0];
	_ =	sdelay $0x1  }
0xd4: {  	v6 =	vld [tilespmem:s12+$0xFFFFFFF0];
	_ =	sdelay $0x1  }
0xd5: {  	v5 =	vld [tilespmem:s12+$0x0]  }
0xd6: {  	v4 =	vor.u32 s10, v0;
	vm0 =	vlt.s32 v3, v8  }
0xd7: {  	s4 =	sadd.s32 $0x10, s10;
	v8 =	vsel vm0, v3, v8;
	v3 =	vsel vm0, v4, v7;
	v7 =	vld [tilespmem:s12+$0x10]  }
0xd8: {  	s1 =	sadd.s32 $0x4, s1;
	v4 =	vor.u32 s4, v0;
	s4 =	sadd.s32 $0x40, s12;
	vm0 =	vlt.s32 v6, v8  }
.LBB2_4:
0xd9: {  	v9 =	vld [tilespmem:s4+$0xFFFFFFE0];
	s1 =	sadd.s32 $0x4, s1;
	v8 =	vsel vm0, v6, v8;
	v3 =	vsel vm0, v4, v3;
	s5 =	sadd.s32 $0x20, s10  }
0xda: {  	p0 =	slt.u32 s1, $0x3C;
	v4 =	vor.u32 s5, v0;
	vm0 =	vlt.s32 v5, v8  }
0xdb: {  	s5 =	sadd.s32 $0x30, s10;
	v6 =	vld [tilespmem:s4+$0xFFFFFFF0];
	v8 =	vsel vm0, v5, v8;
	v3 =	vsel vm0, v4, v3  }
.Ltmp1:
0xdc: {  	v4 =	vor.u32 s5, v0;
	vm0 =	vlt.s32 v7, v8;
	(pc) =	sbr.rel @p0 .LBB2_4-.Ltmp1, $4  }
0xdd: {  	s10 =	sadd.s32 $0x40, s10;
	v5 =	vld [tilespmem:s4+$0x0];
	v7 =	vsel vm0, v7, v8;
	v3 =	vsel vm0, v4, v3  }
0xde: {  	v4 =	vor.u32 s10, v0;
	vm0 =	vlt.s32 v9, v7  }
0xdf: {  	s5 =	sadd.s32 $0x10, s10;
	v8 =	vsel vm0, v9, v7;
	v3 =	vsel vm0, v4, v3;
	v7 =	vld [tilespmem:s4+$0x10]  }
0xe0: {  	v4 =	vor.u32 s5, v0;
	s4 =	sadd.s32 $0x40, s4;
	vm0 =	vlt.s32 v6, v8  }
0xe1: {  	[tilespmem:$0x5680] =	vst v2  }
0xe2: {  	[tilespmem:$0x5690] =	vst v2  }
0xe3: {  	[tilespmem:$0x56A0] =	vst v2  }
0xe4: {  	[tilespmem:$0x56B0] =	vst v2  }
0xe5: {  	[tilespmem:$0x56C0] =	vst v2  }
0xe6: {  	[tilespmem:$0x56D0] =	vst v2  }
0xe7: {  	[tilespmem:$0x56E0] =	vst v2  }
0xe8: {  	[tilespmem:$0x56F0] =	vst v2  }
0xe9: {  	v6 =	vsel vm0, v6, v8;
	[tilespmem:$0x5700] =	vst v2  }
0xea: {  	[tilespmem:$0x5710] =	vst v2;
	vm1 =	vlt.s32 v5, v6  }
0xeb: {  	[tilespmem:$0x5720] =	vst v2;
	v5 =	vsel vm1, v5, v6  }
0xec: {  	[tilespmem:$0x5730] =	vst v2;
	vm2 =	vlt.s32 v7, v5  }
0xed: {  	[tilespmem:$0x5740] =	vst v2;
	v5 =	vsel vm2, v7, v5  }
0xee: {  	[tilespmem:$0x5750] =	vst v2;
	v61 =	vxor.u32 $0x80000000, v5  }
0xef: {  	[tilespmem:$0x5760] =	vst v2;
	(xrf0) =	vmin.scan.msk.u32 $0xffff, v61  }
0xf0: {  	[tilespmem:$0x5770] =	vst v2  }
0xf1: {  	[tilespmem:$0x5780] =	vst v2  }
0xf2: {  	[tilespmem:$0x5790] =	vst v2  }
0xf3: {  	[tilespmem:$0x57A0] =	vst v2  }
0xf4: {  	[tilespmem:$0x57B0] =	vst v2  }
0xf5: {  	[tilespmem:$0x57C0] =	vst v2;
	v6, _, _ =	vpop (xrf0)  }
0xf6: {  	[tilespmem:$0x57D0] =	vst v2;
	(v2sf) =	vpush v6, $0xF  }
0xf7: {  	[tilespmem:$0x57E0] =	vst v2  }
0xf8: {  	[tilespmem:$0x57F0] =	vst v2  }
0xf9: {  	[tilespmem:$0x5800] =	vst v2  }
0xfa: {  	[tilespmem:$0x5810] =	vst v2  }
0xfb: {  	[tilespmem:$0x5820] =	vst v2  }
0xfc: {  	[tilespmem:$0x5830] =	vst v2  }
0xfd: {  	[tilespmem:$0x5840] =	vst v2  }
0xfe: {  	[tilespmem:$0x5850] =	vst v2  }
0xff: {  	[tilespmem:$0x5860] =	vst v2  }
0x100: {  	[tilespmem:$0x5870] =	vst v2  }
0x101: {  	[tilespmem:$0x5880] =	vst v2  }
0x102: {  	[tilespmem:$0x5890] =	vst v2  }
0x103: {  	s1 =	sadd.s32 $0x20, s10;
	[tilespmem:$0x58A0] =	vst v2  }
0x104: {  	v3 =	vsel vm0, v4, v3;
	s25 =	sadd.s32 $0x30, s10;
	[tilespmem:$0x58B0] =	vst v2;
	v62 =	vor.u32 s1, v0  }
0x105: {  	[tilespmem:$0x58C0] =	vst v2;
	v63 =	vor.u32 s25, v0;
	v3 =	vsel vm1, v62, v3;
	s26 =	spop (v2sf)  }
0x106: {  	[tilespmem:$0x58D0] =	vst v2;
	v3 =	vsel vm2, v63, v3;
	s1 =	sxor.u32 $0x80000000, s26  }
0x107: {  	[tilespmem:$0x58E0] =	vst v2;
	v3 =	vxor.u32 $0x80000000, v3;
	vm15 =	veq.s32 v5, s1  }
0x108: {  	[tilespmem:$0x58F0] =	vst v2;
	v3 =	vnsel vm15, $0x80000400, v3  }
0x109: {  	[tilespmem:$0x5900] =	vst v2;
	(xrf0) =	vmin.scan.msk.u32 $0xffff, v3  }
0x10a: {  	[tilespmem:$0x5910] =	vst v2  }
0x10b: {  	[tilespmem:$0x5920] =	vst v2  }
0x10c: {  	[tilespmem:$0x5930] =	vst v2  }
0x10d: {  	[tilespmem:$0x5940] =	vst v2  }
0x10e: {  	[tilespmem:$0x5950] =	vst v2  }
0x10f: {  	[tilespmem:$0x5960] =	vst v2;
	v3, _, _ =	vpop (xrf0)  }
0x110: {  	[tilespmem:$0x5970] =	vst v2;
	(v2sf) =	vpush v3, $0xF  }
0x111: {  	[tilespmem:$0x5980] =	vst v2  }
0x112: {  	[tilespmem:$0x5990] =	vst v2  }
0x113: {  	[tilespmem:$0x59A0] =	vst v2  }
0x114: {  	[tilespmem:$0x59B0] =	vst v2  }
0x115: {  	[tilespmem:$0x59C0] =	vst v2  }
0x116: {  	[tilespmem:$0x59D0] =	vst v2  }
0x117: {  	[tilespmem:$0x59E0] =	vst v2  }
0x118: {  	[tilespmem:$0x59F0] =	vst v2  }
0x119: {  	[tilespmem:$0x5A00] =	vst v2  }
0x11a: {  	[tilespmem:$0x5A10] =	vst v2  }
0x11b: {  	[tilespmem:$0x5A20] =	vst v2  }
0x11c: {  	[tilespmem:$0x5A30] =	vst v2  }
0x11d: {  	[tilespmem:$0x5A40] =	vst v2  }
0x11e: {  	[tilespmem:$0x5A50] =	vst v2  }
0x11f: {  	[tilespmem:$0x5A60] =	vst v2;
	s1 =	spop (v2sf)  }
0x120: {  	[tilespmem:$0x5A70] =	vst v2;
	s4 =	sadd.s32 $0x80005200, s1  }
0x121: {  	v3 =	vld.msk [tilespmem:s4+$0x0 ss:$0x0], $0xffff;
	_ =	sdelay $0x3  }
0x122: {  	s2 =	simm.s32 $0x5A80  }
0x123: {  	s5 =	simm.s32 $0x1;
	[tilespmem:v1+s2+$0x0] =	vst.idx.msk $0x1, v3  }
.LBB2_6:
0x124: {  	s4 =	sadd.s32 $0x80004000, s1  }
0x125: {  	s25 =	sadd.s32 $0x80004480, s1;
	v3 =	vld.msk [tilespmem:s4+$0x0 ss:$0x0], $0xffff  }
0x126: {  	s7 =	simm.s32 $0x4040;
	v4 =	vld.msk [tilespmem:s25+$0x0 ss:$0x0], $0xffff  }
0x127: {  	s9 =	simm.s32 $0x44C0;
	v6 =	vld [tilespmem:s7+$0xFFFFFFC0]  }
0x128: {  	s26 =	sadd.s32 $0x80004900, s1;
	v7 =	vld [tilespmem:s9+$0xFFFFFFC0]  }
0x129: {  	s8 =	simm.s32 $0x4940;
	v5 =	vld.msk [tilespmem:s26+$0x0 ss:$0x0], $0xffff  }
0x12a: {  	v8 =	vld [tilespmem:s8+$0xFFFFFFC0];
	_ =	sdelay $0x2  }
0x12b: {  	v6 =	vsub.f32 v6, v3;
	v7 =	vsub.f32 v7, v4;
	_ =	sdelay $0x1  }
0x12c: {  	s6 =	simm.s32 $0x56C0;
	v8 =	vsub.f32 v8, v5;
	v6 =	vmul.f32 v6, v6;
	v7 =	vmul.f32 v7, v7  }
0x12d: {  	v9 =	vld [tilespmem:s6+$0xFFFFFFC0]  }
0x12e: {  	v8 =	vmul.f32 v8, v8;
	v6 =	vadd.f32 v7, v6;
	_ =	sdelay $0x1  }
0x12f: {  	v6 =	vadd.f32 v8, v6;
	_ =	sdelay $0x1  }
0x130: {  	v6 =	vmin.f32 v9, v6  }
0x131: {  	[tilespmem:s6+$0xFFFFFFC0] =	vst v6  }
0x132: {  	v7 =	vld [tilespmem:s7+$0xFFFFFFD0]  }
0x133: {  	v8 =	vld [tilespmem:s9+$0xFFFFFFD0];
	_ =	sdelay $0x1  }
0x134: {  	v9 =	vld [tilespmem:s8+$0xFFFFFFD0];
	_ =	sdelay $0x2  }
0x135: {  	v7 =	vsub.f32 v7, v3;
	v8 =	vsub.f32 v8, v4;
	_ =	sdelay $0x1  }
0x136: {  	v9 =	vsub.f32 v9, v5;
	v7 =	vmul.f32 v7, v7;
	v8 =	vmul.f32 v8, v8  }
0x137: {  	v10 =	vld [tilespmem:s6+$0xFFFFFFD0]  }
0x138: {  	v7 =	vadd.f32 v8, v7;
	v8 =	vmul.f32 v9, v9;
	_ =	sdelay $0x1  }
0x139: {  	v7 =	vadd.f32 v8, v7;
	_ =	sdelay $0x1  }
0x13a: {  	v7 =	vmin.f32 v10, v7  }
0x13b: {  	[tilespmem:s6+$0xFFFFFFD0] =	vst v7  }
0x13c: {  	v8 =	vld [tilespmem:s7+$0xFFFFFFE0]  }
0x13d: {  	v9 =	vld [tilespmem:s9+$0xFFFFFFE0];
	_ =	sdelay $0x1  }
0x13e: {  	v10 =	vld [tilespmem:s8+$0xFFFFFFE0];
	_ =	sdelay $0x2  }
0x13f: {  	v8 =	vsub.f32 v8, v3;
	v9 =	vsub.f32 v9, v4;
	_ =	sdelay $0x1  }
0x140: {  	v10 =	vsub.f32 v10, v5;
	v8 =	vmul.f32 v8, v8;
	v9 =	vmul.f32 v9, v9  }
0x141: {  	v11 =	vld [tilespmem:s6+$0xFFFFFFE0]  }
0x142: {  	v8 =	vadd.f32 v9, v8;
	v9 =	vmul.f32 v10, v10;
	_ =	sdelay $0x1  }
0x143: {  	v8 =	vadd.f32 v9, v8;
	_ =	sdelay $0x1  }
0x144: {  	v8 =	vmin.f32 v11, v8  }
0x145: {  	[tilespmem:s6+$0xFFFFFFE0] =	vst v8  }
0x146: {  	v9 =	vld [tilespmem:s7+$0xFFFFFFF0]  }
0x147: {  	v10 =	vld [tilespmem:s9+$0xFFFFFFF0];
	_ =	sdelay $0x1  }
0x148: {  	v11 =	vld [tilespmem:s8+$0xFFFFFFF0];
	_ =	sdelay $0x2  }
0x149: {  	v9 =	vsub.f32 v9, v3;
	v10 =	vsub.f32 v10, v4;
	_ =	sdelay $0x1  }
0x14a: {  	v11 =	vsub.f32 v11, v5;
	v9 =	vmul.f32 v9, v9;
	v10 =	vmul.f32 v10, v10  }
0x14b: {  	v12 =	vld [tilespmem:s6+$0xFFFFFFF0]  }
0x14c: {  	v9 =	vadd.f32 v10, v9;
	v10 =	vmul.f32 v11, v11;
	_ =	sdelay $0x1  }
0x14d: {  	v9 =	vadd.f32 v10, v9;
	_ =	sdelay $0x1  }
0x14e: {  	v9 =	vmin.f32 v12, v9  }
0x14f: {  	[tilespmem:s6+$0xFFFFFFF0] =	vst v9  }
0x150: {  	v10 =	vld [tilespmem:s7+$0x0]  }
0x151: {  	v11 =	vld [tilespmem:s9+$0x0];
	_ =	sdelay $0x1  }
0x152: {  	v54 =	vld [tilespmem:s8+$0x0];
	_ =	sdelay $0x2  }
0x153: {  	v10 =	vsub.f32 v10, v3;
	v11 =	vsub.f32 v11, v4;
	_ =	sdelay $0x1  }
0x154: {  	v12 =	vsub.f32 v54, v5;
	v10 =	vmul.f32 v10, v10;
	v11 =	vmul.f32 v11, v11  }
0x155: {  	v13 =	vld [tilespmem:s6+$0x0]  }
0x156: {  	v10 =	vadd.f32 v11, v10;
	v11 =	vmul.f32 v12, v12;
	_ =	sdelay $0x1  }
0x157: {  	v10 =	vadd.f32 v11, v10;
	_ =	sdelay $0x1  }
0x158: {  	v10 =	vmin.f32 v13, v10  }
0x159: {  	[tilespmem:s6+$0x0] =	vst v10  }
0x15a: {  	v11 =	vld [tilespmem:s7+$0x10]  }
0x15b: {  	v55 =	vld [tilespmem:s9+$0x10];
	_ =	sdelay $0x1  }
0x15c: {  	v56 =	vld [tilespmem:s8+$0x10];
	_ =	sdelay $0x2  }
0x15d: {  	v11 =	vsub.f32 v11, v3;
	v12 =	vsub.f32 v55, v4;
	_ =	sdelay $0x1  }
0x15e: {  	v13 =	vsub.f32 v56, v5;
	v11 =	vmul.f32 v11, v11;
	v12 =	vmul.f32 v12, v12  }
0x15f: {  	v14 =	vld [tilespmem:s6+$0x10]  }
0x160: {  	v57 =	vmul.f32 v13, v13;
	v11 =	vadd.f32 v12, v11;
	_ =	sdelay $0x1  }
0x161: {  	v11 =	vadd.f32 v57, v11;
	_ =	sdelay $0x1  }
0x162: {  	v11 =	vmin.f32 v14, v11  }
0x163: {  	[tilespmem:s6+$0x10] =	vst v11  }
0x164: {  	v58 =	vld [tilespmem:s7+$0x20]  }
0x165: {  	v59 =	vimm.f32 $-3.000000010e+38;
	v60 =	vld [tilespmem:s9+$0x20]  }
0x166: {  	vm0 =	vgt.f32 v6, v59  }
0x167: {  	v6 =	vsel vm0, v6, v59;
	v61 =	vld [tilespmem:s8+$0x20]  }
0x168: {  	vm1 =	vgt.f32 v7, v6  }
0x169: {  	v6 =	vsel vm1, v7, v6  }
0x16a: {  	vm2 =	vgt.f32 v8, v6;
	v7 =	vsub.f32 v58, v3;
	v62 =	vsub.f32 v60, v4  }
0x16b: {  	v6 =	vsel vm2, v8, v6  }
0x16c: {  	v8 =	vsub.f32 v61, v5;
	v7 =	vmul.f32 v7, v7;
	v12 =	vmul.f32 v62, v62  }
0x16d: {  	v63 =	vld [tilespmem:s6+$0x20];
	vm3 =	vgt.f32 v9, v6  }
0x16e: {  	v6 =	vsel vm3, v9, v6;
	v8 =	vmul.f32 v8, v8;
	v7 =	vadd.f32 v12, v7  }
0x16f: {  	s18 =	simm.s32 $0x70;
	s19 =	simm.s32 $0x0;
	vm4 =	vgt.f32 v10, v6  }
0x170: {  	s16 =	simm.s32 $0x0;
	s15 =	simm.s32 $0x10;
	s13 =	simm.s32 $0x20;
	v6 =	vsel vm4, v10, v6;
	v8 =	vadd.f32 v8, v7  }
0x171: {  	s14 =	simm.s32 $0x30;
	s10 =	simm.s32 $0x40;
	s11 =	simm.s32 $0x50;
	vm5 =	vgt.f32 v11, v6  }
0x172: {  	s12 =	simm.s32 $0x60;
	s23 =	simm.s32 $0x4540;
	s1 =	simm.s32 $0x49C0;
	v7 =	vsel vm5, v11, v6;
	v8 =	vmin.f32 v63, v8  }
0x173: {  	s24 =	simm.s32 $0x5740;
	s17 =	simm.s32 $0x70;
	s25 =	simm.s32 $0x4040;
	v6 =	vimm.s32 $0x0;
	[tilespmem:s6+$0x20] =	vst v8;
	vm6 =	vgt.f32 v8, v7  }
.LBB2_7:
0x174: {  	s19 =	sadd.s32 $0x8, s19;
	v9 =	vld [tilespmem:s9+$0x30];
	s18 =	sadd.s32 $0x80, s18;
	s7 =	sadd.s32 $0x80, s7  }
0x175: {  	s4 =	sadd.s32 $0xFFFFFF90, s18;
	s26 =	sadd.s32 $0xFFFFFFA0, s18;
	p0 =	slt.u32 s19, $0x38;
	v10 =	vld [tilespmem:s25+$0x30]  }
0x176: {  	s21 =	sadd.s32 $0xFFFFFFB0, s18;
	s22 =	sadd.s32 $0xFFFFFFC0, s18;
	s2 =	sadd.s32 $0xFFFFFFD0, s18;
	v11 =	vld [tilespmem:s8+$0x30]  }
0x177: {  	s20 =	sadd.s32 $0xFFFFFFE0, s18;
	s3 =	sadd.s32 $0xFFFFFFF0, s18;
	s25 =	smov.u32 s7  }
0x178: {  	s9 =	smov.u32 s23;
	s8 =	smov.u32 s1  }
0x179: {  	v9 =	vsub.f32 v9, v4  }
0x17a: {  	v10 =	vsub.f32 v10, v3  }
0x17b: {  	v12 =	vor.u32 s16, v0;
	s16 =	smov.u32 s4;
	v11 =	vsub.f32 v11, v5;
	v9 =	vmul.f32 v9, v9  }
0x17c: {  	v6 =	vsel vm0, v12, v6;
	v12 =	vor.u32 s15, v0;
	s15 =	smov.u32 s26;
	v10 =	vmul.f32 v10, v10;
	v13 =	vld [tilespmem:s6+$0x30]  }
0x17d: {  	v6 =	vsel vm1, v12, v6;
	v12 =	vor.u32 s13, v0;
	s13 =	smov.u32 s21;
	v11 =	vmul.f32 v11, v11  }
0x17e: {  	v6 =	vsel vm2, v12, v6;
	v12 =	vor.u32 s14, v0;
	s14 =	smov.u32 s22;
	v9 =	vadd.f32 v9, v10  }
0x17f: {  	v6 =	vsel vm3, v12, v6;
	v10 =	vor.u32 s10, v0;
	s10 =	smov.u32 s2  }
0x180: {  	v6 =	vsel vm4, v10, v6;
	v10 =	vor.u32 s11, v0;
	s11 =	smov.u32 s20;
	v9 =	vadd.f32 v11, v9  }
0x181: {  	v7 =	vsel vm6, v8, v7;
	v6 =	vsel vm5, v10, v6;
	v10 =	vor.u32 s12, v0;
	s12 =	smov.u32 s3  }
0x182: {  	v6 =	vsel vm6, v10, v6;
	v8 =	vmin.f32 v13, v9;
	v9 =	vor.u32 s17, v0;
	s17 =	smov.u32 s18  }
0x183: {  	[tilespmem:s6+$0x30] =	vst v8;
	vm0 =	vgt.f32 v8, v7;
	s6 =	smov.u32 s24  }
0x184: {  	v10 =	vld [tilespmem:s7+$0xFFFFFFC0];
	v7 =	vsel vm0, v8, v7;
	v6 =	vsel vm0, v9, v6  }
0x185: {  	v8 =	vld [tilespmem:s23+$0xFFFFFFC0]  }
0x186: {  	v9 =	vld [tilespmem:s1+$0xFFFFFFC0];
	_ =	sdelay $0x3  }
0x187: {  	v10 =	vsub.f32 v10, v3;
	v8 =	vsub.f32 v8, v4  }
0x188: {  	v9 =	vsub.f32 v9, v5  }
0x189: {  	v10 =	vmul.f32 v10, v10;
	v8 =	vmul.f32 v8, v8  }
0x18a: {  	v9 =	vmul.f32 v9, v9;
	v11 =	vld [tilespmem:s24+$0xFFFFFFC0]  }
0x18b: {  	v8 =	vadd.f32 v8, v10;
	_ =	sdelay $0x1  }
0x18c: {  	v8 =	vadd.f32 v9, v8;
	_ =	sdelay $0x1  }
0x18d: {  	v8 =	vmin.f32 v11, v8  }
0x18e: {  	[tilespmem:s24+$0xFFFFFFC0] =	vst v8;
	vm0 =	vgt.f32 v8, v7  }
0x18f: {  	v9 =	vld [tilespmem:s7+$0xFFFFFFD0]  }
0x190: {  	v10 =	vld [tilespmem:s23+$0xFFFFFFD0];
	_ =	sdelay $0x1  }
0x191: {  	v11 =	vld [tilespmem:s1+$0xFFFFFFD0];
	_ =	sdelay $0x1  }
0x192: {  	v9 =	vsub.f32 v9, v3  }
0x193: {  	v10 =	vsub.f32 v10, v4;
	_ =	sdelay $0x1  }
0x194: {  	v9 =	vmul.f32 v9, v9;
	v11 =	vsub.f32 v11, v5;
	v10 =	vmul.f32 v10, v10  }
0x195: {  	v12 =	vld [tilespmem:s24+$0xFFFFFFD0]  }
0x196: {  	v9 =	vadd.f32 v10, v9;
	v10 =	vmul.f32 v11, v11;
	_ =	sdelay $0x1  }
0x197: {  	v9 =	vadd.f32 v10, v9;
	_ =	sdelay $0x1  }
0x198: {  	v7 =	vsel vm0, v8, v7;
	v8 =	vmin.f32 v12, v9  }
0x199: {  	[tilespmem:s24+$0xFFFFFFD0] =	vst v8;
	vm1 =	vgt.f32 v8, v7  }
0x19a: {  	v7 =	vsel vm1, v8, v7;
	v8 =	vld [tilespmem:s7+$0xFFFFFFE0]  }
0x19b: {  	v9 =	vld [tilespmem:s23+$0xFFFFFFE0];
	_ =	sdelay $0x1  }
0x19c: {  	v10 =	vld [tilespmem:s1+$0xFFFFFFE0];
	_ =	sdelay $0x1  }
0x19d: {  	v8 =	vsub.f32 v8, v3  }
0x19e: {  	v9 =	vsub.f32 v9, v4  }
0x19f: {  	v8 =	vmul.f32 v8, v8  }
0x1a0: {  	v10 =	vsub.f32 v10, v5;
	v9 =	vmul.f32 v9, v9  }
0x1a1: {  	v11 =	vld [tilespmem:s24+$0xFFFFFFE0]  }
0x1a2: {  	v8 =	vadd.f32 v9, v8;
	v9 =	vmul.f32 v10, v10;
	_ =	sdelay $0x1  }
0x1a3: {  	v8 =	vadd.f32 v9, v8;
	_ =	sdelay $0x1  }
0x1a4: {  	v8 =	vmin.f32 v11, v8  }
0x1a5: {  	[tilespmem:s24+$0xFFFFFFE0] =	vst v8;
	vm2 =	vgt.f32 v8, v7  }
0x1a6: {  	v7 =	vsel vm2, v8, v7;
	v8 =	vld [tilespmem:s7+$0xFFFFFFF0]  }
0x1a7: {  	v9 =	vld [tilespmem:s23+$0xFFFFFFF0];
	_ =	sdelay $0x1  }
0x1a8: {  	v10 =	vld [tilespmem:s1+$0xFFFFFFF0];
	_ =	sdelay $0x1  }
0x1a9: {  	v8 =	vsub.f32 v8, v3  }
0x1aa: {  	v9 =	vsub.f32 v9, v4  }
0x1ab: {  	v8 =	vmul.f32 v8, v8  }
0x1ac: {  	v10 =	vsub.f32 v10, v5;
	v9 =	vmul.f32 v9, v9  }
0x1ad: {  	v11 =	vld [tilespmem:s24+$0xFFFFFFF0]  }
0x1ae: {  	v8 =	vadd.f32 v9, v8;
	v9 =	vmul.f32 v10, v10;
	_ =	sdelay $0x1  }
0x1af: {  	v8 =	vadd.f32 v9, v8;
	_ =	sdelay $0x1  }
0x1b0: {  	v8 =	vmin.f32 v11, v8  }
0x1b1: {  	[tilespmem:s24+$0xFFFFFFF0] =	vst v8;
	vm3 =	vgt.f32 v8, v7  }
0x1b2: {  	v7 =	vsel vm3, v8, v7;
	v8 =	vld [tilespmem:s7+$0x0]  }
0x1b3: {  	v9 =	vld [tilespmem:s23+$0x0]  }
0x1b4: {  	v10 =	vld [tilespmem:s1+$0x0];
	_ =	sdelay $0x2  }
0x1b5: {  	v8 =	vsub.f32 v8, v3  }
0x1b6: {  	v9 =	vsub.f32 v9, v4  }
0x1b7: {  	v10 =	vsub.f32 v10, v5  }
0x1b8: {  	v8 =	vmul.f32 v8, v8;
	v9 =	vmul.f32 v9, v9  }
0x1b9: {  	v11 =	vld [tilespmem:s24+$0x0]  }
0x1ba: {  	v8 =	vadd.f32 v9, v8;
	v9 =	vmul.f32 v10, v10;
	_ =	sdelay $0x1  }
0x1bb: {  	v8 =	vadd.f32 v9, v8;
	_ =	sdelay $0x1  }
0x1bc: {  	v8 =	vmin.f32 v11, v8  }
0x1bd: {  	[tilespmem:s24+$0x0] =	vst v8;
	vm4 =	vgt.f32 v8, v7  }
0x1be: {  	v7 =	vsel vm4, v8, v7;
	v8 =	vld [tilespmem:s7+$0x10]  }
0x1bf: {  	v9 =	vld [tilespmem:s23+$0x10]  }
0x1c0: {  	v10 =	vld [tilespmem:s1+$0x10];
	_ =	sdelay $0x2  }
0x1c1: {  	v8 =	vsub.f32 v8, v3  }
0x1c2: {  	v9 =	vsub.f32 v9, v4  }
0x1c3: {  	v10 =	vsub.f32 v10, v5;
	v8 =	vmul.f32 v8, v8  }
0x1c4: {  	v9 =	vmul.f32 v9, v9  }
0x1c5: {  	v11 =	vld [tilespmem:s24+$0x10]  }
0x1c6: {  	v8 =	vadd.f32 v9, v8;
	v9 =	vmul.f32 v10, v10;
	_ =	sdelay $0x1  }
0x1c7: {  	v8 =	vadd.f32 v9, v8;
	_ =	sdelay $0x1  }
0x1c8: {  	v8 =	vmin.f32 v11, v8  }
0x1c9: {  	[tilespmem:s24+$0x10] =	vst v8;
	vm5 =	vgt.f32 v8, v7  }
0x1ca: {  	v9 =	vld [tilespmem:s7+$0x20]  }
0x1cb: {  	v10 =	vld [tilespmem:s23+$0x20]  }
0x1cc: {  	v11 =	vld [tilespmem:s1+$0x20];
	_ =	sdelay $0x2  }
0x1cd: {  	v9 =	vsub.f32 v9, v3  }
0x1ce: {  	v10 =	vsub.f32 v10, v4  }
0x1cf: {  	v11 =	vsub.f32 v11, v5  }
0x1d0: {  	v9 =	vmul.f32 v9, v9;
	v10 =	vmul.f32 v10, v10  }
0x1d1: {  	v12 =	vld [tilespmem:s24+$0x20]  }
0x1d2: {  	v9 =	vadd.f32 v10, v9;
	v10 =	vmul.f32 v11, v11  }
.Ltmp2:
0x1d3: {  	(pc) =	sbr.rel @p0 .LBB2_7-.Ltmp2, $3  }
0x1d4: {  	v9 =	vadd.f32 v10, v9;
	_ =	sdelay $0x1  }
0x1d5: {  	v7 =	vsel vm5, v8, v7;
	v8 =	vmin.f32 v12, v9  }
0x1d6: {  	s23 =	sadd.s32 $0x80, s23;
	s1 =	sadd.s32 $0x80, s1;
	s24 =	sadd.s32 $0x80, s24;
	[tilespmem:s6+$0x20] =	vst v8;
	vm6 =	vgt.f32 v8, v7  }
0x1d7: {  	v9 =	vld [tilespmem:s9+$0x30]  }
0x1d8: {  	v10 =	vld [tilespmem:s25+$0x30];
	_ =	sdelay $0x1  }
0x1d9: {  	v11 =	vld [tilespmem:s8+$0x30];
	_ =	sdelay $0x2  }
0x1da: {  	v4 =	vsub.f32 v9, v4;
	v3 =	vsub.f32 v10, v3;
	_ =	sdelay $0x1  }
0x1db: {  	v5 =	vsub.f32 v11, v5;
	v4 =	vmul.f32 v4, v4;
	v3 =	vmul.f32 v3, v3  }
0x1dc: {  	v51 =	vld [tilespmem:s6+$0x30]  }
0x1dd: {  	v5 =	vmul.f32 v5, v5;
	v3 =	vadd.f32 v4, v3;
	_ =	sdelay $0x1  }
0x1de: {  	v3 =	vadd.f32 v5, v3;
	_ =	sdelay $0x1  }
0x1df: {  	v52 =	vsel vm6, v8, v7;
	v3 =	vmin.f32 v51, v3  }
0x1e0: {  	vm7 =	vgt.f32 v3, v52  }
0x1e1: {  	v4 =	vsel vm7, v3, v52  }
0x1e2: {  	v53 =	vor.u32 s16, v0;
	(xrf0) =	vmax.scan.msk.f32 $0xffff, v4  }
0x1e3: {  	v54 =	vor.u32 s15, v0;
	v5 =	vsel vm0, v53, v6  }
0x1e4: {  	v55 =	vor.u32 s13, v0;
	v5 =	vsel vm1, v54, v5  }
0x1e5: {  	v56 =	vor.u32 s14, v0;
	v5 =	vsel vm2, v55, v5  }
0x1e6: {  	v57 =	vor.u32 s10, v0;
	v5 =	vsel vm3, v56, v5  }
0x1e7: {  	v58 =	vor.u32 s11, v0;
	v5 =	vsel vm4, v57, v5  }
0x1e8: {  	v59 =	vor.u32 s12, v0;
	v5 =	vsel vm5, v58, v5;
	v60, _, _ =	vpop (xrf0)  }
0x1e9: {  	v61 =	vor.u32 s17, v0;
	v5 =	vsel vm6, v59, v5;
	v7 =	vbroadcast v60, $0xF  }
0x1ea: {  	v5 =	vsel vm7, v61, v5  }
0x1eb: {  	v62 =	vxor.u32 $0x80000000, v5;
	vm15 =	veq.f32 v4, v7  }
0x1ec: {  	v4 =	vnsel vm15, $0x80000400, v62  }
0x1ed: {  	(xrf0) =	vmin.scan.msk.u32 $0xffff, v4;
	_ =	sdelay $0x5  }
0x1ee: {  	v4, _, _ =	vpop (xrf0)  }
0x1ef: {  	(v2sf) =	vpush v4, $0xF;
	_ =	sdelay $0xe  }
0x1f0: {  	s1 =	spop (v2sf)  }
0x1f1: {  	v63 =	vmov s5;
	s5 =	sadd.s32 $0x1, s5;
	[tilespmem:s6+$0x30] =	vst v3;
	s2 =	sadd.s32 $0x80005200, s1  }
0x1f2: {  	p0 =	sne.s32 s5, $0x20;
	v3 =	vld.msk [tilespmem:s2+$0x0 ss:$0x0], $0xffff  }
.Ltmp3:
0x1f3: {  	_ = 	snop;
	(pc) =	sbr.rel @p0 .LBB2_6-.Ltmp3, $3  }
0x1f4: {  	_ =	sdelay $0x1  }
0x1f5: {  	s26 =	simm.s32 $0x5A80  }
0x1f6: {  	[tilespmem:v63+s26+$0x0] =	vst.idx.msk $0x1, v3  }
0x1f7: {  	s6 =	simm.s32 $0x0  }
0x1f8: {  	s1 =	rddreg [dreg:$0x8];
	s2 =	simm.s32 $0x5A80;
	s5 =	simm.s32 $0x2  }
0x1f9: {  	[hbm4b:s1+s6] =	stream.linear.scatter [tilespmem:s2], [sflag:$0x2], $0x80, $0x38;
	[tilespmem:$0x5C00] =	vst v63  }
0x1fa: {  	_ =	swait.ge [sflag:s5], $0x80  }
0x1fb: {  	[sflag:s5] =	ssyncset.done $0x0  }
0x1fc: {  	[sflag:s5] =	ssyncadd.s32 $0xFFFFFF80  }
0x1fd: {  	v3 =	vld [tilespmem:$0x5A80];
	_ =	sdelay $0x4  }
0x1fe: {  	(v2sf) =	vpush v3, $0x0;
	_ =	sdelay $0xc  }
0x1ff: {  	s4 =	sld [smem:$0x7FA];
	_ =	sdelay $0x1  }
0x200: {  	s23 =	spop (v2sf)  }
0x201: {  	s24 =	sadd.s32 s4, s23  }
0x202: {  	s1 =	sshll.u32 s23, $0x7;
	s2 =	sshll.u32 s24, $0x7  }
0x203: {  	s3 =	sld [smem:$0x7F8];
	s1 =	sand.u32 $0x380, s1;
	s2 =	sand.u32 $0xFFFFFC00, s2  }
0x204: {  	s25 =	stileid.u32;
	s1 =	sor.u32 s1, s2  }
0x205: {  	s2 =	sshll.u32 s25, $0x6;
	s1 =	sshrl.u32 s1, $0x3  }
0x206: {  	s26 =	rddreg [dreg:$0x9];
	s7 =	sor.u32 $0x1C01, s2;
	s1 =	sadd.s32 s3, s1  }
0x207: {  	[hbm:s26], [sflag:s7] =	dma.local [hbm:s1], $0x10  }
0x208: {  	v3 =	vld [tilespmem:$0x5A81];
	_ =	sdelay $0x4  }
0x209: {  	(v2sf) =	vpush v3, $0x0;
	_ =	sdelay $0xe  }
0x20a: {  	s1 =	spop (v2sf)  }
0x20b: {  	s8 =	sadd.s32 s4, s1  }
0x20c: {  	s1 =	sshll.u32 s1, $0x7;
	s2 =	sshll.u32 s8, $0x7  }
0x20d: {  	s1 =	sand.u32 $0x380, s1;
	s2 =	sand.u32 $0xFFFFFC00, s2  }
0x20e: {  	s1 =	sor.u32 s1, s2  }
0x20f: {  	s1 =	sshrl.u32 s1, $0x3  }
0x210: {  	s9 =	rddreg [dreg:$0xe];
	s1 =	sadd.s32 s3, s1  }
0x211: {  	[hbm:s9], [sflag:s7] =	dma.local [hbm:s1], $0x10  }
0x212: {  	v3 =	vld [tilespmem:$0x5A82];
	_ =	sdelay $0x4  }
0x213: {  	(v2sf) =	vpush v3, $0x0;
	_ =	sdelay $0xe  }
0x214: {  	s1 =	spop (v2sf)  }
0x215: {  	s10 =	sadd.s32 s4, s1  }
0x216: {  	s1 =	sshll.u32 s1, $0x7;
	s2 =	sshll.u32 s10, $0x7  }
0x217: {  	s1 =	sand.u32 $0x380, s1;
	s2 =	sand.u32 $0xFFFFFC00, s2  }
0x218: {  	s1 =	sor.u32 s1, s2  }
0x219: {  	s1 =	sshrl.u32 s1, $0x3  }
0x21a: {  	s11 =	rddreg [dreg:$0x12];
	s1 =	sadd.s32 s3, s1  }
0x21b: {  	[hbm:s11], [sflag:s7] =	dma.local [hbm:s1], $0x10  }
0x21c: {  	v3 =	vld [tilespmem:$0x5A83];
	_ =	sdelay $0x4  }
0x21d: {  	(v2sf) =	vpush v3, $0x0;
	_ =	sdelay $0xe  }
0x21e: {  	s1 =	spop (v2sf)  }
0x21f: {  	s12 =	sadd.s32 s4, s1  }
0x220: {  	s1 =	sshll.u32 s1, $0x7;
	s2 =	sshll.u32 s12, $0x7  }
0x221: {  	s1 =	sand.u32 $0x380, s1;
	s2 =	sand.u32 $0xFFFFFC00, s2  }
0x222: {  	s1 =	sor.u32 s1, s2  }
0x223: {  	s1 =	sshrl.u32 s1, $0x3  }
0x224: {  	s13 =	rddreg [dreg:$0x13];
	s1 =	sadd.s32 s3, s1  }
0x225: {  	[hbm:s13], [sflag:s7] =	dma.local [hbm:s1], $0x10  }
0x226: {  	v3 =	vld [tilespmem:$0x5A84];
	_ =	sdelay $0x4  }
0x227: {  	(v2sf) =	vpush v3, $0x0;
	_ =	sdelay $0xe  }
0x228: {  	s1 =	spop (v2sf)  }
0x229: {  	s14 =	sadd.s32 s4, s1  }
0x22a: {  	s1 =	sshll.u32 s1, $0x7;
	s2 =	sshll.u32 s14, $0x7  }
0x22b: {  	s1 =	sand.u32 $0x380, s1;
	s2 =	sand.u32 $0xFFFFFC00, s2  }
0x22c: {  	s1 =	sor.u32 s1, s2  }
0x22d: {  	s1 =	sshrl.u32 s1, $0x3  }
0x22e: {  	s15 =	rddreg [dreg:$0x14];
	s1 =	sadd.s32 s3, s1  }
0x22f: {  	[hbm:s15], [sflag:s7] =	dma.local [hbm:s1], $0x10  }
0x230: {  	v3 =	vld [tilespmem:$0x5A85];
	_ =	sdelay $0x4  }
0x231: {  	(v2sf) =	vpush v3, $0x0;
	_ =	sdelay $0xe  }
0x232: {  	s1 =	spop (v2sf)  }
0x233: {  	s16 =	sadd.s32 s4, s1  }
0x234: {  	s1 =	sshll.u32 s1, $0x7;
	s2 =	sshll.u32 s16, $0x7  }
0x235: {  	s1 =	sand.u32 $0x380, s1;
	s2 =	sand.u32 $0xFFFFFC00, s2  }
0x236: {  	s1 =	sor.u32 s1, s2  }
0x237: {  	s1 =	sshrl.u32 s1, $0x3  }
0x238: {  	s17 =	rddreg [dreg:$0x15];
	s1 =	sadd.s32 s3, s1  }
0x239: {  	[hbm:s17], [sflag:s7] =	dma.local [hbm:s1], $0x10  }
0x23a: {  	v3 =	vld [tilespmem:$0x5A86];
	_ =	sdelay $0x4  }
0x23b: {  	(v2sf) =	vpush v3, $0x0;
	_ =	sdelay $0xe  }
0x23c: {  	s1 =	spop (v2sf)  }
0x23d: {  	s18 =	sadd.s32 s4, s1  }
0x23e: {  	s1 =	sshll.u32 s1, $0x7;
	s2 =	sshll.u32 s18, $0x7  }
0x23f: {  	s1 =	sand.u32 $0x380, s1;
	s2 =	sand.u32 $0xFFFFFC00, s2  }
0x240: {  	s1 =	sor.u32 s1, s2  }
0x241: {  	s1 =	sshrl.u32 s1, $0x3  }
0x242: {  	s19 =	rddreg [dreg:$0x16];
	s1 =	sadd.s32 s3, s1  }
0x243: {  	[hbm:s19], [sflag:s7] =	dma.local [hbm:s1], $0x10  }
0x244: {  	v3 =	vld [tilespmem:$0x5A87];
	_ =	sdelay $0x4  }
0x245: {  	(v2sf) =	vpush v3, $0x0;
	_ =	sdelay $0xe  }
0x246: {  	s1 =	spop (v2sf)  }
0x247: {  	s20 =	sadd.s32 s4, s1  }
0x248: {  	s1 =	sshll.u32 s1, $0x7;
	s2 =	sshll.u32 s20, $0x7  }
0x249: {  	s1 =	sand.u32 $0x380, s1;
	s2 =	sand.u32 $0xFFFFFC00, s2  }
0x24a: {  	s1 =	sor.u32 s1, s2  }
0x24b: {  	s1 =	sshrl.u32 s1, $0x3  }
0x24c: {  	s21 =	rddreg [dreg:$0x17];
	s1 =	sadd.s32 s3, s1  }
0x24d: {  	[hbm:s21], [sflag:s7] =	dma.local [hbm:s1], $0x10  }
0x24e: {  	v3 =	vld [tilespmem:$0x5A88];
	_ =	sdelay $0x4  }
0x24f: {  	(v2sf) =	vpush v3, $0x0;
	_ =	sdelay $0xe  }
0x250: {  	s1 =	spop (v2sf)  }
0x251: {  	s22 =	sadd.s32 s4, s1  }
0x252: {  	s1 =	sshll.u32 s1, $0x7;
	s2 =	sshll.u32 s22, $0x7  }
0x253: {  	s1 =	sand.u32 $0x380, s1;
	s2 =	sand.u32 $0xFFFFFC00, s2  }
0x254: {  	s1 =	sor.u32 s1, s2  }
0x255: {  	s1 =	sshrl.u32 s1, $0x3  }
0x256: {  	s23 =	rddreg [dreg:$0x18];
	s1 =	sadd.s32 s3, s1  }
0x257: {  	[hbm:s23], [sflag:s7] =	dma.local [hbm:s1], $0x10  }
0x258: {  	v3 =	vld [tilespmem:$0x5A89];
	_ =	sdelay $0x4  }
0x259: {  	(v2sf) =	vpush v3, $0x0;
	_ =	sdelay $0xe  }
0x25a: {  	s1 =	spop (v2sf)  }
0x25b: {  	s24 =	sadd.s32 s4, s1  }
0x25c: {  	s1 =	sshll.u32 s1, $0x7;
	s2 =	sshll.u32 s24, $0x7  }
0x25d: {  	s1 =	sand.u32 $0x380, s1;
	s2 =	sand.u32 $0xFFFFFC00, s2  }
0x25e: {  	s1 =	sor.u32 s1, s2  }
0x25f: {  	s1 =	sshrl.u32 s1, $0x3  }
0x260: {  	s25 =	rddreg [dreg:$0x19];
	s1 =	sadd.s32 s3, s1  }
0x261: {  	[hbm:s25], [sflag:s7] =	dma.local [hbm:s1], $0x10  }
0x262: {  	v3 =	vld [tilespmem:$0x5A8A];
	_ =	sdelay $0x4  }
0x263: {  	(v2sf) =	vpush v3, $0x0;
	_ =	sdelay $0xe  }
0x264: {  	s1 =	spop (v2sf)  }
0x265: {  	s26 =	sadd.s32 s4, s1  }
0x266: {  	s1 =	sshll.u32 s1, $0x7;
	s2 =	sshll.u32 s26, $0x7  }
0x267: {  	s1 =	sand.u32 $0x380, s1;
	s2 =	sand.u32 $0xFFFFFC00, s2  }
0x268: {  	s1 =	sor.u32 s1, s2  }
0x269: {  	s1 =	sshrl.u32 s1, $0x3  }
0x26a: {  	s8 =	rddreg [dreg:$0x1a];
	s1 =	sadd.s32 s3, s1  }
0x26b: {  	[hbm:s8], [sflag:s7] =	dma.local [hbm:s1], $0x10  }
0x26c: {  	v3 =	vld [tilespmem:$0x5A8B];
	_ =	sdelay $0x4  }
0x26d: {  	(v2sf) =	vpush v3, $0x0;
	_ =	sdelay $0xe  }
0x26e: {  	s1 =	spop (v2sf)  }
0x26f: {  	s9 =	sadd.s32 s4, s1  }
0x270: {  	s1 =	sshll.u32 s1, $0x7;
	s2 =	sshll.u32 s9, $0x7  }
0x271: {  	s1 =	sand.u32 $0x380, s1;
	s2 =	sand.u32 $0xFFFFFC00, s2  }
0x272: {  	s1 =	sor.u32 s1, s2  }
0x273: {  	s1 =	sshrl.u32 s1, $0x3  }
0x274: {  	s10 =	rddreg [dreg:$0x1b];
	s1 =	sadd.s32 s3, s1  }
0x275: {  	[hbm:s10], [sflag:s7] =	dma.local [hbm:s1], $0x10  }
0x276: {  	v3 =	vld [tilespmem:$0x5A8C];
	_ =	sdelay $0x4  }
0x277: {  	(v2sf) =	vpush v3, $0x0;
	_ =	sdelay $0xe  }
0x278: {  	s1 =	spop (v2sf)  }
0x279: {  	s11 =	sadd.s32 s4, s1  }
0x27a: {  	s1 =	sshll.u32 s1, $0x7;
	s2 =	sshll.u32 s11, $0x7  }
0x27b: {  	s1 =	sand.u32 $0x380, s1;
	s2 =	sand.u32 $0xFFFFFC00, s2  }
0x27c: {  	s1 =	sor.u32 s1, s2  }
0x27d: {  	s1 =	sshrl.u32 s1, $0x3  }
0x27e: {  	s12 =	rddreg [dreg:$0x1c];
	s1 =	sadd.s32 s3, s1  }
0x27f: {  	[hbm:s12], [sflag:s7] =	dma.local [hbm:s1], $0x10  }
0x280: {  	v3 =	vld [tilespmem:$0x5A8D];
	_ =	sdelay $0x4  }
0x281: {  	(v2sf) =	vpush v3, $0x0;
	_ =	sdelay $0xe  }
0x282: {  	s1 =	spop (v2sf)  }
0x283: {  	s13 =	sadd.s32 s4, s1  }
0x284: {  	s1 =	sshll.u32 s1, $0x7;
	s2 =	sshll.u32 s13, $0x7  }
0x285: {  	s1 =	sand.u32 $0x380, s1;
	s2 =	sand.u32 $0xFFFFFC00, s2  }
0x286: {  	s1 =	sor.u32 s1, s2  }
0x287: {  	s1 =	sshrl.u32 s1, $0x3  }
0x288: {  	s14 =	rddreg [dreg:$0x1d];
	s1 =	sadd.s32 s3, s1  }
0x289: {  	[hbm:s14], [sflag:s7] =	dma.local [hbm:s1], $0x10  }
0x28a: {  	v3 =	vld [tilespmem:$0x5A8E];
	_ =	sdelay $0x4  }
0x28b: {  	(v2sf) =	vpush v3, $0x0;
	_ =	sdelay $0xe  }
0x28c: {  	s1 =	spop (v2sf)  }
0x28d: {  	s15 =	sadd.s32 s4, s1  }
0x28e: {  	s1 =	sshll.u32 s1, $0x7;
	s2 =	sshll.u32 s15, $0x7  }
0x28f: {  	s1 =	sand.u32 $0x380, s1;
	s2 =	sand.u32 $0xFFFFFC00, s2  }
0x290: {  	s1 =	sor.u32 s1, s2  }
0x291: {  	s1 =	sshrl.u32 s1, $0x3  }
0x292: {  	s16 =	rddreg [dreg:$0x1e];
	s1 =	sadd.s32 s3, s1  }
0x293: {  	[hbm:s16], [sflag:s7] =	dma.local [hbm:s1], $0x10  }
0x294: {  	v3 =	vld [tilespmem:$0x5A8F];
	_ =	sdelay $0x4  }
0x295: {  	(v2sf) =	vpush v3, $0x0;
	_ =	sdelay $0xe  }
0x296: {  	s1 =	spop (v2sf)  }
0x297: {  	s17 =	sadd.s32 s4, s1  }
0x298: {  	s1 =	sshll.u32 s1, $0x7;
	s2 =	sshll.u32 s17, $0x7  }
0x299: {  	s1 =	sand.u32 $0x380, s1;
	s2 =	sand.u32 $0xFFFFFC00, s2  }
0x29a: {  	s1 =	sor.u32 s1, s2  }
0x29b: {  	s1 =	sshrl.u32 s1, $0x3  }
0x29c: {  	s18 =	rddreg [dreg:$0x1f];
	s1 =	sadd.s32 s3, s1  }
0x29d: {  	[hbm:s18], [sflag:s7] =	dma.local [hbm:s1], $0x10  }
0x29e: {  	v3 =	vld [tilespmem:$0x5A90];
	_ =	sdelay $0x4  }
0x29f: {  	(v2sf) =	vpush v3, $0x0;
	_ =	sdelay $0xe  }
0x2a0: {  	s1 =	spop (v2sf)  }
0x2a1: {  	s19 =	sadd.s32 s4, s1  }
0x2a2: {  	s1 =	sshll.u32 s1, $0x7;
	s2 =	sshll.u32 s19, $0x7  }
0x2a3: {  	s1 =	sand.u32 $0x380, s1;
	s2 =	sand.u32 $0xFFFFFC00, s2  }
0x2a4: {  	s20 =	sld [smem:$0x7C2];
	s1 =	sor.u32 s1, s2  }
0x2a5: {  	s1 =	sshrl.u32 s1, $0x3  }
0x2a6: {  	s1 =	sadd.s32 s3, s1  }
0x2a7: {  	[hbm:s20], [sflag:s7] =	dma.local [hbm:s1], $0x10  }
0x2a8: {  	v3 =	vld [tilespmem:$0x5A91];
	_ =	sdelay $0x4  }
0x2a9: {  	(v2sf) =	vpush v3, $0x0;
	_ =	sdelay $0xe  }
0x2aa: {  	s1 =	spop (v2sf)  }
0x2ab: {  	s21 =	sadd.s32 s4, s1  }
0x2ac: {  	s1 =	sshll.u32 s1, $0x7;
	s2 =	sshll.u32 s21, $0x7  }
0x2ad: {  	s1 =	sand.u32 $0x380, s1;
	s2 =	sand.u32 $0xFFFFFC00, s2  }
0x2ae: {  	s22 =	sld [smem:$0x7C3];
	s1 =	sor.u32 s1, s2  }
0x2af: {  	s1 =	sshrl.u32 s1, $0x3  }
0x2b0: {  	s1 =	sadd.s32 s3, s1  }
0x2b1: {  	[hbm:s22], [sflag:s7] =	dma.local [hbm:s1], $0x10  }
0x2b2: {  	v3 =	vld [tilespmem:$0x5A92];
	_ =	sdelay $0x4  }
0x2b3: {  	(v2sf) =	vpush v3, $0x0;
	_ =	sdelay $0xe  }
0x2b4: {  	s1 =	spop (v2sf)  }
0x2b5: {  	s23 =	sadd.s32 s4, s1  }
0x2b6: {  	s1 =	sshll.u32 s1, $0x7;
	s2 =	sshll.u32 s23, $0x7  }
0x2b7: {  	s1 =	sand.u32 $0x380, s1;
	s2 =	sand.u32 $0xFFFFFC00, s2  }
0x2b8: {  	s24 =	sld [smem:$0x7C4];
	s1 =	sor.u32 s1, s2  }
0x2b9: {  	s1 =	sshrl.u32 s1, $0x3  }
0x2ba: {  	s1 =	sadd.s32 s3, s1  }
0x2bb: {  	[hbm:s24], [sflag:s7] =	dma.local [hbm:s1], $0x10  }
0x2bc: {  	v3 =	vld [tilespmem:$0x5A93];
	_ =	sdelay $0x4  }
0x2bd: {  	(v2sf) =	vpush v3, $0x0;
	_ =	sdelay $0xe  }
0x2be: {  	s1 =	spop (v2sf)  }
0x2bf: {  	s25 =	sadd.s32 s4, s1  }
0x2c0: {  	s1 =	sshll.u32 s1, $0x7;
	s2 =	sshll.u32 s25, $0x7  }
0x2c1: {  	s1 =	sand.u32 $0x380, s1;
	s2 =	sand.u32 $0xFFFFFC00, s2  }
0x2c2: {  	s26 =	sld [smem:$0x7C5];
	s1 =	sor.u32 s1, s2  }
0x2c3: {  	s1 =	sshrl.u32 s1, $0x3  }
0x2c4: {  	s1 =	sadd.s32 s3, s1  }
0x2c5: {  	[hbm:s26], [sflag:s7] =	dma.local [hbm:s1], $0x10  }
0x2c6: {  	v3 =	vld [tilespmem:$0x5A94];
	_ =	sdelay $0x4  }
0x2c7: {  	(v2sf) =	vpush v3, $0x0;
	_ =	sdelay $0xe  }
0x2c8: {  	s1 =	spop (v2sf)  }
0x2c9: {  	s8 =	sadd.s32 s4, s1  }
0x2ca: {  	s1 =	sshll.u32 s1, $0x7;
	s2 =	sshll.u32 s8, $0x7  }
0x2cb: {  	s1 =	sand.u32 $0x380, s1;
	s2 =	sand.u32 $0xFFFFFC00, s2  }
0x2cc: {  	s9 =	sld [smem:$0x7C6];
	s1 =	sor.u32 s1, s2  }
0x2cd: {  	s1 =	sshrl.u32 s1, $0x3  }
0x2ce: {  	s1 =	sadd.s32 s3, s1  }
0x2cf: {  	[hbm:s9], [sflag:s7] =	dma.local [hbm:s1], $0x10  }
0x2d0: {  	v3 =	vld [tilespmem:$0x5A95];
	_ =	sdelay $0x4  }
0x2d1: {  	(v2sf) =	vpush v3, $0x0;
	_ =	sdelay $0xe  }
0x2d2: {  	s1 =	spop (v2sf)  }
0x2d3: {  	s10 =	sadd.s32 s4, s1  }
0x2d4: {  	s1 =	sshll.u32 s1, $0x7;
	s2 =	sshll.u32 s10, $0x7  }
0x2d5: {  	s1 =	sand.u32 $0x380, s1;
	s2 =	sand.u32 $0xFFFFFC00, s2  }
0x2d6: {  	s11 =	sld [smem:$0x7C7];
	s1 =	sor.u32 s1, s2  }
0x2d7: {  	s1 =	sshrl.u32 s1, $0x3  }
0x2d8: {  	s1 =	sadd.s32 s3, s1  }
0x2d9: {  	[hbm:s11], [sflag:s7] =	dma.local [hbm:s1], $0x10  }
0x2da: {  	v3 =	vld [tilespmem:$0x5A96];
	_ =	sdelay $0x4  }
0x2db: {  	(v2sf) =	vpush v3, $0x0;
	_ =	sdelay $0xe  }
0x2dc: {  	s1 =	spop (v2sf)  }
0x2dd: {  	s12 =	sadd.s32 s4, s1  }
0x2de: {  	s1 =	sshll.u32 s1, $0x7;
	s2 =	sshll.u32 s12, $0x7  }
0x2df: {  	s1 =	sand.u32 $0x380, s1;
	s2 =	sand.u32 $0xFFFFFC00, s2  }
0x2e0: {  	s13 =	sld [smem:$0x7C8];
	s1 =	sor.u32 s1, s2  }
0x2e1: {  	s1 =	sshrl.u32 s1, $0x3  }
0x2e2: {  	s1 =	sadd.s32 s3, s1  }
0x2e3: {  	[hbm:s13], [sflag:s7] =	dma.local [hbm:s1], $0x10  }
0x2e4: {  	v3 =	vld [tilespmem:$0x5A97];
	_ =	sdelay $0x4  }
0x2e5: {  	(v2sf) =	vpush v3, $0x0;
	_ =	sdelay $0xe  }
0x2e6: {  	s1 =	spop (v2sf)  }
0x2e7: {  	s14 =	sadd.s32 s4, s1  }
0x2e8: {  	s1 =	sshll.u32 s1, $0x7;
	s2 =	sshll.u32 s14, $0x7  }
0x2e9: {  	s1 =	sand.u32 $0x380, s1;
	s2 =	sand.u32 $0xFFFFFC00, s2  }
0x2ea: {  	s15 =	sld [smem:$0x7C9];
	s1 =	sor.u32 s1, s2  }
0x2eb: {  	s1 =	sshrl.u32 s1, $0x3  }
0x2ec: {  	s1 =	sadd.s32 s3, s1  }
0x2ed: {  	[hbm:s15], [sflag:s7] =	dma.local [hbm:s1], $0x10  }
0x2ee: {  	v3 =	vld [tilespmem:$0x5A98];
	_ =	sdelay $0x4  }
0x2ef: {  	(v2sf) =	vpush v3, $0x0;
	_ =	sdelay $0xe  }
0x2f0: {  	s1 =	spop (v2sf)  }
0x2f1: {  	s16 =	sadd.s32 s4, s1  }
0x2f2: {  	s1 =	sshll.u32 s1, $0x7;
	s2 =	sshll.u32 s16, $0x7  }
0x2f3: {  	s1 =	sand.u32 $0x380, s1;
	s2 =	sand.u32 $0xFFFFFC00, s2  }
0x2f4: {  	s17 =	sld [smem:$0x7CA];
	s1 =	sor.u32 s1, s2  }
0x2f5: {  	s1 =	sshrl.u32 s1, $0x3  }
0x2f6: {  	s1 =	sadd.s32 s3, s1  }
0x2f7: {  	[hbm:s17], [sflag:s7] =	dma.local [hbm:s1], $0x10  }
0x2f8: {  	v3 =	vld [tilespmem:$0x5A99];
	_ =	sdelay $0x4  }
0x2f9: {  	(v2sf) =	vpush v3, $0x0;
	_ =	sdelay $0xe  }
0x2fa: {  	s1 =	spop (v2sf)  }
0x2fb: {  	s18 =	sadd.s32 s4, s1  }
0x2fc: {  	s1 =	sshll.u32 s1, $0x7;
	s2 =	sshll.u32 s18, $0x7  }
0x2fd: {  	s1 =	sand.u32 $0x380, s1;
	s2 =	sand.u32 $0xFFFFFC00, s2  }
0x2fe: {  	s19 =	sld [smem:$0x7CB];
	s1 =	sor.u32 s1, s2  }
0x2ff: {  	s1 =	sshrl.u32 s1, $0x3  }
0x300: {  	s1 =	sadd.s32 s3, s1  }
0x301: {  	[hbm:s19], [sflag:s7] =	dma.local [hbm:s1], $0x10  }
0x302: {  	v3 =	vld [tilespmem:$0x5A9A];
	_ =	sdelay $0x4  }
0x303: {  	(v2sf) =	vpush v3, $0x0;
	_ =	sdelay $0xe  }
0x304: {  	s1 =	spop (v2sf)  }
0x305: {  	s20 =	sadd.s32 s4, s1  }
0x306: {  	s1 =	sshll.u32 s1, $0x7;
	s2 =	sshll.u32 s20, $0x7  }
0x307: {  	s1 =	sand.u32 $0x380, s1;
	s2 =	sand.u32 $0xFFFFFC00, s2  }
0x308: {  	s21 =	sld [smem:$0x7CC];
	s1 =	sor.u32 s1, s2  }
0x309: {  	s1 =	sshrl.u32 s1, $0x3  }
0x30a: {  	s1 =	sadd.s32 s3, s1  }
0x30b: {  	[hbm:s21], [sflag:s7] =	dma.local [hbm:s1], $0x10  }
0x30c: {  	v3 =	vld [tilespmem:$0x5A9B];
	_ =	sdelay $0x4  }
0x30d: {  	(v2sf) =	vpush v3, $0x0;
	_ =	sdelay $0xe  }
0x30e: {  	s1 =	spop (v2sf)  }
0x30f: {  	s22 =	sadd.s32 s4, s1  }
0x310: {  	s1 =	sshll.u32 s1, $0x7;
	s2 =	sshll.u32 s22, $0x7  }
0x311: {  	s1 =	sand.u32 $0x380, s1;
	s2 =	sand.u32 $0xFFFFFC00, s2  }
0x312: {  	s23 =	sld [smem:$0x7CD];
	s1 =	sor.u32 s1, s2  }
0x313: {  	s1 =	sshrl.u32 s1, $0x3  }
0x314: {  	s1 =	sadd.s32 s3, s1  }
0x315: {  	[hbm:s23], [sflag:s7] =	dma.local [hbm:s1], $0x10  }
0x316: {  	v3 =	vld [tilespmem:$0x5A9C];
	_ =	sdelay $0x4  }
0x317: {  	(v2sf) =	vpush v3, $0x0;
	_ =	sdelay $0xe  }
0x318: {  	s1 =	spop (v2sf)  }
0x319: {  	s24 =	sadd.s32 s4, s1  }
0x31a: {  	s1 =	sshll.u32 s1, $0x7;
	s2 =	sshll.u32 s24, $0x7  }
0x31b: {  	s1 =	sand.u32 $0x380, s1;
	s2 =	sand.u32 $0xFFFFFC00, s2  }
0x31c: {  	s25 =	sld [smem:$0x7CE];
	s1 =	sor.u32 s1, s2  }
0x31d: {  	s1 =	sshrl.u32 s1, $0x3  }
0x31e: {  	s1 =	sadd.s32 s3, s1  }
0x31f: {  	[hbm:s25], [sflag:s7] =	dma.local [hbm:s1], $0x10  }
0x320: {  	v3 =	vld [tilespmem:$0x5A9D];
	_ =	sdelay $0x4  }
0x321: {  	(v2sf) =	vpush v3, $0x0;
	_ =	sdelay $0xe  }
0x322: {  	s1 =	spop (v2sf)  }
0x323: {  	s26 =	sadd.s32 s4, s1  }
0x324: {  	s1 =	sshll.u32 s1, $0x7;
	s2 =	sshll.u32 s26, $0x7  }
0x325: {  	s1 =	sand.u32 $0x380, s1;
	s2 =	sand.u32 $0xFFFFFC00, s2  }
0x326: {  	s8 =	sld [smem:$0x7CF];
	s1 =	sor.u32 s1, s2  }
0x327: {  	s1 =	sshrl.u32 s1, $0x3  }
0x328: {  	s1 =	sadd.s32 s3, s1  }
0x329: {  	[hbm:s8], [sflag:s7] =	dma.local [hbm:s1], $0x10  }
0x32a: {  	v3 =	vld [tilespmem:$0x5A9E];
	_ =	sdelay $0x4  }
0x32b: {  	(v2sf) =	vpush v3, $0x0;
	_ =	sdelay $0xe  }
0x32c: {  	s1 =	spop (v2sf)  }
0x32d: {  	s9 =	sadd.s32 s4, s1  }
0x32e: {  	s1 =	sshll.u32 s1, $0x7;
	s2 =	sshll.u32 s9, $0x7  }
0x32f: {  	s1 =	sand.u32 $0x380, s1;
	s2 =	sand.u32 $0xFFFFFC00, s2  }
0x330: {  	s10 =	sld [smem:$0x7D0];
	s1 =	sor.u32 s1, s2  }
0x331: {  	s1 =	sshrl.u32 s1, $0x3  }
0x332: {  	s1 =	sadd.s32 s3, s1  }
0x333: {  	[hbm:s10], [sflag:s7] =	dma.local [hbm:s1], $0x10  }
0x334: {  	v3 =	vld [tilespmem:$0x5A9F];
	_ =	sdelay $0x4  }
0x335: {  	(v2sf) =	vpush v3, $0x0;
	_ =	sdelay $0xe  }
0x336: {  	s1 =	spop (v2sf)  }
0x337: {  	s11 =	sadd.s32 s4, s1  }
0x338: {  	s1 =	sshll.u32 s1, $0x7;
	s2 =	sshll.u32 s11, $0x7  }
0x339: {  	s1 =	sand.u32 $0x380, s1;
	s2 =	sand.u32 $0xFFFFFC00, s2  }
0x33a: {  	s12 =	sld [smem:$0x7D1];
	s1 =	sor.u32 s1, s2  }
0x33b: {  	s1 =	sshrl.u32 s1, $0x3  }
0x33c: {  	s13 =	simm.s32 $0x1;
	[smem:$0x7C0] =	sst s7;
	s1 =	sadd.s32 s3, s1  }
0x33d: {  	[hbm:s12], [sflag:s7] =	dma.local [hbm:s1], $0x10  }
0x33e: {  	_ =	swait.ge [sflag:s13], $0x10  }
0x33f: {  	[sflag:s13] =	ssyncset.done $0x0  }
0x340: {  	[sflag:s13] =	ssyncadd.s32 $0xFFFFFFF0  }
0x341: {  	_ =	swait.ge [sflag:s13], $0x10  }
0x342: {  	[sflag:s13] =	ssyncset.done $0x0  }
0x343: {  	[sflag:s13] =	ssyncadd.s32 $0xFFFFFFF0  }
0x344: {  	_ =	swait.ge [sflag:s13], $0x10  }
0x345: {  	[sflag:s13] =	ssyncset.done $0x0  }
0x346: {  	[sflag:s13] =	ssyncadd.s32 $0xFFFFFFF0  }
0x347: {  	_ =	swait.ge [sflag:s13], $0x10  }
0x348: {  	[sflag:s13] =	ssyncset.done $0x0  }
0x349: {  	[sflag:s13] =	ssyncadd.s32 $0xFFFFFFF0  }
0x34a: {  	_ =	swait.ge [sflag:s13], $0x10  }
0x34b: {  	[sflag:s13] =	ssyncset.done $0x0  }
0x34c: {  	[sflag:s13] =	ssyncadd.s32 $0xFFFFFFF0  }
0x34d: {  	_ =	swait.ge [sflag:s13], $0x10  }
0x34e: {  	[sflag:s13] =	ssyncset.done $0x0  }
0x34f: {  	[sflag:s13] =	ssyncadd.s32 $0xFFFFFFF0  }
0x350: {  	_ =	swait.ge [sflag:s13], $0x10  }
0x351: {  	[sflag:s13] =	ssyncset.done $0x0  }
0x352: {  	[sflag:s13] =	ssyncadd.s32 $0xFFFFFFF0  }
0x353: {  	_ =	swait.ge [sflag:s13], $0x10  }
0x354: {  	[sflag:s13] =	ssyncset.done $0x0  }
0x355: {  	[sflag:s13] =	ssyncadd.s32 $0xFFFFFFF0  }
0x356: {  	_ =	swait.ge [sflag:s13], $0x10  }
0x357: {  	[sflag:s13] =	ssyncset.done $0x0  }
0x358: {  	[sflag:s13] =	ssyncadd.s32 $0xFFFFFFF0  }
0x359: {  	_ =	swait.ge [sflag:s13], $0x10  }
0x35a: {  	[sflag:s13] =	ssyncset.done $0x0  }
0x35b: {  	[sflag:s13] =	ssyncadd.s32 $0xFFFFFFF0  }
0x35c: {  	_ =	swait.ge [sflag:s13], $0x10  }
0x35d: {  	[sflag:s13] =	ssyncset.done $0x0  }
0x35e: {  	[sflag:s13] =	ssyncadd.s32 $0xFFFFFFF0  }
0x35f: {  	_ =	swait.ge [sflag:s13], $0x10  }
0x360: {  	[sflag:s13] =	ssyncset.done $0x0  }
0x361: {  	[sflag:s13] =	ssyncadd.s32 $0xFFFFFFF0  }
0x362: {  	_ =	swait.ge [sflag:s13], $0x10  }
0x363: {  	[sflag:s13] =	ssyncset.done $0x0  }
0x364: {  	[sflag:s13] =	ssyncadd.s32 $0xFFFFFFF0  }
0x365: {  	_ =	swait.ge [sflag:s13], $0x10  }
0x366: {  	[sflag:s13] =	ssyncset.done $0x0  }
0x367: {  	[sflag:s13] =	ssyncadd.s32 $0xFFFFFFF0  }
0x368: {  	_ =	swait.ge [sflag:s13], $0x10  }
0x369: {  	[sflag:s13] =	ssyncset.done $0x0  }
0x36a: {  	[sflag:s13] =	ssyncadd.s32 $0xFFFFFFF0  }
0x36b: {  	_ =	swait.ge [sflag:s13], $0x10  }
0x36c: {  	[sflag:s13] =	ssyncset.done $0x0  }
0x36d: {  	[sflag:s13] =	ssyncadd.s32 $0xFFFFFFF0  }
0x36e: {  	_ =	swait.ge [sflag:s13], $0x10  }
0x36f: {  	[sflag:s13] =	ssyncset.done $0x0  }
0x370: {  	[sflag:s13] =	ssyncadd.s32 $0xFFFFFFF0  }
0x371: {  	_ =	swait.ge [sflag:s13], $0x10  }
0x372: {  	[sflag:s13] =	ssyncset.done $0x0  }
0x373: {  	[sflag:s13] =	ssyncadd.s32 $0xFFFFFFF0  }
0x374: {  	_ =	swait.ge [sflag:s13], $0x10  }
0x375: {  	[sflag:s13] =	ssyncset.done $0x0  }
0x376: {  	[sflag:s13] =	ssyncadd.s32 $0xFFFFFFF0  }
0x377: {  	_ =	swait.ge [sflag:s13], $0x10  }
0x378: {  	[sflag:s13] =	ssyncset.done $0x0  }
0x379: {  	[sflag:s13] =	ssyncadd.s32 $0xFFFFFFF0  }
0x37a: {  	_ =	swait.ge [sflag:s13], $0x10  }
0x37b: {  	[sflag:s13] =	ssyncset.done $0x0  }
0x37c: {  	[sflag:s13] =	ssyncadd.s32 $0xFFFFFFF0  }
0x37d: {  	_ =	swait.ge [sflag:s13], $0x10  }
0x37e: {  	[sflag:s13] =	ssyncset.done $0x0  }
0x37f: {  	[sflag:s13] =	ssyncadd.s32 $0xFFFFFFF0  }
0x380: {  	_ =	swait.ge [sflag:s13], $0x10  }
0x381: {  	[sflag:s13] =	ssyncset.done $0x0  }
0x382: {  	[sflag:s13] =	ssyncadd.s32 $0xFFFFFFF0  }
0x383: {  	_ =	swait.ge [sflag:s13], $0x10  }
0x384: {  	[sflag:s13] =	ssyncset.done $0x0  }
0x385: {  	[sflag:s13] =	ssyncadd.s32 $0xFFFFFFF0  }
0x386: {  	_ =	swait.ge [sflag:s13], $0x10  }
0x387: {  	[sflag:s13] =	ssyncset.done $0x0  }
0x388: {  	[sflag:s13] =	ssyncadd.s32 $0xFFFFFFF0  }
0x389: {  	_ =	swait.ge [sflag:s13], $0x10  }
0x38a: {  	[sflag:s13] =	ssyncset.done $0x0  }
0x38b: {  	[sflag:s13] =	ssyncadd.s32 $0xFFFFFFF0  }
0x38c: {  	_ =	swait.ge [sflag:s13], $0x10  }
0x38d: {  	[sflag:s13] =	ssyncset.done $0x0  }
0x38e: {  	[sflag:s13] =	ssyncadd.s32 $0xFFFFFFF0  }
0x38f: {  	_ =	swait.ge [sflag:s13], $0x10  }
0x390: {  	[sflag:s13] =	ssyncset.done $0x0  }
0x391: {  	[sflag:s13] =	ssyncadd.s32 $0xFFFFFFF0  }
0x392: {  	_ =	swait.ge [sflag:s13], $0x10  }
0x393: {  	[sflag:s13] =	ssyncset.done $0x0  }
0x394: {  	[sflag:s13] =	ssyncadd.s32 $0xFFFFFFF0  }
0x395: {  	_ =	swait.ge [sflag:s13], $0x10  }
0x396: {  	[sflag:s13] =	ssyncset.done $0x0  }
0x397: {  	[sflag:s13] =	ssyncadd.s32 $0xFFFFFFF0  }
0x398: {  	_ =	swait.ge [sflag:s13], $0x10  }
0x399: {  	[sflag:s13] =	ssyncset.done $0x0  }
0x39a: {  	[sflag:s13] =	ssyncadd.s32 $0xFFFFFFF0  }
0x39b: {  	_ =	swait.ge [sflag:s13], $0x10  }
0x39c: {  	s15 =	simm.s32 $0x80;
	[sflag:s13] =	ssyncset.done $0x0  }
0x39d: {  	s16 =	simm.s32 $0x400;
	s14 =	rddreg [dreg:$0xa];
	[sflag:s13] =	ssyncadd.s32 $0xFFFFFFF0  }
0x39e: {  	[tilespmem:s6], [sflag:$0x2] =	stream.strided.gather [hbm4b:s14+s15], $0x1000, s16, s15, $0x38;
	[tilespmem:$0x5C00] =	vst v63  }
0x39f: {  	_ =	swait.ge [sflag:s5], $0x1000  }
0x3a0: {  	[sflag:s5] =	ssyncset.done $0x0  }
0x3a1: {  	s18 =	simm.s32 $0x1000;
	s17 =	rddreg [dreg:$0xb];
	[sflag:s5] =	ssyncadd.s32 $0xFFFFF000  }
0x3a2: {  	[tilespmem:s18], [sflag:$0x2] =	stream.strided.gather [hbm4b:s17+s15], $0x1000, s16, s15, $0x38;
	[tilespmem:$0x5C00] =	vst v63  }
0x3a3: {  	_ =	swait.ge [sflag:s5], $0x1000  }
0x3a4: {  	[sflag:s5] =	ssyncset.done $0x0  }
0x3a5: {  	s20 =	simm.s32 $0x2000;
	s19 =	rddreg [dreg:$0xc];
	[sflag:s5] =	ssyncadd.s32 $0xFFFFF000  }
0x3a6: {  	[tilespmem:s20], [sflag:$0x2] =	stream.strided.gather [hbm4b:s19+s15], $0x1000, s16, s15, $0x38;
	[tilespmem:$0x5C00] =	vst v63  }
0x3a7: {  	_ =	swait.ge [sflag:s5], $0x1000  }
0x3a8: {  	[sflag:s5] =	ssyncset.done $0x0  }
0x3a9: {  	s22 =	simm.s32 $0x3000;
	s21 =	rddreg [dreg:$0xd];
	[sflag:s5] =	ssyncadd.s32 $0xFFFFF000  }
0x3aa: {  	[tilespmem:s22], [sflag:$0x2] =	stream.strided.gather [hbm4b:s21+s15], $0x1000, s16, s15, $0x38;
	[tilespmem:$0x5C00] =	vst v63  }
0x3ab: {  	_ =	swait.ge [sflag:s5], $0x1000  }
0x3ac: {  	[sflag:s5] =	ssyncset.done $0x0  }
0x3ad: {  	s24 =	simm.s32 $0x5B00;
	s23 =	rddreg [dreg:$0xf];
	[sflag:s5] =	ssyncadd.s32 $0xFFFFF000  }
0x3ae: {  	[tilespmem:s24], [sflag:$0x2] =	stream.linear.gather [hbm4b:s23+s6], $0x80, $0x38;
	[tilespmem:$0x5C00] =	vst v63  }
0x3af: {  	_ =	swait.ge [sflag:s5], $0x80  }
0x3b0: {  	[sflag:s5] =	ssyncset.done $0x0  }
0x3b1: {  	s26 =	simm.s32 $0x5B80;
	s25 =	rddreg [dreg:$0x10];
	[sflag:s5] =	ssyncadd.s32 $0xFFFFFF80  }
0x3b2: {  	[tilespmem:s26], [sflag:$0x2] =	stream.linear.gather [hbm4b:s25+s6], $0x80, $0x38;
	[tilespmem:$0x5C00] =	vst v63  }
0x3b3: {  	_ =	swait.ge [sflag:s5], $0x80  }
0x3b4: {  	[sflag:s5] =	ssyncset.done $0x0  }
0x3b5: {  	s8 =	simm.s32 $0x20;
	s9 =	simm.s32 $0x1020;
	[sflag:s5] =	ssyncadd.s32 $0xFFFFFF80  }
0x3b6: {  	s10 =	simm.s32 $0x0;
	s4 =	simm.s32 $0x2020;
	s11 =	simm.s32 $0xFFFFFFFC;
	v3 =	vld [tilespmem:$0x5B00]  }
0x3b7: {  	s1 =	simm.s32 $0xFFFFFFFC;
	s7 =	simm.s32 $0x3020;
	s12 =	simm.s32 $0x0;
	v4 =	vld [tilespmem:$0x5B80]  }
.LBB2_10:
0x3b8: {  	v5 =	vld [tilespmem:s7+$0xFFFFFFE0];
	_ =	sdelay $0x3  }
0x3b9: {  	v6 =	vor.u32 s10, v0  }
0x3ba: {  	vm1 =	vle.s32 v6, v4;
	vm0 =	veq.s32 v5, v3  }
0x3bb: {  	vm2 =	vlt.s32 v5, v3;
	vm0 =	vmand vm1, vm0  }
0x3bc: {  	vm0 =	vmor vm2, vm0  }
0x3bd: {  	v7 =	vsel vm0, $0x1, v1  }
0x3be: {  	(xrf0) =	vadd.scan.msk.s32 $0xffff, v7;
	_ =	sdelay $0x5  }
0x3bf: {  	v8, _, _ =	vpop (xrf0)  }
0x3c0: {  	v7 =	vsub.s32 v8, v7  }
0x3c1: {  	v9 =	vld [tilespmem:s8+$0xFFFFFFE0];
	v7 =	vadd.s32 s12, v7;
	_ =	sdelay $0x4  }
0x3c2: {  	[tilespmem:v7+s28+$0x0] =	vst.idx.msk vm0, v9  }
0x3c3: {  	v9 =	vld [tilespmem:s9+$0xFFFFFFE0];
	_ =	sdelay $0x4  }
0x3c4: {  	[tilespmem:v7+s29+$0x0] =	vst.idx.msk vm0, v9  }
0x3c5: {  	v9 =	vld [tilespmem:s4+$0xFFFFFFE0];
	_ =	sdelay $0x4  }
0x3c6: {  	[tilespmem:v7+s30+$0x0] =	vst.idx.msk vm0, v9  }
0x3c7: {  	[tilespmem:v7+s31+$0x0] =	vst.idx.msk vm0, v5  }
0x3c8: {  	[tilespmem:v7+s0+$0x0] =	vst.idx.msk vm0, v6  }
0x3c9: {  	(v2sf) =	vpush v8, $0xF;
	v5 =	vld [tilespmem:s7+$0xFFFFFFF0];
	_ =	sdelay $0x2  }
0x3ca: {  	s2 =	sadd.s32 $0x10, s10  }
0x3cb: {  	v6 =	vor.u32 s2, v0  }
0x3cc: {  	vm8 =	vle.s32 v6, v4;
	vm7 =	veq.s32 v5, v3  }
0x3cd: {  	vm9 =	vlt.s32 v5, v3;
	vm0 =	vmand vm8, vm7  }
0x3ce: {  	vm0 =	vmor vm9, vm0  }
0x3cf: {  	v7 =	vsel vm0, $0x1, v1  }
0x3d0: {  	(xrf0) =	vadd.scan.msk.s32 $0xffff, v7;
	_ =	sdelay $0x5  }
0x3d1: {  	s22 =	spop (v2sf);
	v8, _, _ =	vpop (xrf0)  }
0x3d2: {  	s2 =	sadd.s32 s12, s22;
	v7 =	vsub.s32 v8, v7  }
0x3d3: {  	v9 =	vld [tilespmem:s8+$0xFFFFFFF0];
	v7 =	vadd.s32 s2, v7;
	_ =	sdelay $0x4  }
0x3d4: {  	[tilespmem:v7+s28+$0x0] =	vst.idx.msk vm0, v9  }
0x3d5: {  	v9 =	vld [tilespmem:s9+$0xFFFFFFF0];
	_ =	sdelay $0x4  }
0x3d6: {  	[tilespmem:v7+s29+$0x0] =	vst.idx.msk vm0, v9  }
0x3d7: {  	v9 =	vld [tilespmem:s4+$0xFFFFFFF0];
	_ =	sdelay $0x4  }
0x3d8: {  	[tilespmem:v7+s30+$0x0] =	vst.idx.msk vm0, v9  }
0x3d9: {  	[tilespmem:v7+s31+$0x0] =	vst.idx.msk vm0, v5  }
0x3da: {  	[tilespmem:v7+s0+$0x0] =	vst.idx.msk vm0, v6  }
0x3db: {  	(v2sf) =	vpush v8, $0xF;
	v5 =	vld [tilespmem:s7+$0x0];
	_ =	sdelay $0x2  }
0x3dc: {  	s3 =	sadd.s32 $0x20, s10  }
0x3dd: {  	v6 =	vor.u32 s3, v0  }
0x3de: {  	vm11 =	vle.s32 v6, v4;
	vm10 =	veq.s32 v5, v3  }
0x3df: {  	vm12 =	vlt.s32 v5, v3;
	vm0 =	vmand vm11, vm10  }
0x3e0: {  	vm0 =	vmor vm12, vm0  }
0x3e1: {  	v7 =	vsel vm0, $0x1, v1  }
0x3e2: {  	(xrf0) =	vadd.scan.msk.s32 $0xffff, v7;
	_ =	sdelay $0x5  }
0x3e3: {  	s23 =	spop (v2sf);
	v8, _, _ =	vpop (xrf0)  }
0x3e4: {  	s2 =	sadd.s32 s2, s23;
	v7 =	vsub.s32 v8, v7  }
0x3e5: {  	v9 =	vld [tilespmem:s8+$0x0];
	v7 =	vadd.s32 s2, v7;
	_ =	sdelay $0x4  }
0x3e6: {  	[tilespmem:v7+s28+$0x0] =	vst.idx.msk vm0, v9  }
0x3e7: {  	v9 =	vld [tilespmem:s9+$0x0];
	_ =	sdelay $0x4  }
0x3e8: {  	[tilespmem:v7+s29+$0x0] =	vst.idx.msk vm0, v9  }
0x3e9: {  	v9 =	vld [tilespmem:s4+$0x0];
	_ =	sdelay $0x4  }
0x3ea: {  	[tilespmem:v7+s30+$0x0] =	vst.idx.msk vm0, v9  }
0x3eb: {  	[tilespmem:v7+s31+$0x0] =	vst.idx.msk vm0, v5  }
0x3ec: {  	[tilespmem:v7+s0+$0x0] =	vst.idx.msk vm0, v6  }
0x3ed: {  	(v2sf) =	vpush v8, $0xF;
	v5 =	vld [tilespmem:s7+$0x10];
	_ =	sdelay $0x2  }
0x3ee: {  	s24 =	sadd.s32 $0x30, s10  }
0x3ef: {  	v6 =	vor.u32 s24, v0  }
0x3f0: {  	vm14 =	vle.s32 v6, v4;
	vm13 =	veq.s32 v5, v3  }
0x3f1: {  	vm15 =	vlt.s32 v5, v3;
	vm0 =	vmand vm14, vm13  }
0x3f2: {  	vm0 =	vmor vm15, vm0  }
0x3f3: {  	v7 =	vsel vm0, $0x1, v1  }
0x3f4: {  	(xrf0) =	vadd.scan.msk.s32 $0xffff, v7;
	_ =	sdelay $0x5  }
0x3f5: {  	s25 =	spop (v2sf);
	v8, _, _ =	vpop (xrf0)  }
0x3f6: {  	s2 =	sadd.s32 s2, s25;
	v7 =	vsub.s32 v8, v7  }
0x3f7: {  	v9 =	vld [tilespmem:s8+$0x10];
	v7 =	vadd.s32 s2, v7;
	_ =	sdelay $0x2  }
0x3f8: {  	(v2sf) =	vpush v8, $0xF;
	_ =	sdelay $0x1  }
0x3f9: {  	[tilespmem:v7+s28+$0x0] =	vst.idx.msk vm0, v9  }
0x3fa: {  	v8 =	vld [tilespmem:s9+$0x10];
	_ =	sdelay $0x4  }
0x3fb: {  	[tilespmem:v7+s29+$0x0] =	vst.idx.msk vm0, v8  }
0x3fc: {  	v8 =	vld [tilespmem:s4+$0x10]  }
0x3fd: {  	s11 =	sadd.s32 $0x4, s11  }
0x3fe: {  	p0 =	slt.u32 s11, $0xFC  }
.Ltmp4:
0x3ff: {  	_ = 	snop;
	(pc) =	sbr.rel @p0 .LBB2_10-.Ltmp4, $4  }
0x400: {  	_ = 	snop  }
0x401: {  	s10 =	sadd.s32 $0x40, s10;
	s13 =	simm.s32 $0x4DA0;
	[tilespmem:v7+s30+$0x0] =	vst.idx.msk vm0, v8  }
0x402: {  	s7 =	sadd.s32 $0x40, s7;
	s8 =	sadd.s32 $0x40, s8;
	s26 =	spop (v2sf);
	[tilespmem:v7+s31+$0x0] =	vst.idx.msk vm0, v5  }
0x403: {  	s9 =	sadd.s32 $0x40, s9;
	s4 =	sadd.s32 $0x40, s4;
	s12 =	sadd.s32 s2, s26;
	v8 =	vimm.s32 $0x7F7FFFFF;
	[tilespmem:v7+s0+$0x0] =	vst.idx.msk vm0, v6;
	v7 =	vimm.s32 $0x0  }
0x404: {  	v3 =	vld [tilespmem:s13+$0xFFFFFFE0];
	_ =	sdelay $0x1  }
0x405: {  	v6 =	vld [tilespmem:s13+$0xFFFFFFF0];
	_ =	sdelay $0x1  }
0x406: {  	v5 =	vld [tilespmem:s13+$0x0]  }
0x407: {  	v4 =	vor.u32 s6, v0;
	vm0 =	vlt.s32 v3, v8  }
0x408: {  	s2 =	sadd.s32 $0x10, s6;
	v8 =	vsel vm0, v3, v8;
	v3 =	vsel vm0, v4, v7;
	v7 =	vld [tilespmem:s13+$0x10]  }
0x409: {  	s1 =	sadd.s32 $0x4, s1;
	s4 =	sadd.s32 $0x40, s13;
	v4 =	vor.u32 s2, v0;
	vm0 =	vlt.s32 v6, v8  }
.LBB2_12:
0x40a: {  	v9 =	vld [tilespmem:s4+$0xFFFFFFE0];
	s1 =	sadd.s32 $0x4, s1;
	v8 =	vsel vm0, v6, v8;
	v3 =	vsel vm0, v4, v3;
	s2 =	sadd.s32 $0x20, s6  }
0x40b: {  	p0 =	slt.u32 s1, $0x3C;
	v4 =	vor.u32 s2, v0;
	vm0 =	vlt.s32 v5, v8  }
0x40c: {  	s2 =	sadd.s32 $0x30, s6;
	v6 =	vld [tilespmem:s4+$0xFFFFFFF0];
	v8 =	vsel vm0, v5, v8;
	v3 =	vsel vm0, v4, v3  }
.Ltmp5:
0x40d: {  	v4 =	vor.u32 s2, v0;
	vm0 =	vlt.s32 v7, v8;
	(pc) =	sbr.rel @p0 .LBB2_12-.Ltmp5, $4  }
0x40e: {  	s6 =	sadd.s32 $0x40, s6;
	v5 =	vld [tilespmem:s4+$0x0];
	v7 =	vsel vm0, v7, v8;
	v3 =	vsel vm0, v4, v3  }
0x40f: {  	v4 =	vor.u32 s6, v0;
	vm0 =	vlt.s32 v9, v7  }
0x410: {  	s2 =	sadd.s32 $0x10, s6;
	v8 =	vsel vm0, v9, v7;
	v3 =	vsel vm0, v4, v3;
	v7 =	vld [tilespmem:s4+$0x10]  }
0x411: {  	v4 =	vor.u32 s2, v0;
	s4 =	sadd.s32 $0x40, s4;
	vm0 =	vlt.s32 v6, v8  }
0x412: {  	[tilespmem:$0x5680] =	vst v2  }
0x413: {  	[tilespmem:$0x5690] =	vst v2  }
0x414: {  	[tilespmem:$0x56A0] =	vst v2  }
0x415: {  	[tilespmem:$0x56B0] =	vst v2  }
0x416: {  	[tilespmem:$0x56C0] =	vst v2  }
0x417: {  	[tilespmem:$0x56D0] =	vst v2  }
0x418: {  	[tilespmem:$0x56E0] =	vst v2  }
0x419: {  	[tilespmem:$0x56F0] =	vst v2  }
0x41a: {  	v6 =	vsel vm0, v6, v8;
	[tilespmem:$0x5700] =	vst v2  }
0x41b: {  	[tilespmem:$0x5710] =	vst v2;
	vm1 =	vlt.s32 v5, v6  }
0x41c: {  	[tilespmem:$0x5720] =	vst v2;
	v5 =	vsel vm1, v5, v6  }
0x41d: {  	[tilespmem:$0x5730] =	vst v2;
	vm2 =	vlt.s32 v7, v5  }
0x41e: {  	[tilespmem:$0x5740] =	vst v2;
	v5 =	vsel vm2, v7, v5  }
0x41f: {  	[tilespmem:$0x5750] =	vst v2;
	v61 =	vxor.u32 $0x80000000, v5  }
0x420: {  	[tilespmem:$0x5760] =	vst v2;
	(xrf0) =	vmin.scan.msk.u32 $0xffff, v61  }
0x421: {  	[tilespmem:$0x5770] =	vst v2  }
0x422: {  	[tilespmem:$0x5780] =	vst v2  }
0x423: {  	[tilespmem:$0x5790] =	vst v2  }
0x424: {  	[tilespmem:$0x57A0] =	vst v2  }
0x425: {  	[tilespmem:$0x57B0] =	vst v2  }
0x426: {  	[tilespmem:$0x57C0] =	vst v2;
	v6, _, _ =	vpop (xrf0)  }
0x427: {  	[tilespmem:$0x57D0] =	vst v2;
	(v2sf) =	vpush v6, $0xF  }
0x428: {  	[tilespmem:$0x57E0] =	vst v2  }
0x429: {  	[tilespmem:$0x57F0] =	vst v2  }
0x42a: {  	[tilespmem:$0x5800] =	vst v2  }
0x42b: {  	[tilespmem:$0x5810] =	vst v2  }
0x42c: {  	[tilespmem:$0x5820] =	vst v2  }
0x42d: {  	[tilespmem:$0x5830] =	vst v2  }
0x42e: {  	[tilespmem:$0x5840] =	vst v2  }
0x42f: {  	[tilespmem:$0x5850] =	vst v2  }
0x430: {  	[tilespmem:$0x5860] =	vst v2  }
0x431: {  	[tilespmem:$0x5870] =	vst v2  }
0x432: {  	[tilespmem:$0x5880] =	vst v2  }
0x433: {  	[tilespmem:$0x5890] =	vst v2  }
0x434: {  	s1 =	sadd.s32 $0x20, s6;
	[tilespmem:$0x58A0] =	vst v2  }
0x435: {  	v3 =	vsel vm0, v4, v3;
	s24 =	sadd.s32 $0x30, s6;
	[tilespmem:$0x58B0] =	vst v2;
	v62 =	vor.u32 s1, v0  }
0x436: {  	[tilespmem:$0x58C0] =	vst v2;
	v63 =	vor.u32 s24, v0;
	v3 =	vsel vm1, v62, v3;
	s25 =	spop (v2sf)  }
0x437: {  	[tilespmem:$0x58D0] =	vst v2;
	v3 =	vsel vm2, v63, v3;
	s1 =	sxor.u32 $0x80000000, s25  }
0x438: {  	[tilespmem:$0x58E0] =	vst v2;
	v3 =	vxor.u32 $0x80000000, v3;
	vm15 =	veq.s32 v5, s1  }
0x439: {  	[tilespmem:$0x58F0] =	vst v2;
	v3 =	vnsel vm15, $0x80000400, v3  }
0x43a: {  	[tilespmem:$0x5900] =	vst v2;
	(xrf0) =	vmin.scan.msk.u32 $0xffff, v3  }
0x43b: {  	[tilespmem:$0x5910] =	vst v2  }
0x43c: {  	[tilespmem:$0x5920] =	vst v2  }
0x43d: {  	[tilespmem:$0x5930] =	vst v2  }
0x43e: {  	[tilespmem:$0x5940] =	vst v2  }
0x43f: {  	[tilespmem:$0x5950] =	vst v2  }
0x440: {  	[tilespmem:$0x5960] =	vst v2;
	v3, _, _ =	vpop (xrf0)  }
0x441: {  	[tilespmem:$0x5970] =	vst v2;
	(v2sf) =	vpush v3, $0xF  }
0x442: {  	[tilespmem:$0x5980] =	vst v2  }
0x443: {  	[tilespmem:$0x5990] =	vst v2  }
0x444: {  	[tilespmem:$0x59A0] =	vst v2  }
0x445: {  	[tilespmem:$0x59B0] =	vst v2  }
0x446: {  	[tilespmem:$0x59C0] =	vst v2  }
0x447: {  	[tilespmem:$0x59D0] =	vst v2  }
0x448: {  	[tilespmem:$0x59E0] =	vst v2  }
0x449: {  	[tilespmem:$0x59F0] =	vst v2  }
0x44a: {  	[tilespmem:$0x5A00] =	vst v2  }
0x44b: {  	[tilespmem:$0x5A10] =	vst v2  }
0x44c: {  	[tilespmem:$0x5A20] =	vst v2  }
0x44d: {  	[tilespmem:$0x5A30] =	vst v2  }
0x44e: {  	[tilespmem:$0x5A40] =	vst v2  }
0x44f: {  	[tilespmem:$0x5A50] =	vst v2  }
0x450: {  	[tilespmem:$0x5A60] =	vst v2;
	s1 =	spop (v2sf)  }
0x451: {  	[tilespmem:$0x5A70] =	vst v2;
	s2 =	sadd.s32 $0x80005200, s1  }
0x452: {  	v3 =	vld.msk [tilespmem:s2+$0x0 ss:$0x0], $0xffff;
	_ =	sdelay $0x3  }
0x453: {  	s26 =	simm.s32 $0x5A80  }
0x454: {  	s6 =	simm.s32 $0x1;
	[tilespmem:v1+s26+$0x0] =	vst.idx.msk $0x1, v3  }
.LBB2_14:
0x455: {  	s2 =	sadd.s32 $0x80004000, s1  }
0x456: {  	s25 =	sadd.s32 $0x80004480, s1;
	v3 =	vld.msk [tilespmem:s2+$0x0 ss:$0x0], $0xffff  }
0x457: {  	s8 =	simm.s32 $0x4040;
	v4 =	vld.msk [tilespmem:s25+$0x0 ss:$0x0], $0xffff  }
0x458: {  	s10 =	simm.s32 $0x44C0;
	v6 =	vld [tilespmem:s8+$0xFFFFFFC0]  }
0x459: {  	s26 =	sadd.s32 $0x80004900, s1;
	v7 =	vld [tilespmem:s10+$0xFFFFFFC0]  }
0x45a: {  	s9 =	simm.s32 $0x4940;
	v5 =	vld.msk [tilespmem:s26+$0x0 ss:$0x0], $0xffff  }
0x45b: {  	v8 =	vld [tilespmem:s9+$0xFFFFFFC0];
	_ =	sdelay $0x2  }
0x45c: {  	v6 =	vsub.f32 v6, v3;
	v7 =	vsub.f32 v7, v4;
	_ =	sdelay $0x1  }
0x45d: {  	s7 =	simm.s32 $0x56C0;
	v8 =	vsub.f32 v8, v5;
	v6 =	vmul.f32 v6, v6;
	v7 =	vmul.f32 v7, v7  }
0x45e: {  	v9 =	vld [tilespmem:s7+$0xFFFFFFC0]  }
0x45f: {  	v8 =	vmul.f32 v8, v8;
	v6 =	vadd.f32 v7, v6;
	_ =	sdelay $0x1  }
0x460: {  	v6 =	vadd.f32 v8, v6;
	_ =	sdelay $0x1  }
0x461: {  	v6 =	vmin.f32 v9, v6  }
0x462: {  	[tilespmem:s7+$0xFFFFFFC0] =	vst v6  }
0x463: {  	v7 =	vld [tilespmem:s8+$0xFFFFFFD0]  }
0x464: {  	v8 =	vld [tilespmem:s10+$0xFFFFFFD0];
	_ =	sdelay $0x1  }
0x465: {  	v9 =	vld [tilespmem:s9+$0xFFFFFFD0];
	_ =	sdelay $0x2  }
0x466: {  	v7 =	vsub.f32 v7, v3;
	v8 =	vsub.f32 v8, v4;
	_ =	sdelay $0x1  }
0x467: {  	v9 =	vsub.f32 v9, v5;
	v7 =	vmul.f32 v7, v7;
	v8 =	vmul.f32 v8, v8  }
0x468: {  	v10 =	vld [tilespmem:s7+$0xFFFFFFD0]  }
0x469: {  	v7 =	vadd.f32 v8, v7;
	v8 =	vmul.f32 v9, v9;
	_ =	sdelay $0x1  }
0x46a: {  	v7 =	vadd.f32 v8, v7;
	_ =	sdelay $0x1  }
0x46b: {  	v7 =	vmin.f32 v10, v7  }
0x46c: {  	[tilespmem:s7+$0xFFFFFFD0] =	vst v7  }
0x46d: {  	v8 =	vld [tilespmem:s8+$0xFFFFFFE0]  }
0x46e: {  	v9 =	vld [tilespmem:s10+$0xFFFFFFE0];
	_ =	sdelay $0x1  }
0x46f: {  	v10 =	vld [tilespmem:s9+$0xFFFFFFE0];
	_ =	sdelay $0x2  }
0x470: {  	v8 =	vsub.f32 v8, v3;
	v9 =	vsub.f32 v9, v4;
	_ =	sdelay $0x1  }
0x471: {  	v10 =	vsub.f32 v10, v5;
	v8 =	vmul.f32 v8, v8;
	v9 =	vmul.f32 v9, v9  }
0x472: {  	v11 =	vld [tilespmem:s7+$0xFFFFFFE0]  }
0x473: {  	v8 =	vadd.f32 v9, v8;
	v9 =	vmul.f32 v10, v10;
	_ =	sdelay $0x1  }
0x474: {  	v8 =	vadd.f32 v9, v8;
	_ =	sdelay $0x1  }
0x475: {  	v8 =	vmin.f32 v11, v8  }
0x476: {  	[tilespmem:s7+$0xFFFFFFE0] =	vst v8  }
0x477: {  	v9 =	vld [tilespmem:s8+$0xFFFFFFF0]  }
0x478: {  	v10 =	vld [tilespmem:s10+$0xFFFFFFF0];
	_ =	sdelay $0x1  }
0x479: {  	v11 =	vld [tilespmem:s9+$0xFFFFFFF0];
	_ =	sdelay $0x2  }
0x47a: {  	v9 =	vsub.f32 v9, v3;
	v10 =	vsub.f32 v10, v4;
	_ =	sdelay $0x1  }
0x47b: {  	v11 =	vsub.f32 v11, v5;
	v9 =	vmul.f32 v9, v9;
	v10 =	vmul.f32 v10, v10  }
0x47c: {  	v12 =	vld [tilespmem:s7+$0xFFFFFFF0]  }
0x47d: {  	v9 =	vadd.f32 v10, v9;
	v10 =	vmul.f32 v11, v11;
	_ =	sdelay $0x1  }
0x47e: {  	v9 =	vadd.f32 v10, v9;
	_ =	sdelay $0x1  }
0x47f: {  	v9 =	vmin.f32 v12, v9  }
0x480: {  	[tilespmem:s7+$0xFFFFFFF0] =	vst v9  }
0x481: {  	v10 =	vld [tilespmem:s8+$0x0]  }
0x482: {  	v11 =	vld [tilespmem:s10+$0x0];
	_ =	sdelay $0x1  }
0x483: {  	v54 =	vld [tilespmem:s9+$0x0];
	_ =	sdelay $0x2  }
0x484: {  	v10 =	vsub.f32 v10, v3;
	v11 =	vsub.f32 v11, v4;
	_ =	sdelay $0x1  }
0x485: {  	v12 =	vsub.f32 v54, v5;
	v10 =	vmul.f32 v10, v10;
	v11 =	vmul.f32 v11, v11  }
0x486: {  	v13 =	vld [tilespmem:s7+$0x0]  }
0x487: {  	v10 =	vadd.f32 v11, v10;
	v11 =	vmul.f32 v12, v12;
	_ =	sdelay $0x1  }
0x488: {  	v10 =	vadd.f32 v11, v10;
	_ =	sdelay $0x1  }
0x489: {  	v10 =	vmin.f32 v13, v10  }
0x48a: {  	[tilespmem:s7+$0x0] =	vst v10  }
0x48b: {  	v11 =	vld [tilespmem:s8+$0x10]  }
0x48c: {  	v55 =	vld [tilespmem:s10+$0x10];
	_ =	sdelay $0x1  }
0x48d: {  	v56 =	vld [tilespmem:s9+$0x10];
	_ =	sdelay $0x2  }
0x48e: {  	v11 =	vsub.f32 v11, v3;
	v12 =	vsub.f32 v55, v4;
	_ =	sdelay $0x1  }
0x48f: {  	v13 =	vsub.f32 v56, v5;
	v11 =	vmul.f32 v11, v11;
	v12 =	vmul.f32 v12, v12  }
0x490: {  	v14 =	vld [tilespmem:s7+$0x10]  }
0x491: {  	v57 =	vmul.f32 v13, v13;
	v11 =	vadd.f32 v12, v11;
	_ =	sdelay $0x1  }
0x492: {  	v11 =	vadd.f32 v57, v11;
	_ =	sdelay $0x1  }
0x493: {  	v11 =	vmin.f32 v14, v11  }
0x494: {  	[tilespmem:s7+$0x10] =	vst v11  }
0x495: {  	v58 =	vld [tilespmem:s8+$0x20]  }
0x496: {  	v59 =	vimm.f32 $-3.000000010e+38;
	v60 =	vld [tilespmem:s10+$0x20]  }
0x497: {  	vm0 =	vgt.f32 v6, v59  }
0x498: {  	v6 =	vsel vm0, v6, v59;
	v61 =	vld [tilespmem:s9+$0x20]  }
0x499: {  	vm1 =	vgt.f32 v7, v6  }
0x49a: {  	v6 =	vsel vm1, v7, v6  }
0x49b: {  	vm2 =	vgt.f32 v8, v6;
	v7 =	vsub.f32 v58, v3;
	v62 =	vsub.f32 v60, v4  }
0x49c: {  	v6 =	vsel vm2, v8, v6  }
0x49d: {  	v8 =	vsub.f32 v61, v5;
	v7 =	vmul.f32 v7, v7;
	v12 =	vmul.f32 v62, v62  }
0x49e: {  	v63 =	vld [tilespmem:s7+$0x20];
	vm3 =	vgt.f32 v9, v6  }
0x49f: {  	v6 =	vsel vm3, v9, v6;
	v8 =	vmul.f32 v8, v8;
	v7 =	vadd.f32 v12, v7  }
0x4a0: {  	s19 =	simm.s32 $0x70;
	s23 =	simm.s32 $0x0;
	vm4 =	vgt.f32 v10, v6  }
0x4a1: {  	s17 =	simm.s32 $0x0;
	s16 =	simm.s32 $0x10;
	s14 =	simm.s32 $0x20;
	v6 =	vsel vm4, v10, v6;
	v8 =	vadd.f32 v8, v7  }
0x4a2: {  	s15 =	simm.s32 $0x30;
	s11 =	simm.s32 $0x40;
	s12 =	simm.s32 $0x50;
	vm5 =	vgt.f32 v11, v6  }
0x4a3: {  	s13 =	simm.s32 $0x60;
	s1 =	simm.s32 $0x4540;
	s24 =	simm.s32 $0x49C0;
	v7 =	vsel vm5, v11, v6;
	v8 =	vmin.f32 v63, v8  }
0x4a4: {  	s4 =	simm.s32 $0x4040;
	s18 =	simm.s32 $0x70;
	s25 =	simm.s32 $0x5740;
	v6 =	vimm.s32 $0x0;
	[tilespmem:s7+$0x20] =	vst v8;
	vm6 =	vgt.f32 v8, v7  }
.LBB2_15:
0x4a5: {  	s23 =	sadd.s32 $0x8, s23;
	v9 =	vld [tilespmem:s10+$0x30];
	s19 =	sadd.s32 $0x80, s19;
	s8 =	sadd.s32 $0x80, s8  }
0x4a6: {  	s2 =	sadd.s32 $0xFFFFFF90, s19;
	s3 =	sadd.s32 $0xFFFFFFA0, s19;
	p0 =	slt.u32 s23, $0x38;
	v10 =	vld [tilespmem:s4+$0x30]  }
0x4a7: {  	s20 =	sadd.s32 $0xFFFFFFB0, s19;
	s21 =	sadd.s32 $0xFFFFFFC0, s19;
	s22 =	sadd.s32 $0xFFFFFFD0, s19;
	v11 =	vld [tilespmem:s9+$0x30]  }
0x4a8: {  	s26 =	sadd.s32 $0xFFFFFFE0, s19;
	s5 =	sadd.s32 $0xFFFFFFF0, s19;
	s4 =	smov.u32 s8  }
0x4a9: {  	s10 =	smov.u32 s1;
	s9 =	smov.u32 s24  }
0x4aa: {  	v9 =	vsub.f32 v9, v4  }
0x4ab: {  	v10 =	vsub.f32 v10, v3  }
0x4ac: {  	v12 =	vor.u32 s17, v0;
	s17 =	smov.u32 s2;
	v11 =	vsub.f32 v11, v5;
	v9 =	vmul.f32 v9, v9  }
0x4ad: {  	v6 =	vsel vm0, v12, v6;
	v12 =	vor.u32 s16, v0;
	s16 =	smov.u32 s3;
	v10 =	vmul.f32 v10, v10;
	v13 =	vld [tilespmem:s7+$0x30]  }
0x4ae: {  	v6 =	vsel vm1, v12, v6;
	v12 =	vor.u32 s14, v0;
	s14 =	smov.u32 s20;
	v11 =	vmul.f32 v11, v11  }
0x4af: {  	v6 =	vsel vm2, v12, v6;
	v12 =	vor.u32 s15, v0;
	s15 =	smov.u32 s21;
	v9 =	vadd.f32 v9, v10  }
0x4b0: {  	v6 =	vsel vm3, v12, v6;
	v10 =	vor.u32 s11, v0;
	s11 =	smov.u32 s22  }
0x4b1: {  	v6 =	vsel vm4, v10, v6;
	v10 =	vor.u32 s12, v0;
	s12 =	smov.u32 s26;
	v9 =	vadd.f32 v11, v9  }
0x4b2: {  	v7 =	vsel vm6, v8, v7;
	v6 =	vsel vm5, v10, v6;
	v10 =	vor.u32 s13, v0;
	s13 =	smov.u32 s5  }
0x4b3: {  	v6 =	vsel vm6, v10, v6;
	v8 =	vmin.f32 v13, v9;
	v9 =	vor.u32 s18, v0;
	s18 =	smov.u32 s19  }
0x4b4: {  	[tilespmem:s7+$0x30] =	vst v8;
	vm0 =	vgt.f32 v8, v7;
	s7 =	smov.u32 s25  }
0x4b5: {  	v10 =	vld [tilespmem:s8+$0xFFFFFFC0];
	v7 =	vsel vm0, v8, v7;
	v6 =	vsel vm0, v9, v6  }
0x4b6: {  	v8 =	vld [tilespmem:s1+$0xFFFFFFC0]  }
0x4b7: {  	v9 =	vld [tilespmem:s24+$0xFFFFFFC0];
	_ =	sdelay $0x3  }
0x4b8: {  	v10 =	vsub.f32 v10, v3;
	v8 =	vsub.f32 v8, v4  }
0x4b9: {  	v9 =	vsub.f32 v9, v5  }
0x4ba: {  	v10 =	vmul.f32 v10, v10;
	v8 =	vmul.f32 v8, v8  }
0x4bb: {  	v9 =	vmul.f32 v9, v9;
	v11 =	vld [tilespmem:s25+$0xFFFFFFC0]  }
0x4bc: {  	v8 =	vadd.f32 v8, v10;
	_ =	sdelay $0x1  }
0x4bd: {  	v8 =	vadd.f32 v9, v8;
	_ =	sdelay $0x1  }
0x4be: {  	v8 =	vmin.f32 v11, v8  }
0x4bf: {  	[tilespmem:s25+$0xFFFFFFC0] =	vst v8;
	vm0 =	vgt.f32 v8, v7  }
0x4c0: {  	v9 =	vld [tilespmem:s8+$0xFFFFFFD0]  }
0x4c1: {  	v10 =	vld [tilespmem:s1+$0xFFFFFFD0];
	_ =	sdelay $0x1  }
0x4c2: {  	v11 =	vld [tilespmem:s24+$0xFFFFFFD0];
	_ =	sdelay $0x1  }
0x4c3: {  	v9 =	vsub.f32 v9, v3  }
0x4c4: {  	v10 =	vsub.f32 v10, v4;
	_ =	sdelay $0x1  }
0x4c5: {  	v9 =	vmul.f32 v9, v9;
	v11 =	vsub.f32 v11, v5;
	v10 =	vmul.f32 v10, v10  }
0x4c6: {  	v12 =	vld [tilespmem:s25+$0xFFFFFFD0]  }
0x4c7: {  	v9 =	vadd.f32 v10, v9;
	v10 =	vmul.f32 v11, v11;
	_ =	sdelay $0x1  }
0x4c8: {  	v9 =	vadd.f32 v10, v9;
	_ =	sdelay $0x1  }
0x4c9: {  	v7 =	vsel vm0, v8, v7;
	v8 =	vmin.f32 v12, v9  }
0x4ca: {  	[tilespmem:s25+$0xFFFFFFD0] =	vst v8;
	vm1 =	vgt.f32 v8, v7  }
0x4cb: {  	v7 =	vsel vm1, v8, v7;
	v8 =	vld [tilespmem:s8+$0xFFFFFFE0]  }
0x4cc: {  	v9 =	vld [tilespmem:s1+$0xFFFFFFE0];
	_ =	sdelay $0x1  }
0x4cd: {  	v10 =	vld [tilespmem:s24+$0xFFFFFFE0];
	_ =	sdelay $0x1  }
0x4ce: {  	v8 =	vsub.f32 v8, v3  }
0x4cf: {  	v9 =	vsub.f32 v9, v4  }
0x4d0: {  	v8 =	vmul.f32 v8, v8  }
0x4d1: {  	v10 =	vsub.f32 v10, v5;
	v9 =	vmul.f32 v9, v9  }
0x4d2: {  	v11 =	vld [tilespmem:s25+$0xFFFFFFE0]  }
0x4d3: {  	v8 =	vadd.f32 v9, v8;
	v9 =	vmul.f32 v10, v10;
	_ =	sdelay $0x1  }
0x4d4: {  	v8 =	vadd.f32 v9, v8;
	_ =	sdelay $0x1  }
0x4d5: {  	v8 =	vmin.f32 v11, v8  }
0x4d6: {  	[tilespmem:s25+$0xFFFFFFE0] =	vst v8;
	vm2 =	vgt.f32 v8, v7  }
0x4d7: {  	v7 =	vsel vm2, v8, v7;
	v8 =	vld [tilespmem:s8+$0xFFFFFFF0]  }
0x4d8: {  	v9 =	vld [tilespmem:s1+$0xFFFFFFF0];
	_ =	sdelay $0x1  }
0x4d9: {  	v10 =	vld [tilespmem:s24+$0xFFFFFFF0];
	_ =	sdelay $0x1  }
0x4da: {  	v8 =	vsub.f32 v8, v3  }
0x4db: {  	v9 =	vsub.f32 v9, v4  }
0x4dc: {  	v8 =	vmul.f32 v8, v8  }
0x4dd: {  	v10 =	vsub.f32 v10, v5;
	v9 =	vmul.f32 v9, v9  }
0x4de: {  	v11 =	vld [tilespmem:s25+$0xFFFFFFF0]  }
0x4df: {  	v8 =	vadd.f32 v9, v8;
	v9 =	vmul.f32 v10, v10;
	_ =	sdelay $0x1  }
0x4e0: {  	v8 =	vadd.f32 v9, v8;
	_ =	sdelay $0x1  }
0x4e1: {  	v8 =	vmin.f32 v11, v8  }
0x4e2: {  	[tilespmem:s25+$0xFFFFFFF0] =	vst v8;
	vm3 =	vgt.f32 v8, v7  }
0x4e3: {  	v7 =	vsel vm3, v8, v7;
	v8 =	vld [tilespmem:s8+$0x0]  }
0x4e4: {  	v9 =	vld [tilespmem:s1+$0x0]  }
0x4e5: {  	v10 =	vld [tilespmem:s24+$0x0];
	_ =	sdelay $0x2  }
0x4e6: {  	v8 =	vsub.f32 v8, v3  }
0x4e7: {  	v9 =	vsub.f32 v9, v4  }
0x4e8: {  	v10 =	vsub.f32 v10, v5  }
0x4e9: {  	v8 =	vmul.f32 v8, v8;
	v9 =	vmul.f32 v9, v9  }
0x4ea: {  	v11 =	vld [tilespmem:s25+$0x0]  }
0x4eb: {  	v8 =	vadd.f32 v9, v8;
	v9 =	vmul.f32 v10, v10;
	_ =	sdelay $0x1  }
0x4ec: {  	v8 =	vadd.f32 v9, v8;
	_ =	sdelay $0x1  }
0x4ed: {  	v8 =	vmin.f32 v11, v8  }
0x4ee: {  	[tilespmem:s25+$0x0] =	vst v8;
	vm4 =	vgt.f32 v8, v7  }
0x4ef: {  	v7 =	vsel vm4, v8, v7;
	v8 =	vld [tilespmem:s8+$0x10]  }
0x4f0: {  	v9 =	vld [tilespmem:s1+$0x10]  }
0x4f1: {  	v10 =	vld [tilespmem:s24+$0x10];
	_ =	sdelay $0x2  }
0x4f2: {  	v8 =	vsub.f32 v8, v3  }
0x4f3: {  	v9 =	vsub.f32 v9, v4  }
0x4f4: {  	v10 =	vsub.f32 v10, v5;
	v8 =	vmul.f32 v8, v8  }
0x4f5: {  	v9 =	vmul.f32 v9, v9  }
0x4f6: {  	v11 =	vld [tilespmem:s25+$0x10]  }
0x4f7: {  	v8 =	vadd.f32 v9, v8;
	v9 =	vmul.f32 v10, v10;
	_ =	sdelay $0x1  }
0x4f8: {  	v8 =	vadd.f32 v9, v8;
	_ =	sdelay $0x1  }
0x4f9: {  	v8 =	vmin.f32 v11, v8  }
0x4fa: {  	[tilespmem:s25+$0x10] =	vst v8;
	vm5 =	vgt.f32 v8, v7  }
0x4fb: {  	v9 =	vld [tilespmem:s8+$0x20]  }
0x4fc: {  	v10 =	vld [tilespmem:s1+$0x20]  }
0x4fd: {  	v11 =	vld [tilespmem:s24+$0x20];
	_ =	sdelay $0x2  }
0x4fe: {  	v9 =	vsub.f32 v9, v3  }
0x4ff: {  	v10 =	vsub.f32 v10, v4  }
0x500: {  	v11 =	vsub.f32 v11, v5  }
0x501: {  	v9 =	vmul.f32 v9, v9;
	v10 =	vmul.f32 v10, v10  }
0x502: {  	v12 =	vld [tilespmem:s25+$0x20]  }
0x503: {  	v9 =	vadd.f32 v10, v9;
	v10 =	vmul.f32 v11, v11  }
.Ltmp6:
0x504: {  	(pc) =	sbr.rel @p0 .LBB2_15-.Ltmp6, $3  }
0x505: {  	v9 =	vadd.f32 v10, v9;
	_ =	sdelay $0x1  }
0x506: {  	v7 =	vsel vm5, v8, v7;
	v8 =	vmin.f32 v12, v9  }
0x507: {  	s1 =	sadd.s32 $0x80, s1;
	s24 =	sadd.s32 $0x80, s24;
	s25 =	sadd.s32 $0x80, s25;
	[tilespmem:s7+$0x20] =	vst v8;
	vm6 =	vgt.f32 v8, v7  }
0x508: {  	v9 =	vld [tilespmem:s10+$0x30]  }
0x509: {  	v10 =	vld [tilespmem:s4+$0x30];
	_ =	sdelay $0x1  }
0x50a: {  	v11 =	vld [tilespmem:s9+$0x30];
	_ =	sdelay $0x2  }
0x50b: {  	v4 =	vsub.f32 v9, v4;
	v3 =	vsub.f32 v10, v3;
	_ =	sdelay $0x1  }
0x50c: {  	v5 =	vsub.f32 v11, v5;
	v4 =	vmul.f32 v4, v4;
	v3 =	vmul.f32 v3, v3  }
0x50d: {  	v51 =	vld [tilespmem:s7+$0x30]  }
0x50e: {  	v5 =	vmul.f32 v5, v5;
	v3 =	vadd.f32 v4, v3;
	_ =	sdelay $0x1  }
0x50f: {  	v3 =	vadd.f32 v5, v3;
	_ =	sdelay $0x1  }
0x510: {  	v52 =	vsel vm6, v8, v7;
	v3 =	vmin.f32 v51, v3  }
0x511: {  	vm7 =	vgt.f32 v3, v52  }
0x512: {  	v4 =	vsel vm7, v3, v52  }
0x513: {  	v53 =	vor.u32 s17, v0;
	(xrf0) =	vmax.scan.msk.f32 $0xffff, v4  }
0x514: {  	v54 =	vor.u32 s16, v0;
	v5 =	vsel vm0, v53, v6  }
0x515: {  	v55 =	vor.u32 s14, v0;
	v5 =	vsel vm1, v54, v5  }
0x516: {  	v56 =	vor.u32 s15, v0;
	v5 =	vsel vm2, v55, v5  }
0x517: {  	v57 =	vor.u32 s11, v0;
	v5 =	vsel vm3, v56, v5  }
0x518: {  	v58 =	vor.u32 s12, v0;
	v5 =	vsel vm4, v57, v5  }
0x519: {  	v59 =	vor.u32 s13, v0;
	v5 =	vsel vm5, v58, v5;
	v60, _, _ =	vpop (xrf0)  }
0x51a: {  	v61 =	vor.u32 s18, v0;
	v5 =	vsel vm6, v59, v5;
	v7 =	vbroadcast v60, $0xF  }
0x51b: {  	v5 =	vsel vm7, v61, v5  }
0x51c: {  	v62 =	vxor.u32 $0x80000000, v5;
	vm15 =	veq.f32 v4, v7  }
0x51d: {  	v4 =	vnsel vm15, $0x80000400, v62  }
0x51e: {  	(xrf0) =	vmin.scan.msk.u32 $0xffff, v4;
	_ =	sdelay $0x5  }
0x51f: {  	v4, _, _ =	vpop (xrf0)  }
0x520: {  	(v2sf) =	vpush v4, $0xF;
	_ =	sdelay $0xe  }
0x521: {  	s1 =	spop (v2sf)  }
0x522: {  	v63 =	vmov s6;
	s6 =	sadd.s32 $0x1, s6;
	[tilespmem:s7+$0x30] =	vst v3;
	s2 =	sadd.s32 $0x80005200, s1  }
0x523: {  	p0 =	sne.s32 s6, $0x20;
	v3 =	vld.msk [tilespmem:s2+$0x0 ss:$0x0], $0xffff  }
.Ltmp7:
0x524: {  	_ = 	snop;
	(pc) =	sbr.rel @p0 .LBB2_14-.Ltmp7, $3  }
0x525: {  	_ =	sdelay $0x1  }
0x526: {  	s26 =	simm.s32 $0x5A80  }
0x527: {  	[tilespmem:v63+s26+$0x0] =	vst.idx.msk $0x1, v3  }
0x528: {  	s3 =	simm.s32 $0x0  }
0x529: {  	s1 =	rddreg [dreg:$0x11];
	s2 =	simm.s32 $0x5A80;
	s6 =	simm.s32 $0x2  }
0x52a: {  	[hbm4b:s1+s3] =	stream.linear.scatter [tilespmem:s2], [sflag:$0x2], $0x80, $0x38;
	[tilespmem:$0x5C00] =	vst v63  }
0x52b: {  	_ =	swait.ge [sflag:s6], $0x80  }
0x52c: {  	[sflag:s6] =	ssyncset.done $0x0  }
0x52d: {  	[sflag:s6] =	ssyncadd.s32 $0xFFFFFF80  }
0x52e: {  	v3 =	vld [tilespmem:$0x5A80];
	_ =	sdelay $0x4  }
0x52f: {  	(v2sf) =	vpush v3, $0x0;
	_ =	sdelay $0xc  }
0x530: {  	s5 =	sld [smem:$0x7FB];
	_ =	sdelay $0x1  }
0x531: {  	s16 =	spop (v2sf)  }
0x532: {  	s17 =	sadd.s32 s5, s16  }
0x533: {  	s4 =	sld [smem:$0x7F8];
	s1 =	sshll.u32 s16, $0x7;
	s2 =	sshll.u32 s17, $0x7  }
0x534: {  	s18 =	sld [smem:$0x7D4];
	s1 =	sand.u32 $0x380, s1;
	s2 =	sand.u32 $0xFFFFFC00, s2  }
0x535: {  	s7 =	sld [smem:$0x7C0];
	s1 =	sor.u32 s1, s2  }
0x536: {  	s1 =	sshrl.u32 s1, $0x3  }
0x537: {  	s1 =	sadd.s32 s4, s1  }
0x538: {  	[hbm:s18], [sflag:s7] =	dma.local [hbm:s1], $0x10  }
0x539: {  	v3 =	vld [tilespmem:$0x5A81];
	_ =	sdelay $0x4  }
0x53a: {  	(v2sf) =	vpush v3, $0x0;
	_ =	sdelay $0xe  }
0x53b: {  	s1 =	spop (v2sf)  }
0x53c: {  	s19 =	sadd.s32 s5, s1  }
0x53d: {  	s1 =	sshll.u32 s1, $0x7;
	s2 =	sshll.u32 s19, $0x7  }
0x53e: {  	s1 =	sand.u32 $0x380, s1;
	s2 =	sand.u32 $0xFFFFFC00, s2  }
0x53f: {  	s20 =	sld [smem:$0x7D6];
	s1 =	sor.u32 s1, s2  }
0x540: {  	s1 =	sshrl.u32 s1, $0x3  }
0x541: {  	s1 =	sadd.s32 s4, s1  }
0x542: {  	[hbm:s20], [sflag:s7] =	dma.local [hbm:s1], $0x10  }
0x543: {  	v3 =	vld [tilespmem:$0x5A82];
	_ =	sdelay $0x4  }
0x544: {  	(v2sf) =	vpush v3, $0x0;
	_ =	sdelay $0xe  }
0x545: {  	s1 =	spop (v2sf)  }
0x546: {  	s21 =	sadd.s32 s5, s1  }
0x547: {  	s1 =	sshll.u32 s1, $0x7;
	s2 =	sshll.u32 s21, $0x7  }
0x548: {  	s1 =	sand.u32 $0x380, s1;
	s2 =	sand.u32 $0xFFFFFC00, s2  }
0x549: {  	s22 =	sld [smem:$0x7D8];
	s1 =	sor.u32 s1, s2  }
0x54a: {  	s1 =	sshrl.u32 s1, $0x3  }
0x54b: {  	s1 =	sadd.s32 s4, s1  }
0x54c: {  	[hbm:s22], [sflag:s7] =	dma.local [hbm:s1], $0x10  }
0x54d: {  	v3 =	vld [tilespmem:$0x5A83];
	_ =	sdelay $0x4  }
0x54e: {  	(v2sf) =	vpush v3, $0x0;
	_ =	sdelay $0xe  }
0x54f: {  	s1 =	spop (v2sf)  }
0x550: {  	s23 =	sadd.s32 s5, s1  }
0x551: {  	s1 =	sshll.u32 s1, $0x7;
	s2 =	sshll.u32 s23, $0x7  }
0x552: {  	s1 =	sand.u32 $0x380, s1;
	s2 =	sand.u32 $0xFFFFFC00, s2  }
0x553: {  	s24 =	sld [smem:$0x7DA];
	s1 =	sor.u32 s1, s2  }
0x554: {  	s1 =	sshrl.u32 s1, $0x3  }
0x555: {  	s1 =	sadd.s32 s4, s1  }
0x556: {  	[hbm:s24], [sflag:s7] =	dma.local [hbm:s1], $0x10  }
0x557: {  	v3 =	vld [tilespmem:$0x5A84];
	_ =	sdelay $0x4  }
0x558: {  	(v2sf) =	vpush v3, $0x0;
	_ =	sdelay $0xe  }
0x559: {  	s1 =	spop (v2sf)  }
0x55a: {  	s25 =	sadd.s32 s5, s1  }
0x55b: {  	s1 =	sshll.u32 s1, $0x7;
	s2 =	sshll.u32 s25, $0x7  }
0x55c: {  	s1 =	sand.u32 $0x380, s1;
	s2 =	sand.u32 $0xFFFFFC00, s2  }
0x55d: {  	s26 =	sld [smem:$0x7DC];
	s1 =	sor.u32 s1, s2  }
0x55e: {  	s1 =	sshrl.u32 s1, $0x3  }
0x55f: {  	s1 =	sadd.s32 s4, s1  }
0x560: {  	[hbm:s26], [sflag:s7] =	dma.local [hbm:s1], $0x10  }
0x561: {  	v3 =	vld [tilespmem:$0x5A85];
	_ =	sdelay $0x4  }
0x562: {  	(v2sf) =	vpush v3, $0x0;
	_ =	sdelay $0xe  }
0x563: {  	s1 =	spop (v2sf)  }
0x564: {  	s8 =	sadd.s32 s5, s1  }
0x565: {  	s1 =	sshll.u32 s1, $0x7;
	s2 =	sshll.u32 s8, $0x7  }
0x566: {  	s1 =	sand.u32 $0x380, s1;
	s2 =	sand.u32 $0xFFFFFC00, s2  }
0x567: {  	s9 =	sld [smem:$0x7DD];
	s1 =	sor.u32 s1, s2  }
0x568: {  	s1 =	sshrl.u32 s1, $0x3  }
0x569: {  	s1 =	sadd.s32 s4, s1  }
0x56a: {  	[hbm:s9], [sflag:s7] =	dma.local [hbm:s1], $0x10  }
0x56b: {  	v3 =	vld [tilespmem:$0x5A86];
	_ =	sdelay $0x4  }
0x56c: {  	(v2sf) =	vpush v3, $0x0;
	_ =	sdelay $0xe  }
0x56d: {  	s1 =	spop (v2sf)  }
0x56e: {  	s10 =	sadd.s32 s5, s1  }
0x56f: {  	s1 =	sshll.u32 s1, $0x7;
	s2 =	sshll.u32 s10, $0x7  }
0x570: {  	s1 =	sand.u32 $0x380, s1;
	s2 =	sand.u32 $0xFFFFFC00, s2  }
0x571: {  	s11 =	sld [smem:$0x7DE];
	s1 =	sor.u32 s1, s2  }
0x572: {  	s1 =	sshrl.u32 s1, $0x3  }
0x573: {  	s1 =	sadd.s32 s4, s1  }
0x574: {  	[hbm:s11], [sflag:s7] =	dma.local [hbm:s1], $0x10  }
0x575: {  	v3 =	vld [tilespmem:$0x5A87];
	_ =	sdelay $0x4  }
0x576: {  	(v2sf) =	vpush v3, $0x0;
	_ =	sdelay $0xe  }
0x577: {  	s1 =	spop (v2sf)  }
0x578: {  	s12 =	sadd.s32 s5, s1  }
0x579: {  	s1 =	sshll.u32 s1, $0x7;
	s2 =	sshll.u32 s12, $0x7  }
0x57a: {  	s1 =	sand.u32 $0x380, s1;
	s2 =	sand.u32 $0xFFFFFC00, s2  }
0x57b: {  	s13 =	sld [smem:$0x7DF];
	s1 =	sor.u32 s1, s2  }
0x57c: {  	s1 =	sshrl.u32 s1, $0x3  }
0x57d: {  	s1 =	sadd.s32 s4, s1  }
0x57e: {  	[hbm:s13], [sflag:s7] =	dma.local [hbm:s1], $0x10  }
0x57f: {  	v3 =	vld [tilespmem:$0x5A88];
	_ =	sdelay $0x4  }
0x580: {  	(v2sf) =	vpush v3, $0x0;
	_ =	sdelay $0xe  }
0x581: {  	s1 =	spop (v2sf)  }
0x582: {  	s14 =	sadd.s32 s5, s1  }
0x583: {  	s1 =	sshll.u32 s1, $0x7;
	s2 =	sshll.u32 s14, $0x7  }
0x584: {  	s1 =	sand.u32 $0x380, s1;
	s2 =	sand.u32 $0xFFFFFC00, s2  }
0x585: {  	s15 =	sld [smem:$0x7E0];
	s1 =	sor.u32 s1, s2  }
0x586: {  	s1 =	sshrl.u32 s1, $0x3  }
0x587: {  	s1 =	sadd.s32 s4, s1  }
0x588: {  	[hbm:s15], [sflag:s7] =	dma.local [hbm:s1], $0x10  }
0x589: {  	v3 =	vld [tilespmem:$0x5A89];
	_ =	sdelay $0x4  }
0x58a: {  	(v2sf) =	vpush v3, $0x0;
	_ =	sdelay $0xe  }
0x58b: {  	s1 =	spop (v2sf)  }
0x58c: {  	s16 =	sadd.s32 s5, s1  }
0x58d: {  	s1 =	sshll.u32 s1, $0x7;
	s2 =	sshll.u32 s16, $0x7  }
0x58e: {  	s1 =	sand.u32 $0x380, s1;
	s2 =	sand.u32 $0xFFFFFC00, s2  }
0x58f: {  	s17 =	sld [smem:$0x7E1];
	s1 =	sor.u32 s1, s2  }
0x590: {  	s1 =	sshrl.u32 s1, $0x3  }
0x591: {  	s1 =	sadd.s32 s4, s1  }
0x592: {  	[hbm:s17], [sflag:s7] =	dma.local [hbm:s1], $0x10  }
0x593: {  	v3 =	vld [tilespmem:$0x5A8A];
	_ =	sdelay $0x4  }
0x594: {  	(v2sf) =	vpush v3, $0x0;
	_ =	sdelay $0xe  }
0x595: {  	s1 =	spop (v2sf)  }
0x596: {  	s18 =	sadd.s32 s5, s1  }
0x597: {  	s1 =	sshll.u32 s1, $0x7;
	s2 =	sshll.u32 s18, $0x7  }
0x598: {  	s1 =	sand.u32 $0x380, s1;
	s2 =	sand.u32 $0xFFFFFC00, s2  }
0x599: {  	s19 =	sld [smem:$0x7E2];
	s1 =	sor.u32 s1, s2  }
0x59a: {  	s1 =	sshrl.u32 s1, $0x3  }
0x59b: {  	s1 =	sadd.s32 s4, s1  }
0x59c: {  	[hbm:s19], [sflag:s7] =	dma.local [hbm:s1], $0x10  }
0x59d: {  	v3 =	vld [tilespmem:$0x5A8B];
	_ =	sdelay $0x4  }
0x59e: {  	(v2sf) =	vpush v3, $0x0;
	_ =	sdelay $0xe  }
0x59f: {  	s1 =	spop (v2sf)  }
0x5a0: {  	s20 =	sadd.s32 s5, s1  }
0x5a1: {  	s1 =	sshll.u32 s1, $0x7;
	s2 =	sshll.u32 s20, $0x7  }
0x5a2: {  	s1 =	sand.u32 $0x380, s1;
	s2 =	sand.u32 $0xFFFFFC00, s2  }
0x5a3: {  	s21 =	sld [smem:$0x7E3];
	s1 =	sor.u32 s1, s2  }
0x5a4: {  	s1 =	sshrl.u32 s1, $0x3  }
0x5a5: {  	s1 =	sadd.s32 s4, s1  }
0x5a6: {  	[hbm:s21], [sflag:s7] =	dma.local [hbm:s1], $0x10  }
0x5a7: {  	v3 =	vld [tilespmem:$0x5A8C];
	_ =	sdelay $0x4  }
0x5a8: {  	(v2sf) =	vpush v3, $0x0;
	_ =	sdelay $0xe  }
0x5a9: {  	s1 =	spop (v2sf)  }
0x5aa: {  	s22 =	sadd.s32 s5, s1  }
0x5ab: {  	s1 =	sshll.u32 s1, $0x7;
	s2 =	sshll.u32 s22, $0x7  }
0x5ac: {  	s1 =	sand.u32 $0x380, s1;
	s2 =	sand.u32 $0xFFFFFC00, s2  }
0x5ad: {  	s23 =	sld [smem:$0x7E4];
	s1 =	sor.u32 s1, s2  }
0x5ae: {  	s1 =	sshrl.u32 s1, $0x3  }
0x5af: {  	s1 =	sadd.s32 s4, s1  }
0x5b0: {  	[hbm:s23], [sflag:s7] =	dma.local [hbm:s1], $0x10  }
0x5b1: {  	v3 =	vld [tilespmem:$0x5A8D];
	_ =	sdelay $0x4  }
0x5b2: {  	(v2sf) =	vpush v3, $0x0;
	_ =	sdelay $0xe  }
0x5b3: {  	s1 =	spop (v2sf)  }
0x5b4: {  	s24 =	sadd.s32 s5, s1  }
0x5b5: {  	s1 =	sshll.u32 s1, $0x7;
	s2 =	sshll.u32 s24, $0x7  }
0x5b6: {  	s1 =	sand.u32 $0x380, s1;
	s2 =	sand.u32 $0xFFFFFC00, s2  }
0x5b7: {  	s25 =	sld [smem:$0x7E5];
	s1 =	sor.u32 s1, s2  }
0x5b8: {  	s1 =	sshrl.u32 s1, $0x3  }
0x5b9: {  	s1 =	sadd.s32 s4, s1  }
0x5ba: {  	[hbm:s25], [sflag:s7] =	dma.local [hbm:s1], $0x10  }
0x5bb: {  	v3 =	vld [tilespmem:$0x5A8E];
	_ =	sdelay $0x4  }
0x5bc: {  	(v2sf) =	vpush v3, $0x0;
	_ =	sdelay $0xe  }
0x5bd: {  	s1 =	spop (v2sf)  }
0x5be: {  	s26 =	sadd.s32 s5, s1  }
0x5bf: {  	s1 =	sshll.u32 s1, $0x7;
	s2 =	sshll.u32 s26, $0x7  }
0x5c0: {  	s1 =	sand.u32 $0x380, s1;
	s2 =	sand.u32 $0xFFFFFC00, s2  }
0x5c1: {  	s8 =	sld [smem:$0x7E6];
	s1 =	sor.u32 s1, s2  }
0x5c2: {  	s1 =	sshrl.u32 s1, $0x3  }
0x5c3: {  	s1 =	sadd.s32 s4, s1  }
0x5c4: {  	[hbm:s8], [sflag:s7] =	dma.local [hbm:s1], $0x10  }
0x5c5: {  	v3 =	vld [tilespmem:$0x5A8F];
	_ =	sdelay $0x4  }
0x5c6: {  	(v2sf) =	vpush v3, $0x0;
	_ =	sdelay $0xe  }
0x5c7: {  	s1 =	spop (v2sf)  }
0x5c8: {  	s9 =	sadd.s32 s5, s1  }
0x5c9: {  	s1 =	sshll.u32 s1, $0x7;
	s2 =	sshll.u32 s9, $0x7  }
0x5ca: {  	s1 =	sand.u32 $0x380, s1;
	s2 =	sand.u32 $0xFFFFFC00, s2  }
0x5cb: {  	s10 =	sld [smem:$0x7E7];
	s1 =	sor.u32 s1, s2  }
0x5cc: {  	s1 =	sshrl.u32 s1, $0x3  }
0x5cd: {  	s1 =	sadd.s32 s4, s1  }
0x5ce: {  	[hbm:s10], [sflag:s7] =	dma.local [hbm:s1], $0x10  }
0x5cf: {  	v3 =	vld [tilespmem:$0x5A90];
	_ =	sdelay $0x4  }
0x5d0: {  	(v2sf) =	vpush v3, $0x0;
	_ =	sdelay $0xe  }
0x5d1: {  	s1 =	spop (v2sf)  }
0x5d2: {  	s11 =	sadd.s32 s5, s1  }
0x5d3: {  	s1 =	sshll.u32 s1, $0x7;
	s2 =	sshll.u32 s11, $0x7  }
0x5d4: {  	s1 =	sand.u32 $0x380, s1;
	s2 =	sand.u32 $0xFFFFFC00, s2  }
0x5d5: {  	s12 =	sld [smem:$0x7E8];
	s1 =	sor.u32 s1, s2  }
0x5d6: {  	s1 =	sshrl.u32 s1, $0x3  }
0x5d7: {  	s1 =	sadd.s32 s4, s1  }
0x5d8: {  	[hbm:s12], [sflag:s7] =	dma.local [hbm:s1], $0x10  }
0x5d9: {  	v3 =	vld [tilespmem:$0x5A91];
	_ =	sdelay $0x4  }
0x5da: {  	(v2sf) =	vpush v3, $0x0;
	_ =	sdelay $0xe  }
0x5db: {  	s1 =	spop (v2sf)  }
0x5dc: {  	s13 =	sadd.s32 s5, s1  }
0x5dd: {  	s1 =	sshll.u32 s1, $0x7;
	s2 =	sshll.u32 s13, $0x7  }
0x5de: {  	s1 =	sand.u32 $0x380, s1;
	s2 =	sand.u32 $0xFFFFFC00, s2  }
0x5df: {  	s14 =	sld [smem:$0x7E9];
	s1 =	sor.u32 s1, s2  }
0x5e0: {  	s1 =	sshrl.u32 s1, $0x3  }
0x5e1: {  	s1 =	sadd.s32 s4, s1  }
0x5e2: {  	[hbm:s14], [sflag:s7] =	dma.local [hbm:s1], $0x10  }
0x5e3: {  	v3 =	vld [tilespmem:$0x5A92];
	_ =	sdelay $0x4  }
0x5e4: {  	(v2sf) =	vpush v3, $0x0;
	_ =	sdelay $0xe  }
0x5e5: {  	s1 =	spop (v2sf)  }
0x5e6: {  	s15 =	sadd.s32 s5, s1  }
0x5e7: {  	s1 =	sshll.u32 s1, $0x7;
	s2 =	sshll.u32 s15, $0x7  }
0x5e8: {  	s1 =	sand.u32 $0x380, s1;
	s2 =	sand.u32 $0xFFFFFC00, s2  }
0x5e9: {  	s16 =	sld [smem:$0x7EA];
	s1 =	sor.u32 s1, s2  }
0x5ea: {  	s1 =	sshrl.u32 s1, $0x3  }
0x5eb: {  	s1 =	sadd.s32 s4, s1  }
0x5ec: {  	[hbm:s16], [sflag:s7] =	dma.local [hbm:s1], $0x10  }
0x5ed: {  	v3 =	vld [tilespmem:$0x5A93];
	_ =	sdelay $0x4  }
0x5ee: {  	(v2sf) =	vpush v3, $0x0;
	_ =	sdelay $0xe  }
0x5ef: {  	s1 =	spop (v2sf)  }
0x5f0: {  	s17 =	sadd.s32 s5, s1  }
0x5f1: {  	s1 =	sshll.u32 s1, $0x7;
	s2 =	sshll.u32 s17, $0x7  }
0x5f2: {  	s1 =	sand.u32 $0x380, s1;
	s2 =	sand.u32 $0xFFFFFC00, s2  }
0x5f3: {  	s18 =	sld [smem:$0x7EB];
	s1 =	sor.u32 s1, s2  }
0x5f4: {  	s1 =	sshrl.u32 s1, $0x3  }
0x5f5: {  	s1 =	sadd.s32 s4, s1  }
0x5f6: {  	[hbm:s18], [sflag:s7] =	dma.local [hbm:s1], $0x10  }
0x5f7: {  	v3 =	vld [tilespmem:$0x5A94];
	_ =	sdelay $0x4  }
0x5f8: {  	(v2sf) =	vpush v3, $0x0;
	_ =	sdelay $0xe  }
0x5f9: {  	s1 =	spop (v2sf)  }
0x5fa: {  	s19 =	sadd.s32 s5, s1  }
0x5fb: {  	s1 =	sshll.u32 s1, $0x7;
	s2 =	sshll.u32 s19, $0x7  }
0x5fc: {  	s1 =	sand.u32 $0x380, s1;
	s2 =	sand.u32 $0xFFFFFC00, s2  }
0x5fd: {  	s20 =	sld [smem:$0x7EC];
	s1 =	sor.u32 s1, s2  }
0x5fe: {  	s1 =	sshrl.u32 s1, $0x3  }
0x5ff: {  	s1 =	sadd.s32 s4, s1  }
0x600: {  	[hbm:s20], [sflag:s7] =	dma.local [hbm:s1], $0x10  }
0x601: {  	v3 =	vld [tilespmem:$0x5A95];
	_ =	sdelay $0x4  }
0x602: {  	(v2sf) =	vpush v3, $0x0;
	_ =	sdelay $0xe  }
0x603: {  	s1 =	spop (v2sf)  }
0x604: {  	s21 =	sadd.s32 s5, s1  }
0x605: {  	s1 =	sshll.u32 s1, $0x7;
	s2 =	sshll.u32 s21, $0x7  }
0x606: {  	s1 =	sand.u32 $0x380, s1;
	s2 =	sand.u32 $0xFFFFFC00, s2  }
0x607: {  	s22 =	sld [smem:$0x7ED];
	s1 =	sor.u32 s1, s2  }
0x608: {  	s1 =	sshrl.u32 s1, $0x3  }
0x609: {  	s1 =	sadd.s32 s4, s1  }
0x60a: {  	[hbm:s22], [sflag:s7] =	dma.local [hbm:s1], $0x10  }
0x60b: {  	v3 =	vld [tilespmem:$0x5A96];
	_ =	sdelay $0x4  }
0x60c: {  	(v2sf) =	vpush v3, $0x0;
	_ =	sdelay $0xe  }
0x60d: {  	s1 =	spop (v2sf)  }
0x60e: {  	s23 =	sadd.s32 s5, s1  }
0x60f: {  	s1 =	sshll.u32 s1, $0x7;
	s2 =	sshll.u32 s23, $0x7  }
0x610: {  	s1 =	sand.u32 $0x380, s1;
	s2 =	sand.u32 $0xFFFFFC00, s2  }
0x611: {  	s24 =	sld [smem:$0x7EE];
	s1 =	sor.u32 s1, s2  }
0x612: {  	s1 =	sshrl.u32 s1, $0x3  }
0x613: {  	s1 =	sadd.s32 s4, s1  }
0x614: {  	[hbm:s24], [sflag:s7] =	dma.local [hbm:s1], $0x10  }
0x615: {  	v3 =	vld [tilespmem:$0x5A97];
	_ =	sdelay $0x4  }
0x616: {  	(v2sf) =	vpush v3, $0x0;
	_ =	sdelay $0xe  }
0x617: {  	s1 =	spop (v2sf)  }
0x618: {  	s25 =	sadd.s32 s5, s1  }
0x619: {  	s1 =	sshll.u32 s1, $0x7;
	s2 =	sshll.u32 s25, $0x7  }
0x61a: {  	s1 =	sand.u32 $0x380, s1;
	s2 =	sand.u32 $0xFFFFFC00, s2  }
0x61b: {  	s26 =	sld [smem:$0x7EF];
	s1 =	sor.u32 s1, s2  }
0x61c: {  	s1 =	sshrl.u32 s1, $0x3  }
0x61d: {  	s1 =	sadd.s32 s4, s1  }
0x61e: {  	[hbm:s26], [sflag:s7] =	dma.local [hbm:s1], $0x10  }
0x61f: {  	v3 =	vld [tilespmem:$0x5A98];
	_ =	sdelay $0x4  }
0x620: {  	(v2sf) =	vpush v3, $0x0;
	_ =	sdelay $0xe  }
0x621: {  	s1 =	spop (v2sf)  }
0x622: {  	s8 =	sadd.s32 s5, s1  }
0x623: {  	s1 =	sshll.u32 s1, $0x7;
	s2 =	sshll.u32 s8, $0x7  }
0x624: {  	s1 =	sand.u32 $0x380, s1;
	s2 =	sand.u32 $0xFFFFFC00, s2  }
0x625: {  	s9 =	sld [smem:$0x7F0];
	s1 =	sor.u32 s1, s2  }
0x626: {  	s1 =	sshrl.u32 s1, $0x3  }
0x627: {  	s1 =	sadd.s32 s4, s1  }
0x628: {  	[hbm:s9], [sflag:s7] =	dma.local [hbm:s1], $0x10  }
0x629: {  	v3 =	vld [tilespmem:$0x5A99];
	_ =	sdelay $0x4  }
0x62a: {  	(v2sf) =	vpush v3, $0x0;
	_ =	sdelay $0xe  }
0x62b: {  	s1 =	spop (v2sf)  }
0x62c: {  	s10 =	sadd.s32 s5, s1  }
0x62d: {  	s1 =	sshll.u32 s1, $0x7;
	s2 =	sshll.u32 s10, $0x7  }
0x62e: {  	s1 =	sand.u32 $0x380, s1;
	s2 =	sand.u32 $0xFFFFFC00, s2  }
0x62f: {  	s11 =	sld [smem:$0x7F1];
	s1 =	sor.u32 s1, s2  }
0x630: {  	s1 =	sshrl.u32 s1, $0x3  }
0x631: {  	s1 =	sadd.s32 s4, s1  }
0x632: {  	[hbm:s11], [sflag:s7] =	dma.local [hbm:s1], $0x10  }
0x633: {  	v3 =	vld [tilespmem:$0x5A9A];
	_ =	sdelay $0x4  }
0x634: {  	(v2sf) =	vpush v3, $0x0;
	_ =	sdelay $0xe  }
0x635: {  	s1 =	spop (v2sf)  }
0x636: {  	s12 =	sadd.s32 s5, s1  }
0x637: {  	s1 =	sshll.u32 s1, $0x7;
	s2 =	sshll.u32 s12, $0x7  }
0x638: {  	s1 =	sand.u32 $0x380, s1;
	s2 =	sand.u32 $0xFFFFFC00, s2  }
0x639: {  	s13 =	sld [smem:$0x7F2];
	s1 =	sor.u32 s1, s2  }
0x63a: {  	s1 =	sshrl.u32 s1, $0x3  }
0x63b: {  	s1 =	sadd.s32 s4, s1  }
0x63c: {  	[hbm:s13], [sflag:s7] =	dma.local [hbm:s1], $0x10  }
0x63d: {  	v3 =	vld [tilespmem:$0x5A9B];
	_ =	sdelay $0x4  }
0x63e: {  	(v2sf) =	vpush v3, $0x0;
	_ =	sdelay $0xe  }
0x63f: {  	s1 =	spop (v2sf)  }
0x640: {  	s14 =	sadd.s32 s5, s1  }
0x641: {  	s1 =	sshll.u32 s1, $0x7;
	s2 =	sshll.u32 s14, $0x7  }
0x642: {  	s1 =	sand.u32 $0x380, s1;
	s2 =	sand.u32 $0xFFFFFC00, s2  }
0x643: {  	s15 =	sld [smem:$0x7F3];
	s1 =	sor.u32 s1, s2  }
0x644: {  	s1 =	sshrl.u32 s1, $0x3  }
0x645: {  	s1 =	sadd.s32 s4, s1  }
0x646: {  	[hbm:s15], [sflag:s7] =	dma.local [hbm:s1], $0x10  }
0x647: {  	v3 =	vld [tilespmem:$0x5A9C];
	_ =	sdelay $0x4  }
0x648: {  	(v2sf) =	vpush v3, $0x0;
	_ =	sdelay $0xe  }
0x649: {  	s1 =	spop (v2sf)  }
0x64a: {  	s16 =	sadd.s32 s5, s1  }
0x64b: {  	s1 =	sshll.u32 s1, $0x7;
	s2 =	sshll.u32 s16, $0x7  }
0x64c: {  	s1 =	sand.u32 $0x380, s1;
	s2 =	sand.u32 $0xFFFFFC00, s2  }
0x64d: {  	s17 =	sld [smem:$0x7F4];
	s1 =	sor.u32 s1, s2  }
0x64e: {  	s1 =	sshrl.u32 s1, $0x3  }
0x64f: {  	s1 =	sadd.s32 s4, s1  }
0x650: {  	[hbm:s17], [sflag:s7] =	dma.local [hbm:s1], $0x10  }
0x651: {  	v3 =	vld [tilespmem:$0x5A9D];
	_ =	sdelay $0x4  }
0x652: {  	(v2sf) =	vpush v3, $0x0;
	_ =	sdelay $0xe  }
0x653: {  	s1 =	spop (v2sf)  }
0x654: {  	s18 =	sadd.s32 s5, s1  }
0x655: {  	s1 =	sshll.u32 s1, $0x7;
	s2 =	sshll.u32 s18, $0x7  }
0x656: {  	s1 =	sand.u32 $0x380, s1;
	s2 =	sand.u32 $0xFFFFFC00, s2  }
0x657: {  	s19 =	sld [smem:$0x7F5];
	s1 =	sor.u32 s1, s2  }
0x658: {  	s1 =	sshrl.u32 s1, $0x3  }
0x659: {  	s1 =	sadd.s32 s4, s1  }
0x65a: {  	[hbm:s19], [sflag:s7] =	dma.local [hbm:s1], $0x10  }
0x65b: {  	v3 =	vld [tilespmem:$0x5A9E];
	_ =	sdelay $0x4  }
0x65c: {  	(v2sf) =	vpush v3, $0x0;
	_ =	sdelay $0xe  }
0x65d: {  	s1 =	spop (v2sf)  }
0x65e: {  	s20 =	sadd.s32 s5, s1  }
0x65f: {  	s1 =	sshll.u32 s1, $0x7;
	s2 =	sshll.u32 s20, $0x7  }
0x660: {  	s1 =	sand.u32 $0x380, s1;
	s2 =	sand.u32 $0xFFFFFC00, s2  }
0x661: {  	s21 =	sld [smem:$0x7F6];
	s1 =	sor.u32 s1, s2  }
0x662: {  	s1 =	sshrl.u32 s1, $0x3  }
0x663: {  	s1 =	sadd.s32 s4, s1  }
0x664: {  	[hbm:s21], [sflag:s7] =	dma.local [hbm:s1], $0x10  }
0x665: {  	v3 =	vld [tilespmem:$0x5A9F];
	_ =	sdelay $0x4  }
0x666: {  	(v2sf) =	vpush v3, $0x0;
	_ =	sdelay $0xe  }
0x667: {  	s1 =	spop (v2sf)  }
0x668: {  	s22 =	sadd.s32 s5, s1  }
0x669: {  	s1 =	sshll.u32 s1, $0x7;
	s2 =	sshll.u32 s22, $0x7  }
0x66a: {  	s1 =	sand.u32 $0x380, s1;
	s2 =	sand.u32 $0xFFFFFC00, s2  }
0x66b: {  	s23 =	sld [smem:$0x7F7];
	s1 =	sor.u32 s1, s2  }
0x66c: {  	s1 =	sshrl.u32 s1, $0x3  }
0x66d: {  	s24 =	simm.s32 $0x1;
	s1 =	sadd.s32 s4, s1  }
0x66e: {  	[hbm:s23], [sflag:s7] =	dma.local [hbm:s1], $0x10  }
0x66f: {  	_ =	swait.ge [sflag:s24], $0x10  }
0x670: {  	[sflag:s24] =	ssyncset.done $0x0  }
0x671: {  	[sflag:s24] =	ssyncadd.s32 $0xFFFFFFF0  }
0x672: {  	_ =	swait.ge [sflag:s24], $0x10  }
0x673: {  	[sflag:s24] =	ssyncset.done $0x0  }
0x674: {  	[sflag:s24] =	ssyncadd.s32 $0xFFFFFFF0  }
0x675: {  	_ =	swait.ge [sflag:s24], $0x10  }
0x676: {  	[sflag:s24] =	ssyncset.done $0x0  }
0x677: {  	[sflag:s24] =	ssyncadd.s32 $0xFFFFFFF0  }
0x678: {  	_ =	swait.ge [sflag:s24], $0x10  }
0x679: {  	[sflag:s24] =	ssyncset.done $0x0  }
0x67a: {  	[sflag:s24] =	ssyncadd.s32 $0xFFFFFFF0  }
0x67b: {  	_ =	swait.ge [sflag:s24], $0x10  }
0x67c: {  	[sflag:s24] =	ssyncset.done $0x0  }
0x67d: {  	[sflag:s24] =	ssyncadd.s32 $0xFFFFFFF0  }
0x67e: {  	_ =	swait.ge [sflag:s24], $0x10  }
0x67f: {  	[sflag:s24] =	ssyncset.done $0x0  }
0x680: {  	[sflag:s24] =	ssyncadd.s32 $0xFFFFFFF0  }
0x681: {  	_ =	swait.ge [sflag:s24], $0x10  }
0x682: {  	[sflag:s24] =	ssyncset.done $0x0  }
0x683: {  	[sflag:s24] =	ssyncadd.s32 $0xFFFFFFF0  }
0x684: {  	_ =	swait.ge [sflag:s24], $0x10  }
0x685: {  	[sflag:s24] =	ssyncset.done $0x0  }
0x686: {  	[sflag:s24] =	ssyncadd.s32 $0xFFFFFFF0  }
0x687: {  	_ =	swait.ge [sflag:s24], $0x10  }
0x688: {  	[sflag:s24] =	ssyncset.done $0x0  }
0x689: {  	[sflag:s24] =	ssyncadd.s32 $0xFFFFFFF0  }
0x68a: {  	_ =	swait.ge [sflag:s24], $0x10  }
0x68b: {  	[sflag:s24] =	ssyncset.done $0x0  }
0x68c: {  	[sflag:s24] =	ssyncadd.s32 $0xFFFFFFF0  }
0x68d: {  	_ =	swait.ge [sflag:s24], $0x10  }
0x68e: {  	[sflag:s24] =	ssyncset.done $0x0  }
0x68f: {  	[sflag:s24] =	ssyncadd.s32 $0xFFFFFFF0  }
0x690: {  	_ =	swait.ge [sflag:s24], $0x10  }
0x691: {  	[sflag:s24] =	ssyncset.done $0x0  }
0x692: {  	[sflag:s24] =	ssyncadd.s32 $0xFFFFFFF0  }
0x693: {  	_ =	swait.ge [sflag:s24], $0x10  }
0x694: {  	[sflag:s24] =	ssyncset.done $0x0  }
0x695: {  	[sflag:s24] =	ssyncadd.s32 $0xFFFFFFF0  }
0x696: {  	_ =	swait.ge [sflag:s24], $0x10  }
0x697: {  	[sflag:s24] =	ssyncset.done $0x0  }
0x698: {  	[sflag:s24] =	ssyncadd.s32 $0xFFFFFFF0  }
0x699: {  	_ =	swait.ge [sflag:s24], $0x10  }
0x69a: {  	[sflag:s24] =	ssyncset.done $0x0  }
0x69b: {  	[sflag:s24] =	ssyncadd.s32 $0xFFFFFFF0  }
0x69c: {  	_ =	swait.ge [sflag:s24], $0x10  }
0x69d: {  	[sflag:s24] =	ssyncset.done $0x0  }
0x69e: {  	[sflag:s24] =	ssyncadd.s32 $0xFFFFFFF0  }
0x69f: {  	_ =	swait.ge [sflag:s24], $0x10  }
0x6a0: {  	[sflag:s24] =	ssyncset.done $0x0  }
0x6a1: {  	[sflag:s24] =	ssyncadd.s32 $0xFFFFFFF0  }
0x6a2: {  	_ =	swait.ge [sflag:s24], $0x10  }
0x6a3: {  	[sflag:s24] =	ssyncset.done $0x0  }
0x6a4: {  	[sflag:s24] =	ssyncadd.s32 $0xFFFFFFF0  }
0x6a5: {  	_ =	swait.ge [sflag:s24], $0x10  }
0x6a6: {  	[sflag:s24] =	ssyncset.done $0x0  }
0x6a7: {  	[sflag:s24] =	ssyncadd.s32 $0xFFFFFFF0  }
0x6a8: {  	_ =	swait.ge [sflag:s24], $0x10  }
0x6a9: {  	[sflag:s24] =	ssyncset.done $0x0  }
0x6aa: {  	[sflag:s24] =	ssyncadd.s32 $0xFFFFFFF0  }
0x6ab: {  	_ =	swait.ge [sflag:s24], $0x10  }
0x6ac: {  	[sflag:s24] =	ssyncset.done $0x0  }
0x6ad: {  	[sflag:s24] =	ssyncadd.s32 $0xFFFFFFF0  }
0x6ae: {  	_ =	swait.ge [sflag:s24], $0x10  }
0x6af: {  	[sflag:s24] =	ssyncset.done $0x0  }
0x6b0: {  	[sflag:s24] =	ssyncadd.s32 $0xFFFFFFF0  }
0x6b1: {  	_ =	swait.ge [sflag:s24], $0x10  }
0x6b2: {  	[sflag:s24] =	ssyncset.done $0x0  }
0x6b3: {  	[sflag:s24] =	ssyncadd.s32 $0xFFFFFFF0  }
0x6b4: {  	_ =	swait.ge [sflag:s24], $0x10  }
0x6b5: {  	[sflag:s24] =	ssyncset.done $0x0  }
0x6b6: {  	[sflag:s24] =	ssyncadd.s32 $0xFFFFFFF0  }
0x6b7: {  	_ =	swait.ge [sflag:s24], $0x10  }
0x6b8: {  	[sflag:s24] =	ssyncset.done $0x0  }
0x6b9: {  	[sflag:s24] =	ssyncadd.s32 $0xFFFFFFF0  }
0x6ba: {  	_ =	swait.ge [sflag:s24], $0x10  }
0x6bb: {  	[sflag:s24] =	ssyncset.done $0x0  }
0x6bc: {  	[sflag:s24] =	ssyncadd.s32 $0xFFFFFFF0  }
0x6bd: {  	_ =	swait.ge [sflag:s24], $0x10  }
0x6be: {  	[sflag:s24] =	ssyncset.done $0x0  }
0x6bf: {  	[sflag:s24] =	ssyncadd.s32 $0xFFFFFFF0  }
0x6c0: {  	_ =	swait.ge [sflag:s24], $0x10  }
0x6c1: {  	[sflag:s24] =	ssyncset.done $0x0  }
0x6c2: {  	[sflag:s24] =	ssyncadd.s32 $0xFFFFFFF0  }
0x6c3: {  	_ =	swait.ge [sflag:s24], $0x10  }
0x6c4: {  	[sflag:s24] =	ssyncset.done $0x0  }
0x6c5: {  	[sflag:s24] =	ssyncadd.s32 $0xFFFFFFF0  }
0x6c6: {  	_ =	swait.ge [sflag:s24], $0x10  }
0x6c7: {  	[sflag:s24] =	ssyncset.done $0x0  }
0x6c8: {  	[sflag:s24] =	ssyncadd.s32 $0xFFFFFFF0  }
0x6c9: {  	_ =	swait.ge [sflag:s24], $0x10  }
0x6ca: {  	[sflag:s24] =	ssyncset.done $0x0  }
0x6cb: {  	[sflag:s24] =	ssyncadd.s32 $0xFFFFFFF0  }
0x6cc: {  	_ =	swait.ge [sflag:s24], $0x10  }
0x6cd: {  	s25 =	sld [smem:$0x7C1]  }
0x6ce: {  	s26 =	sld [smem:$0x7FD];
	_ =	sdelay $0x1  }
0x6cf: {  	s4 =	sadd.s32 $0x1, s25  }
0x6d0: {  	p0 =	sne.s32 s4, s26  }
.Ltmp8:
0x6d1: {  	_ = 	snop;
	(pc) =	sbr.rel @p0 .LBB2_1-.Ltmp8, $3  }
0x6d2: {  	_ =	sdelay $0x1  }
0x6d3: {  	[sflag:s24] =	ssyncset.done $0x0  }
0x6d4: {  	[sflag:s24] =	ssyncadd.s32 $0xFFFFFFF0  }
0x6d5: {  	_ =	sfence.sel $0x180000  }
0x6d6: {  	[bflag:$0x0] =	sbarrier.arrive $0xFFFF  }
0x6d7: {  	_ =	strace $0x90000047  }
0x6d8: {  	s0 =	stileid.u32;
	[bflag:$0x2] =	sbarrier.arrive $0xFFFF  }
0x6d9: {  	p0 =	sne.s32 s0, $0x0;
	s0 =	rddreg [dreg:$0x1]  }
0x6da: {  	s0 =	sadd.s32 @!p0 $0x100000, s0  }
0x6db: {  	[sflag:s0] =	ssyncadd.tile.s32 @!p0 $0x1;
	_ =	shalt  }
.Lfunc_end2:
_tile_overlayer_lowered:
.L_overlay_start_2:
0x6dc: {  	(tag) =	ssettag $0x2  }
0x6dd: {  	s0 =	rddreg [dreg:$0x0];
	s2 =	stileid.u32  }
0x6de: {  	s1 =	rddreg [dreg:$0x1];
	p0 =	sne.s32 s2, $0x0  }
0x6df: {  	s3 =	rddreg [dreg:$0x2];
	[bflag:$0x3] =	sbarrier.arrive $0xFFFF;
	s2 =	simm.s32 @!p0 $0x1C02  }
0x6e0: {  	[timem:s3], [sflag:s2] =	dma.local @!p0 [hbm:s0], s1  }
0x6e1: {  	s0 =	simm.s32 @!p0 $0x2  }
0x6e2: {  	_ =	swait.ge @!p0 [sflag:s0], s1  }
0x6e3: {  	s1 =	ssub.s32 @!p0 $0x0, s1;
	[sflag:s0] =	ssyncset.done @!p0 $0x0  }
0x6e4: {  	[sflag:s0] =	ssyncadd.s32 @!p0 s1  }
0x6e5: {  	[bflag:$0x3] =	sbarrier.arrive $0xFFFF  }
0x6e6: {  	_ =	shalt  }

</sc_bundles>
